<compile_context>
chip_gen: v7x
topology: tpu7x:2x2x1
jax: 0.10.2.dev20260603
libtpu: 0.0.44.dev20260713+nightly
codegen_flags: <defaults>
</compile_context>

<pallas_src>
import functools
import jax
import jax.numpy as jnp
from jax import lax
from jax.experimental import pallas as pl
from jax.experimental.pallas import tpu as pltpu
from jax.experimental.pallas import tpu_sc as plsc

B, A, C, G = 8, 16384, 81, 32
TS = 4096
NT = A // TS


def _assign_body(ancT_ref, gtb_ref, imax_ref, iidx_ref, gbest_ref,
                 bestv_ref, besti_ref):
    t = pl.program_id(1)
    acx, acy = ancT_ref[0:1, :], ancT_ref[1:2, :]
    aw, ah = ancT_ref[2:3, :], ancT_ref[3:4, :]
    ax1, ay1 = acx - 0.5 * aw, acy - 0.5 * ah
    ax2, ay2 = acx + 0.5 * aw, acy + 0.5 * ah
    g = gtb_ref[0]
    gx1, gy1, gx2, gy2 = g[:, 0:1], g[:, 1:2], g[:, 2:3], g[:, 3:4]

    iw = jnp.clip(jnp.minimum(ax2, gx2) - jnp.maximum(ax1, gx1), 0.0, None)
    ih = jnp.clip(jnp.minimum(ay2, gy2) - jnp.maximum(ay1, gy1), 0.0, None)
    inter = iw * ih
    area_a = jnp.clip(ax2 - ax1, 0.0, None) * jnp.clip(ay2 - ay1, 0.0, None)
    area_b = jnp.clip(gx2 - gx1, 0.0, None) * jnp.clip(gy2 - gy1, 0.0, None)
    iou = inter / (area_a + area_b - inter + 1e-9)

    imax = jnp.max(iou, axis=0, keepdims=True)
    gidx = jax.lax.broadcasted_iota(jnp.int32, (G, TS), 0)
    iidx = jnp.min(jnp.where(iou == imax, gidx, G), axis=0, keepdims=True)
    imax_ref[0, 0] = imax
    iidx_ref[0, 0] = iidx

    tmax = jnp.max(iou, axis=1, keepdims=True)
    aidx = jax.lax.broadcasted_iota(jnp.int32, (G, TS), 1) + t * TS
    tfirst = jnp.min(jnp.where(iou == tmax, aidx, A), axis=1, keepdims=True)

    @pl.when(t == 0)
    def _():
        bestv_ref[...] = tmax
        besti_ref[...] = tfirst

    @pl.when(t > 0)
    def _():
        upd = tmax > bestv_ref[...]
        bestv_ref[...] = jnp.where(upd, tmax, bestv_ref[...])
        besti_ref[...] = jnp.where(upd, tfirst, besti_ref[...])

    gbest_ref[0] = besti_ref[...]


def _main_body(xT_ref, rT_ref, ancT_ref, gtb_ref, lab_ref,
               imax_ref, iidx_ref, gbest_ref,
               sval_ref, possum_ref, numpos_ref, regterm_ref,
               a0_ref, a1_ref, a2_ref):
    t = pl.program_id(1)
    x = xT_ref[0]
    lse = jnp.log(jnp.sum(jnp.exp(x), axis=0, keepdims=True))
    neg_ce = jnp.maximum(lse - x[0:1, :], 0.0)

    imax = imax_ref[0, 0]
    iidx = iidx_ref[0, 0]
    gbest = gbest_ref[0]
    aidx = jax.lax.broadcasted_iota(jnp.int32, (G, TS), 1) + t * TS
    hit = gbest == aidx
    forced = jnp.max(hit.astype(jnp.int32), axis=0, keepdims=True) > 0
    gidx = jax.lax.broadcasted_iota(jnp.int32, (G, TS), 0)
    forced_g = jnp.max(jnp.where(hit, gidx, -1), axis=0, keepdims=True)
    pos = (imax >= 0.5) | forced
    ign = (imax > 0.4) & jnp.logical_not(pos)
    matched = jnp.where(forced, forced_g, iidx)

    onehot = gidx == matched
    lab = lab_ref[0]
    mlb = jnp.sum(jnp.where(onehot, lab, 0), axis=0, keepdims=True)
    cls_t = jnp.where(pos, mlb, 0)
    cidx = jax.lax.broadcasted_iota(jnp.int32, (C, TS), 0)
    picked = jnp.sum(jnp.where(cidx == cls_t, x, 0.0), axis=0, keepdims=True)
    pos_ce = lse - picked
    neg_m = jnp.logical_not(pos) & jnp.logical_not(ign)
    sval_ref[0, 0] = jnp.where(neg_m, neg_ce, -1.0)

    g = gtb_ref[0]

    def pick(col):
        return jnp.sum(jnp.where(onehot, col, 0.0), axis=0, keepdims=True)
    gx1, gy1 = pick(g[:, 0:1]), pick(g[:, 1:2])
    gx2, gy2 = pick(g[:, 2:3]), pick(g[:, 3:4])
    gw = jnp.clip(gx2 - gx1, 1e-6, None)
    gh = jnp.clip(gy2 - gy1, 1e-6, None)
    gcx, gcy = gx1 + 0.5 * gw, gy1 + 0.5 * gh
    acx, acy = ancT_ref[0:1, :], ancT_ref[1:2, :]
    aw, ah = ancT_ref[2:3, :], ancT_ref[3:4, :]
    tx = (gcx - acx) / aw / 0.1
    ty = (gcy - acy) / ah / 0.1
    tw = jnp.log(jnp.clip(gw / aw, 1e-6, None)) / 0.2
    th = jnp.log(jnp.clip(gh / ah, 1e-6, None)) / 0.2
    r = rT_ref[0]

    def sl1(d):
        ad = jnp.abs(d)
        return jnp.where(ad < 1.0, 0.5 * d * d, ad - 0.5)
    sl = (sl1(r[0:1, :] - tx) + sl1(r[1:2, :] - ty)
          + sl1(r[2:3, :] - tw) + sl1(r[3:4, :] - th))

    posf = pos.astype(jnp.float32)
    d_pos = jnp.sum(jnp.where(pos, pos_ce, 0.0)).reshape(1, 1)
    d_np = jnp.sum(posf).reshape(1, 1)
    d_reg = jnp.sum(jnp.where(pos, sl, 0.0)).reshape(1, 1)

    @pl.when(t == 0)
    def _():
        a0_ref[...] = jnp.zeros((1, 1), jnp.float32)
        a1_ref[...] = jnp.zeros((1, 1), jnp.float32)
        a2_ref[...] = jnp.zeros((1, 1), jnp.float32)

    a0_ref[...] += d_pos
    a1_ref[...] += d_np
    a2_ref[...] += d_reg

    np_f = a1_ref[...]
    possum_ref[...] = a0_ref[...].reshape(1, 1, 1)
    numpos_ref[...] = np_f.astype(jnp.int32).reshape(1, 1, 1)
    regterm_ref[...] = jnp.where(
        np_f > 0.0, a2_ref[...] / jnp.maximum(np_f * 4.0, 1.0),
        0.0).reshape(1, 1, 1)


NCH = A // 16


def _sc_select_body(sval_hbm, scal_hbm, out_hbm,
                    sv_ref, hc_ref, hs_ref, hc2_ref, hs2_ref,
                    vec_ref, res_ref, tmp_ref, shared_ref):
    cid = lax.axis_index("c")
    sid = lax.axis_index("s")
    active = (cid == 0) & (sid < B)
    iota = lax.broadcasted_iota(jnp.int32, (16,), 0)
    zero16i = jnp.zeros((16,), jnp.int32)
    zero16f = jnp.zeros((16,), jnp.float32)

    def rot(v, idx):
        return jax.lax.gather(
            v, idx[:, None],
            jax.lax.GatherDimensionNumbers(
                offset_dims=(), collapsed_slice_dims=(0,),
                start_index_map=(0,)),
            slice_sizes=(1,),
            mode=jax.lax.GatherScatterMode.PROMISE_IN_BOUNDS)

    def bcast_f(v, lane_v):
        return rot(v, zero16i + lane_v)

    def allsum_f(v):
        for k in (1, 2, 4, 8):
            v = v + rot(v, (iota + k) & 15)
        return v

    def allsum_i(v):
        for k in (1, 2, 4, 8):
            v = v + rot(v, (iota + k) & 15)
        return v

    def allmax_i(v):
        for k in (1, 2, 4, 8):
            v = jnp.maximum(v, rot(v, (iota + k) & 15))
        return v

    def dsum_i(v):
        for k in (1, 2, 4, 8):
            v = v + jnp.where(iota + k < 16, rot(v, (iota + k) & 15), 0)
        return v

    @pl.when(active)
    def _():
        w = sid
        pltpu.sync_copy(sval_hbm.at[pl.ds(w * A, A)], sv_ref)
        pltpu.sync_copy(scal_hbm, vec_ref)
        wv = zero16i + w
        possum = bcast_f(vec_ref[pl.ds(0, 16)], wv)
        np_f = bcast_f(vec_ref[pl.ds(16, 16)], wv)
        regt = bcast_f(vec_ref[pl.ds(32, 16)], wv)
        np_i = np_f.astype(jnp.int32)

        ones16 = zero16i + 1

        def sweep(prefix_v, shift_hi, shift_lo, nbins):
            def zbody(c, carry):
                hc_ref[pl.ds(c * 16, 16)] = zero16i
                hs_ref[pl.ds(c * 16, 16)] = zero16f
                return carry
            lax.fori_loop(0, nbins, zbody, jnp.int32(0))

            def body(j, carry):
                v = sv_ref[pl.ds(j * 16, 16)]
                bits = lax.bitcast_convert_type(v, jnp.int32)
                inb = (v >= 0.0) & (
                    lax.shift_right_logical(bits, shift_hi) == prefix_v)
                digit = (
                    lax.shift_right_logical(bits, shift_lo)
                    & (nbins - 1))
                addr = digit * 16 + iota
                plsc.addupdate_scatter(hc_ref, [addr],
                                       ones16, mask=inb)
                plsc.addupdate_scatter(hs_ref, [addr],
                                       v, mask=inb)
                return carry
            lax.fori_loop(0, NCH, body, jnp.int32(0))

            def cbody(c, carry):
                acc_i = zero16i
                acc_f = zero16f
                for lane in range(16):
                    idx = (c * 16 + iota) * 16 + lane
                    acc_i = acc_i + plsc.load_gather(hc_ref, [idx])
                    acc_f = acc_f + plsc.load_gather(hs_ref, [idx])
                hc2_ref[pl.ds(c * 16, 16)] = acc_i
                hs2_ref[pl.ds(c * 16, 16)] = acc_f
                return carry
            lax.fori_loop(0, nbins // 16, cbody, jnp.int32(0))

        def pick_digit(K_v, fc0, fs0, nbins):
            nch = nbins // 16

            def body(i, carry):
                found, fc, fs = carry
                c = nch - 1 - i
                cnt = hc2_ref[pl.ds(c * 16, 16)]
                sm = hs2_ref[pl.ds(c * 16, 16)]
                dcum = dsum_i(cnt)
                ge_i = ((fc + dcum) >= K_v).astype(jnp.int32)
                cand = allmax_i(iota * ge_i + (ge_i - 1))
                not_found = found < 0
                take = not_found & (cand >= 0)
                abm_i = (iota > cand).astype(jnp.int32)
                ab_cnt = allsum_i(cnt * abm_i)
                ab_sum = allsum_f(sm * abm_i.astype(jnp.float32))
                tot_cnt = allsum_i(cnt)
                tot_sum = allsum_f(sm)
                fc2 = jnp.where(take, fc + ab_cnt,
                                jnp.where(not_found, fc + tot_cnt, fc))
                fs2 = jnp.where(take, fs + ab_sum,
                                jnp.where(not_found, fs + tot_sum, fs))
                found2 = jnp.where(take, c * 16 + cand, found)
                return (found2, fc2, fs2)
            return lax.fori_loop(
                0, nch, body, (zero16i - 1, fc0, fs0))

        sweep(zero16i, 31, 23, 256)
        nn_p = zero16i
        for c in range(16):
            nn_p = nn_p + hc2_ref[pl.ds(c * 16, 16)]
        nn = allsum_i(nn_p)
        K1 = jnp.minimum(3 * np_i, nn)
        K2 = jnp.minimum(nn, 64)
        K_v = jnp.where(np_i > 0, K1, K2)

        d1, fc, fs = pick_digit(K_v, zero16i, zero16f, 256)
        sweep(d1, 23, 15, 256)
        d2, fc, fs = pick_digit(K_v, fc, fs, 256)
        p2 = d1 * 256 + d2
        sweep(p2, 15, 7, 256)
        d3, fc, fs = pick_digit(K_v, fc, fs, 256)
        p3 = p2 * 256 + d3
        sweep(p3, 7, 0, 128)
        d4, fc, fs = pick_digit(K_v, fc, fs, 128)
        tbits = p3 * 128 + d4

        thr = lax.bitcast_convert_type(tbits, jnp.float32)
        top_sum = fs + (K_v - fc).astype(jnp.float32) * thr
        top_sum = jnp.where(K_v > 0, top_sum, 0.0)

        denom1 = jnp.maximum(np_i + K_v, 1).astype(jnp.float32)
        denom2 = jnp.maximum(K_v, 1).astype(jnp.float32)
        cls_b = jnp.where(
            np_i > 0, (possum + top_sum) / denom1,
            jnp.where(nn > 0, top_sum / denom2, 0.0))

        res_ref[...] = (jnp.where(iota == 0, cls_b, 0.0)
                        + jnp.where(iota == 1, regt, 0.0))
        pltpu.sync_copy(res_ref, shared_ref.at[pl.ds(w * 16, 16)])

    plsc.subcore_barrier()

    @pl.when((cid == 0) & (sid == 0))
    def _():
        acc = jnp.zeros((16,), jnp.float32)
        for wb in range(B):
            pltpu.sync_copy(shared_ref.at[pl.ds(wb * 16, 16)], tmp_ref)
            acc = acc + tmp_ref[...]
        acc = acc / B
        tc = bcast_f(acc, zero16i)
        tr = bcast_f(acc, zero16i + 1)
        res_ref[...] = (jnp.where(iota == 0, tc + tr, 0.0)
                        + jnp.where(iota == 1, tc, 0.0)
                        + jnp.where(iota == 2, tr, 0.0))
        pltpu.sync_copy(res_ref, out_hbm)


@jax.jit
def kernel(cls_logits, bbox_regs, anchors_cxcywh, gt_boxes, gt_labels):
    xT = jnp.transpose(cls_logits, (0, 2, 1))
    rT = jnp.transpose(bbox_regs, (0, 2, 1))
    ancT = anchors_cxcywh.T
    lab3 = gt_labels.reshape(B, G, 1).astype(jnp.int32)

    imax, iidx, gbest = pl.pallas_call(
        _assign_body,
        grid=(B, NT),
        in_specs=[
            pl.BlockSpec((4, TS), lambda b, t: (0, t)),
            pl.BlockSpec((1, G, 4), lambda b, t: (b, 0, 0)),
        ],
        out_specs=[
            pl.BlockSpec((1, 1, 1, TS), lambda b, t: (b, t, 0, 0)),
            pl.BlockSpec((1, 1, 1, TS), lambda b, t: (b, t, 0, 0)),
            pl.BlockSpec((1, G, 1), lambda b, t: (b, 0, 0)),
        ],
        out_shape=[
            jax.ShapeDtypeStruct((B, NT, 1, TS), jnp.float32),
            jax.ShapeDtypeStruct((B, NT, 1, TS), jnp.int32),
            jax.ShapeDtypeStruct((B, G, 1), jnp.int32),
        ],
        scratch_shapes=[
            pltpu.VMEM((G, 1), jnp.float32),
            pltpu.VMEM((G, 1), jnp.int32),
        ],
    )(ancT, gt_boxes)

    sval, possum, numpos, regterm = pl.pallas_call(
        _main_body,
        grid=(B, NT),
        in_specs=[
            pl.BlockSpec((1, C, TS), lambda b, t: (b, 0, t)),
            pl.BlockSpec((1, 4, TS), lambda b, t: (b, 0, t)),
            pl.BlockSpec((4, TS), lambda b, t: (0, t)),
            pl.BlockSpec((1, G, 4), lambda b, t: (b, 0, 0)),
            pl.BlockSpec((1, G, 1), lambda b, t: (b, 0, 0)),
            pl.BlockSpec((1, 1, 1, TS), lambda b, t: (b, t, 0, 0)),
            pl.BlockSpec((1, 1, 1, TS), lambda b, t: (b, t, 0, 0)),
            pl.BlockSpec((1, G, 1), lambda b, t: (b, 0, 0)),
        ],
        out_specs=[
            pl.BlockSpec((1, 1, 1, TS), lambda b, t: (b, t, 0, 0)),
            pl.BlockSpec((1, 1, 1), lambda b, t: (b, 0, 0)),
            pl.BlockSpec((1, 1, 1), lambda b, t: (b, 0, 0)),
            pl.BlockSpec((1, 1, 1), lambda b, t: (b, 0, 0)),
        ],
        out_shape=[
            jax.ShapeDtypeStruct((B, NT, 1, TS), jnp.float32),
            jax.ShapeDtypeStruct((B, 1, 1), jnp.float32),
            jax.ShapeDtypeStruct((B, 1, 1), jnp.int32),
            jax.ShapeDtypeStruct((B, 1, 1), jnp.float32),
        ],
        scratch_shapes=[
            pltpu.VMEM((1, 1), jnp.float32),
            pltpu.VMEM((1, 1), jnp.float32),
            pltpu.VMEM((1, 1), jnp.float32),
        ],
    )(xT, rT, ancT, gt_boxes, lab3, imax, iidx, gbest)

    scal = jnp.concatenate(
        [possum.reshape(1, B), numpos.astype(jnp.float32).reshape(1, B),
         regterm.reshape(1, B)], axis=0)
    scal = jnp.pad(scal, ((0, 0), (0, 16 - B))).reshape(48)

    sel = pl.kernel(
        _sc_select_body,
        out_type=jax.ShapeDtypeStruct((16,), jnp.float32),
        mesh=plsc.VectorSubcoreMesh(
            core_axis_name="c", subcore_axis_name="s"),
        compiler_params=pltpu.CompilerParams(needs_layout_passes=False),
        scratch_types=[
            pltpu.VMEM((A,), jnp.float32),
            pltpu.VMEM((4096,), jnp.int32),
            pltpu.VMEM((4096,), jnp.float32),
            pltpu.VMEM((256,), jnp.int32),
            pltpu.VMEM((256,), jnp.float32),
            pltpu.VMEM((48,), jnp.float32),
            pltpu.VMEM((16,), jnp.float32),
            pltpu.VMEM((16,), jnp.float32),
            pltpu.VMEM_SHARED((B * 16,), jnp.float32),
        ],
    )
    res = sel(sval.reshape(B * A), scal)
    return (res[0], res[1], res[2])

# --- scband reference (transcript-rebuilt; emitter-appended) ---
"""Pipeline reference for scband-ssdloss-35476429865758 (READ-ONLY COPY).

The authoritative reference and input builder live on the scoring server;
editing this copy changes nothing except your own understanding.
"""

import jax, jax.numpy as jnp
import numpy as np


def cxcywh_to_xyxy(b):
    cx, cy, w, h = b[..., 0], b[..., 1], b[..., 2], b[..., 3]
    return jnp.stack([cx - 0.5 * w, cy - 0.5 * h, cx + 0.5 * w, cy + 0.5 * h], axis=-1)


def xyxy_to_cxcywh(b):
    x1, y1, x2, y2 = b[..., 0], b[..., 1], b[..., 2], b[..., 3]
    w = jnp.clip(x2 - x1, 1e-06, None)
    h = jnp.clip(y2 - y1, 1e-06, None)
    return jnp.stack([x1 + 0.5 * w, y1 + 0.5 * h, w, h], axis=-1)


def encode_gt_to_deltas(gt_xyxy, anc_cxcywh, vx=0.1, vs=0.2):
    g = xyxy_to_cxcywh(gt_xyxy)
    gcx, gcy, gw, gh = g[..., 0], g[..., 1], g[..., 2], g[..., 3]
    acx, acy, aw, ah = anc_cxcywh[..., 0], anc_cxcywh[..., 1], anc_cxcywh[..., 2], anc_cxcywh[..., 3]
    tx = (gcx - acx) / aw / vx
    ty = (gcy - acy) / ah / vx
    tw = jnp.log(jnp.clip(gw / aw, 1e-06, None)) / vs
    th = jnp.log(jnp.clip(gh / ah, 1e-06, None)) / vs
    return jnp.stack([tx, ty, tw, th], axis=-1)


def iou_xyxy(a, b):
    tl = jnp.maximum(a[:, None, :2], b[None, :, :2])
    br = jnp.minimum(a[:, None, 2:], b[None, :, 2:])
    wh = jnp.clip(br - tl, 0, None)
    inter = wh[..., 0] * wh[..., 1]
    area_a = jnp.clip(a[:, 2] - a[:, 0], 0, None) * jnp.clip(a[:, 3] - a[:, 1], 0, None)
    area_b = jnp.clip(b[:, 2] - b[:, 0], 0, None) * jnp.clip(b[:, 3] - b[:, 1], 0, None)
    union = area_a[:, None] + area_b[None, :] - inter + 1e-09
    return inter / union


def assign_anchors(anchors_cxcywh, gts_xyxy, gts_labels, pos_iou=0.5, neg_iou=0.4):
    A = anchors_cxcywh.shape[0]
    G = gts_xyxy.shape[0]
    anc_xyxy = cxcywh_to_xyxy(anchors_cxcywh)
    iou = iou_xyxy(anc_xyxy, gts_xyxy)
    iou_max = iou.max(axis=1)
    iou_idx = jnp.argmax(iou, axis=1)
    pos = iou_max >= pos_iou
    ign = (iou_max > neg_iou) & (~pos)
    cls_t = jnp.where(ign, -1, 0)
    gt_best_anchor = jnp.argmax(iou, axis=0)
    pos = pos.at[gt_best_anchor].set(True)
    iou_idx = iou_idx.at[gt_best_anchor].set(jnp.arange(G))
    matched_gt = gts_xyxy[iou_idx]
    matched_lb = gts_labels[iou_idx].astype(jnp.int32)
    reg_all = encode_gt_to_deltas(matched_gt, anchors_cxcywh)
    reg_t = jnp.where(pos[:, None], reg_all, 0.0)
    cls_t = jnp.where(pos, matched_lb, cls_t)
    return cls_t, reg_t, pos


def ce_loss(logits, labels):
    lse = jax.nn.logsumexp(logits, axis=-1)
    picked = jnp.take_along_axis(logits, labels[:, None], axis=-1)[:, 0]
    return lse - picked


def smooth_l1(x):
    ax = jnp.abs(x)
    return jnp.where(ax < 1.0, 0.5 * x * x, ax - 0.5)


def setup_inputs(seed: int = 0):
    key = jax.random.key(seed)
    ks = jax.random.split(key, 8)
    B, A, C, G = 8, 16384, 81, 32
    cls_logits = jax.random.normal(ks[0], (B, A, C), dtype=jnp.float32)
    bbox_regs = jax.random.normal(ks[1], (B, A, 4), dtype=jnp.float32)
    acxcy = jax.random.uniform(ks[2], (A, 2), minval=0.0, maxval=1.0)
    awh = jax.random.uniform(ks[3], (A, 2), minval=0.02, maxval=0.5)
    anchors_cxcywh = jnp.concatenate([acxcy, awh], axis=-1).astype(jnp.float32)
    gcxcy = jax.random.uniform(ks[4], (B, G, 2), minval=0.2, maxval=0.8)
    gwh = jax.random.uniform(ks[5], (B, G, 2), minval=0.05, maxval=0.3)
    gt_boxes = cxcywh_to_xyxy(jnp.concatenate([gcxcy, gwh], axis=-1)).astype(jnp.float32)
    gt_labels = jax.random.randint(ks[6], (B, G), 1, C).astype(jnp.int32)
    return {'cls_logits': cls_logits, 'bbox_regs': bbox_regs, 'anchors_cxcywh': anchors_cxcywh, 'gt_boxes': gt_boxes, 'gt_labels': gt_labels}


def reference(cls_logits, bbox_regs, anchors_cxcywh, gt_boxes, gt_labels):
    B, A, C = cls_logits.shape
    alpha = 1.0
    neg_pos_ratio = 3
    total_cls = jnp.zeros(())
    total_reg = jnp.zeros(())
    ranks = jnp.arange(A)
    for b in range(B):
        cls_t, reg_t, pos_mask = assign_anchors(anchors_cxcywh, gt_boxes[b], gt_labels[b])
        logits_b = cls_logits[b]
        valid = cls_t >= 0
        pos_m = (cls_t > 0) & valid
        neg_m = (cls_t == 0) & valid
        num_pos = pos_m.sum()
        num_neg = neg_m.sum()
        neg_ce_all = ce_loss(logits_b, jnp.zeros((A,), dtype=jnp.int32))
        sorted_neg = jnp.sort(jnp.where(neg_m, neg_ce_all, -jnp.inf))[::-1]
        pos_ce_all = ce_loss(logits_b, jnp.maximum(cls_t, 0))
        pos_sum = jnp.where(pos_m, pos_ce_all, 0.0).sum()
        K1 = jnp.minimum(neg_pos_ratio * num_pos, num_neg)
        K2 = jnp.minimum(64, num_neg)
        top_sum1 = jnp.where(ranks < K1, sorted_neg, 0.0).sum()
        top_sum2 = jnp.where(ranks < K2, sorted_neg, 0.0).sum()
        denom1 = jnp.maximum(num_pos + K1, 1).astype(jnp.float32)
        denom2 = jnp.maximum(K2, 1).astype(jnp.float32)
        loss_pos_case = (pos_sum + top_sum1) / denom1
        loss_neg_case = top_sum2 / denom2
        cls_loss = jnp.where(num_pos > 0, loss_pos_case,
                             jnp.where(num_neg > 0, loss_neg_case, jnp.zeros(())))
        total_cls = total_cls + cls_loss
        num_p = pos_mask.sum()
        sl = smooth_l1(bbox_regs[b] - reg_t)
        reg_sum = jnp.where(pos_mask[:, None], sl, 0.0).sum()
        reg_mean = reg_sum / jnp.maximum(num_p * 4, 1).astype(jnp.float32)
        total_reg = total_reg + jnp.where(num_p > 0, reg_mean, jnp.zeros(()))
    total_cls = total_cls / B
    total_reg = total_reg / B
    loss = total_cls + alpha * total_reg
    return (loss, total_cls, total_reg)

if __name__ == "__main__":
    import jax
    _d = setup_inputs()
    print(jax.jit(kernel)(*tuple(_d.values())))

</pallas_src>

<mosaic_0001>
#map = affine_map<(d0, d1) -> (0)>
module attributes {stable_mosaic.version = 14 : i64} {
  func.func @_sc_select_body(%arg0: i32, %arg1: i32, %arg2: memref<131072xf32, #tpu.memory_space<hbm>>, %arg3: memref<48xf32, #tpu.memory_space<hbm>>, %arg4: memref<16xf32, #tpu.memory_space<hbm>>, %arg5: memref<16384xf32, #tpu.memory_space<vmem>>, %arg6: memref<4096xi32, #tpu.memory_space<vmem>>, %arg7: memref<4096xf32, #tpu.memory_space<vmem>>, %arg8: memref<256xi32, #tpu.memory_space<vmem>>, %arg9: memref<256xf32, #tpu.memory_space<vmem>>, %arg10: memref<48xf32, #tpu.memory_space<vmem>>, %arg11: memref<16xf32, #tpu.memory_space<vmem>>, %arg12: memref<16xf32, #tpu.memory_space<vmem>>, %arg13: memref<128xf32, #tpu.memory_space<vmem_shared>>) attributes {dimension_semantics = [#tpu.dimension_semantics<core_parallel>, #tpu.dimension_semantics<subcore_parallel>], iteration_bounds = array<i64: 2, 16>, scalar_prefetch = 0 : i64, scratch_operands = 9 : i64, tpu.core_type = #tpu.core_type<sc_vector_subcore>, window_params = [{transform_indices = #map}, {transform_indices = #map}, {transform_indices = #map}]} {
    %eq3A = arith.constant 0 : i32
    %eq3A_0 = arith.cmpi eq, %arg0, %eq3A : i32
    %lt3A = arith.constant 8 : i32
    %lt3A_1 = arith.cmpi slt, %arg1, %lt3A : i32
    %and3A = arith.andi %eq3A_0, %lt3A_1 : i1
    %iota3A = tpu.iota {dimensions = array<i32: 0>} : vector<16xi32>
    %broadcast_in_dim3A = arith.constant 0 : i32
    %broadcast_in_dim3A_2 = vector.broadcast %broadcast_in_dim3A : i32 to vector<16xi32>
    %broadcast_in_dim3A_3 = arith.constant 0.000000e+00 : f32
    %broadcast_in_dim3A_4 = vector.broadcast %broadcast_in_dim3A_3 : f32 to vector<16xf32>
    %convert_element_type3A = arith.extui %and3A : i1 to i32
    %cond3A = arith.constant 0 : i32
    %cond3A_5 = arith.cmpi ne, %convert_element_type3A, %cond3A : i32
    scf.if %cond3A_5 {
      %mul3A = arith.constant 16384 : i32
      %mul3A_14 = arith.muli %arg1, %mul3A : i32
      "tpu.region"() ({
        %run_scoped3A = tpu.sem_alloc : memref<!tpu.dma_semaphore, #tpu.memory_space<semaphore_mem>>
        %dma_start3A = tpu.memref_slice %arg2[%mul3A_14] : memref<131072xf32, #tpu.memory_space<hbm>> -> memref<16384xf32, #tpu.memory_space<hbm>>
        %dma_start3A_295 = tpu.memref_slice %arg2[%mul3A_14] : memref<131072xf32, #tpu.memory_space<hbm>> -> memref<16384xf32, #tpu.memory_space<hbm>>
        tpu.enqueue_dma source(%dma_start3A_295 : memref<16384xf32, #tpu.memory_space<hbm>>) target(%arg5 : memref<16384xf32, #tpu.memory_space<vmem>>) target_semaphore(%run_scoped3A : memref<!tpu.dma_semaphore, #tpu.memory_space<semaphore_mem>>)
        %dma_wait3A = tpu.memref_slice %arg2[%mul3A_14] : memref<131072xf32, #tpu.memory_space<hbm>> -> memref<16384xf32, #tpu.memory_space<hbm>>
        %dma_wait3A_296 = tpu.memref_slice %arg2[%mul3A_14] : memref<131072xf32, #tpu.memory_space<hbm>> -> memref<16384xf32, #tpu.memory_space<hbm>>
        tpu.wait_dma2 semaphore(%run_scoped3A : memref<!tpu.dma_semaphore, #tpu.memory_space<semaphore_mem>>) src(%dma_wait3A_296 : memref<16384xf32, #tpu.memory_space<hbm>>) dst(%arg5 : memref<16384xf32, #tpu.memory_space<vmem>>)
        tpu.yield
      }) : () -> ()
      "tpu.region"() ({
        %run_scoped3A = tpu.sem_alloc : memref<!tpu.dma_semaphore, #tpu.memory_space<semaphore_mem>>
        tpu.enqueue_dma source(%arg3 : memref<48xf32, #tpu.memory_space<hbm>>) target(%arg10 : memref<48xf32, #tpu.memory_space<vmem>>) target_semaphore(%run_scoped3A : memref<!tpu.dma_semaphore, #tpu.memory_space<semaphore_mem>>)
        tpu.wait_dma2 semaphore(%run_scoped3A : memref<!tpu.dma_semaphore, #tpu.memory_space<semaphore_mem>>) src(%arg3 : memref<48xf32, #tpu.memory_space<hbm>>) dst(%arg10 : memref<48xf32, #tpu.memory_space<vmem>>)
        tpu.yield
      }) : () -> ()
      %add3A = vector.broadcast %arg1 : i32 to vector<16xi32>
      %add3A_15 = arith.addi %broadcast_in_dim3A_2, %add3A : vector<16xi32>
      %get3A = arith.constant 0 : index
      %get3A_16 = tpu.vector_load %arg10[%get3A] {strides = array<i32>} : memref<48xf32, #tpu.memory_space<vmem>>, vector<16xf32>,
      %add3A_17 = arith.addi %broadcast_in_dim3A_2, %add3A_15 : vector<16xi32>
      %broadcast_in_dim3A_18 = vector.shape_cast %add3A_17 : vector<16xi32> to vector<16x1xi32>
      %gather3A = vector.shape_cast %broadcast_in_dim3A_18 : vector<16x1xi32> to vector<16xi32>
      %gather3A_19 = tpu.dynamic_gather %get3A_16[%gather3A] in [0] : vector<16xf32>, vector<16xi32> -> vector<16xf32>
      %get3A_20 = arith.constant 16 : index
      %get3A_21 = tpu.vector_load %arg10[%get3A_20] {strides = array<i32>} : memref<48xf32, #tpu.memory_space<vmem>>, vector<16xf32>,
      %add3A_22 = arith.addi %broadcast_in_dim3A_2, %add3A_15 : vector<16xi32>
      %broadcast_in_dim3A_23 = vector.shape_cast %add3A_22 : vector<16xi32> to vector<16x1xi32>
      %gather3A_24 = vector.shape_cast %broadcast_in_dim3A_23 : vector<16x1xi32> to vector<16xi32>
      %gather3A_25 = tpu.dynamic_gather %get3A_21[%gather3A_24] in [0] : vector<16xf32>, vector<16xi32> -> vector<16xf32>
      %get3A_26 = arith.constant 32 : index
      %get3A_27 = tpu.vector_load %arg10[%get3A_26] {strides = array<i32>} : memref<48xf32, #tpu.memory_space<vmem>>, vector<16xf32>,
      %add3A_28 = arith.addi %broadcast_in_dim3A_2, %add3A_15 : vector<16xi32>
      %broadcast_in_dim3A_29 = vector.shape_cast %add3A_28 : vector<16xi32> to vector<16x1xi32>
      %gather3A_30 = vector.shape_cast %broadcast_in_dim3A_29 : vector<16x1xi32> to vector<16xi32>
      %gather3A_31 = tpu.dynamic_gather %get3A_27[%gather3A_30] in [0] : vector<16xf32>, vector<16xi32> -> vector<16xf32>
      %convert_element_type3A_32 = arith.fptosi %gather3A_25 : vector<16xf32> to vector<16xi32>
      %add3A_33 = arith.constant 1 : i32
      %add3A_34 = vector.broadcast %add3A_33 : i32 to vector<16xi32>
      %add3A_35 = arith.addi %broadcast_in_dim3A_2, %add3A_34 : vector<16xi32>
      %scan3A = arith.constant 0 : i32
      %scan3A_36 = arith.constant 0 : i32
      %scan3A_37 = arith.constant 256 : i32
      %scan3A_38 = arith.addi %scan3A_36, %scan3A_37 : i32
      %scan3A_39 = arith.constant 1 : i32
      scf.for %scan3A_295 = %scan3A_36 to %scan3A_38 step %scan3A_39  : i32 {
        %mul3A_296 = arith.constant 16 : i32
        %mul3A_297 = arith.muli %scan3A_295, %mul3A_296 : i32
        %swap3A_298 = arith.index_cast %mul3A_297 : i32 to index
        %swap3A_299 = tpu.vector_load %arg6[%swap3A_298] {strides = array<i32>} : memref<4096xi32, #tpu.memory_space<vmem>>, vector<16xi32>,
        tpu.vector_store %arg6[%swap3A_298], %broadcast_in_dim3A_2 {strides = array<i32>} : memref<4096xi32, #tpu.memory_space<vmem>>, vector<16xi32>,
        %mul3A_300 = arith.constant 16 : i32
        %mul3A_301 = arith.muli %scan3A_295, %mul3A_300 : i32
        %swap3A_302 = arith.index_cast %mul3A_301 : i32 to index
        %swap3A_303 = tpu.vector_load %arg7[%swap3A_302] {strides = array<i32>} : memref<4096xf32, #tpu.memory_space<vmem>>, vector<16xf32>,
        tpu.vector_store %arg7[%swap3A_302], %broadcast_in_dim3A_4 {strides = array<i32>} : memref<4096xf32, #tpu.memory_space<vmem>>, vector<16xf32>,
      }
      %scan3A_40 = arith.constant 256 : i32
      %scan3A_41 = arith.constant 0 : i32
      %scan3A_42 = arith.constant 0 : i32
      %scan3A_43 = arith.constant 1024 : i32
      %scan3A_44 = arith.addi %scan3A_42, %scan3A_43 : i32
      %scan3A_45 = arith.constant 1 : i32
      scf.for %scan3A_295 = %scan3A_42 to %scan3A_44 step %scan3A_45  : i32 {
        %mul3A_296 = arith.constant 16 : i32
        %mul3A_297 = arith.muli %scan3A_295, %mul3A_296 : i32
        %get3A_298 = arith.index_cast %mul3A_297 : i32 to index
        %get3A_299 = tpu.vector_load %arg5[%get3A_298] {strides = array<i32>} : memref<16384xf32, #tpu.memory_space<vmem>>, vector<16xf32>,
        %bitcast_convert_type3A_300 = tpu.bitcast %get3A_299 : vector<16xf32> -> vector<16xi32>
        %ge3A = arith.constant 0.000000e+00 : f32
        %ge3A_301 = vector.broadcast %ge3A : f32 to vector<16xf32>
        %ge3A_302 = arith.cmpf oge, %get3A_299, %ge3A_301 : vector<16xf32>
        %shift_right_logical3A = arith.constant 31 : i32
        %shift_right_logical3A_303 = vector.broadcast %shift_right_logical3A : i32 to vector<16xi32>
        %shift_right_logical3A_304 = arith.shrui %bitcast_convert_type3A_300, %shift_right_logical3A_303 : vector<16xi32>
        %eq3A_305 = arith.cmpi eq, %shift_right_logical3A_304, %broadcast_in_dim3A_2 : vector<16xi32>
        %and3A_306 = arith.andi %ge3A_302, %eq3A_305 : vector<16xi1>
        %shift_right_logical3A_307 = arith.constant 23 : i32
        %shift_right_logical3A_308 = vector.broadcast %shift_right_logical3A_307 : i32 to vector<16xi32>
        %shift_right_logical3A_309 = arith.shrui %bitcast_convert_type3A_300, %shift_right_logical3A_308 : vector<16xi32>
        %and3A_310 = arith.constant 255 : i32
        %and3A_311 = vector.broadcast %and3A_310 : i32 to vector<16xi32>
        %and3A_312 = arith.andi %shift_right_logical3A_309, %and3A_311 : vector<16xi32>
        %mul3A_313 = arith.constant 16 : i32
        %mul3A_314 = vector.broadcast %mul3A_313 : i32 to vector<16xi32>
        %mul3A_315 = arith.muli %and3A_312, %mul3A_314 : vector<16xi32>
        %add3A_316 = arith.addi %mul3A_315, %iota3A : vector<16xi32>
        tpu.vector_store_idx %arg6[%add3A_316], %add3A_35 masked %and3A_306 {add = true} : memref<4096xi32, #tpu.memory_space<vmem>>[vector<16xi32>], vector<16xi32>, vector<16xi1>
        tpu.vector_store_idx %arg7[%add3A_316], %get3A_299 masked %and3A_306 {add = true} : memref<4096xf32, #tpu.memory_space<vmem>>[vector<16xi32>], vector<16xf32>, vector<16xi1>
      }
      %scan3A_46 = arith.constant 1024 : i32
      %scan3A_47 = arith.constant 0 : i32
      %scan3A_48 = arith.constant 0 : i32
      %scan3A_49 = arith.constant 16 : i32
      %scan3A_50 = arith.addi %scan3A_48, %scan3A_49 : i32
      %scan3A_51 = arith.constant 1 : i32
      scf.for %scan3A_295 = %scan3A_48 to %scan3A_50 step %scan3A_51  : i32 {
        %mul3A_296 = arith.constant 16 : i32
        %mul3A_297 = arith.muli %scan3A_295, %mul3A_296 : i32
        %add3A_298 = vector.broadcast %mul3A_297 : i32 to vector<16xi32>
        %add3A_299 = arith.addi %add3A_298, %iota3A : vector<16xi32>
        %mul3A_300 = arith.constant 16 : i32
        %mul3A_301 = vector.broadcast %mul3A_300 : i32 to vector<16xi32>
        %mul3A_302 = arith.muli %add3A_299, %mul3A_301 : vector<16xi32>
        %add3A_303 = arith.constant 0 : i32
        %add3A_304 = vector.broadcast %add3A_303 : i32 to vector<16xi32>
        %add3A_305 = arith.addi %mul3A_302, %add3A_304 : vector<16xi32>
        %gather3A_306 = tpu.vector_load_idx %arg6[%add3A_305] : memref<4096xi32, #tpu.memory_space<vmem>>[vector<16xi32>], vector<16xi32>,
        %add3A_307 = arith.addi %broadcast_in_dim3A_2, %gather3A_306 : vector<16xi32>
        %gather3A_308 = tpu.vector_load_idx %arg7[%add3A_305] : memref<4096xf32, #tpu.memory_space<vmem>>[vector<16xi32>], vector<16xf32>,
        %add3A_309 = arith.addf %broadcast_in_dim3A_4, %gather3A_308 : vector<16xf32>
        %mul3A_310 = arith.constant 16 : i32
        %mul3A_311 = arith.muli %scan3A_295, %mul3A_310 : i32
        %add3A_312 = vector.broadcast %mul3A_311 : i32 to vector<16xi32>
        %add3A_313 = arith.addi %add3A_312, %iota3A : vector<16xi32>
        %mul3A_314 = arith.constant 16 : i32
        %mul3A_315 = vector.broadcast %mul3A_314 : i32 to vector<16xi32>
        %mul3A_316 = arith.muli %add3A_313, %mul3A_315 : vector<16xi32>
        %add3A_317 = arith.constant 1 : i32
        %add3A_318 = vector.broadcast %add3A_317 : i32 to vector<16xi32>
        %add3A_319 = arith.addi %mul3A_316, %add3A_318 : vector<16xi32>
        %gather3A_320 = tpu.vector_load_idx %arg6[%add3A_319] : memref<4096xi32, #tpu.memory_space<vmem>>[vector<16xi32>], vector<16xi32>,
        %add3A_321 = arith.addi %add3A_307, %gather3A_320 : vector<16xi32>
        %gather3A_322 = tpu.vector_load_idx %arg7[%add3A_319] : memref<4096xf32, #tpu.memory_space<vmem>>[vector<16xi32>], vector<16xf32>,
        %add3A_323 = arith.addf %add3A_309, %gather3A_322 : vector<16xf32>
        %mul3A_324 = arith.constant 16 : i32
        %mul3A_325 = arith.muli %scan3A_295, %mul3A_324 : i32
        %add3A_326 = vector.broadcast %mul3A_325 : i32 to vector<16xi32>
        %add3A_327 = arith.addi %add3A_326, %iota3A : vector<16xi32>
        %mul3A_328 = arith.constant 16 : i32
        %mul3A_329 = vector.broadcast %mul3A_328 : i32 to vector<16xi32>
        %mul3A_330 = arith.muli %add3A_327, %mul3A_329 : vector<16xi32>
        %add3A_331 = arith.constant 2 : i32
        %add3A_332 = vector.broadcast %add3A_331 : i32 to vector<16xi32>
        %add3A_333 = arith.addi %mul3A_330, %add3A_332 : vector<16xi32>
        %gather3A_334 = tpu.vector_load_idx %arg6[%add3A_333] : memref<4096xi32, #tpu.memory_space<vmem>>[vector<16xi32>], vector<16xi32>,
        %add3A_335 = arith.addi %add3A_321, %gather3A_334 : vector<16xi32>
        %gather3A_336 = tpu.vector_load_idx %arg7[%add3A_333] : memref<4096xf32, #tpu.memory_space<vmem>>[vector<16xi32>], vector<16xf32>,
        %add3A_337 = arith.addf %add3A_323, %gather3A_336 : vector<16xf32>
        %mul3A_338 = arith.constant 16 : i32
        %mul3A_339 = arith.muli %scan3A_295, %mul3A_338 : i32
        %add3A_340 = vector.broadcast %mul3A_339 : i32 to vector<16xi32>
        %add3A_341 = arith.addi %add3A_340, %iota3A : vector<16xi32>
        %mul3A_342 = arith.constant 16 : i32
        %mul3A_343 = vector.broadcast %mul3A_342 : i32 to vector<16xi32>
        %mul3A_344 = arith.muli %add3A_341, %mul3A_343 : vector<16xi32>
        %add3A_345 = arith.constant 3 : i32
        %add3A_346 = vector.broadcast %add3A_345 : i32 to vector<16xi32>
        %add3A_347 = arith.addi %mul3A_344, %add3A_346 : vector<16xi32>
        %gather3A_348 = tpu.vector_load_idx %arg6[%add3A_347] : memref<4096xi32, #tpu.memory_space<vmem>>[vector<16xi32>], vector<16xi32>,
        %add3A_349 = arith.addi %add3A_335, %gather3A_348 : vector<16xi32>
        %gather3A_350 = tpu.vector_load_idx %arg7[%add3A_347] : memref<4096xf32, #tpu.memory_space<vmem>>[vector<16xi32>], vector<16xf32>,
        %add3A_351 = arith.addf %add3A_337, %gather3A_350 : vector<16xf32>
        %mul3A_352 = arith.constant 16 : i32
        %mul3A_353 = arith.muli %scan3A_295, %mul3A_352 : i32
        %add3A_354 = vector.broadcast %mul3A_353 : i32 to vector<16xi32>
        %add3A_355 = arith.addi %add3A_354, %iota3A : vector<16xi32>
        %mul3A_356 = arith.constant 16 : i32
        %mul3A_357 = vector.broadcast %mul3A_356 : i32 to vector<16xi32>
        %mul3A_358 = arith.muli %add3A_355, %mul3A_357 : vector<16xi32>
        %add3A_359 = arith.constant 4 : i32
        %add3A_360 = vector.broadcast %add3A_359 : i32 to vector<16xi32>
        %add3A_361 = arith.addi %mul3A_358, %add3A_360 : vector<16xi32>
        %gather3A_362 = tpu.vector_load_idx %arg6[%add3A_361] : memref<4096xi32, #tpu.memory_space<vmem>>[vector<16xi32>], vector<16xi32>,
        %add3A_363 = arith.addi %add3A_349, %gather3A_362 : vector<16xi32>
        %gather3A_364 = tpu.vector_load_idx %arg7[%add3A_361] : memref<4096xf32, #tpu.memory_space<vmem>>[vector<16xi32>], vector<16xf32>,
        %add3A_365 = arith.addf %add3A_351, %gather3A_364 : vector<16xf32>
        %mul3A_366 = arith.constant 16 : i32
        %mul3A_367 = arith.muli %scan3A_295, %mul3A_366 : i32
        %add3A_368 = vector.broadcast %mul3A_367 : i32 to vector<16xi32>
        %add3A_369 = arith.addi %add3A_368, %iota3A : vector<16xi32>
        %mul3A_370 = arith.constant 16 : i32
        %mul3A_371 = vector.broadcast %mul3A_370 : i32 to vector<16xi32>
        %mul3A_372 = arith.muli %add3A_369, %mul3A_371 : vector<16xi32>
        %add3A_373 = arith.constant 5 : i32
        %add3A_374 = vector.broadcast %add3A_373 : i32 to vector<16xi32>
        %add3A_375 = arith.addi %mul3A_372, %add3A_374 : vector<16xi32>
        %gather3A_376 = tpu.vector_load_idx %arg6[%add3A_375] : memref<4096xi32, #tpu.memory_space<vmem>>[vector<16xi32>], vector<16xi32>,
        %add3A_377 = arith.addi %add3A_363, %gather3A_376 : vector<16xi32>
        %gather3A_378 = tpu.vector_load_idx %arg7[%add3A_375] : memref<4096xf32, #tpu.memory_space<vmem>>[vector<16xi32>], vector<16xf32>,
        %add3A_379 = arith.addf %add3A_365, %gather3A_378 : vector<16xf32>
        %mul3A_380 = arith.constant 16 : i32
        %mul3A_381 = arith.muli %scan3A_295, %mul3A_380 : i32
        %add3A_382 = vector.broadcast %mul3A_381 : i32 to vector<16xi32>
        %add3A_383 = arith.addi %add3A_382, %iota3A : vector<16xi32>
        %mul3A_384 = arith.constant 16 : i32
        %mul3A_385 = vector.broadcast %mul3A_384 : i32 to vector<16xi32>
        %mul3A_386 = arith.muli %add3A_383, %mul3A_385 : vector<16xi32>
        %add3A_387 = arith.constant 6 : i32
        %add3A_388 = vector.broadcast %add3A_387 : i32 to vector<16xi32>
        %add3A_389 = arith.addi %mul3A_386, %add3A_388 : vector<16xi32>
        %gather3A_390 = tpu.vector_load_idx %arg6[%add3A_389] : memref<4096xi32, #tpu.memory_space<vmem>>[vector<16xi32>], vector<16xi32>,
        %add3A_391 = arith.addi %add3A_377, %gather3A_390 : vector<16xi32>
        %gather3A_392 = tpu.vector_load_idx %arg7[%add3A_389] : memref<4096xf32, #tpu.memory_space<vmem>>[vector<16xi32>], vector<16xf32>,
        %add3A_393 = arith.addf %add3A_379, %gather3A_392 : vector<16xf32>
        %mul3A_394 = arith.constant 16 : i32
        %mul3A_395 = arith.muli %scan3A_295, %mul3A_394 : i32
        %add3A_396 = vector.broadcast %mul3A_395 : i32 to vector<16xi32>
        %add3A_397 = arith.addi %add3A_396, %iota3A : vector<16xi32>
        %mul3A_398 = arith.constant 16 : i32
        %mul3A_399 = vector.broadcast %mul3A_398 : i32 to vector<16xi32>
        %mul3A_400 = arith.muli %add3A_397, %mul3A_399 : vector<16xi32>
        %add3A_401 = arith.constant 7 : i32
        %add3A_402 = vector.broadcast %add3A_401 : i32 to vector<16xi32>
        %add3A_403 = arith.addi %mul3A_400, %add3A_402 : vector<16xi32>
        %gather3A_404 = tpu.vector_load_idx %arg6[%add3A_403] : memref<4096xi32, #tpu.memory_space<vmem>>[vector<16xi32>], vector<16xi32>,
        %add3A_405 = arith.addi %add3A_391, %gather3A_404 : vector<16xi32>
        %gather3A_406 = tpu.vector_load_idx %arg7[%add3A_403] : memref<4096xf32, #tpu.memory_space<vmem>>[vector<16xi32>], vector<16xf32>,
        %add3A_407 = arith.addf %add3A_393, %gather3A_406 : vector<16xf32>
        %mul3A_408 = arith.constant 16 : i32
        %mul3A_409 = arith.muli %scan3A_295, %mul3A_408 : i32
        %add3A_410 = vector.broadcast %mul3A_409 : i32 to vector<16xi32>
        %add3A_411 = arith.addi %add3A_410, %iota3A : vector<16xi32>
        %mul3A_412 = arith.constant 16 : i32
        %mul3A_413 = vector.broadcast %mul3A_412 : i32 to vector<16xi32>
        %mul3A_414 = arith.muli %add3A_411, %mul3A_413 : vector<16xi32>
        %add3A_415 = arith.constant 8 : i32
        %add3A_416 = vector.broadcast %add3A_415 : i32 to vector<16xi32>
        %add3A_417 = arith.addi %mul3A_414, %add3A_416 : vector<16xi32>
        %gather3A_418 = tpu.vector_load_idx %arg6[%add3A_417] : memref<4096xi32, #tpu.memory_space<vmem>>[vector<16xi32>], vector<16xi32>,
        %add3A_419 = arith.addi %add3A_405, %gather3A_418 : vector<16xi32>
        %gather3A_420 = tpu.vector_load_idx %arg7[%add3A_417] : memref<4096xf32, #tpu.memory_space<vmem>>[vector<16xi32>], vector<16xf32>,
        %add3A_421 = arith.addf %add3A_407, %gather3A_420 : vector<16xf32>
        %mul3A_422 = arith.constant 16 : i32
        %mul3A_423 = arith.muli %scan3A_295, %mul3A_422 : i32
        %add3A_424 = vector.broadcast %mul3A_423 : i32 to vector<16xi32>
        %add3A_425 = arith.addi %add3A_424, %iota3A : vector<16xi32>
        %mul3A_426 = arith.constant 16 : i32
        %mul3A_427 = vector.broadcast %mul3A_426 : i32 to vector<16xi32>
        %mul3A_428 = arith.muli %add3A_425, %mul3A_427 : vector<16xi32>
        %add3A_429 = arith.constant 9 : i32
        %add3A_430 = vector.broadcast %add3A_429 : i32 to vector<16xi32>
        %add3A_431 = arith.addi %mul3A_428, %add3A_430 : vector<16xi32>
        %gather3A_432 = tpu.vector_load_idx %arg6[%add3A_431] : memref<4096xi32, #tpu.memory_space<vmem>>[vector<16xi32>], vector<16xi32>,
        %add3A_433 = arith.addi %add3A_419, %gather3A_432 : vector<16xi32>
        %gather3A_434 = tpu.vector_load_idx %arg7[%add3A_431] : memref<4096xf32, #tpu.memory_space<vmem>>[vector<16xi32>], vector<16xf32>,
        %add3A_435 = arith.addf %add3A_421, %gather3A_434 : vector<16xf32>
        %mul3A_436 = arith.constant 16 : i32
        %mul3A_437 = arith.muli %scan3A_295, %mul3A_436 : i32
        %add3A_438 = vector.broadcast %mul3A_437 : i32 to vector<16xi32>
        %add3A_439 = arith.addi %add3A_438, %iota3A : vector<16xi32>
        %mul3A_440 = arith.constant 16 : i32
        %mul3A_441 = vector.broadcast %mul3A_440 : i32 to vector<16xi32>
        %mul3A_442 = arith.muli %add3A_439, %mul3A_441 : vector<16xi32>
        %add3A_443 = arith.constant 10 : i32
        %add3A_444 = vector.broadcast %add3A_443 : i32 to vector<16xi32>
        %add3A_445 = arith.addi %mul3A_442, %add3A_444 : vector<16xi32>
        %gather3A_446 = tpu.vector_load_idx %arg6[%add3A_445] : memref<4096xi32, #tpu.memory_space<vmem>>[vector<16xi32>], vector<16xi32>,
        %add3A_447 = arith.addi %add3A_433, %gather3A_446 : vector<16xi32>
        %gather3A_448 = tpu.vector_load_idx %arg7[%add3A_445] : memref<4096xf32, #tpu.memory_space<vmem>>[vector<16xi32>], vector<16xf32>,
        %add3A_449 = arith.addf %add3A_435, %gather3A_448 : vector<16xf32>
        %mul3A_450 = arith.constant 16 : i32
        %mul3A_451 = arith.muli %scan3A_295, %mul3A_450 : i32
        %add3A_452 = vector.broadcast %mul3A_451 : i32 to vector<16xi32>
        %add3A_453 = arith.addi %add3A_452, %iota3A : vector<16xi32>
        %mul3A_454 = arith.constant 16 : i32
        %mul3A_455 = vector.broadcast %mul3A_454 : i32 to vector<16xi32>
        %mul3A_456 = arith.muli %add3A_453, %mul3A_455 : vector<16xi32>
        %add3A_457 = arith.constant 11 : i32
        %add3A_458 = vector.broadcast %add3A_457 : i32 to vector<16xi32>
        %add3A_459 = arith.addi %mul3A_456, %add3A_458 : vector<16xi32>
        %gather3A_460 = tpu.vector_load_idx %arg6[%add3A_459] : memref<4096xi32, #tpu.memory_space<vmem>>[vector<16xi32>], vector<16xi32>,
        %add3A_461 = arith.addi %add3A_447, %gather3A_460 : vector<16xi32>
        %gather3A_462 = tpu.vector_load_idx %arg7[%add3A_459] : memref<4096xf32, #tpu.memory_space<vmem>>[vector<16xi32>], vector<16xf32>,
        %add3A_463 = arith.addf %add3A_449, %gather3A_462 : vector<16xf32>
        %mul3A_464 = arith.constant 16 : i32
        %mul3A_465 = arith.muli %scan3A_295, %mul3A_464 : i32
        %add3A_466 = vector.broadcast %mul3A_465 : i32 to vector<16xi32>
        %add3A_467 = arith.addi %add3A_466, %iota3A : vector<16xi32>
        %mul3A_468 = arith.constant 16 : i32
        %mul3A_469 = vector.broadcast %mul3A_468 : i32 to vector<16xi32>
        %mul3A_470 = arith.muli %add3A_467, %mul3A_469 : vector<16xi32>
        %add3A_471 = arith.constant 12 : i32
        %add3A_472 = vector.broadcast %add3A_471 : i32 to vector<16xi32>
        %add3A_473 = arith.addi %mul3A_470, %add3A_472 : vector<16xi32>
        %gather3A_474 = tpu.vector_load_idx %arg6[%add3A_473] : memref<4096xi32, #tpu.memory_space<vmem>>[vector<16xi32>], vector<16xi32>,
        %add3A_475 = arith.addi %add3A_461, %gather3A_474 : vector<16xi32>
        %gather3A_476 = tpu.vector_load_idx %arg7[%add3A_473] : memref<4096xf32, #tpu.memory_space<vmem>>[vector<16xi32>], vector<16xf32>,
        %add3A_477 = arith.addf %add3A_463, %gather3A_476 : vector<16xf32>
        %mul3A_478 = arith.constant 16 : i32
        %mul3A_479 = arith.muli %scan3A_295, %mul3A_478 : i32
        %add3A_480 = vector.broadcast %mul3A_479 : i32 to vector<16xi32>
        %add3A_481 = arith.addi %add3A_480, %iota3A : vector<16xi32>
        %mul3A_482 = arith.constant 16 : i32
        %mul3A_483 = vector.broadcast %mul3A_482 : i32 to vector<16xi32>
        %mul3A_484 = arith.muli %add3A_481, %mul3A_483 : vector<16xi32>
        %add3A_485 = arith.constant 13 : i32
        %add3A_486 = vector.broadcast %add3A_485 : i32 to vector<16xi32>
        %add3A_487 = arith.addi %mul3A_484, %add3A_486 : vector<16xi32>
        %gather3A_488 = tpu.vector_load_idx %arg6[%add3A_487] : memref<4096xi32, #tpu.memory_space<vmem>>[vector<16xi32>], vector<16xi32>,
        %add3A_489 = arith.addi %add3A_475, %gather3A_488 : vector<16xi32>
        %gather3A_490 = tpu.vector_load_idx %arg7[%add3A_487] : memref<4096xf32, #tpu.memory_space<vmem>>[vector<16xi32>], vector<16xf32>,
        %add3A_491 = arith.addf %add3A_477, %gather3A_490 : vector<16xf32>
        %mul3A_492 = arith.constant 16 : i32
        %mul3A_493 = arith.muli %scan3A_295, %mul3A_492 : i32
        %add3A_494 = vector.broadcast %mul3A_493 : i32 to vector<16xi32>
        %add3A_495 = arith.addi %add3A_494, %iota3A : vector<16xi32>
        %mul3A_496 = arith.constant 16 : i32
        %mul3A_497 = vector.broadcast %mul3A_496 : i32 to vector<16xi32>
        %mul3A_498 = arith.muli %add3A_495, %mul3A_497 : vector<16xi32>
        %add3A_499 = arith.constant 14 : i32
        %add3A_500 = vector.broadcast %add3A_499 : i32 to vector<16xi32>
        %add3A_501 = arith.addi %mul3A_498, %add3A_500 : vector<16xi32>
        %gather3A_502 = tpu.vector_load_idx %arg6[%add3A_501] : memref<4096xi32, #tpu.memory_space<vmem>>[vector<16xi32>], vector<16xi32>,
        %add3A_503 = arith.addi %add3A_489, %gather3A_502 : vector<16xi32>
        %gather3A_504 = tpu.vector_load_idx %arg7[%add3A_501] : memref<4096xf32, #tpu.memory_space<vmem>>[vector<16xi32>], vector<16xf32>,
        %add3A_505 = arith.addf %add3A_491, %gather3A_504 : vector<16xf32>
        %mul3A_506 = arith.constant 16 : i32
        %mul3A_507 = arith.muli %scan3A_295, %mul3A_506 : i32
        %add3A_508 = vector.broadcast %mul3A_507 : i32 to vector<16xi32>
        %add3A_509 = arith.addi %add3A_508, %iota3A : vector<16xi32>
        %mul3A_510 = arith.constant 16 : i32
        %mul3A_511 = vector.broadcast %mul3A_510 : i32 to vector<16xi32>
        %mul3A_512 = arith.muli %add3A_509, %mul3A_511 : vector<16xi32>
        %add3A_513 = arith.constant 15 : i32
        %add3A_514 = vector.broadcast %add3A_513 : i32 to vector<16xi32>
        %add3A_515 = arith.addi %mul3A_512, %add3A_514 : vector<16xi32>
        %gather3A_516 = tpu.vector_load_idx %arg6[%add3A_515] : memref<4096xi32, #tpu.memory_space<vmem>>[vector<16xi32>], vector<16xi32>,
        %add3A_517 = arith.addi %add3A_503, %gather3A_516 : vector<16xi32>
        %gather3A_518 = tpu.vector_load_idx %arg7[%add3A_515] : memref<4096xf32, #tpu.memory_space<vmem>>[vector<16xi32>], vector<16xf32>,
        %add3A_519 = arith.addf %add3A_505, %gather3A_518 : vector<16xf32>
        %mul3A_520 = arith.constant 16 : i32
        %mul3A_521 = arith.muli %scan3A_295, %mul3A_520 : i32
        %swap3A_522 = arith.index_cast %mul3A_521 : i32 to index
        %swap3A_523 = tpu.vector_load %arg8[%swap3A_522] {strides = array<i32>} : memref<256xi32, #tpu.memory_space<vmem>>, vector<16xi32>,
        tpu.vector_store %arg8[%swap3A_522], %add3A_517 {strides = array<i32>} : memref<256xi32, #tpu.memory_space<vmem>>, vector<16xi32>,
        %mul3A_524 = arith.constant 16 : i32
        %mul3A_525 = arith.muli %scan3A_295, %mul3A_524 : i32
        %swap3A_526 = arith.index_cast %mul3A_525 : i32 to index
        %swap3A_527 = tpu.vector_load %arg9[%swap3A_526] {strides = array<i32>} : memref<256xf32, #tpu.memory_space<vmem>>, vector<16xf32>,
        tpu.vector_store %arg9[%swap3A_526], %add3A_519 {strides = array<i32>} : memref<256xf32, #tpu.memory_space<vmem>>, vector<16xf32>,
      }
      %scan3A_52 = arith.constant 16 : i32
      %get3A_53 = arith.constant 0 : index
      %get3A_54 = tpu.vector_load %arg8[%get3A_53] {strides = array<i32>} : memref<256xi32, #tpu.memory_space<vmem>>, vector<16xi32>,
      %add3A_55 = arith.addi %broadcast_in_dim3A_2, %get3A_54 : vector<16xi32>
      %get3A_56 = arith.constant 16 : index
      %get3A_57 = tpu.vector_load %arg8[%get3A_56] {strides = array<i32>} : memref<256xi32, #tpu.memory_space<vmem>>, vector<16xi32>,
      %add3A_58 = arith.addi %add3A_55, %get3A_57 : vector<16xi32>
      %get3A_59 = arith.constant 32 : index
      %get3A_60 = tpu.vector_load %arg8[%get3A_59] {strides = array<i32>} : memref<256xi32, #tpu.memory_space<vmem>>, vector<16xi32>,
      %add3A_61 = arith.addi %add3A_58, %get3A_60 : vector<16xi32>
      %get3A_62 = arith.constant 48 : index
      %get3A_63 = tpu.vector_load %arg8[%get3A_62] {strides = array<i32>} : memref<256xi32, #tpu.memory_space<vmem>>, vector<16xi32>,
      %add3A_64 = arith.addi %add3A_61, %get3A_63 : vector<16xi32>
      %get3A_65 = arith.constant 64 : index
      %get3A_66 = tpu.vector_load %arg8[%get3A_65] {strides = array<i32>} : memref<256xi32, #tpu.memory_space<vmem>>, vector<16xi32>,
      %add3A_67 = arith.addi %add3A_64, %get3A_66 : vector<16xi32>
      %get3A_68 = arith.constant 80 : index
      %get3A_69 = tpu.vector_load %arg8[%get3A_68] {strides = array<i32>} : memref<256xi32, #tpu.memory_space<vmem>>, vector<16xi32>,
      %add3A_70 = arith.addi %add3A_67, %get3A_69 : vector<16xi32>
      %get3A_71 = arith.constant 96 : index
      %get3A_72 = tpu.vector_load %arg8[%get3A_71] {strides = array<i32>} : memref<256xi32, #tpu.memory_space<vmem>>, vector<16xi32>,
      %add3A_73 = arith.addi %add3A_70, %get3A_72 : vector<16xi32>
      %get3A_74 = arith.constant 112 : index
      %get3A_75 = tpu.vector_load %arg8[%get3A_74] {strides = array<i32>} : memref<256xi32, #tpu.memory_space<vmem>>, vector<16xi32>,
      %add3A_76 = arith.addi %add3A_73, %get3A_75 : vector<16xi32>
      %get3A_77 = arith.constant 128 : index
      %get3A_78 = tpu.vector_load %arg8[%get3A_77] {strides = array<i32>} : memref<256xi32, #tpu.memory_space<vmem>>, vector<16xi32>,
      %add3A_79 = arith.addi %add3A_76, %get3A_78 : vector<16xi32>
      %get3A_80 = arith.constant 144 : index
      %get3A_81 = tpu.vector_load %arg8[%get3A_80] {strides = array<i32>} : memref<256xi32, #tpu.memory_space<vmem>>, vector<16xi32>,
      %add3A_82 = arith.addi %add3A_79, %get3A_81 : vector<16xi32>
      %get3A_83 = arith.constant 160 : index
      %get3A_84 = tpu.vector_load %arg8[%get3A_83] {strides = array<i32>} : memref<256xi32, #tpu.memory_space<vmem>>, vector<16xi32>,
      %add3A_85 = arith.addi %add3A_82, %get3A_84 : vector<16xi32>
      %get3A_86 = arith.constant 176 : index
      %get3A_87 = tpu.vector_load %arg8[%get3A_86] {strides = array<i32>} : memref<256xi32, #tpu.memory_space<vmem>>, vector<16xi32>,
      %add3A_88 = arith.addi %add3A_85, %get3A_87 : vector<16xi32>
      %get3A_89 = arith.constant 192 : index
      %get3A_90 = tpu.vector_load %arg8[%get3A_89] {strides = array<i32>} : memref<256xi32, #tpu.memory_space<vmem>>, vector<16xi32>,
      %add3A_91 = arith.addi %add3A_88, %get3A_90 : vector<16xi32>
      %get3A_92 = arith.constant 208 : index
      %get3A_93 = tpu.vector_load %arg8[%get3A_92] {strides = array<i32>} : memref<256xi32, #tpu.memory_space<vmem>>, vector<16xi32>,
      %add3A_94 = arith.addi %add3A_91, %get3A_93 : vector<16xi32>
      %get3A_95 = arith.constant 224 : index
      %get3A_96 = tpu.vector_load %arg8[%get3A_95] {strides = array<i32>} : memref<256xi32, #tpu.memory_space<vmem>>, vector<16xi32>,
      %add3A_97 = arith.addi %add3A_94, %get3A_96 : vector<16xi32>
      %get3A_98 = arith.constant 240 : index
      %get3A_99 = tpu.vector_load %arg8[%get3A_98] {strides = array<i32>} : memref<256xi32, #tpu.memory_space<vmem>>, vector<16xi32>,
      %add3A_100 = arith.addi %add3A_97, %get3A_99 : vector<16xi32>
      %add3A_101 = arith.constant 1 : i32
      %add3A_102 = vector.broadcast %add3A_101 : i32 to vector<16xi32>
      %add3A_103 = arith.addi %iota3A, %add3A_102 : vector<16xi32>
      %and3A_104 = arith.constant 15 : i32
      %and3A_105 = vector.broadcast %and3A_104 : i32 to vector<16xi32>
      %and3A_106 = arith.andi %add3A_103, %and3A_105 : vector<16xi32>
      %broadcast_in_dim3A_107 = vector.shape_cast %and3A_106 : vector<16xi32> to vector<16x1xi32>
      %gather3A_108 = vector.shape_cast %broadcast_in_dim3A_107 : vector<16x1xi32> to vector<16xi32>
      %gather3A_109 = tpu.dynamic_gather %add3A_100[%gather3A_108] in [0] : vector<16xi32>, vector<16xi32> -> vector<16xi32>
      %add3A_110 = arith.addi %add3A_100, %gather3A_109 : vector<16xi32>
      %add3A_111 = arith.constant 2 : i32
      %add3A_112 = vector.broadcast %add3A_111 : i32 to vector<16xi32>
      %add3A_113 = arith.addi %iota3A, %add3A_112 : vector<16xi32>
      %and3A_114 = arith.constant 15 : i32
      %and3A_115 = vector.broadcast %and3A_114 : i32 to vector<16xi32>
      %and3A_116 = arith.andi %add3A_113, %and3A_115 : vector<16xi32>
      %broadcast_in_dim3A_117 = vector.shape_cast %and3A_116 : vector<16xi32> to vector<16x1xi32>
      %gather3A_118 = vector.shape_cast %broadcast_in_dim3A_117 : vector<16x1xi32> to vector<16xi32>
      %gather3A_119 = tpu.dynamic_gather %add3A_110[%gather3A_118] in [0] : vector<16xi32>, vector<16xi32> -> vector<16xi32>
      %add3A_120 = arith.addi %add3A_110, %gather3A_119 : vector<16xi32>
      %add3A_121 = arith.constant 4 : i32
      %add3A_122 = vector.broadcast %add3A_121 : i32 to vector<16xi32>
      %add3A_123 = arith.addi %iota3A, %add3A_122 : vector<16xi32>
      %and3A_124 = arith.constant 15 : i32
      %and3A_125 = vector.broadcast %and3A_124 : i32 to vector<16xi32>
      %and3A_126 = arith.andi %add3A_123, %and3A_125 : vector<16xi32>
      %broadcast_in_dim3A_127 = vector.shape_cast %and3A_126 : vector<16xi32> to vector<16x1xi32>
      %gather3A_128 = vector.shape_cast %broadcast_in_dim3A_127 : vector<16x1xi32> to vector<16xi32>
      %gather3A_129 = tpu.dynamic_gather %add3A_120[%gather3A_128] in [0] : vector<16xi32>, vector<16xi32> -> vector<16xi32>
      %add3A_130 = arith.addi %add3A_120, %gather3A_129 : vector<16xi32>
      %add3A_131 = arith.constant 8 : i32
      %add3A_132 = vector.broadcast %add3A_131 : i32 to vector<16xi32>
      %add3A_133 = arith.addi %iota3A, %add3A_132 : vector<16xi32>
      %and3A_134 = arith.constant 15 : i32
      %and3A_135 = vector.broadcast %and3A_134 : i32 to vector<16xi32>
      %and3A_136 = arith.andi %add3A_133, %and3A_135 : vector<16xi32>
      %broadcast_in_dim3A_137 = vector.shape_cast %and3A_136 : vector<16xi32> to vector<16x1xi32>
      %gather3A_138 = vector.shape_cast %broadcast_in_dim3A_137 : vector<16x1xi32> to vector<16xi32>
      %gather3A_139 = tpu.dynamic_gather %add3A_130[%gather3A_138] in [0] : vector<16xi32>, vector<16xi32> -> vector<16xi32>
      %add3A_140 = arith.addi %add3A_130, %gather3A_139 : vector<16xi32>
      %mul3A_141 = arith.constant 3 : i32
      %mul3A_142 = vector.broadcast %mul3A_141 : i32 to vector<16xi32>
      %mul3A_143 = arith.muli %mul3A_142, %convert_element_type3A_32 : vector<16xi32>
      %min3A = arith.minsi %mul3A_143, %add3A_140 : vector<16xi32>
      %min3A_144 = arith.constant 64 : i32
      %min3A_145 = vector.broadcast %min3A_144 : i32 to vector<16xi32>
      %min3A_146 = arith.minsi %add3A_140, %min3A_145 : vector<16xi32>
      %gt3A = arith.constant 0 : i32
      %gt3A_147 = vector.broadcast %gt3A : i32 to vector<16xi32>
      %gt3A_148 = arith.cmpi sgt, %convert_element_type3A_32, %gt3A_147 : vector<16xi32>
      %select_n3A = arith.select %gt3A_148, %min3A, %min3A_146 : vector<16xi1>, vector<16xi32>
      %sub3A = arith.constant 1 : i32
      %sub3A_149 = vector.broadcast %sub3A : i32 to vector<16xi32>
      %sub3A_150 = arith.subi %broadcast_in_dim3A_2, %sub3A_149 : vector<16xi32>
      %scan3A_151 = arith.constant 0 : i32
      %scan3A_152 = arith.constant 16 : i32
      %scan3A_153 = arith.addi %scan3A_151, %scan3A_152 : i32
      %scan3A_154 = arith.constant 1 : i32
      %scan3A_155:3 = scf.for %scan3A_295 = %scan3A_151 to %scan3A_153 step %scan3A_154 iter_args(%scan3A_296 = %sub3A_150, %scan3A_297 = %broadcast_in_dim3A_2, %scan3A_298 = %broadcast_in_dim3A_4) -> (vector<16xi32>, vector<16xi32>, vector<16xf32>)  : i32 {
        %sub3A_299 = arith.constant 15 : i32
        %sub3A_300 = arith.subi %sub3A_299, %scan3A_295 : i32
        %mul3A_301 = arith.constant 16 : i32
        %mul3A_302 = arith.muli %sub3A_300, %mul3A_301 : i32
        %get3A_303 = arith.index_cast %mul3A_302 : i32 to index
        %get3A_304 = tpu.vector_load %arg8[%get3A_303] {strides = array<i32>} : memref<256xi32, #tpu.memory_space<vmem>>, vector<16xi32>,
        %mul3A_305 = arith.constant 16 : i32
        %mul3A_306 = arith.muli %sub3A_300, %mul3A_305 : i32
        %get3A_307 = arith.index_cast %mul3A_306 : i32 to index
        %get3A_308 = tpu.vector_load %arg9[%get3A_307] {strides = array<i32>} : memref<256xf32, #tpu.memory_space<vmem>>, vector<16xf32>,
        %add3A_309 = arith.constant 1 : i32
        %add3A_310 = vector.broadcast %add3A_309 : i32 to vector<16xi32>
        %add3A_311 = arith.addi %iota3A, %add3A_310 : vector<16xi32>
        %lt3A_312 = arith.constant 16 : i32
        %lt3A_313 = vector.broadcast %lt3A_312 : i32 to vector<16xi32>
        %lt3A_314 = arith.cmpi slt, %add3A_311, %lt3A_313 : vector<16xi32>
        %add3A_315 = arith.constant 1 : i32
        %add3A_316 = vector.broadcast %add3A_315 : i32 to vector<16xi32>
        %add3A_317 = arith.addi %iota3A, %add3A_316 : vector<16xi32>
        %and3A_318 = arith.constant 15 : i32
        %and3A_319 = vector.broadcast %and3A_318 : i32 to vector<16xi32>
        %and3A_320 = arith.andi %add3A_317, %and3A_319 : vector<16xi32>
        %broadcast_in_dim3A_321 = vector.shape_cast %and3A_320 : vector<16xi32> to vector<16x1xi32>
        %gather3A_322 = vector.shape_cast %broadcast_in_dim3A_321 : vector<16x1xi32> to vector<16xi32>
        %gather3A_323 = tpu.dynamic_gather %get3A_304[%gather3A_322] in [0] : vector<16xi32>, vector<16xi32> -> vector<16xi32>
        %jit3A_324 = arith.constant 0 : i32
        %broadcast_in_dim3A_325 = vector.broadcast %jit3A_324 : i32 to vector<16xi32>
        %select_n3A_326 = arith.select %lt3A_314, %gather3A_323, %broadcast_in_dim3A_325 : vector<16xi1>, vector<16xi32>
        %add3A_327 = arith.addi %get3A_304, %select_n3A_326 : vector<16xi32>
        %add3A_328 = arith.constant 2 : i32
        %add3A_329 = vector.broadcast %add3A_328 : i32 to vector<16xi32>
        %add3A_330 = arith.addi %iota3A, %add3A_329 : vector<16xi32>
        %lt3A_331 = arith.constant 16 : i32
        %lt3A_332 = vector.broadcast %lt3A_331 : i32 to vector<16xi32>
        %lt3A_333 = arith.cmpi slt, %add3A_330, %lt3A_332 : vector<16xi32>
        %add3A_334 = arith.constant 2 : i32
        %add3A_335 = vector.broadcast %add3A_334 : i32 to vector<16xi32>
        %add3A_336 = arith.addi %iota3A, %add3A_335 : vector<16xi32>
        %and3A_337 = arith.constant 15 : i32
        %and3A_338 = vector.broadcast %and3A_337 : i32 to vector<16xi32>
        %and3A_339 = arith.andi %add3A_336, %and3A_338 : vector<16xi32>
        %broadcast_in_dim3A_340 = vector.shape_cast %and3A_339 : vector<16xi32> to vector<16x1xi32>
        %gather3A_341 = vector.shape_cast %broadcast_in_dim3A_340 : vector<16x1xi32> to vector<16xi32>
        %gather3A_342 = tpu.dynamic_gather %add3A_327[%gather3A_341] in [0] : vector<16xi32>, vector<16xi32> -> vector<16xi32>
        %jit3A_343 = arith.constant 0 : i32
        %broadcast_in_dim3A_344 = vector.broadcast %jit3A_343 : i32 to vector<16xi32>
        %select_n3A_345 = arith.select %lt3A_333, %gather3A_342, %broadcast_in_dim3A_344 : vector<16xi1>, vector<16xi32>
        %add3A_346 = arith.addi %add3A_327, %select_n3A_345 : vector<16xi32>
        %add3A_347 = arith.constant 4 : i32
        %add3A_348 = vector.broadcast %add3A_347 : i32 to vector<16xi32>
        %add3A_349 = arith.addi %iota3A, %add3A_348 : vector<16xi32>
        %lt3A_350 = arith.constant 16 : i32
        %lt3A_351 = vector.broadcast %lt3A_350 : i32 to vector<16xi32>
        %lt3A_352 = arith.cmpi slt, %add3A_349, %lt3A_351 : vector<16xi32>
        %add3A_353 = arith.constant 4 : i32
        %add3A_354 = vector.broadcast %add3A_353 : i32 to vector<16xi32>
        %add3A_355 = arith.addi %iota3A, %add3A_354 : vector<16xi32>
        %and3A_356 = arith.constant 15 : i32
        %and3A_357 = vector.broadcast %and3A_356 : i32 to vector<16xi32>
        %and3A_358 = arith.andi %add3A_355, %and3A_357 : vector<16xi32>
        %broadcast_in_dim3A_359 = vector.shape_cast %and3A_358 : vector<16xi32> to vector<16x1xi32>
        %gather3A_360 = vector.shape_cast %broadcast_in_dim3A_359 : vector<16x1xi32> to vector<16xi32>
        %gather3A_361 = tpu.dynamic_gather %add3A_346[%gather3A_360] in [0] : vector<16xi32>, vector<16xi32> -> vector<16xi32>
        %jit3A_362 = arith.constant 0 : i32
        %broadcast_in_dim3A_363 = vector.broadcast %jit3A_362 : i32 to vector<16xi32>
        %select_n3A_364 = arith.select %lt3A_352, %gather3A_361, %broadcast_in_dim3A_363 : vector<16xi1>, vector<16xi32>
        %add3A_365 = arith.addi %add3A_346, %select_n3A_364 : vector<16xi32>
        %add3A_366 = arith.constant 8 : i32
        %add3A_367 = vector.broadcast %add3A_366 : i32 to vector<16xi32>
        %add3A_368 = arith.addi %iota3A, %add3A_367 : vector<16xi32>
        %lt3A_369 = arith.constant 16 : i32
        %lt3A_370 = vector.broadcast %lt3A_369 : i32 to vector<16xi32>
        %lt3A_371 = arith.cmpi slt, %add3A_368, %lt3A_370 : vector<16xi32>
        %add3A_372 = arith.constant 8 : i32
        %add3A_373 = vector.broadcast %add3A_372 : i32 to vector<16xi32>
        %add3A_374 = arith.addi %iota3A, %add3A_373 : vector<16xi32>
        %and3A_375 = arith.constant 15 : i32
        %and3A_376 = vector.broadcast %and3A_375 : i32 to vector<16xi32>
        %and3A_377 = arith.andi %add3A_374, %and3A_376 : vector<16xi32>
        %broadcast_in_dim3A_378 = vector.shape_cast %and3A_377 : vector<16xi32> to vector<16x1xi32>
        %gather3A_379 = vector.shape_cast %broadcast_in_dim3A_378 : vector<16x1xi32> to vector<16xi32>
        %gather3A_380 = tpu.dynamic_gather %add3A_365[%gather3A_379] in [0] : vector<16xi32>, vector<16xi32> -> vector<16xi32>
        %jit3A_381 = arith.constant 0 : i32
        %broadcast_in_dim3A_382 = vector.broadcast %jit3A_381 : i32 to vector<16xi32>
        %select_n3A_383 = arith.select %lt3A_371, %gather3A_380, %broadcast_in_dim3A_382 : vector<16xi1>, vector<16xi32>
        %add3A_384 = arith.addi %add3A_365, %select_n3A_383 : vector<16xi32>
        %add3A_385 = arith.addi %scan3A_297, %add3A_384 : vector<16xi32>
        %ge3A = arith.cmpi sge, %add3A_385, %select_n3A : vector<16xi32>
        %convert_element_type3A_386 = arith.extui %ge3A : vector<16xi1> to vector<16xi32>
        %mul3A_387 = arith.muli %iota3A, %convert_element_type3A_386 : vector<16xi32>
        %sub3A_388 = arith.constant 1 : i32
        %sub3A_389 = vector.broadcast %sub3A_388 : i32 to vector<16xi32>
        %sub3A_390 = arith.subi %convert_element_type3A_386, %sub3A_389 : vector<16xi32>
        %add3A_391 = arith.addi %mul3A_387, %sub3A_390 : vector<16xi32>
        %add3A_392 = arith.constant 1 : i32
        %add3A_393 = vector.broadcast %add3A_392 : i32 to vector<16xi32>
        %add3A_394 = arith.addi %iota3A, %add3A_393 : vector<16xi32>
        %and3A_395 = arith.constant 15 : i32
        %and3A_396 = vector.broadcast %and3A_395 : i32 to vector<16xi32>
        %and3A_397 = arith.andi %add3A_394, %and3A_396 : vector<16xi32>
        %broadcast_in_dim3A_398 = vector.shape_cast %and3A_397 : vector<16xi32> to vector<16x1xi32>
        %gather3A_399 = vector.shape_cast %broadcast_in_dim3A_398 : vector<16x1xi32> to vector<16xi32>
        %gather3A_400 = tpu.dynamic_gather %add3A_391[%gather3A_399] in [0] : vector<16xi32>, vector<16xi32> -> vector<16xi32>
        %max3A_401 = arith.maxsi %add3A_391, %gather3A_400 : vector<16xi32>
        %add3A_402 = arith.constant 2 : i32
        %add3A_403 = vector.broadcast %add3A_402 : i32 to vector<16xi32>
        %add3A_404 = arith.addi %iota3A, %add3A_403 : vector<16xi32>
        %and3A_405 = arith.constant 15 : i32
        %and3A_406 = vector.broadcast %and3A_405 : i32 to vector<16xi32>
        %and3A_407 = arith.andi %add3A_404, %and3A_406 : vector<16xi32>
        %broadcast_in_dim3A_408 = vector.shape_cast %and3A_407 : vector<16xi32> to vector<16x1xi32>
        %gather3A_409 = vector.shape_cast %broadcast_in_dim3A_408 : vector<16x1xi32> to vector<16xi32>
        %gather3A_410 = tpu.dynamic_gather %max3A_401[%gather3A_409] in [0] : vector<16xi32>, vector<16xi32> -> vector<16xi32>
        %max3A_411 = arith.maxsi %max3A_401, %gather3A_410 : vector<16xi32>
        %add3A_412 = arith.constant 4 : i32
        %add3A_413 = vector.broadcast %add3A_412 : i32 to vector<16xi32>
        %add3A_414 = arith.addi %iota3A, %add3A_413 : vector<16xi32>
        %and3A_415 = arith.constant 15 : i32
        %and3A_416 = vector.broadcast %and3A_415 : i32 to vector<16xi32>
        %and3A_417 = arith.andi %add3A_414, %and3A_416 : vector<16xi32>
        %broadcast_in_dim3A_418 = vector.shape_cast %and3A_417 : vector<16xi32> to vector<16x1xi32>
        %gather3A_419 = vector.shape_cast %broadcast_in_dim3A_418 : vector<16x1xi32> to vector<16xi32>
        %gather3A_420 = tpu.dynamic_gather %max3A_411[%gather3A_419] in [0] : vector<16xi32>, vector<16xi32> -> vector<16xi32>
        %max3A_421 = arith.maxsi %max3A_411, %gather3A_420 : vector<16xi32>
        %add3A_422 = arith.constant 8 : i32
        %add3A_423 = vector.broadcast %add3A_422 : i32 to vector<16xi32>
        %add3A_424 = arith.addi %iota3A, %add3A_423 : vector<16xi32>
        %and3A_425 = arith.constant 15 : i32
        %and3A_426 = vector.broadcast %and3A_425 : i32 to vector<16xi32>
        %and3A_427 = arith.andi %add3A_424, %and3A_426 : vector<16xi32>
        %broadcast_in_dim3A_428 = vector.shape_cast %and3A_427 : vector<16xi32> to vector<16x1xi32>
        %gather3A_429 = vector.shape_cast %broadcast_in_dim3A_428 : vector<16x1xi32> to vector<16xi32>
        %gather3A_430 = tpu.dynamic_gather %max3A_421[%gather3A_429] in [0] : vector<16xi32>, vector<16xi32> -> vector<16xi32>
        %max3A_431 = arith.maxsi %max3A_421, %gather3A_430 : vector<16xi32>
        %lt3A_432 = arith.constant 0 : i32
        %lt3A_433 = vector.broadcast %lt3A_432 : i32 to vector<16xi32>
        %lt3A_434 = arith.cmpi slt, %scan3A_296, %lt3A_433 : vector<16xi32>
        %ge3A_435 = arith.constant 0 : i32
        %ge3A_436 = vector.broadcast %ge3A_435 : i32 to vector<16xi32>
        %ge3A_437 = arith.cmpi sge, %max3A_431, %ge3A_436 : vector<16xi32>
        %and3A_438 = arith.andi %lt3A_434, %ge3A_437 : vector<16xi1>
        %gt3A_439 = arith.cmpi sgt, %iota3A, %max3A_431 : vector<16xi32>
        %convert_element_type3A_440 = arith.extui %gt3A_439 : vector<16xi1> to vector<16xi32>
        %mul3A_441 = arith.muli %get3A_304, %convert_element_type3A_440 : vector<16xi32>
        %add3A_442 = arith.constant 1 : i32
        %add3A_443 = vector.broadcast %add3A_442 : i32 to vector<16xi32>
        %add3A_444 = arith.addi %iota3A, %add3A_443 : vector<16xi32>
        %and3A_445 = arith.constant 15 : i32
        %and3A_446 = vector.broadcast %and3A_445 : i32 to vector<16xi32>
        %and3A_447 = arith.andi %add3A_444, %and3A_446 : vector<16xi32>
        %broadcast_in_dim3A_448 = vector.shape_cast %and3A_447 : vector<16xi32> to vector<16x1xi32>
        %gather3A_449 = vector.shape_cast %broadcast_in_dim3A_448 : vector<16x1xi32> to vector<16xi32>
        %gather3A_450 = tpu.dynamic_gather %mul3A_441[%gather3A_449] in [0] : vector<16xi32>, vector<16xi32> -> vector<16xi32>
        %add3A_451 = arith.addi %mul3A_441, %gather3A_450 : vector<16xi32>
        %add3A_452 = arith.constant 2 : i32
        %add3A_453 = vector.broadcast %add3A_452 : i32 to vector<16xi32>
        %add3A_454 = arith.addi %iota3A, %add3A_453 : vector<16xi32>
        %and3A_455 = arith.constant 15 : i32
        %and3A_456 = vector.broadcast %and3A_455 : i32 to vector<16xi32>
        %and3A_457 = arith.andi %add3A_454, %and3A_456 : vector<16xi32>
        %broadcast_in_dim3A_458 = vector.shape_cast %and3A_457 : vector<16xi32> to vector<16x1xi32>
        %gather3A_459 = vector.shape_cast %broadcast_in_dim3A_458 : vector<16x1xi32> to vector<16xi32>
        %gather3A_460 = tpu.dynamic_gather %add3A_451[%gather3A_459] in [0] : vector<16xi32>, vector<16xi32> -> vector<16xi32>
        %add3A_461 = arith.addi %add3A_451, %gather3A_460 : vector<16xi32>
        %add3A_462 = arith.constant 4 : i32
        %add3A_463 = vector.broadcast %add3A_462 : i32 to vector<16xi32>
        %add3A_464 = arith.addi %iota3A, %add3A_463 : vector<16xi32>
        %and3A_465 = arith.constant 15 : i32
        %and3A_466 = vector.broadcast %and3A_465 : i32 to vector<16xi32>
        %and3A_467 = arith.andi %add3A_464, %and3A_466 : vector<16xi32>
        %broadcast_in_dim3A_468 = vector.shape_cast %and3A_467 : vector<16xi32> to vector<16x1xi32>
        %gather3A_469 = vector.shape_cast %broadcast_in_dim3A_468 : vector<16x1xi32> to vector<16xi32>
        %gather3A_470 = tpu.dynamic_gather %add3A_461[%gather3A_469] in [0] : vector<16xi32>, vector<16xi32> -> vector<16xi32>
        %add3A_471 = arith.addi %add3A_461, %gather3A_470 : vector<16xi32>
        %add3A_472 = arith.constant 8 : i32
        %add3A_473 = vector.broadcast %add3A_472 : i32 to vector<16xi32>
        %add3A_474 = arith.addi %iota3A, %add3A_473 : vector<16xi32>
        %and3A_475 = arith.constant 15 : i32
        %and3A_476 = vector.broadcast %and3A_475 : i32 to vector<16xi32>
        %and3A_477 = arith.andi %add3A_474, %and3A_476 : vector<16xi32>
        %broadcast_in_dim3A_478 = vector.shape_cast %and3A_477 : vector<16xi32> to vector<16x1xi32>
        %gather3A_479 = vector.shape_cast %broadcast_in_dim3A_478 : vector<16x1xi32> to vector<16xi32>
        %gather3A_480 = tpu.dynamic_gather %add3A_471[%gather3A_479] in [0] : vector<16xi32>, vector<16xi32> -> vector<16xi32>
        %add3A_481 = arith.addi %add3A_471, %gather3A_480 : vector<16xi32>
        %convert_element_type3A_482 = arith.sitofp %convert_element_type3A_440 : vector<16xi32> to vector<16xf32>
        %mul3A_483 = arith.mulf %get3A_308, %convert_element_type3A_482 : vector<16xf32>
        %add3A_484 = arith.constant 1 : i32
        %add3A_485 = vector.broadcast %add3A_484 : i32 to vector<16xi32>
        %add3A_486 = arith.addi %iota3A, %add3A_485 : vector<16xi32>
        %and3A_487 = arith.constant 15 : i32
        %and3A_488 = vector.broadcast %and3A_487 : i32 to vector<16xi32>
        %and3A_489 = arith.andi %add3A_486, %and3A_488 : vector<16xi32>
        %broadcast_in_dim3A_490 = vector.shape_cast %and3A_489 : vector<16xi32> to vector<16x1xi32>
        %gather3A_491 = vector.shape_cast %broadcast_in_dim3A_490 : vector<16x1xi32> to vector<16xi32>
        %gather3A_492 = tpu.dynamic_gather %mul3A_483[%gather3A_491] in [0] : vector<16xf32>, vector<16xi32> -> vector<16xf32>
        %add3A_493 = arith.addf %mul3A_483, %gather3A_492 : vector<16xf32>
        %add3A_494 = arith.constant 2 : i32
        %add3A_495 = vector.broadcast %add3A_494 : i32 to vector<16xi32>
        %add3A_496 = arith.addi %iota3A, %add3A_495 : vector<16xi32>
        %and3A_497 = arith.constant 15 : i32
        %and3A_498 = vector.broadcast %and3A_497 : i32 to vector<16xi32>
        %and3A_499 = arith.andi %add3A_496, %and3A_498 : vector<16xi32>
        %broadcast_in_dim3A_500 = vector.shape_cast %and3A_499 : vector<16xi32> to vector<16x1xi32>
        %gather3A_501 = vector.shape_cast %broadcast_in_dim3A_500 : vector<16x1xi32> to vector<16xi32>
        %gather3A_502 = tpu.dynamic_gather %add3A_493[%gather3A_501] in [0] : vector<16xf32>, vector<16xi32> -> vector<16xf32>
        %add3A_503 = arith.addf %add3A_493, %gather3A_502 : vector<16xf32>
        %add3A_504 = arith.constant 4 : i32
        %add3A_505 = vector.broadcast %add3A_504 : i32 to vector<16xi32>
        %add3A_506 = arith.addi %iota3A, %add3A_505 : vector<16xi32>
        %and3A_507 = arith.constant 15 : i32
        %and3A_508 = vector.broadcast %and3A_507 : i32 to vector<16xi32>
        %and3A_509 = arith.andi %add3A_506, %and3A_508 : vector<16xi32>
        %broadcast_in_dim3A_510 = vector.shape_cast %and3A_509 : vector<16xi32> to vector<16x1xi32>
        %gather3A_511 = vector.shape_cast %broadcast_in_dim3A_510 : vector<16x1xi32> to vector<16xi32>
        %gather3A_512 = tpu.dynamic_gather %add3A_503[%gather3A_511] in [0] : vector<16xf32>, vector<16xi32> -> vector<16xf32>
        %add3A_513 = arith.addf %add3A_503, %gather3A_512 : vector<16xf32>
        %add3A_514 = arith.constant 8 : i32
        %add3A_515 = vector.broadcast %add3A_514 : i32 to vector<16xi32>
        %add3A_516 = arith.addi %iota3A, %add3A_515 : vector<16xi32>
        %and3A_517 = arith.constant 15 : i32
        %and3A_518 = vector.broadcast %and3A_517 : i32 to vector<16xi32>
        %and3A_519 = arith.andi %add3A_516, %and3A_518 : vector<16xi32>
        %broadcast_in_dim3A_520 = vector.shape_cast %and3A_519 : vector<16xi32> to vector<16x1xi32>
        %gather3A_521 = vector.shape_cast %broadcast_in_dim3A_520 : vector<16x1xi32> to vector<16xi32>
        %gather3A_522 = tpu.dynamic_gather %add3A_513[%gather3A_521] in [0] : vector<16xf32>, vector<16xi32> -> vector<16xf32>
        %add3A_523 = arith.addf %add3A_513, %gather3A_522 : vector<16xf32>
        %add3A_524 = arith.constant 1 : i32
        %add3A_525 = vector.broadcast %add3A_524 : i32 to vector<16xi32>
        %add3A_526 = arith.addi %iota3A, %add3A_525 : vector<16xi32>
        %and3A_527 = arith.constant 15 : i32
        %and3A_528 = vector.broadcast %and3A_527 : i32 to vector<16xi32>
        %and3A_529 = arith.andi %add3A_526, %and3A_528 : vector<16xi32>
        %broadcast_in_dim3A_530 = vector.shape_cast %and3A_529 : vector<16xi32> to vector<16x1xi32>
        %gather3A_531 = vector.shape_cast %broadcast_in_dim3A_530 : vector<16x1xi32> to vector<16xi32>
        %gather3A_532 = tpu.dynamic_gather %get3A_304[%gather3A_531] in [0] : vector<16xi32>, vector<16xi32> -> vector<16xi32>
        %add3A_533 = arith.addi %get3A_304, %gather3A_532 : vector<16xi32>
        %add3A_534 = arith.constant 2 : i32
        %add3A_535 = vector.broadcast %add3A_534 : i32 to vector<16xi32>
        %add3A_536 = arith.addi %iota3A, %add3A_535 : vector<16xi32>
        %and3A_537 = arith.constant 15 : i32
        %and3A_538 = vector.broadcast %and3A_537 : i32 to vector<16xi32>
        %and3A_539 = arith.andi %add3A_536, %and3A_538 : vector<16xi32>
        %broadcast_in_dim3A_540 = vector.shape_cast %and3A_539 : vector<16xi32> to vector<16x1xi32>
        %gather3A_541 = vector.shape_cast %broadcast_in_dim3A_540 : vector<16x1xi32> to vector<16xi32>
        %gather3A_542 = tpu.dynamic_gather %add3A_533[%gather3A_541] in [0] : vector<16xi32>, vector<16xi32> -> vector<16xi32>
        %add3A_543 = arith.addi %add3A_533, %gather3A_542 : vector<16xi32>
        %add3A_544 = arith.constant 4 : i32
        %add3A_545 = vector.broadcast %add3A_544 : i32 to vector<16xi32>
        %add3A_546 = arith.addi %iota3A, %add3A_545 : vector<16xi32>
        %and3A_547 = arith.constant 15 : i32
        %and3A_548 = vector.broadcast %and3A_547 : i32 to vector<16xi32>
        %and3A_549 = arith.andi %add3A_546, %and3A_548 : vector<16xi32>
        %broadcast_in_dim3A_550 = vector.shape_cast %and3A_549 : vector<16xi32> to vector<16x1xi32>
        %gather3A_551 = vector.shape_cast %broadcast_in_dim3A_550 : vector<16x1xi32> to vector<16xi32>
        %gather3A_552 = tpu.dynamic_gather %add3A_543[%gather3A_551] in [0] : vector<16xi32>, vector<16xi32> -> vector<16xi32>
        %add3A_553 = arith.addi %add3A_543, %gather3A_552 : vector<16xi32>
        %add3A_554 = arith.constant 8 : i32
        %add3A_555 = vector.broadcast %add3A_554 : i32 to vector<16xi32>
        %add3A_556 = arith.addi %iota3A, %add3A_555 : vector<16xi32>
        %and3A_557 = arith.constant 15 : i32
        %and3A_558 = vector.broadcast %and3A_557 : i32 to vector<16xi32>
        %and3A_559 = arith.andi %add3A_556, %and3A_558 : vector<16xi32>
        %broadcast_in_dim3A_560 = vector.shape_cast %and3A_559 : vector<16xi32> to vector<16x1xi32>
        %gather3A_561 = vector.shape_cast %broadcast_in_dim3A_560 : vector<16x1xi32> to vector<16xi32>
        %gather3A_562 = tpu.dynamic_gather %add3A_553[%gather3A_561] in [0] : vector<16xi32>, vector<16xi32> -> vector<16xi32>
        %add3A_563 = arith.addi %add3A_553, %gather3A_562 : vector<16xi32>
        %add3A_564 = arith.constant 1 : i32
        %add3A_565 = vector.broadcast %add3A_564 : i32 to vector<16xi32>
        %add3A_566 = arith.addi %iota3A, %add3A_565 : vector<16xi32>
        %and3A_567 = arith.constant 15 : i32
        %and3A_568 = vector.broadcast %and3A_567 : i32 to vector<16xi32>
        %and3A_569 = arith.andi %add3A_566, %and3A_568 : vector<16xi32>
        %broadcast_in_dim3A_570 = vector.shape_cast %and3A_569 : vector<16xi32> to vector<16x1xi32>
        %gather3A_571 = vector.shape_cast %broadcast_in_dim3A_570 : vector<16x1xi32> to vector<16xi32>
        %gather3A_572 = tpu.dynamic_gather %get3A_308[%gather3A_571] in [0] : vector<16xf32>, vector<16xi32> -> vector<16xf32>
        %add3A_573 = arith.addf %get3A_308, %gather3A_572 : vector<16xf32>
        %add3A_574 = arith.constant 2 : i32
        %add3A_575 = vector.broadcast %add3A_574 : i32 to vector<16xi32>
        %add3A_576 = arith.addi %iota3A, %add3A_575 : vector<16xi32>
        %and3A_577 = arith.constant 15 : i32
        %and3A_578 = vector.broadcast %and3A_577 : i32 to vector<16xi32>
        %and3A_579 = arith.andi %add3A_576, %and3A_578 : vector<16xi32>
        %broadcast_in_dim3A_580 = vector.shape_cast %and3A_579 : vector<16xi32> to vector<16x1xi32>
        %gather3A_581 = vector.shape_cast %broadcast_in_dim3A_580 : vector<16x1xi32> to vector<16xi32>
        %gather3A_582 = tpu.dynamic_gather %add3A_573[%gather3A_581] in [0] : vector<16xf32>, vector<16xi32> -> vector<16xf32>
        %add3A_583 = arith.addf %add3A_573, %gather3A_582 : vector<16xf32>
        %add3A_584 = arith.constant 4 : i32
        %add3A_585 = vector.broadcast %add3A_584 : i32 to vector<16xi32>
        %add3A_586 = arith.addi %iota3A, %add3A_585 : vector<16xi32>
        %and3A_587 = arith.constant 15 : i32
        %and3A_588 = vector.broadcast %and3A_587 : i32 to vector<16xi32>
        %and3A_589 = arith.andi %add3A_586, %and3A_588 : vector<16xi32>
        %broadcast_in_dim3A_590 = vector.shape_cast %and3A_589 : vector<16xi32> to vector<16x1xi32>
        %gather3A_591 = vector.shape_cast %broadcast_in_dim3A_590 : vector<16x1xi32> to vector<16xi32>
        %gather3A_592 = tpu.dynamic_gather %add3A_583[%gather3A_591] in [0] : vector<16xf32>, vector<16xi32> -> vector<16xf32>
        %add3A_593 = arith.addf %add3A_583, %gather3A_592 : vector<16xf32>
        %add3A_594 = arith.constant 8 : i32
        %add3A_595 = vector.broadcast %add3A_594 : i32 to vector<16xi32>
        %add3A_596 = arith.addi %iota3A, %add3A_595 : vector<16xi32>
        %and3A_597 = arith.constant 15 : i32
        %and3A_598 = vector.broadcast %and3A_597 : i32 to vector<16xi32>
        %and3A_599 = arith.andi %add3A_596, %and3A_598 : vector<16xi32>
        %broadcast_in_dim3A_600 = vector.shape_cast %and3A_599 : vector<16xi32> to vector<16x1xi32>
        %gather3A_601 = vector.shape_cast %broadcast_in_dim3A_600 : vector<16x1xi32> to vector<16xi32>
        %gather3A_602 = tpu.dynamic_gather %add3A_593[%gather3A_601] in [0] : vector<16xf32>, vector<16xi32> -> vector<16xf32>
        %add3A_603 = arith.addf %add3A_593, %gather3A_602 : vector<16xf32>
        %add3A_604 = arith.addi %scan3A_297, %add3A_481 : vector<16xi32>
        %add3A_605 = arith.addi %scan3A_297, %add3A_563 : vector<16xi32>
        %select_n3A_606 = arith.select %lt3A_434, %add3A_605, %scan3A_297 : vector<16xi1>, vector<16xi32>
        %select_n3A_607 = arith.select %and3A_438, %add3A_604, %select_n3A_606 : vector<16xi1>, vector<16xi32>
        %add3A_608 = arith.addf %scan3A_298, %add3A_523 : vector<16xf32>
        %add3A_609 = arith.addf %scan3A_298, %add3A_603 : vector<16xf32>
        %select_n3A_610 = arith.select %lt3A_434, %add3A_609, %scan3A_298 : vector<16xi1>, vector<16xf32>
        %select_n3A_611 = arith.select %and3A_438, %add3A_608, %select_n3A_610 : vector<16xi1>, vector<16xf32>
        %mul3A_612 = arith.constant 16 : i32
        %mul3A_613 = arith.muli %sub3A_300, %mul3A_612 : i32
        %add3A_614 = vector.broadcast %mul3A_613 : i32 to vector<16xi32>
        %add3A_615 = arith.addi %add3A_614, %max3A_431 : vector<16xi32>
        %select_n3A_616 = arith.select %and3A_438, %add3A_615, %scan3A_296 : vector<16xi1>, vector<16xi32>
        scf.yield %select_n3A_616, %select_n3A_607, %select_n3A_611 : vector<16xi32>, vector<16xi32>, vector<16xf32>
      }
      %scan3A_156 = arith.constant 16 : i32
      %scan3A_157 = arith.constant 0 : i32
      %scan3A_158 = arith.constant 0 : i32
      %scan3A_159 = arith.constant 256 : i32
      %scan3A_160 = arith.addi %scan3A_158, %scan3A_159 : i32
      %scan3A_161 = arith.constant 1 : i32
      scf.for %scan3A_295 = %scan3A_158 to %scan3A_160 step %scan3A_161  : i32 {
        %mul3A_296 = arith.constant 16 : i32
        %mul3A_297 = arith.muli %scan3A_295, %mul3A_296 : i32
        %swap3A_298 = arith.index_cast %mul3A_297 : i32 to index
        %swap3A_299 = tpu.vector_load %arg6[%swap3A_298] {strides = array<i32>} : memref<4096xi32, #tpu.memory_space<vmem>>, vector<16xi32>,
        tpu.vector_store %arg6[%swap3A_298], %broadcast_in_dim3A_2 {strides = array<i32>} : memref<4096xi32, #tpu.memory_space<vmem>>, vector<16xi32>,
        %mul3A_300 = arith.constant 16 : i32
        %mul3A_301 = arith.muli %scan3A_295, %mul3A_300 : i32
        %swap3A_302 = arith.index_cast %mul3A_301 : i32 to index
        %swap3A_303 = tpu.vector_load %arg7[%swap3A_302] {strides = array<i32>} : memref<4096xf32, #tpu.memory_space<vmem>>, vector<16xf32>,
        tpu.vector_store %arg7[%swap3A_302], %broadcast_in_dim3A_4 {strides = array<i32>} : memref<4096xf32, #tpu.memory_space<vmem>>, vector<16xf32>,
      }
      %scan3A_162 = arith.constant 256 : i32
      %scan3A_163 = arith.constant 0 : i32
      %scan3A_164 = arith.constant 0 : i32
      %scan3A_165 = arith.constant 1024 : i32
      %scan3A_166 = arith.addi %scan3A_164, %scan3A_165 : i32
      %scan3A_167 = arith.constant 1 : i32
      scf.for %scan3A_295 = %scan3A_164 to %scan3A_166 step %scan3A_167  : i32 {
        %mul3A_296 = arith.constant 16 : i32
        %mul3A_297 = arith.muli %scan3A_295, %mul3A_296 : i32
        %get3A_298 = arith.index_cast %mul3A_297 : i32 to index
        %get3A_299 = tpu.vector_load %arg5[%get3A_298] {strides = array<i32>} : memref<16384xf32, #tpu.memory_space<vmem>>, vector<16xf32>,
        %bitcast_convert_type3A_300 = tpu.bitcast %get3A_299 : vector<16xf32> -> vector<16xi32>
        %ge3A = arith.constant 0.000000e+00 : f32
        %ge3A_301 = vector.broadcast %ge3A : f32 to vector<16xf32>
        %ge3A_302 = arith.cmpf oge, %get3A_299, %ge3A_301 : vector<16xf32>
        %shift_right_logical3A = arith.constant 23 : i32
        %shift_right_logical3A_303 = vector.broadcast %shift_right_logical3A : i32 to vector<16xi32>
        %shift_right_logical3A_304 = arith.shrui %bitcast_convert_type3A_300, %shift_right_logical3A_303 : vector<16xi32>
        %eq3A_305 = arith.cmpi eq, %shift_right_logical3A_304, %scan3A_155#0 : vector<16xi32>
        %and3A_306 = arith.andi %ge3A_302, %eq3A_305 : vector<16xi1>
        %shift_right_logical3A_307 = arith.constant 15 : i32
        %shift_right_logical3A_308 = vector.broadcast %shift_right_logical3A_307 : i32 to vector<16xi32>
        %shift_right_logical3A_309 = arith.shrui %bitcast_convert_type3A_300, %shift_right_logical3A_308 : vector<16xi32>
        %and3A_310 = arith.constant 255 : i32
        %and3A_311 = vector.broadcast %and3A_310 : i32 to vector<16xi32>
        %and3A_312 = arith.andi %shift_right_logical3A_309, %and3A_311 : vector<16xi32>
        %mul3A_313 = arith.constant 16 : i32
        %mul3A_314 = vector.broadcast %mul3A_313 : i32 to vector<16xi32>
        %mul3A_315 = arith.muli %and3A_312, %mul3A_314 : vector<16xi32>
        %add3A_316 = arith.addi %mul3A_315, %iota3A : vector<16xi32>
        tpu.vector_store_idx %arg6[%add3A_316], %add3A_35 masked %and3A_306 {add = true} : memref<4096xi32, #tpu.memory_space<vmem>>[vector<16xi32>], vector<16xi32>, vector<16xi1>
        tpu.vector_store_idx %arg7[%add3A_316], %get3A_299 masked %and3A_306 {add = true} : memref<4096xf32, #tpu.memory_space<vmem>>[vector<16xi32>], vector<16xf32>, vector<16xi1>
      }
      %scan3A_168 = arith.constant 1024 : i32
      %scan3A_169 = arith.constant 0 : i32
      %scan3A_170 = arith.constant 0 : i32
      %scan3A_171 = arith.constant 16 : i32
      %scan3A_172 = arith.addi %scan3A_170, %scan3A_171 : i32
      %scan3A_173 = arith.constant 1 : i32
      scf.for %scan3A_295 = %scan3A_170 to %scan3A_172 step %scan3A_173  : i32 {
        %mul3A_296 = arith.constant 16 : i32
        %mul3A_297 = arith.muli %scan3A_295, %mul3A_296 : i32
        %add3A_298 = vector.broadcast %mul3A_297 : i32 to vector<16xi32>
        %add3A_299 = arith.addi %add3A_298, %iota3A : vector<16xi32>
        %mul3A_300 = arith.constant 16 : i32
        %mul3A_301 = vector.broadcast %mul3A_300 : i32 to vector<16xi32>
        %mul3A_302 = arith.muli %add3A_299, %mul3A_301 : vector<16xi32>
        %add3A_303 = arith.constant 0 : i32
        %add3A_304 = vector.broadcast %add3A_303 : i32 to vector<16xi32>
        %add3A_305 = arith.addi %mul3A_302, %add3A_304 : vector<16xi32>
        %gather3A_306 = tpu.vector_load_idx %arg6[%add3A_305] : memref<4096xi32, #tpu.memory_space<vmem>>[vector<16xi32>], vector<16xi32>,
        %add3A_307 = arith.addi %broadcast_in_dim3A_2, %gather3A_306 : vector<16xi32>
        %gather3A_308 = tpu.vector_load_idx %arg7[%add3A_305] : memref<4096xf32, #tpu.memory_space<vmem>>[vector<16xi32>], vector<16xf32>,
        %add3A_309 = arith.addf %broadcast_in_dim3A_4, %gather3A_308 : vector<16xf32>
        %mul3A_310 = arith.constant 16 : i32
        %mul3A_311 = arith.muli %scan3A_295, %mul3A_310 : i32
        %add3A_312 = vector.broadcast %mul3A_311 : i32 to vector<16xi32>
        %add3A_313 = arith.addi %add3A_312, %iota3A : vector<16xi32>
        %mul3A_314 = arith.constant 16 : i32
        %mul3A_315 = vector.broadcast %mul3A_314 : i32 to vector<16xi32>
        %mul3A_316 = arith.muli %add3A_313, %mul3A_315 : vector<16xi32>
        %add3A_317 = arith.constant 1 : i32
        %add3A_318 = vector.broadcast %add3A_317 : i32 to vector<16xi32>
        %add3A_319 = arith.addi %mul3A_316, %add3A_318 : vector<16xi32>
        %gather3A_320 = tpu.vector_load_idx %arg6[%add3A_319] : memref<4096xi32, #tpu.memory_space<vmem>>[vector<16xi32>], vector<16xi32>,
        %add3A_321 = arith.addi %add3A_307, %gather3A_320 : vector<16xi32>
        %gather3A_322 = tpu.vector_load_idx %arg7[%add3A_319] : memref<4096xf32, #tpu.memory_space<vmem>>[vector<16xi32>], vector<16xf32>,
        %add3A_323 = arith.addf %add3A_309, %gather3A_322 : vector<16xf32>
        %mul3A_324 = arith.constant 16 : i32
        %mul3A_325 = arith.muli %scan3A_295, %mul3A_324 : i32
        %add3A_326 = vector.broadcast %mul3A_325 : i32 to vector<16xi32>
        %add3A_327 = arith.addi %add3A_326, %iota3A : vector<16xi32>
        %mul3A_328 = arith.constant 16 : i32
        %mul3A_329 = vector.broadcast %mul3A_328 : i32 to vector<16xi32>
        %mul3A_330 = arith.muli %add3A_327, %mul3A_329 : vector<16xi32>
        %add3A_331 = arith.constant 2 : i32
        %add3A_332 = vector.broadcast %add3A_331 : i32 to vector<16xi32>
        %add3A_333 = arith.addi %mul3A_330, %add3A_332 : vector<16xi32>
        %gather3A_334 = tpu.vector_load_idx %arg6[%add3A_333] : memref<4096xi32, #tpu.memory_space<vmem>>[vector<16xi32>], vector<16xi32>,
        %add3A_335 = arith.addi %add3A_321, %gather3A_334 : vector<16xi32>
        %gather3A_336 = tpu.vector_load_idx %arg7[%add3A_333] : memref<4096xf32, #tpu.memory_space<vmem>>[vector<16xi32>], vector<16xf32>,
        %add3A_337 = arith.addf %add3A_323, %gather3A_336 : vector<16xf32>
        %mul3A_338 = arith.constant 16 : i32
        %mul3A_339 = arith.muli %scan3A_295, %mul3A_338 : i32
        %add3A_340 = vector.broadcast %mul3A_339 : i32 to vector<16xi32>
        %add3A_341 = arith.addi %add3A_340, %iota3A : vector<16xi32>
        %mul3A_342 = arith.constant 16 : i32
        %mul3A_343 = vector.broadcast %mul3A_342 : i32 to vector<16xi32>
        %mul3A_344 = arith.muli %add3A_341, %mul3A_343 : vector<16xi32>
        %add3A_345 = arith.constant 3 : i32
        %add3A_346 = vector.broadcast %add3A_345 : i32 to vector<16xi32>
        %add3A_347 = arith.addi %mul3A_344, %add3A_346 : vector<16xi32>
        %gather3A_348 = tpu.vector_load_idx %arg6[%add3A_347] : memref<4096xi32, #tpu.memory_space<vmem>>[vector<16xi32>], vector<16xi32>,
        %add3A_349 = arith.addi %add3A_335, %gather3A_348 : vector<16xi32>
        %gather3A_350 = tpu.vector_load_idx %arg7[%add3A_347] : memref<4096xf32, #tpu.memory_space<vmem>>[vector<16xi32>], vector<16xf32>,
        %add3A_351 = arith.addf %add3A_337, %gather3A_350 : vector<16xf32>
        %mul3A_352 = arith.constant 16 : i32
        %mul3A_353 = arith.muli %scan3A_295, %mul3A_352 : i32
        %add3A_354 = vector.broadcast %mul3A_353 : i32 to vector<16xi32>
        %add3A_355 = arith.addi %add3A_354, %iota3A : vector<16xi32>
        %mul3A_356 = arith.constant 16 : i32
        %mul3A_357 = vector.broadcast %mul3A_356 : i32 to vector<16xi32>
        %mul3A_358 = arith.muli %add3A_355, %mul3A_357 : vector<16xi32>
        %add3A_359 = arith.constant 4 : i32
        %add3A_360 = vector.broadcast %add3A_359 : i32 to vector<16xi32>
        %add3A_361 = arith.addi %mul3A_358, %add3A_360 : vector<16xi32>
        %gather3A_362 = tpu.vector_load_idx %arg6[%add3A_361] : memref<4096xi32, #tpu.memory_space<vmem>>[vector<16xi32>], vector<16xi32>,
        %add3A_363 = arith.addi %add3A_349, %gather3A_362 : vector<16xi32>
        %gather3A_364 = tpu.vector_load_idx %arg7[%add3A_361] : memref<4096xf32, #tpu.memory_space<vmem>>[vector<16xi32>], vector<16xf32>,
        %add3A_365 = arith.addf %add3A_351, %gather3A_364 : vector<16xf32>
        %mul3A_366 = arith.constant 16 : i32
        %mul3A_367 = arith.muli %scan3A_295, %mul3A_366 : i32
        %add3A_368 = vector.broadcast %mul3A_367 : i32 to vector<16xi32>
        %add3A_369 = arith.addi %add3A_368, %iota3A : vector<16xi32>
        %mul3A_370 = arith.constant 16 : i32
        %mul3A_371 = vector.broadcast %mul3A_370 : i32 to vector<16xi32>
        %mul3A_372 = arith.muli %add3A_369, %mul3A_371 : vector<16xi32>
        %add3A_373 = arith.constant 5 : i32
        %add3A_374 = vector.broadcast %add3A_373 : i32 to vector<16xi32>
        %add3A_375 = arith.addi %mul3A_372, %add3A_374 : vector<16xi32>
        %gather3A_376 = tpu.vector_load_idx %arg6[%add3A_375] : memref<4096xi32, #tpu.memory_space<vmem>>[vector<16xi32>], vector<16xi32>,
        %add3A_377 = arith.addi %add3A_363, %gather3A_376 : vector<16xi32>
        %gather3A_378 = tpu.vector_load_idx %arg7[%add3A_375] : memref<4096xf32, #tpu.memory_space<vmem>>[vector<16xi32>], vector<16xf32>,
        %add3A_379 = arith.addf %add3A_365, %gather3A_378 : vector<16xf32>
        %mul3A_380 = arith.constant 16 : i32
        %mul3A_381 = arith.muli %scan3A_295, %mul3A_380 : i32
        %add3A_382 = vector.broadcast %mul3A_381 : i32 to vector<16xi32>
        %add3A_383 = arith.addi %add3A_382, %iota3A : vector<16xi32>
        %mul3A_384 = arith.constant 16 : i32
        %mul3A_385 = vector.broadcast %mul3A_384 : i32 to vector<16xi32>
        %mul3A_386 = arith.muli %add3A_383, %mul3A_385 : vector<16xi32>
        %add3A_387 = arith.constant 6 : i32
        %add3A_388 = vector.broadcast %add3A_387 : i32 to vector<16xi32>
        %add3A_389 = arith.addi %mul3A_386, %add3A_388 : vector<16xi32>
        %gather3A_390 = tpu.vector_load_idx %arg6[%add3A_389] : memref<4096xi32, #tpu.memory_space<vmem>>[vector<16xi32>], vector<16xi32>,
        %add3A_391 = arith.addi %add3A_377, %gather3A_390 : vector<16xi32>
        %gather3A_392 = tpu.vector_load_idx %arg7[%add3A_389] : memref<4096xf32, #tpu.memory_space<vmem>>[vector<16xi32>], vector<16xf32>,
        %add3A_393 = arith.addf %add3A_379, %gather3A_392 : vector<16xf32>
        %mul3A_394 = arith.constant 16 : i32
        %mul3A_395 = arith.muli %scan3A_295, %mul3A_394 : i32
        %add3A_396 = vector.broadcast %mul3A_395 : i32 to vector<16xi32>
        %add3A_397 = arith.addi %add3A_396, %iota3A : vector<16xi32>
        %mul3A_398 = arith.constant 16 : i32
        %mul3A_399 = vector.broadcast %mul3A_398 : i32 to vector<16xi32>
        %mul3A_400 = arith.muli %add3A_397, %mul3A_399 : vector<16xi32>
        %add3A_401 = arith.constant 7 : i32
        %add3A_402 = vector.broadcast %add3A_401 : i32 to vector<16xi32>
        %add3A_403 = arith.addi %mul3A_400, %add3A_402 : vector<16xi32>
        %gather3A_404 = tpu.vector_load_idx %arg6[%add3A_403] : memref<4096xi32, #tpu.memory_space<vmem>>[vector<16xi32>], vector<16xi32>,
        %add3A_405 = arith.addi %add3A_391, %gather3A_404 : vector<16xi32>
        %gather3A_406 = tpu.vector_load_idx %arg7[%add3A_403] : memref<4096xf32, #tpu.memory_space<vmem>>[vector<16xi32>], vector<16xf32>,
        %add3A_407 = arith.addf %add3A_393, %gather3A_406 : vector<16xf32>
        %mul3A_408 = arith.constant 16 : i32
        %mul3A_409 = arith.muli %scan3A_295, %mul3A_408 : i32
        %add3A_410 = vector.broadcast %mul3A_409 : i32 to vector<16xi32>
        %add3A_411 = arith.addi %add3A_410, %iota3A : vector<16xi32>
        %mul3A_412 = arith.constant 16 : i32
        %mul3A_413 = vector.broadcast %mul3A_412 : i32 to vector<16xi32>
        %mul3A_414 = arith.muli %add3A_411, %mul3A_413 : vector<16xi32>
        %add3A_415 = arith.constant 8 : i32
        %add3A_416 = vector.broadcast %add3A_415 : i32 to vector<16xi32>
        %add3A_417 = arith.addi %mul3A_414, %add3A_416 : vector<16xi32>
        %gather3A_418 = tpu.vector_load_idx %arg6[%add3A_417] : memref<4096xi32, #tpu.memory_space<vmem>>[vector<16xi32>], vector<16xi32>,
        %add3A_419 = arith.addi %add3A_405, %gather3A_418 : vector<16xi32>
        %gather3A_420 = tpu.vector_load_idx %arg7[%add3A_417] : memref<4096xf32, #tpu.memory_space<vmem>>[vector<16xi32>], vector<16xf32>,
        %add3A_421 = arith.addf %add3A_407, %gather3A_420 : vector<16xf32>
        %mul3A_422 = arith.constant 16 : i32
        %mul3A_423 = arith.muli %scan3A_295, %mul3A_422 : i32
        %add3A_424 = vector.broadcast %mul3A_423 : i32 to vector<16xi32>
        %add3A_425 = arith.addi %add3A_424, %iota3A : vector<16xi32>
        %mul3A_426 = arith.constant 16 : i32
        %mul3A_427 = vector.broadcast %mul3A_426 : i32 to vector<16xi32>
        %mul3A_428 = arith.muli %add3A_425, %mul3A_427 : vector<16xi32>
        %add3A_429 = arith.constant 9 : i32
        %add3A_430 = vector.broadcast %add3A_429 : i32 to vector<16xi32>
        %add3A_431 = arith.addi %mul3A_428, %add3A_430 : vector<16xi32>
        %gather3A_432 = tpu.vector_load_idx %arg6[%add3A_431] : memref<4096xi32, #tpu.memory_space<vmem>>[vector<16xi32>], vector<16xi32>,
        %add3A_433 = arith.addi %add3A_419, %gather3A_432 : vector<16xi32>
        %gather3A_434 = tpu.vector_load_idx %arg7[%add3A_431] : memref<4096xf32, #tpu.memory_space<vmem>>[vector<16xi32>], vector<16xf32>,
        %add3A_435 = arith.addf %add3A_421, %gather3A_434 : vector<16xf32>
        %mul3A_436 = arith.constant 16 : i32
        %mul3A_437 = arith.muli %scan3A_295, %mul3A_436 : i32
        %add3A_438 = vector.broadcast %mul3A_437 : i32 to vector<16xi32>
        %add3A_439 = arith.addi %add3A_438, %iota3A : vector<16xi32>
        %mul3A_440 = arith.constant 16 : i32
        %mul3A_441 = vector.broadcast %mul3A_440 : i32 to vector<16xi32>
        %mul3A_442 = arith.muli %add3A_439, %mul3A_441 : vector<16xi32>
        %add3A_443 = arith.constant 10 : i32
        %add3A_444 = vector.broadcast %add3A_443 : i32 to vector<16xi32>
        %add3A_445 = arith.addi %mul3A_442, %add3A_444 : vector<16xi32>
        %gather3A_446 = tpu.vector_load_idx %arg6[%add3A_445] : memref<4096xi32, #tpu.memory_space<vmem>>[vector<16xi32>], vector<16xi32>,
        %add3A_447 = arith.addi %add3A_433, %gather3A_446 : vector<16xi32>
        %gather3A_448 = tpu.vector_load_idx %arg7[%add3A_445] : memref<4096xf32, #tpu.memory_space<vmem>>[vector<16xi32>], vector<16xf32>,
        %add3A_449 = arith.addf %add3A_435, %gather3A_448 : vector<16xf32>
        %mul3A_450 = arith.constant 16 : i32
        %mul3A_451 = arith.muli %scan3A_295, %mul3A_450 : i32
        %add3A_452 = vector.broadcast %mul3A_451 : i32 to vector<16xi32>
        %add3A_453 = arith.addi %add3A_452, %iota3A : vector<16xi32>
        %mul3A_454 = arith.constant 16 : i32
        %mul3A_455 = vector.broadcast %mul3A_454 : i32 to vector<16xi32>
        %mul3A_456 = arith.muli %add3A_453, %mul3A_455 : vector<16xi32>
        %add3A_457 = arith.constant 11 : i32
        %add3A_458 = vector.broadcast %add3A_457 : i32 to vector<16xi32>
        %add3A_459 = arith.addi %mul3A_456, %add3A_458 : vector<16xi32>
        %gather3A_460 = tpu.vector_load_idx %arg6[%add3A_459] : memref<4096xi32, #tpu.memory_space<vmem>>[vector<16xi32>], vector<16xi32>,
        %add3A_461 = arith.addi %add3A_447, %gather3A_460 : vector<16xi32>
        %gather3A_462 = tpu.vector_load_idx %arg7[%add3A_459] : memref<4096xf32, #tpu.memory_space<vmem>>[vector<16xi32>], vector<16xf32>,
        %add3A_463 = arith.addf %add3A_449, %gather3A_462 : vector<16xf32>
        %mul3A_464 = arith.constant 16 : i32
        %mul3A_465 = arith.muli %scan3A_295, %mul3A_464 : i32
        %add3A_466 = vector.broadcast %mul3A_465 : i32 to vector<16xi32>
        %add3A_467 = arith.addi %add3A_466, %iota3A : vector<16xi32>
        %mul3A_468 = arith.constant 16 : i32
        %mul3A_469 = vector.broadcast %mul3A_468 : i32 to vector<16xi32>
        %mul3A_470 = arith.muli %add3A_467, %mul3A_469 : vector<16xi32>
        %add3A_471 = arith.constant 12 : i32
        %add3A_472 = vector.broadcast %add3A_471 : i32 to vector<16xi32>
        %add3A_473 = arith.addi %mul3A_470, %add3A_472 : vector<16xi32>
        %gather3A_474 = tpu.vector_load_idx %arg6[%add3A_473] : memref<4096xi32, #tpu.memory_space<vmem>>[vector<16xi32>], vector<16xi32>,
        %add3A_475 = arith.addi %add3A_461, %gather3A_474 : vector<16xi32>
        %gather3A_476 = tpu.vector_load_idx %arg7[%add3A_473] : memref<4096xf32, #tpu.memory_space<vmem>>[vector<16xi32>], vector<16xf32>,
        %add3A_477 = arith.addf %add3A_463, %gather3A_476 : vector<16xf32>
        %mul3A_478 = arith.constant 16 : i32
        %mul3A_479 = arith.muli %scan3A_295, %mul3A_478 : i32
        %add3A_480 = vector.broadcast %mul3A_479 : i32 to vector<16xi32>
        %add3A_481 = arith.addi %add3A_480, %iota3A : vector<16xi32>
        %mul3A_482 = arith.constant 16 : i32
        %mul3A_483 = vector.broadcast %mul3A_482 : i32 to vector<16xi32>
        %mul3A_484 = arith.muli %add3A_481, %mul3A_483 : vector<16xi32>
        %add3A_485 = arith.constant 13 : i32
        %add3A_486 = vector.broadcast %add3A_485 : i32 to vector<16xi32>
        %add3A_487 = arith.addi %mul3A_484, %add3A_486 : vector<16xi32>
        %gather3A_488 = tpu.vector_load_idx %arg6[%add3A_487] : memref<4096xi32, #tpu.memory_space<vmem>>[vector<16xi32>], vector<16xi32>,
        %add3A_489 = arith.addi %add3A_475, %gather3A_488 : vector<16xi32>
        %gather3A_490 = tpu.vector_load_idx %arg7[%add3A_487] : memref<4096xf32, #tpu.memory_space<vmem>>[vector<16xi32>], vector<16xf32>,
        %add3A_491 = arith.addf %add3A_477, %gather3A_490 : vector<16xf32>
        %mul3A_492 = arith.constant 16 : i32
        %mul3A_493 = arith.muli %scan3A_295, %mul3A_492 : i32
        %add3A_494 = vector.broadcast %mul3A_493 : i32 to vector<16xi32>
        %add3A_495 = arith.addi %add3A_494, %iota3A : vector<16xi32>
        %mul3A_496 = arith.constant 16 : i32
        %mul3A_497 = vector.broadcast %mul3A_496 : i32 to vector<16xi32>
        %mul3A_498 = arith.muli %add3A_495, %mul3A_497 : vector<16xi32>
        %add3A_499 = arith.constant 14 : i32
        %add3A_500 = vector.broadcast %add3A_499 : i32 to vector<16xi32>
        %add3A_501 = arith.addi %mul3A_498, %add3A_500 : vector<16xi32>
        %gather3A_502 = tpu.vector_load_idx %arg6[%add3A_501] : memref<4096xi32, #tpu.memory_space<vmem>>[vector<16xi32>], vector<16xi32>,
        %add3A_503 = arith.addi %add3A_489, %gather3A_502 : vector<16xi32>
        %gather3A_504 = tpu.vector_load_idx %arg7[%add3A_501] : memref<4096xf32, #tpu.memory_space<vmem>>[vector<16xi32>], vector<16xf32>,
        %add3A_505 = arith.addf %add3A_491, %gather3A_504 : vector<16xf32>
        %mul3A_506 = arith.constant 16 : i32
        %mul3A_507 = arith.muli %scan3A_295, %mul3A_506 : i32
        %add3A_508 = vector.broadcast %mul3A_507 : i32 to vector<16xi32>
        %add3A_509 = arith.addi %add3A_508, %iota3A : vector<16xi32>
        %mul3A_510 = arith.constant 16 : i32
        %mul3A_511 = vector.broadcast %mul3A_510 : i32 to vector<16xi32>
        %mul3A_512 = arith.muli %add3A_509, %mul3A_511 : vector<16xi32>
        %add3A_513 = arith.constant 15 : i32
        %add3A_514 = vector.broadcast %add3A_513 : i32 to vector<16xi32>
        %add3A_515 = arith.addi %mul3A_512, %add3A_514 : vector<16xi32>
        %gather3A_516 = tpu.vector_load_idx %arg6[%add3A_515] : memref<4096xi32, #tpu.memory_space<vmem>>[vector<16xi32>], vector<16xi32>,
        %add3A_517 = arith.addi %add3A_503, %gather3A_516 : vector<16xi32>
        %gather3A_518 = tpu.vector_load_idx %arg7[%add3A_515] : memref<4096xf32, #tpu.memory_space<vmem>>[vector<16xi32>], vector<16xf32>,
        %add3A_519 = arith.addf %add3A_505, %gather3A_518 : vector<16xf32>
        %mul3A_520 = arith.constant 16 : i32
        %mul3A_521 = arith.muli %scan3A_295, %mul3A_520 : i32
        %swap3A_522 = arith.index_cast %mul3A_521 : i32 to index
        %swap3A_523 = tpu.vector_load %arg8[%swap3A_522] {strides = array<i32>} : memref<256xi32, #tpu.memory_space<vmem>>, vector<16xi32>,
        tpu.vector_store %arg8[%swap3A_522], %add3A_517 {strides = array<i32>} : memref<256xi32, #tpu.memory_space<vmem>>, vector<16xi32>,
        %mul3A_524 = arith.constant 16 : i32
        %mul3A_525 = arith.muli %scan3A_295, %mul3A_524 : i32
        %swap3A_526 = arith.index_cast %mul3A_525 : i32 to index
        %swap3A_527 = tpu.vector_load %arg9[%swap3A_526] {strides = array<i32>} : memref<256xf32, #tpu.memory_space<vmem>>, vector<16xf32>,
        tpu.vector_store %arg9[%swap3A_526], %add3A_519 {strides = array<i32>} : memref<256xf32, #tpu.memory_space<vmem>>, vector<16xf32>,
      }
      %scan3A_174 = arith.constant 16 : i32
      %sub3A_175 = arith.constant 1 : i32
      %sub3A_176 = vector.broadcast %sub3A_175 : i32 to vector<16xi32>
      %sub3A_177 = arith.subi %broadcast_in_dim3A_2, %sub3A_176 : vector<16xi32>
      %scan3A_178 = arith.constant 0 : i32
      %scan3A_179 = arith.constant 16 : i32
      %scan3A_180 = arith.addi %scan3A_178, %scan3A_179 : i32
      %scan3A_181 = arith.constant 1 : i32
      %scan3A_182:3 = scf.for %scan3A_295 = %scan3A_178 to %scan3A_180 step %scan3A_181 iter_args(%scan3A_296 = %sub3A_177, %scan3A_297 = %scan3A_155#1, %scan3A_298 = %scan3A_155#2) -> (vector<16xi32>, vector<16xi32>, vector<16xf32>)  : i32 {
        %sub3A_299 = arith.constant 15 : i32
        %sub3A_300 = arith.subi %sub3A_299, %scan3A_295 : i32
        %mul3A_301 = arith.constant 16 : i32
        %mul3A_302 = arith.muli %sub3A_300, %mul3A_301 : i32
        %get3A_303 = arith.index_cast %mul3A_302 : i32 to index
        %get3A_304 = tpu.vector_load %arg8[%get3A_303] {strides = array<i32>} : memref<256xi32, #tpu.memory_space<vmem>>, vector<16xi32>,
        %mul3A_305 = arith.constant 16 : i32
        %mul3A_306 = arith.muli %sub3A_300, %mul3A_305 : i32
        %get3A_307 = arith.index_cast %mul3A_306 : i32 to index
        %get3A_308 = tpu.vector_load %arg9[%get3A_307] {strides = array<i32>} : memref<256xf32, #tpu.memory_space<vmem>>, vector<16xf32>,
        %add3A_309 = arith.constant 1 : i32
        %add3A_310 = vector.broadcast %add3A_309 : i32 to vector<16xi32>
        %add3A_311 = arith.addi %iota3A, %add3A_310 : vector<16xi32>
        %lt3A_312 = arith.constant 16 : i32
        %lt3A_313 = vector.broadcast %lt3A_312 : i32 to vector<16xi32>
        %lt3A_314 = arith.cmpi slt, %add3A_311, %lt3A_313 : vector<16xi32>
        %add3A_315 = arith.constant 1 : i32
        %add3A_316 = vector.broadcast %add3A_315 : i32 to vector<16xi32>
        %add3A_317 = arith.addi %iota3A, %add3A_316 : vector<16xi32>
        %and3A_318 = arith.constant 15 : i32
        %and3A_319 = vector.broadcast %and3A_318 : i32 to vector<16xi32>
        %and3A_320 = arith.andi %add3A_317, %and3A_319 : vector<16xi32>
        %broadcast_in_dim3A_321 = vector.shape_cast %and3A_320 : vector<16xi32> to vector<16x1xi32>
        %gather3A_322 = vector.shape_cast %broadcast_in_dim3A_321 : vector<16x1xi32> to vector<16xi32>
        %gather3A_323 = tpu.dynamic_gather %get3A_304[%gather3A_322] in [0] : vector<16xi32>, vector<16xi32> -> vector<16xi32>
        %jit3A_324 = arith.constant 0 : i32
        %broadcast_in_dim3A_325 = vector.broadcast %jit3A_324 : i32 to vector<16xi32>
        %select_n3A_326 = arith.select %lt3A_314, %gather3A_323, %broadcast_in_dim3A_325 : vector<16xi1>, vector<16xi32>
        %add3A_327 = arith.addi %get3A_304, %select_n3A_326 : vector<16xi32>
        %add3A_328 = arith.constant 2 : i32
        %add3A_329 = vector.broadcast %add3A_328 : i32 to vector<16xi32>
        %add3A_330 = arith.addi %iota3A, %add3A_329 : vector<16xi32>
        %lt3A_331 = arith.constant 16 : i32
        %lt3A_332 = vector.broadcast %lt3A_331 : i32 to vector<16xi32>
        %lt3A_333 = arith.cmpi slt, %add3A_330, %lt3A_332 : vector<16xi32>
        %add3A_334 = arith.constant 2 : i32
        %add3A_335 = vector.broadcast %add3A_334 : i32 to vector<16xi32>
        %add3A_336 = arith.addi %iota3A, %add3A_335 : vector<16xi32>
        %and3A_337 = arith.constant 15 : i32
        %and3A_338 = vector.broadcast %and3A_337 : i32 to vector<16xi32>
        %and3A_339 = arith.andi %add3A_336, %and3A_338 : vector<16xi32>
        %broadcast_in_dim3A_340 = vector.shape_cast %and3A_339 : vector<16xi32> to vector<16x1xi32>
        %gather3A_341 = vector.shape_cast %broadcast_in_dim3A_340 : vector<16x1xi32> to vector<16xi32>
        %gather3A_342 = tpu.dynamic_gather %add3A_327[%gather3A_341] in [0] : vector<16xi32>, vector<16xi32> -> vector<16xi32>
        %jit3A_343 = arith.constant 0 : i32
        %broadcast_in_dim3A_344 = vector.broadcast %jit3A_343 : i32 to vector<16xi32>
        %select_n3A_345 = arith.select %lt3A_333, %gather3A_342, %broadcast_in_dim3A_344 : vector<16xi1>, vector<16xi32>
        %add3A_346 = arith.addi %add3A_327, %select_n3A_345 : vector<16xi32>
        %add3A_347 = arith.constant 4 : i32
        %add3A_348 = vector.broadcast %add3A_347 : i32 to vector<16xi32>
        %add3A_349 = arith.addi %iota3A, %add3A_348 : vector<16xi32>
        %lt3A_350 = arith.constant 16 : i32
        %lt3A_351 = vector.broadcast %lt3A_350 : i32 to vector<16xi32>
        %lt3A_352 = arith.cmpi slt, %add3A_349, %lt3A_351 : vector<16xi32>
        %add3A_353 = arith.constant 4 : i32
        %add3A_354 = vector.broadcast %add3A_353 : i32 to vector<16xi32>
        %add3A_355 = arith.addi %iota3A, %add3A_354 : vector<16xi32>
        %and3A_356 = arith.constant 15 : i32
        %and3A_357 = vector.broadcast %and3A_356 : i32 to vector<16xi32>
        %and3A_358 = arith.andi %add3A_355, %and3A_357 : vector<16xi32>
        %broadcast_in_dim3A_359 = vector.shape_cast %and3A_358 : vector<16xi32> to vector<16x1xi32>
        %gather3A_360 = vector.shape_cast %broadcast_in_dim3A_359 : vector<16x1xi32> to vector<16xi32>
        %gather3A_361 = tpu.dynamic_gather %add3A_346[%gather3A_360] in [0] : vector<16xi32>, vector<16xi32> -> vector<16xi32>
        %jit3A_362 = arith.constant 0 : i32
        %broadcast_in_dim3A_363 = vector.broadcast %jit3A_362 : i32 to vector<16xi32>
        %select_n3A_364 = arith.select %lt3A_352, %gather3A_361, %broadcast_in_dim3A_363 : vector<16xi1>, vector<16xi32>
        %add3A_365 = arith.addi %add3A_346, %select_n3A_364 : vector<16xi32>
        %add3A_366 = arith.constant 8 : i32
        %add3A_367 = vector.broadcast %add3A_366 : i32 to vector<16xi32>
        %add3A_368 = arith.addi %iota3A, %add3A_367 : vector<16xi32>
        %lt3A_369 = arith.constant 16 : i32
        %lt3A_370 = vector.broadcast %lt3A_369 : i32 to vector<16xi32>
        %lt3A_371 = arith.cmpi slt, %add3A_368, %lt3A_370 : vector<16xi32>
        %add3A_372 = arith.constant 8 : i32
        %add3A_373 = vector.broadcast %add3A_372 : i32 to vector<16xi32>
        %add3A_374 = arith.addi %iota3A, %add3A_373 : vector<16xi32>
        %and3A_375 = arith.constant 15 : i32
        %and3A_376 = vector.broadcast %and3A_375 : i32 to vector<16xi32>
        %and3A_377 = arith.andi %add3A_374, %and3A_376 : vector<16xi32>
        %broadcast_in_dim3A_378 = vector.shape_cast %and3A_377 : vector<16xi32> to vector<16x1xi32>
        %gather3A_379 = vector.shape_cast %broadcast_in_dim3A_378 : vector<16x1xi32> to vector<16xi32>
        %gather3A_380 = tpu.dynamic_gather %add3A_365[%gather3A_379] in [0] : vector<16xi32>, vector<16xi32> -> vector<16xi32>
        %jit3A_381 = arith.constant 0 : i32
        %broadcast_in_dim3A_382 = vector.broadcast %jit3A_381 : i32 to vector<16xi32>
        %select_n3A_383 = arith.select %lt3A_371, %gather3A_380, %broadcast_in_dim3A_382 : vector<16xi1>, vector<16xi32>
        %add3A_384 = arith.addi %add3A_365, %select_n3A_383 : vector<16xi32>
        %add3A_385 = arith.addi %scan3A_297, %add3A_384 : vector<16xi32>
        %ge3A = arith.cmpi sge, %add3A_385, %select_n3A : vector<16xi32>
        %convert_element_type3A_386 = arith.extui %ge3A : vector<16xi1> to vector<16xi32>
        %mul3A_387 = arith.muli %iota3A, %convert_element_type3A_386 : vector<16xi32>
        %sub3A_388 = arith.constant 1 : i32
        %sub3A_389 = vector.broadcast %sub3A_388 : i32 to vector<16xi32>
        %sub3A_390 = arith.subi %convert_element_type3A_386, %sub3A_389 : vector<16xi32>
        %add3A_391 = arith.addi %mul3A_387, %sub3A_390 : vector<16xi32>
        %add3A_392 = arith.constant 1 : i32
        %add3A_393 = vector.broadcast %add3A_392 : i32 to vector<16xi32>
        %add3A_394 = arith.addi %iota3A, %add3A_393 : vector<16xi32>
        %and3A_395 = arith.constant 15 : i32
        %and3A_396 = vector.broadcast %and3A_395 : i32 to vector<16xi32>
        %and3A_397 = arith.andi %add3A_394, %and3A_396 : vector<16xi32>
        %broadcast_in_dim3A_398 = vector.shape_cast %and3A_397 : vector<16xi32> to vector<16x1xi32>
        %gather3A_399 = vector.shape_cast %broadcast_in_dim3A_398 : vector<16x1xi32> to vector<16xi32>
        %gather3A_400 = tpu.dynamic_gather %add3A_391[%gather3A_399] in [0] : vector<16xi32>, vector<16xi32> -> vector<16xi32>
        %max3A_401 = arith.maxsi %add3A_391, %gather3A_400 : vector<16xi32>
        %add3A_402 = arith.constant 2 : i32
        %add3A_403 = vector.broadcast %add3A_402 : i32 to vector<16xi32>
        %add3A_404 = arith.addi %iota3A, %add3A_403 : vector<16xi32>
        %and3A_405 = arith.constant 15 : i32
        %and3A_406 = vector.broadcast %and3A_405 : i32 to vector<16xi32>
        %and3A_407 = arith.andi %add3A_404, %and3A_406 : vector<16xi32>
        %broadcast_in_dim3A_408 = vector.shape_cast %and3A_407 : vector<16xi32> to vector<16x1xi32>
        %gather3A_409 = vector.shape_cast %broadcast_in_dim3A_408 : vector<16x1xi32> to vector<16xi32>
        %gather3A_410 = tpu.dynamic_gather %max3A_401[%gather3A_409] in [0] : vector<16xi32>, vector<16xi32> -> vector<16xi32>
        %max3A_411 = arith.maxsi %max3A_401, %gather3A_410 : vector<16xi32>
        %add3A_412 = arith.constant 4 : i32
        %add3A_413 = vector.broadcast %add3A_412 : i32 to vector<16xi32>
        %add3A_414 = arith.addi %iota3A, %add3A_413 : vector<16xi32>
        %and3A_415 = arith.constant 15 : i32
        %and3A_416 = vector.broadcast %and3A_415 : i32 to vector<16xi32>
        %and3A_417 = arith.andi %add3A_414, %and3A_416 : vector<16xi32>
        %broadcast_in_dim3A_418 = vector.shape_cast %and3A_417 : vector<16xi32> to vector<16x1xi32>
        %gather3A_419 = vector.shape_cast %broadcast_in_dim3A_418 : vector<16x1xi32> to vector<16xi32>
        %gather3A_420 = tpu.dynamic_gather %max3A_411[%gather3A_419] in [0] : vector<16xi32>, vector<16xi32> -> vector<16xi32>
        %max3A_421 = arith.maxsi %max3A_411, %gather3A_420 : vector<16xi32>
        %add3A_422 = arith.constant 8 : i32
        %add3A_423 = vector.broadcast %add3A_422 : i32 to vector<16xi32>
        %add3A_424 = arith.addi %iota3A, %add3A_423 : vector<16xi32>
        %and3A_425 = arith.constant 15 : i32
        %and3A_426 = vector.broadcast %and3A_425 : i32 to vector<16xi32>
        %and3A_427 = arith.andi %add3A_424, %and3A_426 : vector<16xi32>
        %broadcast_in_dim3A_428 = vector.shape_cast %and3A_427 : vector<16xi32> to vector<16x1xi32>
        %gather3A_429 = vector.shape_cast %broadcast_in_dim3A_428 : vector<16x1xi32> to vector<16xi32>
        %gather3A_430 = tpu.dynamic_gather %max3A_421[%gather3A_429] in [0] : vector<16xi32>, vector<16xi32> -> vector<16xi32>
        %max3A_431 = arith.maxsi %max3A_421, %gather3A_430 : vector<16xi32>
        %lt3A_432 = arith.constant 0 : i32
        %lt3A_433 = vector.broadcast %lt3A_432 : i32 to vector<16xi32>
        %lt3A_434 = arith.cmpi slt, %scan3A_296, %lt3A_433 : vector<16xi32>
        %ge3A_435 = arith.constant 0 : i32
        %ge3A_436 = vector.broadcast %ge3A_435 : i32 to vector<16xi32>
        %ge3A_437 = arith.cmpi sge, %max3A_431, %ge3A_436 : vector<16xi32>
        %and3A_438 = arith.andi %lt3A_434, %ge3A_437 : vector<16xi1>
        %gt3A_439 = arith.cmpi sgt, %iota3A, %max3A_431 : vector<16xi32>
        %convert_element_type3A_440 = arith.extui %gt3A_439 : vector<16xi1> to vector<16xi32>
        %mul3A_441 = arith.muli %get3A_304, %convert_element_type3A_440 : vector<16xi32>
        %add3A_442 = arith.constant 1 : i32
        %add3A_443 = vector.broadcast %add3A_442 : i32 to vector<16xi32>
        %add3A_444 = arith.addi %iota3A, %add3A_443 : vector<16xi32>
        %and3A_445 = arith.constant 15 : i32
        %and3A_446 = vector.broadcast %and3A_445 : i32 to vector<16xi32>
        %and3A_447 = arith.andi %add3A_444, %and3A_446 : vector<16xi32>
        %broadcast_in_dim3A_448 = vector.shape_cast %and3A_447 : vector<16xi32> to vector<16x1xi32>
        %gather3A_449 = vector.shape_cast %broadcast_in_dim3A_448 : vector<16x1xi32> to vector<16xi32>
        %gather3A_450 = tpu.dynamic_gather %mul3A_441[%gather3A_449] in [0] : vector<16xi32>, vector<16xi32> -> vector<16xi32>
        %add3A_451 = arith.addi %mul3A_441, %gather3A_450 : vector<16xi32>
        %add3A_452 = arith.constant 2 : i32
        %add3A_453 = vector.broadcast %add3A_452 : i32 to vector<16xi32>
        %add3A_454 = arith.addi %iota3A, %add3A_453 : vector<16xi32>
        %and3A_455 = arith.constant 15 : i32
        %and3A_456 = vector.broadcast %and3A_455 : i32 to vector<16xi32>
        %and3A_457 = arith.andi %add3A_454, %and3A_456 : vector<16xi32>
        %broadcast_in_dim3A_458 = vector.shape_cast %and3A_457 : vector<16xi32> to vector<16x1xi32>
        %gather3A_459 = vector.shape_cast %broadcast_in_dim3A_458 : vector<16x1xi32> to vector<16xi32>
        %gather3A_460 = tpu.dynamic_gather %add3A_451[%gather3A_459] in [0] : vector<16xi32>, vector<16xi32> -> vector<16xi32>
        %add3A_461 = arith.addi %add3A_451, %gather3A_460 : vector<16xi32>
        %add3A_462 = arith.constant 4 : i32
        %add3A_463 = vector.broadcast %add3A_462 : i32 to vector<16xi32>
        %add3A_464 = arith.addi %iota3A, %add3A_463 : vector<16xi32>
        %and3A_465 = arith.constant 15 : i32
        %and3A_466 = vector.broadcast %and3A_465 : i32 to vector<16xi32>
        %and3A_467 = arith.andi %add3A_464, %and3A_466 : vector<16xi32>
        %broadcast_in_dim3A_468 = vector.shape_cast %and3A_467 : vector<16xi32> to vector<16x1xi32>
        %gather3A_469 = vector.shape_cast %broadcast_in_dim3A_468 : vector<16x1xi32> to vector<16xi32>
        %gather3A_470 = tpu.dynamic_gather %add3A_461[%gather3A_469] in [0] : vector<16xi32>, vector<16xi32> -> vector<16xi32>
        %add3A_471 = arith.addi %add3A_461, %gather3A_470 : vector<16xi32>
        %add3A_472 = arith.constant 8 : i32
        %add3A_473 = vector.broadcast %add3A_472 : i32 to vector<16xi32>
        %add3A_474 = arith.addi %iota3A, %add3A_473 : vector<16xi32>
        %and3A_475 = arith.constant 15 : i32
        %and3A_476 = vector.broadcast %and3A_475 : i32 to vector<16xi32>
        %and3A_477 = arith.andi %add3A_474, %and3A_476 : vector<16xi32>
        %broadcast_in_dim3A_478 = vector.shape_cast %and3A_477 : vector<16xi32> to vector<16x1xi32>
        %gather3A_479 = vector.shape_cast %broadcast_in_dim3A_478 : vector<16x1xi32> to vector<16xi32>
        %gather3A_480 = tpu.dynamic_gather %add3A_471[%gather3A_479] in [0] : vector<16xi32>, vector<16xi32> -> vector<16xi32>
        %add3A_481 = arith.addi %add3A_471, %gather3A_480 : vector<16xi32>
        %convert_element_type3A_482 = arith.sitofp %convert_element_type3A_440 : vector<16xi32> to vector<16xf32>
        %mul3A_483 = arith.mulf %get3A_308, %convert_element_type3A_482 : vector<16xf32>
        %add3A_484 = arith.constant 1 : i32
        %add3A_485 = vector.broadcast %add3A_484 : i32 to vector<16xi32>
        %add3A_486 = arith.addi %iota3A, %add3A_485 : vector<16xi32>
        %and3A_487 = arith.constant 15 : i32
        %and3A_488 = vector.broadcast %and3A_487 : i32 to vector<16xi32>
        %and3A_489 = arith.andi %add3A_486, %and3A_488 : vector<16xi32>
        %broadcast_in_dim3A_490 = vector.shape_cast %and3A_489 : vector<16xi32> to vector<16x1xi32>
        %gather3A_491 = vector.shape_cast %broadcast_in_dim3A_490 : vector<16x1xi32> to vector<16xi32>
        %gather3A_492 = tpu.dynamic_gather %mul3A_483[%gather3A_491] in [0] : vector<16xf32>, vector<16xi32> -> vector<16xf32>
        %add3A_493 = arith.addf %mul3A_483, %gather3A_492 : vector<16xf32>
        %add3A_494 = arith.constant 2 : i32
        %add3A_495 = vector.broadcast %add3A_494 : i32 to vector<16xi32>
        %add3A_496 = arith.addi %iota3A, %add3A_495 : vector<16xi32>
        %and3A_497 = arith.constant 15 : i32
        %and3A_498 = vector.broadcast %and3A_497 : i32 to vector<16xi32>
        %and3A_499 = arith.andi %add3A_496, %and3A_498 : vector<16xi32>
        %broadcast_in_dim3A_500 = vector.shape_cast %and3A_499 : vector<16xi32> to vector<16x1xi32>
        %gather3A_501 = vector.shape_cast %broadcast_in_dim3A_500 : vector<16x1xi32> to vector<16xi32>
        %gather3A_502 = tpu.dynamic_gather %add3A_493[%gather3A_501] in [0] : vector<16xf32>, vector<16xi32> -> vector<16xf32>
        %add3A_503 = arith.addf %add3A_493, %gather3A_502 : vector<16xf32>
        %add3A_504 = arith.constant 4 : i32
        %add3A_505 = vector.broadcast %add3A_504 : i32 to vector<16xi32>
        %add3A_506 = arith.addi %iota3A, %add3A_505 : vector<16xi32>
        %and3A_507 = arith.constant 15 : i32
        %and3A_508 = vector.broadcast %and3A_507 : i32 to vector<16xi32>
        %and3A_509 = arith.andi %add3A_506, %and3A_508 : vector<16xi32>
        %broadcast_in_dim3A_510 = vector.shape_cast %and3A_509 : vector<16xi32> to vector<16x1xi32>
        %gather3A_511 = vector.shape_cast %broadcast_in_dim3A_510 : vector<16x1xi32> to vector<16xi32>
        %gather3A_512 = tpu.dynamic_gather %add3A_503[%gather3A_511] in [0] : vector<16xf32>, vector<16xi32> -> vector<16xf32>
        %add3A_513 = arith.addf %add3A_503, %gather3A_512 : vector<16xf32>
        %add3A_514 = arith.constant 8 : i32
        %add3A_515 = vector.broadcast %add3A_514 : i32 to vector<16xi32>
        %add3A_516 = arith.addi %iota3A, %add3A_515 : vector<16xi32>
        %and3A_517 = arith.constant 15 : i32
        %and3A_518 = vector.broadcast %and3A_517 : i32 to vector<16xi32>
        %and3A_519 = arith.andi %add3A_516, %and3A_518 : vector<16xi32>
        %broadcast_in_dim3A_520 = vector.shape_cast %and3A_519 : vector<16xi32> to vector<16x1xi32>
        %gather3A_521 = vector.shape_cast %broadcast_in_dim3A_520 : vector<16x1xi32> to vector<16xi32>
        %gather3A_522 = tpu.dynamic_gather %add3A_513[%gather3A_521] in [0] : vector<16xf32>, vector<16xi32> -> vector<16xf32>
        %add3A_523 = arith.addf %add3A_513, %gather3A_522 : vector<16xf32>
        %add3A_524 = arith.constant 1 : i32
        %add3A_525 = vector.broadcast %add3A_524 : i32 to vector<16xi32>
        %add3A_526 = arith.addi %iota3A, %add3A_525 : vector<16xi32>
        %and3A_527 = arith.constant 15 : i32
        %and3A_528 = vector.broadcast %and3A_527 : i32 to vector<16xi32>
        %and3A_529 = arith.andi %add3A_526, %and3A_528 : vector<16xi32>
        %broadcast_in_dim3A_530 = vector.shape_cast %and3A_529 : vector<16xi32> to vector<16x1xi32>
        %gather3A_531 = vector.shape_cast %broadcast_in_dim3A_530 : vector<16x1xi32> to vector<16xi32>
        %gather3A_532 = tpu.dynamic_gather %get3A_304[%gather3A_531] in [0] : vector<16xi32>, vector<16xi32> -> vector<16xi32>
        %add3A_533 = arith.addi %get3A_304, %gather3A_532 : vector<16xi32>
        %add3A_534 = arith.constant 2 : i32
        %add3A_535 = vector.broadcast %add3A_534 : i32 to vector<16xi32>
        %add3A_536 = arith.addi %iota3A, %add3A_535 : vector<16xi32>
        %and3A_537 = arith.constant 15 : i32
        %and3A_538 = vector.broadcast %and3A_537 : i32 to vector<16xi32>
        %and3A_539 = arith.andi %add3A_536, %and3A_538 : vector<16xi32>
        %broadcast_in_dim3A_540 = vector.shape_cast %and3A_539 : vector<16xi32> to vector<16x1xi32>
        %gather3A_541 = vector.shape_cast %broadcast_in_dim3A_540 : vector<16x1xi32> to vector<16xi32>
        %gather3A_542 = tpu.dynamic_gather %add3A_533[%gather3A_541] in [0] : vector<16xi32>, vector<16xi32> -> vector<16xi32>
        %add3A_543 = arith.addi %add3A_533, %gather3A_542 : vector<16xi32>
        %add3A_544 = arith.constant 4 : i32
        %add3A_545 = vector.broadcast %add3A_544 : i32 to vector<16xi32>
        %add3A_546 = arith.addi %iota3A, %add3A_545 : vector<16xi32>
        %and3A_547 = arith.constant 15 : i32
        %and3A_548 = vector.broadcast %and3A_547 : i32 to vector<16xi32>
        %and3A_549 = arith.andi %add3A_546, %and3A_548 : vector<16xi32>
        %broadcast_in_dim3A_550 = vector.shape_cast %and3A_549 : vector<16xi32> to vector<16x1xi32>
        %gather3A_551 = vector.shape_cast %broadcast_in_dim3A_550 : vector<16x1xi32> to vector<16xi32>
        %gather3A_552 = tpu.dynamic_gather %add3A_543[%gather3A_551] in [0] : vector<16xi32>, vector<16xi32> -> vector<16xi32>
        %add3A_553 = arith.addi %add3A_543, %gather3A_552 : vector<16xi32>
        %add3A_554 = arith.constant 8 : i32
        %add3A_555 = vector.broadcast %add3A_554 : i32 to vector<16xi32>
        %add3A_556 = arith.addi %iota3A, %add3A_555 : vector<16xi32>
        %and3A_557 = arith.constant 15 : i32
        %and3A_558 = vector.broadcast %and3A_557 : i32 to vector<16xi32>
        %and3A_559 = arith.andi %add3A_556, %and3A_558 : vector<16xi32>
        %broadcast_in_dim3A_560 = vector.shape_cast %and3A_559 : vector<16xi32> to vector<16x1xi32>
        %gather3A_561 = vector.shape_cast %broadcast_in_dim3A_560 : vector<16x1xi32> to vector<16xi32>
        %gather3A_562 = tpu.dynamic_gather %add3A_553[%gather3A_561] in [0] : vector<16xi32>, vector<16xi32> -> vector<16xi32>
        %add3A_563 = arith.addi %add3A_553, %gather3A_562 : vector<16xi32>
        %add3A_564 = arith.constant 1 : i32
        %add3A_565 = vector.broadcast %add3A_564 : i32 to vector<16xi32>
        %add3A_566 = arith.addi %iota3A, %add3A_565 : vector<16xi32>
        %and3A_567 = arith.constant 15 : i32
        %and3A_568 = vector.broadcast %and3A_567 : i32 to vector<16xi32>
        %and3A_569 = arith.andi %add3A_566, %and3A_568 : vector<16xi32>
        %broadcast_in_dim3A_570 = vector.shape_cast %and3A_569 : vector<16xi32> to vector<16x1xi32>
        %gather3A_571 = vector.shape_cast %broadcast_in_dim3A_570 : vector<16x1xi32> to vector<16xi32>
        %gather3A_572 = tpu.dynamic_gather %get3A_308[%gather3A_571] in [0] : vector<16xf32>, vector<16xi32> -> vector<16xf32>
        %add3A_573 = arith.addf %get3A_308, %gather3A_572 : vector<16xf32>
        %add3A_574 = arith.constant 2 : i32
        %add3A_575 = vector.broadcast %add3A_574 : i32 to vector<16xi32>
        %add3A_576 = arith.addi %iota3A, %add3A_575 : vector<16xi32>
        %and3A_577 = arith.constant 15 : i32
        %and3A_578 = vector.broadcast %and3A_577 : i32 to vector<16xi32>
        %and3A_579 = arith.andi %add3A_576, %and3A_578 : vector<16xi32>
        %broadcast_in_dim3A_580 = vector.shape_cast %and3A_579 : vector<16xi32> to vector<16x1xi32>
        %gather3A_581 = vector.shape_cast %broadcast_in_dim3A_580 : vector<16x1xi32> to vector<16xi32>
        %gather3A_582 = tpu.dynamic_gather %add3A_573[%gather3A_581] in [0] : vector<16xf32>, vector<16xi32> -> vector<16xf32>
        %add3A_583 = arith.addf %add3A_573, %gather3A_582 : vector<16xf32>
        %add3A_584 = arith.constant 4 : i32
        %add3A_585 = vector.broadcast %add3A_584 : i32 to vector<16xi32>
        %add3A_586 = arith.addi %iota3A, %add3A_585 : vector<16xi32>
        %and3A_587 = arith.constant 15 : i32
        %and3A_588 = vector.broadcast %and3A_587 : i32 to vector<16xi32>
        %and3A_589 = arith.andi %add3A_586, %and3A_588 : vector<16xi32>
        %broadcast_in_dim3A_590 = vector.shape_cast %and3A_589 : vector<16xi32> to vector<16x1xi32>
        %gather3A_591 = vector.shape_cast %broadcast_in_dim3A_590 : vector<16x1xi32> to vector<16xi32>
        %gather3A_592 = tpu.dynamic_gather %add3A_583[%gather3A_591] in [0] : vector<16xf32>, vector<16xi32> -> vector<16xf32>
        %add3A_593 = arith.addf %add3A_583, %gather3A_592 : vector<16xf32>
        %add3A_594 = arith.constant 8 : i32
        %add3A_595 = vector.broadcast %add3A_594 : i32 to vector<16xi32>
        %add3A_596 = arith.addi %iota3A, %add3A_595 : vector<16xi32>
        %and3A_597 = arith.constant 15 : i32
        %and3A_598 = vector.broadcast %and3A_597 : i32 to vector<16xi32>
        %and3A_599 = arith.andi %add3A_596, %and3A_598 : vector<16xi32>
        %broadcast_in_dim3A_600 = vector.shape_cast %and3A_599 : vector<16xi32> to vector<16x1xi32>
        %gather3A_601 = vector.shape_cast %broadcast_in_dim3A_600 : vector<16x1xi32> to vector<16xi32>
        %gather3A_602 = tpu.dynamic_gather %add3A_593[%gather3A_601] in [0] : vector<16xf32>, vector<16xi32> -> vector<16xf32>
        %add3A_603 = arith.addf %add3A_593, %gather3A_602 : vector<16xf32>
        %add3A_604 = arith.addi %scan3A_297, %add3A_481 : vector<16xi32>
        %add3A_605 = arith.addi %scan3A_297, %add3A_563 : vector<16xi32>
        %select_n3A_606 = arith.select %lt3A_434, %add3A_605, %scan3A_297 : vector<16xi1>, vector<16xi32>
        %select_n3A_607 = arith.select %and3A_438, %add3A_604, %select_n3A_606 : vector<16xi1>, vector<16xi32>
        %add3A_608 = arith.addf %scan3A_298, %add3A_523 : vector<16xf32>
        %add3A_609 = arith.addf %scan3A_298, %add3A_603 : vector<16xf32>
        %select_n3A_610 = arith.select %lt3A_434, %add3A_609, %scan3A_298 : vector<16xi1>, vector<16xf32>
        %select_n3A_611 = arith.select %and3A_438, %add3A_608, %select_n3A_610 : vector<16xi1>, vector<16xf32>
        %mul3A_612 = arith.constant 16 : i32
        %mul3A_613 = arith.muli %sub3A_300, %mul3A_612 : i32
        %add3A_614 = vector.broadcast %mul3A_613 : i32 to vector<16xi32>
        %add3A_615 = arith.addi %add3A_614, %max3A_431 : vector<16xi32>
        %select_n3A_616 = arith.select %and3A_438, %add3A_615, %scan3A_296 : vector<16xi1>, vector<16xi32>
        scf.yield %select_n3A_616, %select_n3A_607, %select_n3A_611 : vector<16xi32>, vector<16xi32>, vector<16xf32>
      }
      %scan3A_183 = arith.constant 16 : i32
      %mul3A_184 = arith.constant 256 : i32
      %mul3A_185 = vector.broadcast %mul3A_184 : i32 to vector<16xi32>
      %mul3A_186 = arith.muli %scan3A_155#0, %mul3A_185 : vector<16xi32>
      %add3A_187 = arith.addi %mul3A_186, %scan3A_182#0 : vector<16xi32>
      %scan3A_188 = arith.constant 0 : i32
      %scan3A_189 = arith.constant 0 : i32
      %scan3A_190 = arith.constant 256 : i32
      %scan3A_191 = arith.addi %scan3A_189, %scan3A_190 : i32
      %scan3A_192 = arith.constant 1 : i32
      scf.for %scan3A_295 = %scan3A_189 to %scan3A_191 step %scan3A_192  : i32 {
        %mul3A_296 = arith.constant 16 : i32
        %mul3A_297 = arith.muli %scan3A_295, %mul3A_296 : i32
        %swap3A_298 = arith.index_cast %mul3A_297 : i32 to index
        %swap3A_299 = tpu.vector_load %arg6[%swap3A_298] {strides = array<i32>} : memref<4096xi32, #tpu.memory_space<vmem>>, vector<16xi32>,
        tpu.vector_store %arg6[%swap3A_298], %broadcast_in_dim3A_2 {strides = array<i32>} : memref<4096xi32, #tpu.memory_space<vmem>>, vector<16xi32>,
        %mul3A_300 = arith.constant 16 : i32
        %mul3A_301 = arith.muli %scan3A_295, %mul3A_300 : i32
        %swap3A_302 = arith.index_cast %mul3A_301 : i32 to index
        %swap3A_303 = tpu.vector_load %arg7[%swap3A_302] {strides = array<i32>} : memref<4096xf32, #tpu.memory_space<vmem>>, vector<16xf32>,
        tpu.vector_store %arg7[%swap3A_302], %broadcast_in_dim3A_4 {strides = array<i32>} : memref<4096xf32, #tpu.memory_space<vmem>>, vector<16xf32>,
      }
      %scan3A_193 = arith.constant 256 : i32
      %scan3A_194 = arith.constant 0 : i32
      %scan3A_195 = arith.constant 0 : i32
      %scan3A_196 = arith.constant 1024 : i32
      %scan3A_197 = arith.addi %scan3A_195, %scan3A_196 : i32
      %scan3A_198 = arith.constant 1 : i32
      scf.for %scan3A_295 = %scan3A_195 to %scan3A_197 step %scan3A_198  : i32 {
        %mul3A_296 = arith.constant 16 : i32
        %mul3A_297 = arith.muli %scan3A_295, %mul3A_296 : i32
        %get3A_298 = arith.index_cast %mul3A_297 : i32 to index
        %get3A_299 = tpu.vector_load %arg5[%get3A_298] {strides = array<i32>} : memref<16384xf32, #tpu.memory_space<vmem>>, vector<16xf32>,
        %bitcast_convert_type3A_300 = tpu.bitcast %get3A_299 : vector<16xf32> -> vector<16xi32>
        %ge3A = arith.constant 0.000000e+00 : f32
        %ge3A_301 = vector.broadcast %ge3A : f32 to vector<16xf32>
        %ge3A_302 = arith.cmpf oge, %get3A_299, %ge3A_301 : vector<16xf32>
        %shift_right_logical3A = arith.constant 15 : i32
        %shift_right_logical3A_303 = vector.broadcast %shift_right_logical3A : i32 to vector<16xi32>
        %shift_right_logical3A_304 = arith.shrui %bitcast_convert_type3A_300, %shift_right_logical3A_303 : vector<16xi32>
        %eq3A_305 = arith.cmpi eq, %shift_right_logical3A_304, %add3A_187 : vector<16xi32>
        %and3A_306 = arith.andi %ge3A_302, %eq3A_305 : vector<16xi1>
        %shift_right_logical3A_307 = arith.constant 7 : i32
        %shift_right_logical3A_308 = vector.broadcast %shift_right_logical3A_307 : i32 to vector<16xi32>
        %shift_right_logical3A_309 = arith.shrui %bitcast_convert_type3A_300, %shift_right_logical3A_308 : vector<16xi32>
        %and3A_310 = arith.constant 255 : i32
        %and3A_311 = vector.broadcast %and3A_310 : i32 to vector<16xi32>
        %and3A_312 = arith.andi %shift_right_logical3A_309, %and3A_311 : vector<16xi32>
        %mul3A_313 = arith.constant 16 : i32
        %mul3A_314 = vector.broadcast %mul3A_313 : i32 to vector<16xi32>
        %mul3A_315 = arith.muli %and3A_312, %mul3A_314 : vector<16xi32>
        %add3A_316 = arith.addi %mul3A_315, %iota3A : vector<16xi32>
        tpu.vector_store_idx %arg6[%add3A_316], %add3A_35 masked %and3A_306 {add = true} : memref<4096xi32, #tpu.memory_space<vmem>>[vector<16xi32>], vector<16xi32>, vector<16xi1>
        tpu.vector_store_idx %arg7[%add3A_316], %get3A_299 masked %and3A_306 {add = true} : memref<4096xf32, #tpu.memory_space<vmem>>[vector<16xi32>], vector<16xf32>, vector<16xi1>
      }
      %scan3A_199 = arith.constant 1024 : i32
      %scan3A_200 = arith.constant 0 : i32
      %scan3A_201 = arith.constant 0 : i32
      %scan3A_202 = arith.constant 16 : i32
      %scan3A_203 = arith.addi %scan3A_201, %scan3A_202 : i32
      %scan3A_204 = arith.constant 1 : i32
      scf.for %scan3A_295 = %scan3A_201 to %scan3A_203 step %scan3A_204  : i32 {
        %mul3A_296 = arith.constant 16 : i32
        %mul3A_297 = arith.muli %scan3A_295, %mul3A_296 : i32
        %add3A_298 = vector.broadcast %mul3A_297 : i32 to vector<16xi32>
        %add3A_299 = arith.addi %add3A_298, %iota3A : vector<16xi32>
        %mul3A_300 = arith.constant 16 : i32
        %mul3A_301 = vector.broadcast %mul3A_300 : i32 to vector<16xi32>
        %mul3A_302 = arith.muli %add3A_299, %mul3A_301 : vector<16xi32>
        %add3A_303 = arith.constant 0 : i32
        %add3A_304 = vector.broadcast %add3A_303 : i32 to vector<16xi32>
        %add3A_305 = arith.addi %mul3A_302, %add3A_304 : vector<16xi32>
        %gather3A_306 = tpu.vector_load_idx %arg6[%add3A_305] : memref<4096xi32, #tpu.memory_space<vmem>>[vector<16xi32>], vector<16xi32>,
        %add3A_307 = arith.addi %broadcast_in_dim3A_2, %gather3A_306 : vector<16xi32>
        %gather3A_308 = tpu.vector_load_idx %arg7[%add3A_305] : memref<4096xf32, #tpu.memory_space<vmem>>[vector<16xi32>], vector<16xf32>,
        %add3A_309 = arith.addf %broadcast_in_dim3A_4, %gather3A_308 : vector<16xf32>
        %mul3A_310 = arith.constant 16 : i32
        %mul3A_311 = arith.muli %scan3A_295, %mul3A_310 : i32
        %add3A_312 = vector.broadcast %mul3A_311 : i32 to vector<16xi32>
        %add3A_313 = arith.addi %add3A_312, %iota3A : vector<16xi32>
        %mul3A_314 = arith.constant 16 : i32
        %mul3A_315 = vector.broadcast %mul3A_314 : i32 to vector<16xi32>
        %mul3A_316 = arith.muli %add3A_313, %mul3A_315 : vector<16xi32>
        %add3A_317 = arith.constant 1 : i32
        %add3A_318 = vector.broadcast %add3A_317 : i32 to vector<16xi32>
        %add3A_319 = arith.addi %mul3A_316, %add3A_318 : vector<16xi32>
        %gather3A_320 = tpu.vector_load_idx %arg6[%add3A_319] : memref<4096xi32, #tpu.memory_space<vmem>>[vector<16xi32>], vector<16xi32>,
        %add3A_321 = arith.addi %add3A_307, %gather3A_320 : vector<16xi32>
        %gather3A_322 = tpu.vector_load_idx %arg7[%add3A_319] : memref<4096xf32, #tpu.memory_space<vmem>>[vector<16xi32>], vector<16xf32>,
        %add3A_323 = arith.addf %add3A_309, %gather3A_322 : vector<16xf32>
        %mul3A_324 = arith.constant 16 : i32
        %mul3A_325 = arith.muli %scan3A_295, %mul3A_324 : i32
        %add3A_326 = vector.broadcast %mul3A_325 : i32 to vector<16xi32>
        %add3A_327 = arith.addi %add3A_326, %iota3A : vector<16xi32>
        %mul3A_328 = arith.constant 16 : i32
        %mul3A_329 = vector.broadcast %mul3A_328 : i32 to vector<16xi32>
        %mul3A_330 = arith.muli %add3A_327, %mul3A_329 : vector<16xi32>
        %add3A_331 = arith.constant 2 : i32
        %add3A_332 = vector.broadcast %add3A_331 : i32 to vector<16xi32>
        %add3A_333 = arith.addi %mul3A_330, %add3A_332 : vector<16xi32>
        %gather3A_334 = tpu.vector_load_idx %arg6[%add3A_333] : memref<4096xi32, #tpu.memory_space<vmem>>[vector<16xi32>], vector<16xi32>,
        %add3A_335 = arith.addi %add3A_321, %gather3A_334 : vector<16xi32>
        %gather3A_336 = tpu.vector_load_idx %arg7[%add3A_333] : memref<4096xf32, #tpu.memory_space<vmem>>[vector<16xi32>], vector<16xf32>,
        %add3A_337 = arith.addf %add3A_323, %gather3A_336 : vector<16xf32>
        %mul3A_338 = arith.constant 16 : i32
        %mul3A_339 = arith.muli %scan3A_295, %mul3A_338 : i32
        %add3A_340 = vector.broadcast %mul3A_339 : i32 to vector<16xi32>
        %add3A_341 = arith.addi %add3A_340, %iota3A : vector<16xi32>
        %mul3A_342 = arith.constant 16 : i32
        %mul3A_343 = vector.broadcast %mul3A_342 : i32 to vector<16xi32>
        %mul3A_344 = arith.muli %add3A_341, %mul3A_343 : vector<16xi32>
        %add3A_345 = arith.constant 3 : i32
        %add3A_346 = vector.broadcast %add3A_345 : i32 to vector<16xi32>
        %add3A_347 = arith.addi %mul3A_344, %add3A_346 : vector<16xi32>
        %gather3A_348 = tpu.vector_load_idx %arg6[%add3A_347] : memref<4096xi32, #tpu.memory_space<vmem>>[vector<16xi32>], vector<16xi32>,
        %add3A_349 = arith.addi %add3A_335, %gather3A_348 : vector<16xi32>
        %gather3A_350 = tpu.vector_load_idx %arg7[%add3A_347] : memref<4096xf32, #tpu.memory_space<vmem>>[vector<16xi32>], vector<16xf32>,
        %add3A_351 = arith.addf %add3A_337, %gather3A_350 : vector<16xf32>
        %mul3A_352 = arith.constant 16 : i32
        %mul3A_353 = arith.muli %scan3A_295, %mul3A_352 : i32
        %add3A_354 = vector.broadcast %mul3A_353 : i32 to vector<16xi32>
        %add3A_355 = arith.addi %add3A_354, %iota3A : vector<16xi32>
        %mul3A_356 = arith.constant 16 : i32
        %mul3A_357 = vector.broadcast %mul3A_356 : i32 to vector<16xi32>
        %mul3A_358 = arith.muli %add3A_355, %mul3A_357 : vector<16xi32>
        %add3A_359 = arith.constant 4 : i32
        %add3A_360 = vector.broadcast %add3A_359 : i32 to vector<16xi32>
        %add3A_361 = arith.addi %mul3A_358, %add3A_360 : vector<16xi32>
        %gather3A_362 = tpu.vector_load_idx %arg6[%add3A_361] : memref<4096xi32, #tpu.memory_space<vmem>>[vector<16xi32>], vector<16xi32>,
        %add3A_363 = arith.addi %add3A_349, %gather3A_362 : vector<16xi32>
        %gather3A_364 = tpu.vector_load_idx %arg7[%add3A_361] : memref<4096xf32, #tpu.memory_space<vmem>>[vector<16xi32>], vector<16xf32>,
        %add3A_365 = arith.addf %add3A_351, %gather3A_364 : vector<16xf32>
        %mul3A_366 = arith.constant 16 : i32
        %mul3A_367 = arith.muli %scan3A_295, %mul3A_366 : i32
        %add3A_368 = vector.broadcast %mul3A_367 : i32 to vector<16xi32>
        %add3A_369 = arith.addi %add3A_368, %iota3A : vector<16xi32>
        %mul3A_370 = arith.constant 16 : i32
        %mul3A_371 = vector.broadcast %mul3A_370 : i32 to vector<16xi32>
        %mul3A_372 = arith.muli %add3A_369, %mul3A_371 : vector<16xi32>
        %add3A_373 = arith.constant 5 : i32
        %add3A_374 = vector.broadcast %add3A_373 : i32 to vector<16xi32>
        %add3A_375 = arith.addi %mul3A_372, %add3A_374 : vector<16xi32>
        %gather3A_376 = tpu.vector_load_idx %arg6[%add3A_375] : memref<4096xi32, #tpu.memory_space<vmem>>[vector<16xi32>], vector<16xi32>,
        %add3A_377 = arith.addi %add3A_363, %gather3A_376 : vector<16xi32>
        %gather3A_378 = tpu.vector_load_idx %arg7[%add3A_375] : memref<4096xf32, #tpu.memory_space<vmem>>[vector<16xi32>], vector<16xf32>,
        %add3A_379 = arith.addf %add3A_365, %gather3A_378 : vector<16xf32>
        %mul3A_380 = arith.constant 16 : i32
        %mul3A_381 = arith.muli %scan3A_295, %mul3A_380 : i32
        %add3A_382 = vector.broadcast %mul3A_381 : i32 to vector<16xi32>
        %add3A_383 = arith.addi %add3A_382, %iota3A : vector<16xi32>
        %mul3A_384 = arith.constant 16 : i32
        %mul3A_385 = vector.broadcast %mul3A_384 : i32 to vector<16xi32>
        %mul3A_386 = arith.muli %add3A_383, %mul3A_385 : vector<16xi32>
        %add3A_387 = arith.constant 6 : i32
        %add3A_388 = vector.broadcast %add3A_387 : i32 to vector<16xi32>
        %add3A_389 = arith.addi %mul3A_386, %add3A_388 : vector<16xi32>
        %gather3A_390 = tpu.vector_load_idx %arg6[%add3A_389] : memref<4096xi32, #tpu.memory_space<vmem>>[vector<16xi32>], vector<16xi32>,
        %add3A_391 = arith.addi %add3A_377, %gather3A_390 : vector<16xi32>
        %gather3A_392 = tpu.vector_load_idx %arg7[%add3A_389] : memref<4096xf32, #tpu.memory_space<vmem>>[vector<16xi32>], vector<16xf32>,
        %add3A_393 = arith.addf %add3A_379, %gather3A_392 : vector<16xf32>
        %mul3A_394 = arith.constant 16 : i32
        %mul3A_395 = arith.muli %scan3A_295, %mul3A_394 : i32
        %add3A_396 = vector.broadcast %mul3A_395 : i32 to vector<16xi32>
        %add3A_397 = arith.addi %add3A_396, %iota3A : vector<16xi32>
        %mul3A_398 = arith.constant 16 : i32
        %mul3A_399 = vector.broadcast %mul3A_398 : i32 to vector<16xi32>
        %mul3A_400 = arith.muli %add3A_397, %mul3A_399 : vector<16xi32>
        %add3A_401 = arith.constant 7 : i32
        %add3A_402 = vector.broadcast %add3A_401 : i32 to vector<16xi32>
        %add3A_403 = arith.addi %mul3A_400, %add3A_402 : vector<16xi32>
        %gather3A_404 = tpu.vector_load_idx %arg6[%add3A_403] : memref<4096xi32, #tpu.memory_space<vmem>>[vector<16xi32>], vector<16xi32>,
        %add3A_405 = arith.addi %add3A_391, %gather3A_404 : vector<16xi32>
        %gather3A_406 = tpu.vector_load_idx %arg7[%add3A_403] : memref<4096xf32, #tpu.memory_space<vmem>>[vector<16xi32>], vector<16xf32>,
        %add3A_407 = arith.addf %add3A_393, %gather3A_406 : vector<16xf32>
        %mul3A_408 = arith.constant 16 : i32
        %mul3A_409 = arith.muli %scan3A_295, %mul3A_408 : i32
        %add3A_410 = vector.broadcast %mul3A_409 : i32 to vector<16xi32>
        %add3A_411 = arith.addi %add3A_410, %iota3A : vector<16xi32>
        %mul3A_412 = arith.constant 16 : i32
        %mul3A_413 = vector.broadcast %mul3A_412 : i32 to vector<16xi32>
        %mul3A_414 = arith.muli %add3A_411, %mul3A_413 : vector<16xi32>
        %add3A_415 = arith.constant 8 : i32
        %add3A_416 = vector.broadcast %add3A_415 : i32 to vector<16xi32>
        %add3A_417 = arith.addi %mul3A_414, %add3A_416 : vector<16xi32>
        %gather3A_418 = tpu.vector_load_idx %arg6[%add3A_417] : memref<4096xi32, #tpu.memory_space<vmem>>[vector<16xi32>], vector<16xi32>,
        %add3A_419 = arith.addi %add3A_405, %gather3A_418 : vector<16xi32>
        %gather3A_420 = tpu.vector_load_idx %arg7[%add3A_417] : memref<4096xf32, #tpu.memory_space<vmem>>[vector<16xi32>], vector<16xf32>,
        %add3A_421 = arith.addf %add3A_407, %gather3A_420 : vector<16xf32>
        %mul3A_422 = arith.constant 16 : i32
        %mul3A_423 = arith.muli %scan3A_295, %mul3A_422 : i32
        %add3A_424 = vector.broadcast %mul3A_423 : i32 to vector<16xi32>
        %add3A_425 = arith.addi %add3A_424, %iota3A : vector<16xi32>
        %mul3A_426 = arith.constant 16 : i32
        %mul3A_427 = vector.broadcast %mul3A_426 : i32 to vector<16xi32>
        %mul3A_428 = arith.muli %add3A_425, %mul3A_427 : vector<16xi32>
        %add3A_429 = arith.constant 9 : i32
        %add3A_430 = vector.broadcast %add3A_429 : i32 to vector<16xi32>
        %add3A_431 = arith.addi %mul3A_428, %add3A_430 : vector<16xi32>
        %gather3A_432 = tpu.vector_load_idx %arg6[%add3A_431] : memref<4096xi32, #tpu.memory_space<vmem>>[vector<16xi32>], vector<16xi32>,
        %add3A_433 = arith.addi %add3A_419, %gather3A_432 : vector<16xi32>
        %gather3A_434 = tpu.vector_load_idx %arg7[%add3A_431] : memref<4096xf32, #tpu.memory_space<vmem>>[vector<16xi32>], vector<16xf32>,
        %add3A_435 = arith.addf %add3A_421, %gather3A_434 : vector<16xf32>
        %mul3A_436 = arith.constant 16 : i32
        %mul3A_437 = arith.muli %scan3A_295, %mul3A_436 : i32
        %add3A_438 = vector.broadcast %mul3A_437 : i32 to vector<16xi32>
        %add3A_439 = arith.addi %add3A_438, %iota3A : vector<16xi32>
        %mul3A_440 = arith.constant 16 : i32
        %mul3A_441 = vector.broadcast %mul3A_440 : i32 to vector<16xi32>
        %mul3A_442 = arith.muli %add3A_439, %mul3A_441 : vector<16xi32>
        %add3A_443 = arith.constant 10 : i32
        %add3A_444 = vector.broadcast %add3A_443 : i32 to vector<16xi32>
        %add3A_445 = arith.addi %mul3A_442, %add3A_444 : vector<16xi32>
        %gather3A_446 = tpu.vector_load_idx %arg6[%add3A_445] : memref<4096xi32, #tpu.memory_space<vmem>>[vector<16xi32>], vector<16xi32>,
        %add3A_447 = arith.addi %add3A_433, %gather3A_446 : vector<16xi32>
        %gather3A_448 = tpu.vector_load_idx %arg7[%add3A_445] : memref<4096xf32, #tpu.memory_space<vmem>>[vector<16xi32>], vector<16xf32>,
        %add3A_449 = arith.addf %add3A_435, %gather3A_448 : vector<16xf32>
        %mul3A_450 = arith.constant 16 : i32
        %mul3A_451 = arith.muli %scan3A_295, %mul3A_450 : i32
        %add3A_452 = vector.broadcast %mul3A_451 : i32 to vector<16xi32>
        %add3A_453 = arith.addi %add3A_452, %iota3A : vector<16xi32>
        %mul3A_454 = arith.constant 16 : i32
        %mul3A_455 = vector.broadcast %mul3A_454 : i32 to vector<16xi32>
        %mul3A_456 = arith.muli %add3A_453, %mul3A_455 : vector<16xi32>
        %add3A_457 = arith.constant 11 : i32
        %add3A_458 = vector.broadcast %add3A_457 : i32 to vector<16xi32>
        %add3A_459 = arith.addi %mul3A_456, %add3A_458 : vector<16xi32>
        %gather3A_460 = tpu.vector_load_idx %arg6[%add3A_459] : memref<4096xi32, #tpu.memory_space<vmem>>[vector<16xi32>], vector<16xi32>,
        %add3A_461 = arith.addi %add3A_447, %gather3A_460 : vector<16xi32>
        %gather3A_462 = tpu.vector_load_idx %arg7[%add3A_459] : memref<4096xf32, #tpu.memory_space<vmem>>[vector<16xi32>], vector<16xf32>,
        %add3A_463 = arith.addf %add3A_449, %gather3A_462 : vector<16xf32>
        %mul3A_464 = arith.constant 16 : i32
        %mul3A_465 = arith.muli %scan3A_295, %mul3A_464 : i32
        %add3A_466 = vector.broadcast %mul3A_465 : i32 to vector<16xi32>
        %add3A_467 = arith.addi %add3A_466, %iota3A : vector<16xi32>
        %mul3A_468 = arith.constant 16 : i32
        %mul3A_469 = vector.broadcast %mul3A_468 : i32 to vector<16xi32>
        %mul3A_470 = arith.muli %add3A_467, %mul3A_469 : vector<16xi32>
        %add3A_471 = arith.constant 12 : i32
        %add3A_472 = vector.broadcast %add3A_471 : i32 to vector<16xi32>
        %add3A_473 = arith.addi %mul3A_470, %add3A_472 : vector<16xi32>
        %gather3A_474 = tpu.vector_load_idx %arg6[%add3A_473] : memref<4096xi32, #tpu.memory_space<vmem>>[vector<16xi32>], vector<16xi32>,
        %add3A_475 = arith.addi %add3A_461, %gather3A_474 : vector<16xi32>
        %gather3A_476 = tpu.vector_load_idx %arg7[%add3A_473] : memref<4096xf32, #tpu.memory_space<vmem>>[vector<16xi32>], vector<16xf32>,
        %add3A_477 = arith.addf %add3A_463, %gather3A_476 : vector<16xf32>
        %mul3A_478 = arith.constant 16 : i32
        %mul3A_479 = arith.muli %scan3A_295, %mul3A_478 : i32
        %add3A_480 = vector.broadcast %mul3A_479 : i32 to vector<16xi32>
        %add3A_481 = arith.addi %add3A_480, %iota3A : vector<16xi32>
        %mul3A_482 = arith.constant 16 : i32
        %mul3A_483 = vector.broadcast %mul3A_482 : i32 to vector<16xi32>
        %mul3A_484 = arith.muli %add3A_481, %mul3A_483 : vector<16xi32>
        %add3A_485 = arith.constant 13 : i32
        %add3A_486 = vector.broadcast %add3A_485 : i32 to vector<16xi32>
        %add3A_487 = arith.addi %mul3A_484, %add3A_486 : vector<16xi32>
        %gather3A_488 = tpu.vector_load_idx %arg6[%add3A_487] : memref<4096xi32, #tpu.memory_space<vmem>>[vector<16xi32>], vector<16xi32>,
        %add3A_489 = arith.addi %add3A_475, %gather3A_488 : vector<16xi32>
        %gather3A_490 = tpu.vector_load_idx %arg7[%add3A_487] : memref<4096xf32, #tpu.memory_space<vmem>>[vector<16xi32>], vector<16xf32>,
        %add3A_491 = arith.addf %add3A_477, %gather3A_490 : vector<16xf32>
        %mul3A_492 = arith.constant 16 : i32
        %mul3A_493 = arith.muli %scan3A_295, %mul3A_492 : i32
        %add3A_494 = vector.broadcast %mul3A_493 : i32 to vector<16xi32>
        %add3A_495 = arith.addi %add3A_494, %iota3A : vector<16xi32>
        %mul3A_496 = arith.constant 16 : i32
        %mul3A_497 = vector.broadcast %mul3A_496 : i32 to vector<16xi32>
        %mul3A_498 = arith.muli %add3A_495, %mul3A_497 : vector<16xi32>
        %add3A_499 = arith.constant 14 : i32
        %add3A_500 = vector.broadcast %add3A_499 : i32 to vector<16xi32>
        %add3A_501 = arith.addi %mul3A_498, %add3A_500 : vector<16xi32>
        %gather3A_502 = tpu.vector_load_idx %arg6[%add3A_501] : memref<4096xi32, #tpu.memory_space<vmem>>[vector<16xi32>], vector<16xi32>,
        %add3A_503 = arith.addi %add3A_489, %gather3A_502 : vector<16xi32>
        %gather3A_504 = tpu.vector_load_idx %arg7[%add3A_501] : memref<4096xf32, #tpu.memory_space<vmem>>[vector<16xi32>], vector<16xf32>,
        %add3A_505 = arith.addf %add3A_491, %gather3A_504 : vector<16xf32>
        %mul3A_506 = arith.constant 16 : i32
        %mul3A_507 = arith.muli %scan3A_295, %mul3A_506 : i32
        %add3A_508 = vector.broadcast %mul3A_507 : i32 to vector<16xi32>
        %add3A_509 = arith.addi %add3A_508, %iota3A : vector<16xi32>
        %mul3A_510 = arith.constant 16 : i32
        %mul3A_511 = vector.broadcast %mul3A_510 : i32 to vector<16xi32>
        %mul3A_512 = arith.muli %add3A_509, %mul3A_511 : vector<16xi32>
        %add3A_513 = arith.constant 15 : i32
        %add3A_514 = vector.broadcast %add3A_513 : i32 to vector<16xi32>
        %add3A_515 = arith.addi %mul3A_512, %add3A_514 : vector<16xi32>
        %gather3A_516 = tpu.vector_load_idx %arg6[%add3A_515] : memref<4096xi32, #tpu.memory_space<vmem>>[vector<16xi32>], vector<16xi32>,
        %add3A_517 = arith.addi %add3A_503, %gather3A_516 : vector<16xi32>
        %gather3A_518 = tpu.vector_load_idx %arg7[%add3A_515] : memref<4096xf32, #tpu.memory_space<vmem>>[vector<16xi32>], vector<16xf32>,
        %add3A_519 = arith.addf %add3A_505, %gather3A_518 : vector<16xf32>
        %mul3A_520 = arith.constant 16 : i32
        %mul3A_521 = arith.muli %scan3A_295, %mul3A_520 : i32
        %swap3A_522 = arith.index_cast %mul3A_521 : i32 to index
        %swap3A_523 = tpu.vector_load %arg8[%swap3A_522] {strides = array<i32>} : memref<256xi32, #tpu.memory_space<vmem>>, vector<16xi32>,
        tpu.vector_store %arg8[%swap3A_522], %add3A_517 {strides = array<i32>} : memref<256xi32, #tpu.memory_space<vmem>>, vector<16xi32>,
        %mul3A_524 = arith.constant 16 : i32
        %mul3A_525 = arith.muli %scan3A_295, %mul3A_524 : i32
        %swap3A_526 = arith.index_cast %mul3A_525 : i32 to index
        %swap3A_527 = tpu.vector_load %arg9[%swap3A_526] {strides = array<i32>} : memref<256xf32, #tpu.memory_space<vmem>>, vector<16xf32>,
        tpu.vector_store %arg9[%swap3A_526], %add3A_519 {strides = array<i32>} : memref<256xf32, #tpu.memory_space<vmem>>, vector<16xf32>,
      }
      %scan3A_205 = arith.constant 16 : i32
      %sub3A_206 = arith.constant 1 : i32
      %sub3A_207 = vector.broadcast %sub3A_206 : i32 to vector<16xi32>
      %sub3A_208 = arith.subi %broadcast_in_dim3A_2, %sub3A_207 : vector<16xi32>
      %scan3A_209 = arith.constant 0 : i32
      %scan3A_210 = arith.constant 16 : i32
      %scan3A_211 = arith.addi %scan3A_209, %scan3A_210 : i32
      %scan3A_212 = arith.constant 1 : i32
      %scan3A_213:3 = scf.for %scan3A_295 = %scan3A_209 to %scan3A_211 step %scan3A_212 iter_args(%scan3A_296 = %sub3A_208, %scan3A_297 = %scan3A_182#1, %scan3A_298 = %scan3A_182#2) -> (vector<16xi32>, vector<16xi32>, vector<16xf32>)  : i32 {
        %sub3A_299 = arith.constant 15 : i32
        %sub3A_300 = arith.subi %sub3A_299, %scan3A_295 : i32
        %mul3A_301 = arith.constant 16 : i32
        %mul3A_302 = arith.muli %sub3A_300, %mul3A_301 : i32
        %get3A_303 = arith.index_cast %mul3A_302 : i32 to index
        %get3A_304 = tpu.vector_load %arg8[%get3A_303] {strides = array<i32>} : memref<256xi32, #tpu.memory_space<vmem>>, vector<16xi32>,
        %mul3A_305 = arith.constant 16 : i32
        %mul3A_306 = arith.muli %sub3A_300, %mul3A_305 : i32
        %get3A_307 = arith.index_cast %mul3A_306 : i32 to index
        %get3A_308 = tpu.vector_load %arg9[%get3A_307] {strides = array<i32>} : memref<256xf32, #tpu.memory_space<vmem>>, vector<16xf32>,
        %add3A_309 = arith.constant 1 : i32
        %add3A_310 = vector.broadcast %add3A_309 : i32 to vector<16xi32>
        %add3A_311 = arith.addi %iota3A, %add3A_310 : vector<16xi32>
        %lt3A_312 = arith.constant 16 : i32
        %lt3A_313 = vector.broadcast %lt3A_312 : i32 to vector<16xi32>
        %lt3A_314 = arith.cmpi slt, %add3A_311, %lt3A_313 : vector<16xi32>
        %add3A_315 = arith.constant 1 : i32
        %add3A_316 = vector.broadcast %add3A_315 : i32 to vector<16xi32>
        %add3A_317 = arith.addi %iota3A, %add3A_316 : vector<16xi32>
        %and3A_318 = arith.constant 15 : i32
        %and3A_319 = vector.broadcast %and3A_318 : i32 to vector<16xi32>
        %and3A_320 = arith.andi %add3A_317, %and3A_319 : vector<16xi32>
        %broadcast_in_dim3A_321 = vector.shape_cast %and3A_320 : vector<16xi32> to vector<16x1xi32>
        %gather3A_322 = vector.shape_cast %broadcast_in_dim3A_321 : vector<16x1xi32> to vector<16xi32>
        %gather3A_323 = tpu.dynamic_gather %get3A_304[%gather3A_322] in [0] : vector<16xi32>, vector<16xi32> -> vector<16xi32>
        %jit3A_324 = arith.constant 0 : i32
        %broadcast_in_dim3A_325 = vector.broadcast %jit3A_324 : i32 to vector<16xi32>
        %select_n3A_326 = arith.select %lt3A_314, %gather3A_323, %broadcast_in_dim3A_325 : vector<16xi1>, vector<16xi32>
        %add3A_327 = arith.addi %get3A_304, %select_n3A_326 : vector<16xi32>
        %add3A_328 = arith.constant 2 : i32
        %add3A_329 = vector.broadcast %add3A_328 : i32 to vector<16xi32>
        %add3A_330 = arith.addi %iota3A, %add3A_329 : vector<16xi32>
        %lt3A_331 = arith.constant 16 : i32
        %lt3A_332 = vector.broadcast %lt3A_331 : i32 to vector<16xi32>
        %lt3A_333 = arith.cmpi slt, %add3A_330, %lt3A_332 : vector<16xi32>
        %add3A_334 = arith.constant 2 : i32
        %add3A_335 = vector.broadcast %add3A_334 : i32 to vector<16xi32>
        %add3A_336 = arith.addi %iota3A, %add3A_335 : vector<16xi32>
        %and3A_337 = arith.constant 15 : i32
        %and3A_338 = vector.broadcast %and3A_337 : i32 to vector<16xi32>
        %and3A_339 = arith.andi %add3A_336, %and3A_338 : vector<16xi32>
        %broadcast_in_dim3A_340 = vector.shape_cast %and3A_339 : vector<16xi32> to vector<16x1xi32>
        %gather3A_341 = vector.shape_cast %broadcast_in_dim3A_340 : vector<16x1xi32> to vector<16xi32>
        %gather3A_342 = tpu.dynamic_gather %add3A_327[%gather3A_341] in [0] : vector<16xi32>, vector<16xi32> -> vector<16xi32>
        %jit3A_343 = arith.constant 0 : i32
        %broadcast_in_dim3A_344 = vector.broadcast %jit3A_343 : i32 to vector<16xi32>
        %select_n3A_345 = arith.select %lt3A_333, %gather3A_342, %broadcast_in_dim3A_344 : vector<16xi1>, vector<16xi32>
        %add3A_346 = arith.addi %add3A_327, %select_n3A_345 : vector<16xi32>
        %add3A_347 = arith.constant 4 : i32
        %add3A_348 = vector.broadcast %add3A_347 : i32 to vector<16xi32>
        %add3A_349 = arith.addi %iota3A, %add3A_348 : vector<16xi32>
        %lt3A_350 = arith.constant 16 : i32
        %lt3A_351 = vector.broadcast %lt3A_350 : i32 to vector<16xi32>
        %lt3A_352 = arith.cmpi slt, %add3A_349, %lt3A_351 : vector<16xi32>
        %add3A_353 = arith.constant 4 : i32
        %add3A_354 = vector.broadcast %add3A_353 : i32 to vector<16xi32>
        %add3A_355 = arith.addi %iota3A, %add3A_354 : vector<16xi32>
        %and3A_356 = arith.constant 15 : i32
        %and3A_357 = vector.broadcast %and3A_356 : i32 to vector<16xi32>
        %and3A_358 = arith.andi %add3A_355, %and3A_357 : vector<16xi32>
        %broadcast_in_dim3A_359 = vector.shape_cast %and3A_358 : vector<16xi32> to vector<16x1xi32>
        %gather3A_360 = vector.shape_cast %broadcast_in_dim3A_359 : vector<16x1xi32> to vector<16xi32>
        %gather3A_361 = tpu.dynamic_gather %add3A_346[%gather3A_360] in [0] : vector<16xi32>, vector<16xi32> -> vector<16xi32>
        %jit3A_362 = arith.constant 0 : i32
        %broadcast_in_dim3A_363 = vector.broadcast %jit3A_362 : i32 to vector<16xi32>
        %select_n3A_364 = arith.select %lt3A_352, %gather3A_361, %broadcast_in_dim3A_363 : vector<16xi1>, vector<16xi32>
        %add3A_365 = arith.addi %add3A_346, %select_n3A_364 : vector<16xi32>
        %add3A_366 = arith.constant 8 : i32
        %add3A_367 = vector.broadcast %add3A_366 : i32 to vector<16xi32>
        %add3A_368 = arith.addi %iota3A, %add3A_367 : vector<16xi32>
        %lt3A_369 = arith.constant 16 : i32
        %lt3A_370 = vector.broadcast %lt3A_369 : i32 to vector<16xi32>
        %lt3A_371 = arith.cmpi slt, %add3A_368, %lt3A_370 : vector<16xi32>
        %add3A_372 = arith.constant 8 : i32
        %add3A_373 = vector.broadcast %add3A_372 : i32 to vector<16xi32>
        %add3A_374 = arith.addi %iota3A, %add3A_373 : vector<16xi32>
        %and3A_375 = arith.constant 15 : i32
        %and3A_376 = vector.broadcast %and3A_375 : i32 to vector<16xi32>
        %and3A_377 = arith.andi %add3A_374, %and3A_376 : vector<16xi32>
        %broadcast_in_dim3A_378 = vector.shape_cast %and3A_377 : vector<16xi32> to vector<16x1xi32>
        %gather3A_379 = vector.shape_cast %broadcast_in_dim3A_378 : vector<16x1xi32> to vector<16xi32>
        %gather3A_380 = tpu.dynamic_gather %add3A_365[%gather3A_379] in [0] : vector<16xi32>, vector<16xi32> -> vector<16xi32>
        %jit3A_381 = arith.constant 0 : i32
        %broadcast_in_dim3A_382 = vector.broadcast %jit3A_381 : i32 to vector<16xi32>
        %select_n3A_383 = arith.select %lt3A_371, %gather3A_380, %broadcast_in_dim3A_382 : vector<16xi1>, vector<16xi32>
        %add3A_384 = arith.addi %add3A_365, %select_n3A_383 : vector<16xi32>
        %add3A_385 = arith.addi %scan3A_297, %add3A_384 : vector<16xi32>
        %ge3A = arith.cmpi sge, %add3A_385, %select_n3A : vector<16xi32>
        %convert_element_type3A_386 = arith.extui %ge3A : vector<16xi1> to vector<16xi32>
        %mul3A_387 = arith.muli %iota3A, %convert_element_type3A_386 : vector<16xi32>
        %sub3A_388 = arith.constant 1 : i32
        %sub3A_389 = vector.broadcast %sub3A_388 : i32 to vector<16xi32>
        %sub3A_390 = arith.subi %convert_element_type3A_386, %sub3A_389 : vector<16xi32>
        %add3A_391 = arith.addi %mul3A_387, %sub3A_390 : vector<16xi32>
        %add3A_392 = arith.constant 1 : i32
        %add3A_393 = vector.broadcast %add3A_392 : i32 to vector<16xi32>
        %add3A_394 = arith.addi %iota3A, %add3A_393 : vector<16xi32>
        %and3A_395 = arith.constant 15 : i32
        %and3A_396 = vector.broadcast %and3A_395 : i32 to vector<16xi32>
        %and3A_397 = arith.andi %add3A_394, %and3A_396 : vector<16xi32>
        %broadcast_in_dim3A_398 = vector.shape_cast %and3A_397 : vector<16xi32> to vector<16x1xi32>
        %gather3A_399 = vector.shape_cast %broadcast_in_dim3A_398 : vector<16x1xi32> to vector<16xi32>
        %gather3A_400 = tpu.dynamic_gather %add3A_391[%gather3A_399] in [0] : vector<16xi32>, vector<16xi32> -> vector<16xi32>
        %max3A_401 = arith.maxsi %add3A_391, %gather3A_400 : vector<16xi32>
        %add3A_402 = arith.constant 2 : i32
        %add3A_403 = vector.broadcast %add3A_402 : i32 to vector<16xi32>
        %add3A_404 = arith.addi %iota3A, %add3A_403 : vector<16xi32>
        %and3A_405 = arith.constant 15 : i32
        %and3A_406 = vector.broadcast %and3A_405 : i32 to vector<16xi32>
        %and3A_407 = arith.andi %add3A_404, %and3A_406 : vector<16xi32>
        %broadcast_in_dim3A_408 = vector.shape_cast %and3A_407 : vector<16xi32> to vector<16x1xi32>
        %gather3A_409 = vector.shape_cast %broadcast_in_dim3A_408 : vector<16x1xi32> to vector<16xi32>
        %gather3A_410 = tpu.dynamic_gather %max3A_401[%gather3A_409] in [0] : vector<16xi32>, vector<16xi32> -> vector<16xi32>
        %max3A_411 = arith.maxsi %max3A_401, %gather3A_410 : vector<16xi32>
        %add3A_412 = arith.constant 4 : i32
        %add3A_413 = vector.broadcast %add3A_412 : i32 to vector<16xi32>
        %add3A_414 = arith.addi %iota3A, %add3A_413 : vector<16xi32>
        %and3A_415 = arith.constant 15 : i32
        %and3A_416 = vector.broadcast %and3A_415 : i32 to vector<16xi32>
        %and3A_417 = arith.andi %add3A_414, %and3A_416 : vector<16xi32>
        %broadcast_in_dim3A_418 = vector.shape_cast %and3A_417 : vector<16xi32> to vector<16x1xi32>
        %gather3A_419 = vector.shape_cast %broadcast_in_dim3A_418 : vector<16x1xi32> to vector<16xi32>
        %gather3A_420 = tpu.dynamic_gather %max3A_411[%gather3A_419] in [0] : vector<16xi32>, vector<16xi32> -> vector<16xi32>
        %max3A_421 = arith.maxsi %max3A_411, %gather3A_420 : vector<16xi32>
        %add3A_422 = arith.constant 8 : i32
        %add3A_423 = vector.broadcast %add3A_422 : i32 to vector<16xi32>
        %add3A_424 = arith.addi %iota3A, %add3A_423 : vector<16xi32>
        %and3A_425 = arith.constant 15 : i32
        %and3A_426 = vector.broadcast %and3A_425 : i32 to vector<16xi32>
        %and3A_427 = arith.andi %add3A_424, %and3A_426 : vector<16xi32>
        %broadcast_in_dim3A_428 = vector.shape_cast %and3A_427 : vector<16xi32> to vector<16x1xi32>
        %gather3A_429 = vector.shape_cast %broadcast_in_dim3A_428 : vector<16x1xi32> to vector<16xi32>
        %gather3A_430 = tpu.dynamic_gather %max3A_421[%gather3A_429] in [0] : vector<16xi32>, vector<16xi32> -> vector<16xi32>
        %max3A_431 = arith.maxsi %max3A_421, %gather3A_430 : vector<16xi32>
        %lt3A_432 = arith.constant 0 : i32
        %lt3A_433 = vector.broadcast %lt3A_432 : i32 to vector<16xi32>
        %lt3A_434 = arith.cmpi slt, %scan3A_296, %lt3A_433 : vector<16xi32>
        %ge3A_435 = arith.constant 0 : i32
        %ge3A_436 = vector.broadcast %ge3A_435 : i32 to vector<16xi32>
        %ge3A_437 = arith.cmpi sge, %max3A_431, %ge3A_436 : vector<16xi32>
        %and3A_438 = arith.andi %lt3A_434, %ge3A_437 : vector<16xi1>
        %gt3A_439 = arith.cmpi sgt, %iota3A, %max3A_431 : vector<16xi32>
        %convert_element_type3A_440 = arith.extui %gt3A_439 : vector<16xi1> to vector<16xi32>
        %mul3A_441 = arith.muli %get3A_304, %convert_element_type3A_440 : vector<16xi32>
        %add3A_442 = arith.constant 1 : i32
        %add3A_443 = vector.broadcast %add3A_442 : i32 to vector<16xi32>
        %add3A_444 = arith.addi %iota3A, %add3A_443 : vector<16xi32>
        %and3A_445 = arith.constant 15 : i32
        %and3A_446 = vector.broadcast %and3A_445 : i32 to vector<16xi32>
        %and3A_447 = arith.andi %add3A_444, %and3A_446 : vector<16xi32>
        %broadcast_in_dim3A_448 = vector.shape_cast %and3A_447 : vector<16xi32> to vector<16x1xi32>
        %gather3A_449 = vector.shape_cast %broadcast_in_dim3A_448 : vector<16x1xi32> to vector<16xi32>
        %gather3A_450 = tpu.dynamic_gather %mul3A_441[%gather3A_449] in [0] : vector<16xi32>, vector<16xi32> -> vector<16xi32>
        %add3A_451 = arith.addi %mul3A_441, %gather3A_450 : vector<16xi32>
        %add3A_452 = arith.constant 2 : i32
        %add3A_453 = vector.broadcast %add3A_452 : i32 to vector<16xi32>
        %add3A_454 = arith.addi %iota3A, %add3A_453 : vector<16xi32>
        %and3A_455 = arith.constant 15 : i32
        %and3A_456 = vector.broadcast %and3A_455 : i32 to vector<16xi32>
        %and3A_457 = arith.andi %add3A_454, %and3A_456 : vector<16xi32>
        %broadcast_in_dim3A_458 = vector.shape_cast %and3A_457 : vector<16xi32> to vector<16x1xi32>
        %gather3A_459 = vector.shape_cast %broadcast_in_dim3A_458 : vector<16x1xi32> to vector<16xi32>
        %gather3A_460 = tpu.dynamic_gather %add3A_451[%gather3A_459] in [0] : vector<16xi32>, vector<16xi32> -> vector<16xi32>
        %add3A_461 = arith.addi %add3A_451, %gather3A_460 : vector<16xi32>
        %add3A_462 = arith.constant 4 : i32
        %add3A_463 = vector.broadcast %add3A_462 : i32 to vector<16xi32>
        %add3A_464 = arith.addi %iota3A, %add3A_463 : vector<16xi32>
        %and3A_465 = arith.constant 15 : i32
        %and3A_466 = vector.broadcast %and3A_465 : i32 to vector<16xi32>
        %and3A_467 = arith.andi %add3A_464, %and3A_466 : vector<16xi32>
        %broadcast_in_dim3A_468 = vector.shape_cast %and3A_467 : vector<16xi32> to vector<16x1xi32>
        %gather3A_469 = vector.shape_cast %broadcast_in_dim3A_468 : vector<16x1xi32> to vector<16xi32>
        %gather3A_470 = tpu.dynamic_gather %add3A_461[%gather3A_469] in [0] : vector<16xi32>, vector<16xi32> -> vector<16xi32>
        %add3A_471 = arith.addi %add3A_461, %gather3A_470 : vector<16xi32>
        %add3A_472 = arith.constant 8 : i32
        %add3A_473 = vector.broadcast %add3A_472 : i32 to vector<16xi32>
        %add3A_474 = arith.addi %iota3A, %add3A_473 : vector<16xi32>
        %and3A_475 = arith.constant 15 : i32
        %and3A_476 = vector.broadcast %and3A_475 : i32 to vector<16xi32>
        %and3A_477 = arith.andi %add3A_474, %and3A_476 : vector<16xi32>
        %broadcast_in_dim3A_478 = vector.shape_cast %and3A_477 : vector<16xi32> to vector<16x1xi32>
        %gather3A_479 = vector.shape_cast %broadcast_in_dim3A_478 : vector<16x1xi32> to vector<16xi32>
        %gather3A_480 = tpu.dynamic_gather %add3A_471[%gather3A_479] in [0] : vector<16xi32>, vector<16xi32> -> vector<16xi32>
        %add3A_481 = arith.addi %add3A_471, %gather3A_480 : vector<16xi32>
        %convert_element_type3A_482 = arith.sitofp %convert_element_type3A_440 : vector<16xi32> to vector<16xf32>
        %mul3A_483 = arith.mulf %get3A_308, %convert_element_type3A_482 : vector<16xf32>
        %add3A_484 = arith.constant 1 : i32
        %add3A_485 = vector.broadcast %add3A_484 : i32 to vector<16xi32>
        %add3A_486 = arith.addi %iota3A, %add3A_485 : vector<16xi32>
        %and3A_487 = arith.constant 15 : i32
        %and3A_488 = vector.broadcast %and3A_487 : i32 to vector<16xi32>
        %and3A_489 = arith.andi %add3A_486, %and3A_488 : vector<16xi32>
        %broadcast_in_dim3A_490 = vector.shape_cast %and3A_489 : vector<16xi32> to vector<16x1xi32>
        %gather3A_491 = vector.shape_cast %broadcast_in_dim3A_490 : vector<16x1xi32> to vector<16xi32>
        %gather3A_492 = tpu.dynamic_gather %mul3A_483[%gather3A_491] in [0] : vector<16xf32>, vector<16xi32> -> vector<16xf32>
        %add3A_493 = arith.addf %mul3A_483, %gather3A_492 : vector<16xf32>
        %add3A_494 = arith.constant 2 : i32
        %add3A_495 = vector.broadcast %add3A_494 : i32 to vector<16xi32>
        %add3A_496 = arith.addi %iota3A, %add3A_495 : vector<16xi32>
        %and3A_497 = arith.constant 15 : i32
        %and3A_498 = vector.broadcast %and3A_497 : i32 to vector<16xi32>
        %and3A_499 = arith.andi %add3A_496, %and3A_498 : vector<16xi32>
        %broadcast_in_dim3A_500 = vector.shape_cast %and3A_499 : vector<16xi32> to vector<16x1xi32>
        %gather3A_501 = vector.shape_cast %broadcast_in_dim3A_500 : vector<16x1xi32> to vector<16xi32>
        %gather3A_502 = tpu.dynamic_gather %add3A_493[%gather3A_501] in [0] : vector<16xf32>, vector<16xi32> -> vector<16xf32>
        %add3A_503 = arith.addf %add3A_493, %gather3A_502 : vector<16xf32>
        %add3A_504 = arith.constant 4 : i32
        %add3A_505 = vector.broadcast %add3A_504 : i32 to vector<16xi32>
        %add3A_506 = arith.addi %iota3A, %add3A_505 : vector<16xi32>
        %and3A_507 = arith.constant 15 : i32
        %and3A_508 = vector.broadcast %and3A_507 : i32 to vector<16xi32>
        %and3A_509 = arith.andi %add3A_506, %and3A_508 : vector<16xi32>
        %broadcast_in_dim3A_510 = vector.shape_cast %and3A_509 : vector<16xi32> to vector<16x1xi32>
        %gather3A_511 = vector.shape_cast %broadcast_in_dim3A_510 : vector<16x1xi32> to vector<16xi32>
        %gather3A_512 = tpu.dynamic_gather %add3A_503[%gather3A_511] in [0] : vector<16xf32>, vector<16xi32> -> vector<16xf32>
        %add3A_513 = arith.addf %add3A_503, %gather3A_512 : vector<16xf32>
        %add3A_514 = arith.constant 8 : i32
        %add3A_515 = vector.broadcast %add3A_514 : i32 to vector<16xi32>
        %add3A_516 = arith.addi %iota3A, %add3A_515 : vector<16xi32>
        %and3A_517 = arith.constant 15 : i32
        %and3A_518 = vector.broadcast %and3A_517 : i32 to vector<16xi32>
        %and3A_519 = arith.andi %add3A_516, %and3A_518 : vector<16xi32>
        %broadcast_in_dim3A_520 = vector.shape_cast %and3A_519 : vector<16xi32> to vector<16x1xi32>
        %gather3A_521 = vector.shape_cast %broadcast_in_dim3A_520 : vector<16x1xi32> to vector<16xi32>
        %gather3A_522 = tpu.dynamic_gather %add3A_513[%gather3A_521] in [0] : vector<16xf32>, vector<16xi32> -> vector<16xf32>
        %add3A_523 = arith.addf %add3A_513, %gather3A_522 : vector<16xf32>
        %add3A_524 = arith.constant 1 : i32
        %add3A_525 = vector.broadcast %add3A_524 : i32 to vector<16xi32>
        %add3A_526 = arith.addi %iota3A, %add3A_525 : vector<16xi32>
        %and3A_527 = arith.constant 15 : i32
        %and3A_528 = vector.broadcast %and3A_527 : i32 to vector<16xi32>
        %and3A_529 = arith.andi %add3A_526, %and3A_528 : vector<16xi32>
        %broadcast_in_dim3A_530 = vector.shape_cast %and3A_529 : vector<16xi32> to vector<16x1xi32>
        %gather3A_531 = vector.shape_cast %broadcast_in_dim3A_530 : vector<16x1xi32> to vector<16xi32>
        %gather3A_532 = tpu.dynamic_gather %get3A_304[%gather3A_531] in [0] : vector<16xi32>, vector<16xi32> -> vector<16xi32>
        %add3A_533 = arith.addi %get3A_304, %gather3A_532 : vector<16xi32>
        %add3A_534 = arith.constant 2 : i32
        %add3A_535 = vector.broadcast %add3A_534 : i32 to vector<16xi32>
        %add3A_536 = arith.addi %iota3A, %add3A_535 : vector<16xi32>
        %and3A_537 = arith.constant 15 : i32
        %and3A_538 = vector.broadcast %and3A_537 : i32 to vector<16xi32>
        %and3A_539 = arith.andi %add3A_536, %and3A_538 : vector<16xi32>
        %broadcast_in_dim3A_540 = vector.shape_cast %and3A_539 : vector<16xi32> to vector<16x1xi32>
        %gather3A_541 = vector.shape_cast %broadcast_in_dim3A_540 : vector<16x1xi32> to vector<16xi32>
        %gather3A_542 = tpu.dynamic_gather %add3A_533[%gather3A_541] in [0] : vector<16xi32>, vector<16xi32> -> vector<16xi32>
        %add3A_543 = arith.addi %add3A_533, %gather3A_542 : vector<16xi32>
        %add3A_544 = arith.constant 4 : i32
        %add3A_545 = vector.broadcast %add3A_544 : i32 to vector<16xi32>
        %add3A_546 = arith.addi %iota3A, %add3A_545 : vector<16xi32>
        %and3A_547 = arith.constant 15 : i32
        %and3A_548 = vector.broadcast %and3A_547 : i32 to vector<16xi32>
        %and3A_549 = arith.andi %add3A_546, %and3A_548 : vector<16xi32>
        %broadcast_in_dim3A_550 = vector.shape_cast %and3A_549 : vector<16xi32> to vector<16x1xi32>
        %gather3A_551 = vector.shape_cast %broadcast_in_dim3A_550 : vector<16x1xi32> to vector<16xi32>
        %gather3A_552 = tpu.dynamic_gather %add3A_543[%gather3A_551] in [0] : vector<16xi32>, vector<16xi32> -> vector<16xi32>
        %add3A_553 = arith.addi %add3A_543, %gather3A_552 : vector<16xi32>
        %add3A_554 = arith.constant 8 : i32
        %add3A_555 = vector.broadcast %add3A_554 : i32 to vector<16xi32>
        %add3A_556 = arith.addi %iota3A, %add3A_555 : vector<16xi32>
        %and3A_557 = arith.constant 15 : i32
        %and3A_558 = vector.broadcast %and3A_557 : i32 to vector<16xi32>
        %and3A_559 = arith.andi %add3A_556, %and3A_558 : vector<16xi32>
        %broadcast_in_dim3A_560 = vector.shape_cast %and3A_559 : vector<16xi32> to vector<16x1xi32>
        %gather3A_561 = vector.shape_cast %broadcast_in_dim3A_560 : vector<16x1xi32> to vector<16xi32>
        %gather3A_562 = tpu.dynamic_gather %add3A_553[%gather3A_561] in [0] : vector<16xi32>, vector<16xi32> -> vector<16xi32>
        %add3A_563 = arith.addi %add3A_553, %gather3A_562 : vector<16xi32>
        %add3A_564 = arith.constant 1 : i32
        %add3A_565 = vector.broadcast %add3A_564 : i32 to vector<16xi32>
        %add3A_566 = arith.addi %iota3A, %add3A_565 : vector<16xi32>
        %and3A_567 = arith.constant 15 : i32
        %and3A_568 = vector.broadcast %and3A_567 : i32 to vector<16xi32>
        %and3A_569 = arith.andi %add3A_566, %and3A_568 : vector<16xi32>
        %broadcast_in_dim3A_570 = vector.shape_cast %and3A_569 : vector<16xi32> to vector<16x1xi32>
        %gather3A_571 = vector.shape_cast %broadcast_in_dim3A_570 : vector<16x1xi32> to vector<16xi32>
        %gather3A_572 = tpu.dynamic_gather %get3A_308[%gather3A_571] in [0] : vector<16xf32>, vector<16xi32> -> vector<16xf32>
        %add3A_573 = arith.addf %get3A_308, %gather3A_572 : vector<16xf32>
        %add3A_574 = arith.constant 2 : i32
        %add3A_575 = vector.broadcast %add3A_574 : i32 to vector<16xi32>
        %add3A_576 = arith.addi %iota3A, %add3A_575 : vector<16xi32>
        %and3A_577 = arith.constant 15 : i32
        %and3A_578 = vector.broadcast %and3A_577 : i32 to vector<16xi32>
        %and3A_579 = arith.andi %add3A_576, %and3A_578 : vector<16xi32>
        %broadcast_in_dim3A_580 = vector.shape_cast %and3A_579 : vector<16xi32> to vector<16x1xi32>
        %gather3A_581 = vector.shape_cast %broadcast_in_dim3A_580 : vector<16x1xi32> to vector<16xi32>
        %gather3A_582 = tpu.dynamic_gather %add3A_573[%gather3A_581] in [0] : vector<16xf32>, vector<16xi32> -> vector<16xf32>
        %add3A_583 = arith.addf %add3A_573, %gather3A_582 : vector<16xf32>
        %add3A_584 = arith.constant 4 : i32
        %add3A_585 = vector.broadcast %add3A_584 : i32 to vector<16xi32>
        %add3A_586 = arith.addi %iota3A, %add3A_585 : vector<16xi32>
        %and3A_587 = arith.constant 15 : i32
        %and3A_588 = vector.broadcast %and3A_587 : i32 to vector<16xi32>
        %and3A_589 = arith.andi %add3A_586, %and3A_588 : vector<16xi32>
        %broadcast_in_dim3A_590 = vector.shape_cast %and3A_589 : vector<16xi32> to vector<16x1xi32>
        %gather3A_591 = vector.shape_cast %broadcast_in_dim3A_590 : vector<16x1xi32> to vector<16xi32>
        %gather3A_592 = tpu.dynamic_gather %add3A_583[%gather3A_591] in [0] : vector<16xf32>, vector<16xi32> -> vector<16xf32>
        %add3A_593 = arith.addf %add3A_583, %gather3A_592 : vector<16xf32>
        %add3A_594 = arith.constant 8 : i32
        %add3A_595 = vector.broadcast %add3A_594 : i32 to vector<16xi32>
        %add3A_596 = arith.addi %iota3A, %add3A_595 : vector<16xi32>
        %and3A_597 = arith.constant 15 : i32
        %and3A_598 = vector.broadcast %and3A_597 : i32 to vector<16xi32>
        %and3A_599 = arith.andi %add3A_596, %and3A_598 : vector<16xi32>
        %broadcast_in_dim3A_600 = vector.shape_cast %and3A_599 : vector<16xi32> to vector<16x1xi32>
        %gather3A_601 = vector.shape_cast %broadcast_in_dim3A_600 : vector<16x1xi32> to vector<16xi32>
        %gather3A_602 = tpu.dynamic_gather %add3A_593[%gather3A_601] in [0] : vector<16xf32>, vector<16xi32> -> vector<16xf32>
        %add3A_603 = arith.addf %add3A_593, %gather3A_602 : vector<16xf32>
        %add3A_604 = arith.addi %scan3A_297, %add3A_481 : vector<16xi32>
        %add3A_605 = arith.addi %scan3A_297, %add3A_563 : vector<16xi32>
        %select_n3A_606 = arith.select %lt3A_434, %add3A_605, %scan3A_297 : vector<16xi1>, vector<16xi32>
        %select_n3A_607 = arith.select %and3A_438, %add3A_604, %select_n3A_606 : vector<16xi1>, vector<16xi32>
        %add3A_608 = arith.addf %scan3A_298, %add3A_523 : vector<16xf32>
        %add3A_609 = arith.addf %scan3A_298, %add3A_603 : vector<16xf32>
        %select_n3A_610 = arith.select %lt3A_434, %add3A_609, %scan3A_298 : vector<16xi1>, vector<16xf32>
        %select_n3A_611 = arith.select %and3A_438, %add3A_608, %select_n3A_610 : vector<16xi1>, vector<16xf32>
        %mul3A_612 = arith.constant 16 : i32
        %mul3A_613 = arith.muli %sub3A_300, %mul3A_612 : i32
        %add3A_614 = vector.broadcast %mul3A_613 : i32 to vector<16xi32>
        %add3A_615 = arith.addi %add3A_614, %max3A_431 : vector<16xi32>
        %select_n3A_616 = arith.select %and3A_438, %add3A_615, %scan3A_296 : vector<16xi1>, vector<16xi32>
        scf.yield %select_n3A_616, %select_n3A_607, %select_n3A_611 : vector<16xi32>, vector<16xi32>, vector<16xf32>
      }
      %scan3A_214 = arith.constant 16 : i32
      %mul3A_215 = arith.constant 256 : i32
      %mul3A_216 = vector.broadcast %mul3A_215 : i32 to vector<16xi32>
      %mul3A_217 = arith.muli %add3A_187, %mul3A_216 : vector<16xi32>
      %add3A_218 = arith.addi %mul3A_217, %scan3A_213#0 : vector<16xi32>
      %scan3A_219 = arith.constant 0 : i32
      %scan3A_220 = arith.constant 0 : i32
      %scan3A_221 = arith.constant 128 : i32
      %scan3A_222 = arith.addi %scan3A_220, %scan3A_221 : i32
      %scan3A_223 = arith.constant 1 : i32
      scf.for %scan3A_295 = %scan3A_220 to %scan3A_222 step %scan3A_223  : i32 {
        %mul3A_296 = arith.constant 16 : i32
        %mul3A_297 = arith.muli %scan3A_295, %mul3A_296 : i32
        %swap3A_298 = arith.index_cast %mul3A_297 : i32 to index
        %swap3A_299 = tpu.vector_load %arg6[%swap3A_298] {strides = array<i32>} : memref<4096xi32, #tpu.memory_space<vmem>>, vector<16xi32>,
        tpu.vector_store %arg6[%swap3A_298], %broadcast_in_dim3A_2 {strides = array<i32>} : memref<4096xi32, #tpu.memory_space<vmem>>, vector<16xi32>,
        %mul3A_300 = arith.constant 16 : i32
        %mul3A_301 = arith.muli %scan3A_295, %mul3A_300 : i32
        %swap3A_302 = arith.index_cast %mul3A_301 : i32 to index
        %swap3A_303 = tpu.vector_load %arg7[%swap3A_302] {strides = array<i32>} : memref<4096xf32, #tpu.memory_space<vmem>>, vector<16xf32>,
        tpu.vector_store %arg7[%swap3A_302], %broadcast_in_dim3A_4 {strides = array<i32>} : memref<4096xf32, #tpu.memory_space<vmem>>, vector<16xf32>,
      }
      %scan3A_224 = arith.constant 128 : i32
      %scan3A_225 = arith.constant 0 : i32
      %scan3A_226 = arith.constant 0 : i32
      %scan3A_227 = arith.constant 1024 : i32
      %scan3A_228 = arith.addi %scan3A_226, %scan3A_227 : i32
      %scan3A_229 = arith.constant 1 : i32
      scf.for %scan3A_295 = %scan3A_226 to %scan3A_228 step %scan3A_229  : i32 {
        %mul3A_296 = arith.constant 16 : i32
        %mul3A_297 = arith.muli %scan3A_295, %mul3A_296 : i32
        %get3A_298 = arith.index_cast %mul3A_297 : i32 to index
        %get3A_299 = tpu.vector_load %arg5[%get3A_298] {strides = array<i32>} : memref<16384xf32, #tpu.memory_space<vmem>>, vector<16xf32>,
        %bitcast_convert_type3A_300 = tpu.bitcast %get3A_299 : vector<16xf32> -> vector<16xi32>
        %ge3A = arith.constant 0.000000e+00 : f32
        %ge3A_301 = vector.broadcast %ge3A : f32 to vector<16xf32>
        %ge3A_302 = arith.cmpf oge, %get3A_299, %ge3A_301 : vector<16xf32>
        %shift_right_logical3A = arith.constant 7 : i32
        %shift_right_logical3A_303 = vector.broadcast %shift_right_logical3A : i32 to vector<16xi32>
        %shift_right_logical3A_304 = arith.shrui %bitcast_convert_type3A_300, %shift_right_logical3A_303 : vector<16xi32>
        %eq3A_305 = arith.cmpi eq, %shift_right_logical3A_304, %add3A_218 : vector<16xi32>
        %and3A_306 = arith.andi %ge3A_302, %eq3A_305 : vector<16xi1>
        %shift_right_logical3A_307 = arith.constant 0 : i32
        %shift_right_logical3A_308 = vector.broadcast %shift_right_logical3A_307 : i32 to vector<16xi32>
        %shift_right_logical3A_309 = arith.shrui %bitcast_convert_type3A_300, %shift_right_logical3A_308 : vector<16xi32>
        %and3A_310 = arith.constant 127 : i32
        %and3A_311 = vector.broadcast %and3A_310 : i32 to vector<16xi32>
        %and3A_312 = arith.andi %shift_right_logical3A_309, %and3A_311 : vector<16xi32>
        %mul3A_313 = arith.constant 16 : i32
        %mul3A_314 = vector.broadcast %mul3A_313 : i32 to vector<16xi32>
        %mul3A_315 = arith.muli %and3A_312, %mul3A_314 : vector<16xi32>
        %add3A_316 = arith.addi %mul3A_315, %iota3A : vector<16xi32>
        tpu.vector_store_idx %arg6[%add3A_316], %add3A_35 masked %and3A_306 {add = true} : memref<4096xi32, #tpu.memory_space<vmem>>[vector<16xi32>], vector<16xi32>, vector<16xi1>
        tpu.vector_store_idx %arg7[%add3A_316], %get3A_299 masked %and3A_306 {add = true} : memref<4096xf32, #tpu.memory_space<vmem>>[vector<16xi32>], vector<16xf32>, vector<16xi1>
      }
      %scan3A_230 = arith.constant 1024 : i32
      %scan3A_231 = arith.constant 0 : i32
      %scan3A_232 = arith.constant 0 : i32
      %scan3A_233 = arith.constant 8 : i32
      %scan3A_234 = arith.addi %scan3A_232, %scan3A_233 : i32
      %scan3A_235 = arith.constant 1 : i32
      scf.for %scan3A_295 = %scan3A_232 to %scan3A_234 step %scan3A_235  : i32 {
        %mul3A_296 = arith.constant 16 : i32
        %mul3A_297 = arith.muli %scan3A_295, %mul3A_296 : i32
        %add3A_298 = vector.broadcast %mul3A_297 : i32 to vector<16xi32>
        %add3A_299 = arith.addi %add3A_298, %iota3A : vector<16xi32>
        %mul3A_300 = arith.constant 16 : i32
        %mul3A_301 = vector.broadcast %mul3A_300 : i32 to vector<16xi32>
        %mul3A_302 = arith.muli %add3A_299, %mul3A_301 : vector<16xi32>
        %add3A_303 = arith.constant 0 : i32
        %add3A_304 = vector.broadcast %add3A_303 : i32 to vector<16xi32>
        %add3A_305 = arith.addi %mul3A_302, %add3A_304 : vector<16xi32>
        %gather3A_306 = tpu.vector_load_idx %arg6[%add3A_305] : memref<4096xi32, #tpu.memory_space<vmem>>[vector<16xi32>], vector<16xi32>,
        %add3A_307 = arith.addi %broadcast_in_dim3A_2, %gather3A_306 : vector<16xi32>
        %gather3A_308 = tpu.vector_load_idx %arg7[%add3A_305] : memref<4096xf32, #tpu.memory_space<vmem>>[vector<16xi32>], vector<16xf32>,
        %add3A_309 = arith.addf %broadcast_in_dim3A_4, %gather3A_308 : vector<16xf32>
        %mul3A_310 = arith.constant 16 : i32
        %mul3A_311 = arith.muli %scan3A_295, %mul3A_310 : i32
        %add3A_312 = vector.broadcast %mul3A_311 : i32 to vector<16xi32>
        %add3A_313 = arith.addi %add3A_312, %iota3A : vector<16xi32>
        %mul3A_314 = arith.constant 16 : i32
        %mul3A_315 = vector.broadcast %mul3A_314 : i32 to vector<16xi32>
        %mul3A_316 = arith.muli %add3A_313, %mul3A_315 : vector<16xi32>
        %add3A_317 = arith.constant 1 : i32
        %add3A_318 = vector.broadcast %add3A_317 : i32 to vector<16xi32>
        %add3A_319 = arith.addi %mul3A_316, %add3A_318 : vector<16xi32>
        %gather3A_320 = tpu.vector_load_idx %arg6[%add3A_319] : memref<4096xi32, #tpu.memory_space<vmem>>[vector<16xi32>], vector<16xi32>,
        %add3A_321 = arith.addi %add3A_307, %gather3A_320 : vector<16xi32>
        %gather3A_322 = tpu.vector_load_idx %arg7[%add3A_319] : memref<4096xf32, #tpu.memory_space<vmem>>[vector<16xi32>], vector<16xf32>,
        %add3A_323 = arith.addf %add3A_309, %gather3A_322 : vector<16xf32>
        %mul3A_324 = arith.constant 16 : i32
        %mul3A_325 = arith.muli %scan3A_295, %mul3A_324 : i32
        %add3A_326 = vector.broadcast %mul3A_325 : i32 to vector<16xi32>
        %add3A_327 = arith.addi %add3A_326, %iota3A : vector<16xi32>
        %mul3A_328 = arith.constant 16 : i32
        %mul3A_329 = vector.broadcast %mul3A_328 : i32 to vector<16xi32>
        %mul3A_330 = arith.muli %add3A_327, %mul3A_329 : vector<16xi32>
        %add3A_331 = arith.constant 2 : i32
        %add3A_332 = vector.broadcast %add3A_331 : i32 to vector<16xi32>
        %add3A_333 = arith.addi %mul3A_330, %add3A_332 : vector<16xi32>
        %gather3A_334 = tpu.vector_load_idx %arg6[%add3A_333] : memref<4096xi32, #tpu.memory_space<vmem>>[vector<16xi32>], vector<16xi32>,
        %add3A_335 = arith.addi %add3A_321, %gather3A_334 : vector<16xi32>
        %gather3A_336 = tpu.vector_load_idx %arg7[%add3A_333] : memref<4096xf32, #tpu.memory_space<vmem>>[vector<16xi32>], vector<16xf32>,
        %add3A_337 = arith.addf %add3A_323, %gather3A_336 : vector<16xf32>
        %mul3A_338 = arith.constant 16 : i32
        %mul3A_339 = arith.muli %scan3A_295, %mul3A_338 : i32
        %add3A_340 = vector.broadcast %mul3A_339 : i32 to vector<16xi32>
        %add3A_341 = arith.addi %add3A_340, %iota3A : vector<16xi32>
        %mul3A_342 = arith.constant 16 : i32
        %mul3A_343 = vector.broadcast %mul3A_342 : i32 to vector<16xi32>
        %mul3A_344 = arith.muli %add3A_341, %mul3A_343 : vector<16xi32>
        %add3A_345 = arith.constant 3 : i32
        %add3A_346 = vector.broadcast %add3A_345 : i32 to vector<16xi32>
        %add3A_347 = arith.addi %mul3A_344, %add3A_346 : vector<16xi32>
        %gather3A_348 = tpu.vector_load_idx %arg6[%add3A_347] : memref<4096xi32, #tpu.memory_space<vmem>>[vector<16xi32>], vector<16xi32>,
        %add3A_349 = arith.addi %add3A_335, %gather3A_348 : vector<16xi32>
        %gather3A_350 = tpu.vector_load_idx %arg7[%add3A_347] : memref<4096xf32, #tpu.memory_space<vmem>>[vector<16xi32>], vector<16xf32>,
        %add3A_351 = arith.addf %add3A_337, %gather3A_350 : vector<16xf32>
        %mul3A_352 = arith.constant 16 : i32
        %mul3A_353 = arith.muli %scan3A_295, %mul3A_352 : i32
        %add3A_354 = vector.broadcast %mul3A_353 : i32 to vector<16xi32>
        %add3A_355 = arith.addi %add3A_354, %iota3A : vector<16xi32>
        %mul3A_356 = arith.constant 16 : i32
        %mul3A_357 = vector.broadcast %mul3A_356 : i32 to vector<16xi32>
        %mul3A_358 = arith.muli %add3A_355, %mul3A_357 : vector<16xi32>
        %add3A_359 = arith.constant 4 : i32
        %add3A_360 = vector.broadcast %add3A_359 : i32 to vector<16xi32>
        %add3A_361 = arith.addi %mul3A_358, %add3A_360 : vector<16xi32>
        %gather3A_362 = tpu.vector_load_idx %arg6[%add3A_361] : memref<4096xi32, #tpu.memory_space<vmem>>[vector<16xi32>], vector<16xi32>,
        %add3A_363 = arith.addi %add3A_349, %gather3A_362 : vector<16xi32>
        %gather3A_364 = tpu.vector_load_idx %arg7[%add3A_361] : memref<4096xf32, #tpu.memory_space<vmem>>[vector<16xi32>], vector<16xf32>,
        %add3A_365 = arith.addf %add3A_351, %gather3A_364 : vector<16xf32>
        %mul3A_366 = arith.constant 16 : i32
        %mul3A_367 = arith.muli %scan3A_295, %mul3A_366 : i32
        %add3A_368 = vector.broadcast %mul3A_367 : i32 to vector<16xi32>
        %add3A_369 = arith.addi %add3A_368, %iota3A : vector<16xi32>
        %mul3A_370 = arith.constant 16 : i32
        %mul3A_371 = vector.broadcast %mul3A_370 : i32 to vector<16xi32>
        %mul3A_372 = arith.muli %add3A_369, %mul3A_371 : vector<16xi32>
        %add3A_373 = arith.constant 5 : i32
        %add3A_374 = vector.broadcast %add3A_373 : i32 to vector<16xi32>
        %add3A_375 = arith.addi %mul3A_372, %add3A_374 : vector<16xi32>
        %gather3A_376 = tpu.vector_load_idx %arg6[%add3A_375] : memref<4096xi32, #tpu.memory_space<vmem>>[vector<16xi32>], vector<16xi32>,
        %add3A_377 = arith.addi %add3A_363, %gather3A_376 : vector<16xi32>
        %gather3A_378 = tpu.vector_load_idx %arg7[%add3A_375] : memref<4096xf32, #tpu.memory_space<vmem>>[vector<16xi32>], vector<16xf32>,
        %add3A_379 = arith.addf %add3A_365, %gather3A_378 : vector<16xf32>
        %mul3A_380 = arith.constant 16 : i32
        %mul3A_381 = arith.muli %scan3A_295, %mul3A_380 : i32
        %add3A_382 = vector.broadcast %mul3A_381 : i32 to vector<16xi32>
        %add3A_383 = arith.addi %add3A_382, %iota3A : vector<16xi32>
        %mul3A_384 = arith.constant 16 : i32
        %mul3A_385 = vector.broadcast %mul3A_384 : i32 to vector<16xi32>
        %mul3A_386 = arith.muli %add3A_383, %mul3A_385 : vector<16xi32>
        %add3A_387 = arith.constant 6 : i32
        %add3A_388 = vector.broadcast %add3A_387 : i32 to vector<16xi32>
        %add3A_389 = arith.addi %mul3A_386, %add3A_388 : vector<16xi32>
        %gather3A_390 = tpu.vector_load_idx %arg6[%add3A_389] : memref<4096xi32, #tpu.memory_space<vmem>>[vector<16xi32>], vector<16xi32>,
        %add3A_391 = arith.addi %add3A_377, %gather3A_390 : vector<16xi32>
        %gather3A_392 = tpu.vector_load_idx %arg7[%add3A_389] : memref<4096xf32, #tpu.memory_space<vmem>>[vector<16xi32>], vector<16xf32>,
        %add3A_393 = arith.addf %add3A_379, %gather3A_392 : vector<16xf32>
        %mul3A_394 = arith.constant 16 : i32
        %mul3A_395 = arith.muli %scan3A_295, %mul3A_394 : i32
        %add3A_396 = vector.broadcast %mul3A_395 : i32 to vector<16xi32>
        %add3A_397 = arith.addi %add3A_396, %iota3A : vector<16xi32>
        %mul3A_398 = arith.constant 16 : i32
        %mul3A_399 = vector.broadcast %mul3A_398 : i32 to vector<16xi32>
        %mul3A_400 = arith.muli %add3A_397, %mul3A_399 : vector<16xi32>
        %add3A_401 = arith.constant 7 : i32
        %add3A_402 = vector.broadcast %add3A_401 : i32 to vector<16xi32>
        %add3A_403 = arith.addi %mul3A_400, %add3A_402 : vector<16xi32>
        %gather3A_404 = tpu.vector_load_idx %arg6[%add3A_403] : memref<4096xi32, #tpu.memory_space<vmem>>[vector<16xi32>], vector<16xi32>,
        %add3A_405 = arith.addi %add3A_391, %gather3A_404 : vector<16xi32>
        %gather3A_406 = tpu.vector_load_idx %arg7[%add3A_403] : memref<4096xf32, #tpu.memory_space<vmem>>[vector<16xi32>], vector<16xf32>,
        %add3A_407 = arith.addf %add3A_393, %gather3A_406 : vector<16xf32>
        %mul3A_408 = arith.constant 16 : i32
        %mul3A_409 = arith.muli %scan3A_295, %mul3A_408 : i32
        %add3A_410 = vector.broadcast %mul3A_409 : i32 to vector<16xi32>
        %add3A_411 = arith.addi %add3A_410, %iota3A : vector<16xi32>
        %mul3A_412 = arith.constant 16 : i32
        %mul3A_413 = vector.broadcast %mul3A_412 : i32 to vector<16xi32>
        %mul3A_414 = arith.muli %add3A_411, %mul3A_413 : vector<16xi32>
        %add3A_415 = arith.constant 8 : i32
        %add3A_416 = vector.broadcast %add3A_415 : i32 to vector<16xi32>
        %add3A_417 = arith.addi %mul3A_414, %add3A_416 : vector<16xi32>
        %gather3A_418 = tpu.vector_load_idx %arg6[%add3A_417] : memref<4096xi32, #tpu.memory_space<vmem>>[vector<16xi32>], vector<16xi32>,
        %add3A_419 = arith.addi %add3A_405, %gather3A_418 : vector<16xi32>
        %gather3A_420 = tpu.vector_load_idx %arg7[%add3A_417] : memref<4096xf32, #tpu.memory_space<vmem>>[vector<16xi32>], vector<16xf32>,
        %add3A_421 = arith.addf %add3A_407, %gather3A_420 : vector<16xf32>
        %mul3A_422 = arith.constant 16 : i32
        %mul3A_423 = arith.muli %scan3A_295, %mul3A_422 : i32
        %add3A_424 = vector.broadcast %mul3A_423 : i32 to vector<16xi32>
        %add3A_425 = arith.addi %add3A_424, %iota3A : vector<16xi32>
        %mul3A_426 = arith.constant 16 : i32
        %mul3A_427 = vector.broadcast %mul3A_426 : i32 to vector<16xi32>
        %mul3A_428 = arith.muli %add3A_425, %mul3A_427 : vector<16xi32>
        %add3A_429 = arith.constant 9 : i32
        %add3A_430 = vector.broadcast %add3A_429 : i32 to vector<16xi32>
        %add3A_431 = arith.addi %mul3A_428, %add3A_430 : vector<16xi32>
        %gather3A_432 = tpu.vector_load_idx %arg6[%add3A_431] : memref<4096xi32, #tpu.memory_space<vmem>>[vector<16xi32>], vector<16xi32>,
        %add3A_433 = arith.addi %add3A_419, %gather3A_432 : vector<16xi32>
        %gather3A_434 = tpu.vector_load_idx %arg7[%add3A_431] : memref<4096xf32, #tpu.memory_space<vmem>>[vector<16xi32>], vector<16xf32>,
        %add3A_435 = arith.addf %add3A_421, %gather3A_434 : vector<16xf32>
        %mul3A_436 = arith.constant 16 : i32
        %mul3A_437 = arith.muli %scan3A_295, %mul3A_436 : i32
        %add3A_438 = vector.broadcast %mul3A_437 : i32 to vector<16xi32>
        %add3A_439 = arith.addi %add3A_438, %iota3A : vector<16xi32>
        %mul3A_440 = arith.constant 16 : i32
        %mul3A_441 = vector.broadcast %mul3A_440 : i32 to vector<16xi32>
        %mul3A_442 = arith.muli %add3A_439, %mul3A_441 : vector<16xi32>
        %add3A_443 = arith.constant 10 : i32
        %add3A_444 = vector.broadcast %add3A_443 : i32 to vector<16xi32>
        %add3A_445 = arith.addi %mul3A_442, %add3A_444 : vector<16xi32>
        %gather3A_446 = tpu.vector_load_idx %arg6[%add3A_445] : memref<4096xi32, #tpu.memory_space<vmem>>[vector<16xi32>], vector<16xi32>,
        %add3A_447 = arith.addi %add3A_433, %gather3A_446 : vector<16xi32>
        %gather3A_448 = tpu.vector_load_idx %arg7[%add3A_445] : memref<4096xf32, #tpu.memory_space<vmem>>[vector<16xi32>], vector<16xf32>,
        %add3A_449 = arith.addf %add3A_435, %gather3A_448 : vector<16xf32>
        %mul3A_450 = arith.constant 16 : i32
        %mul3A_451 = arith.muli %scan3A_295, %mul3A_450 : i32
        %add3A_452 = vector.broadcast %mul3A_451 : i32 to vector<16xi32>
        %add3A_453 = arith.addi %add3A_452, %iota3A : vector<16xi32>
        %mul3A_454 = arith.constant 16 : i32
        %mul3A_455 = vector.broadcast %mul3A_454 : i32 to vector<16xi32>
        %mul3A_456 = arith.muli %add3A_453, %mul3A_455 : vector<16xi32>
        %add3A_457 = arith.constant 11 : i32
        %add3A_458 = vector.broadcast %add3A_457 : i32 to vector<16xi32>
        %add3A_459 = arith.addi %mul3A_456, %add3A_458 : vector<16xi32>
        %gather3A_460 = tpu.vector_load_idx %arg6[%add3A_459] : memref<4096xi32, #tpu.memory_space<vmem>>[vector<16xi32>], vector<16xi32>,
        %add3A_461 = arith.addi %add3A_447, %gather3A_460 : vector<16xi32>
        %gather3A_462 = tpu.vector_load_idx %arg7[%add3A_459] : memref<4096xf32, #tpu.memory_space<vmem>>[vector<16xi32>], vector<16xf32>,
        %add3A_463 = arith.addf %add3A_449, %gather3A_462 : vector<16xf32>
        %mul3A_464 = arith.constant 16 : i32
        %mul3A_465 = arith.muli %scan3A_295, %mul3A_464 : i32
        %add3A_466 = vector.broadcast %mul3A_465 : i32 to vector<16xi32>
        %add3A_467 = arith.addi %add3A_466, %iota3A : vector<16xi32>
        %mul3A_468 = arith.constant 16 : i32
        %mul3A_469 = vector.broadcast %mul3A_468 : i32 to vector<16xi32>
        %mul3A_470 = arith.muli %add3A_467, %mul3A_469 : vector<16xi32>
        %add3A_471 = arith.constant 12 : i32
        %add3A_472 = vector.broadcast %add3A_471 : i32 to vector<16xi32>
        %add3A_473 = arith.addi %mul3A_470, %add3A_472 : vector<16xi32>
        %gather3A_474 = tpu.vector_load_idx %arg6[%add3A_473] : memref<4096xi32, #tpu.memory_space<vmem>>[vector<16xi32>], vector<16xi32>,
        %add3A_475 = arith.addi %add3A_461, %gather3A_474 : vector<16xi32>
        %gather3A_476 = tpu.vector_load_idx %arg7[%add3A_473] : memref<4096xf32, #tpu.memory_space<vmem>>[vector<16xi32>], vector<16xf32>,
        %add3A_477 = arith.addf %add3A_463, %gather3A_476 : vector<16xf32>
        %mul3A_478 = arith.constant 16 : i32
        %mul3A_479 = arith.muli %scan3A_295, %mul3A_478 : i32
        %add3A_480 = vector.broadcast %mul3A_479 : i32 to vector<16xi32>
        %add3A_481 = arith.addi %add3A_480, %iota3A : vector<16xi32>
        %mul3A_482 = arith.constant 16 : i32
        %mul3A_483 = vector.broadcast %mul3A_482 : i32 to vector<16xi32>
        %mul3A_484 = arith.muli %add3A_481, %mul3A_483 : vector<16xi32>
        %add3A_485 = arith.constant 13 : i32
        %add3A_486 = vector.broadcast %add3A_485 : i32 to vector<16xi32>
        %add3A_487 = arith.addi %mul3A_484, %add3A_486 : vector<16xi32>
        %gather3A_488 = tpu.vector_load_idx %arg6[%add3A_487] : memref<4096xi32, #tpu.memory_space<vmem>>[vector<16xi32>], vector<16xi32>,
        %add3A_489 = arith.addi %add3A_475, %gather3A_488 : vector<16xi32>
        %gather3A_490 = tpu.vector_load_idx %arg7[%add3A_487] : memref<4096xf32, #tpu.memory_space<vmem>>[vector<16xi32>], vector<16xf32>,
        %add3A_491 = arith.addf %add3A_477, %gather3A_490 : vector<16xf32>
        %mul3A_492 = arith.constant 16 : i32
        %mul3A_493 = arith.muli %scan3A_295, %mul3A_492 : i32
        %add3A_494 = vector.broadcast %mul3A_493 : i32 to vector<16xi32>
        %add3A_495 = arith.addi %add3A_494, %iota3A : vector<16xi32>
        %mul3A_496 = arith.constant 16 : i32
        %mul3A_497 = vector.broadcast %mul3A_496 : i32 to vector<16xi32>
        %mul3A_498 = arith.muli %add3A_495, %mul3A_497 : vector<16xi32>
        %add3A_499 = arith.constant 14 : i32
        %add3A_500 = vector.broadcast %add3A_499 : i32 to vector<16xi32>
        %add3A_501 = arith.addi %mul3A_498, %add3A_500 : vector<16xi32>
        %gather3A_502 = tpu.vector_load_idx %arg6[%add3A_501] : memref<4096xi32, #tpu.memory_space<vmem>>[vector<16xi32>], vector<16xi32>,
        %add3A_503 = arith.addi %add3A_489, %gather3A_502 : vector<16xi32>
        %gather3A_504 = tpu.vector_load_idx %arg7[%add3A_501] : memref<4096xf32, #tpu.memory_space<vmem>>[vector<16xi32>], vector<16xf32>,
        %add3A_505 = arith.addf %add3A_491, %gather3A_504 : vector<16xf32>
        %mul3A_506 = arith.constant 16 : i32
        %mul3A_507 = arith.muli %scan3A_295, %mul3A_506 : i32
        %add3A_508 = vector.broadcast %mul3A_507 : i32 to vector<16xi32>
        %add3A_509 = arith.addi %add3A_508, %iota3A : vector<16xi32>
        %mul3A_510 = arith.constant 16 : i32
        %mul3A_511 = vector.broadcast %mul3A_510 : i32 to vector<16xi32>
        %mul3A_512 = arith.muli %add3A_509, %mul3A_511 : vector<16xi32>
        %add3A_513 = arith.constant 15 : i32
        %add3A_514 = vector.broadcast %add3A_513 : i32 to vector<16xi32>
        %add3A_515 = arith.addi %mul3A_512, %add3A_514 : vector<16xi32>
        %gather3A_516 = tpu.vector_load_idx %arg6[%add3A_515] : memref<4096xi32, #tpu.memory_space<vmem>>[vector<16xi32>], vector<16xi32>,
        %add3A_517 = arith.addi %add3A_503, %gather3A_516 : vector<16xi32>
        %gather3A_518 = tpu.vector_load_idx %arg7[%add3A_515] : memref<4096xf32, #tpu.memory_space<vmem>>[vector<16xi32>], vector<16xf32>,
        %add3A_519 = arith.addf %add3A_505, %gather3A_518 : vector<16xf32>
        %mul3A_520 = arith.constant 16 : i32
        %mul3A_521 = arith.muli %scan3A_295, %mul3A_520 : i32
        %swap3A_522 = arith.index_cast %mul3A_521 : i32 to index
        %swap3A_523 = tpu.vector_load %arg8[%swap3A_522] {strides = array<i32>} : memref<256xi32, #tpu.memory_space<vmem>>, vector<16xi32>,
        tpu.vector_store %arg8[%swap3A_522], %add3A_517 {strides = array<i32>} : memref<256xi32, #tpu.memory_space<vmem>>, vector<16xi32>,
        %mul3A_524 = arith.constant 16 : i32
        %mul3A_525 = arith.muli %scan3A_295, %mul3A_524 : i32
        %swap3A_526 = arith.index_cast %mul3A_525 : i32 to index
        %swap3A_527 = tpu.vector_load %arg9[%swap3A_526] {strides = array<i32>} : memref<256xf32, #tpu.memory_space<vmem>>, vector<16xf32>,
        tpu.vector_store %arg9[%swap3A_526], %add3A_519 {strides = array<i32>} : memref<256xf32, #tpu.memory_space<vmem>>, vector<16xf32>,
      }
      %scan3A_236 = arith.constant 8 : i32
      %sub3A_237 = arith.constant 1 : i32
      %sub3A_238 = vector.broadcast %sub3A_237 : i32 to vector<16xi32>
      %sub3A_239 = arith.subi %broadcast_in_dim3A_2, %sub3A_238 : vector<16xi32>
      %scan3A_240 = arith.constant 0 : i32
      %scan3A_241 = arith.constant 8 : i32
      %scan3A_242 = arith.addi %scan3A_240, %scan3A_241 : i32
      %scan3A_243 = arith.constant 1 : i32
      %scan3A_244:3 = scf.for %scan3A_295 = %scan3A_240 to %scan3A_242 step %scan3A_243 iter_args(%scan3A_296 = %sub3A_239, %scan3A_297 = %scan3A_213#1, %scan3A_298 = %scan3A_213#2) -> (vector<16xi32>, vector<16xi32>, vector<16xf32>)  : i32 {
        %sub3A_299 = arith.constant 7 : i32
        %sub3A_300 = arith.subi %sub3A_299, %scan3A_295 : i32
        %mul3A_301 = arith.constant 16 : i32
        %mul3A_302 = arith.muli %sub3A_300, %mul3A_301 : i32
        %get3A_303 = arith.index_cast %mul3A_302 : i32 to index
        %get3A_304 = tpu.vector_load %arg8[%get3A_303] {strides = array<i32>} : memref<256xi32, #tpu.memory_space<vmem>>, vector<16xi32>,
        %mul3A_305 = arith.constant 16 : i32
        %mul3A_306 = arith.muli %sub3A_300, %mul3A_305 : i32
        %get3A_307 = arith.index_cast %mul3A_306 : i32 to index
        %get3A_308 = tpu.vector_load %arg9[%get3A_307] {strides = array<i32>} : memref<256xf32, #tpu.memory_space<vmem>>, vector<16xf32>,
        %add3A_309 = arith.constant 1 : i32
        %add3A_310 = vector.broadcast %add3A_309 : i32 to vector<16xi32>
        %add3A_311 = arith.addi %iota3A, %add3A_310 : vector<16xi32>
        %lt3A_312 = arith.constant 16 : i32
        %lt3A_313 = vector.broadcast %lt3A_312 : i32 to vector<16xi32>
        %lt3A_314 = arith.cmpi slt, %add3A_311, %lt3A_313 : vector<16xi32>
        %add3A_315 = arith.constant 1 : i32
        %add3A_316 = vector.broadcast %add3A_315 : i32 to vector<16xi32>
        %add3A_317 = arith.addi %iota3A, %add3A_316 : vector<16xi32>
        %and3A_318 = arith.constant 15 : i32
        %and3A_319 = vector.broadcast %and3A_318 : i32 to vector<16xi32>
        %and3A_320 = arith.andi %add3A_317, %and3A_319 : vector<16xi32>
        %broadcast_in_dim3A_321 = vector.shape_cast %and3A_320 : vector<16xi32> to vector<16x1xi32>
        %gather3A_322 = vector.shape_cast %broadcast_in_dim3A_321 : vector<16x1xi32> to vector<16xi32>
        %gather3A_323 = tpu.dynamic_gather %get3A_304[%gather3A_322] in [0] : vector<16xi32>, vector<16xi32> -> vector<16xi32>
        %jit3A_324 = arith.constant 0 : i32
        %broadcast_in_dim3A_325 = vector.broadcast %jit3A_324 : i32 to vector<16xi32>
        %select_n3A_326 = arith.select %lt3A_314, %gather3A_323, %broadcast_in_dim3A_325 : vector<16xi1>, vector<16xi32>
        %add3A_327 = arith.addi %get3A_304, %select_n3A_326 : vector<16xi32>
        %add3A_328 = arith.constant 2 : i32
        %add3A_329 = vector.broadcast %add3A_328 : i32 to vector<16xi32>
        %add3A_330 = arith.addi %iota3A, %add3A_329 : vector<16xi32>
        %lt3A_331 = arith.constant 16 : i32
        %lt3A_332 = vector.broadcast %lt3A_331 : i32 to vector<16xi32>
        %lt3A_333 = arith.cmpi slt, %add3A_330, %lt3A_332 : vector<16xi32>
        %add3A_334 = arith.constant 2 : i32
        %add3A_335 = vector.broadcast %add3A_334 : i32 to vector<16xi32>
        %add3A_336 = arith.addi %iota3A, %add3A_335 : vector<16xi32>
        %and3A_337 = arith.constant 15 : i32
        %and3A_338 = vector.broadcast %and3A_337 : i32 to vector<16xi32>
        %and3A_339 = arith.andi %add3A_336, %and3A_338 : vector<16xi32>
        %broadcast_in_dim3A_340 = vector.shape_cast %and3A_339 : vector<16xi32> to vector<16x1xi32>
        %gather3A_341 = vector.shape_cast %broadcast_in_dim3A_340 : vector<16x1xi32> to vector<16xi32>
        %gather3A_342 = tpu.dynamic_gather %add3A_327[%gather3A_341] in [0] : vector<16xi32>, vector<16xi32> -> vector<16xi32>
        %jit3A_343 = arith.constant 0 : i32
        %broadcast_in_dim3A_344 = vector.broadcast %jit3A_343 : i32 to vector<16xi32>
        %select_n3A_345 = arith.select %lt3A_333, %gather3A_342, %broadcast_in_dim3A_344 : vector<16xi1>, vector<16xi32>
        %add3A_346 = arith.addi %add3A_327, %select_n3A_345 : vector<16xi32>
        %add3A_347 = arith.constant 4 : i32
        %add3A_348 = vector.broadcast %add3A_347 : i32 to vector<16xi32>
        %add3A_349 = arith.addi %iota3A, %add3A_348 : vector<16xi32>
        %lt3A_350 = arith.constant 16 : i32
        %lt3A_351 = vector.broadcast %lt3A_350 : i32 to vector<16xi32>
        %lt3A_352 = arith.cmpi slt, %add3A_349, %lt3A_351 : vector<16xi32>
        %add3A_353 = arith.constant 4 : i32
        %add3A_354 = vector.broadcast %add3A_353 : i32 to vector<16xi32>
        %add3A_355 = arith.addi %iota3A, %add3A_354 : vector<16xi32>
        %and3A_356 = arith.constant 15 : i32
        %and3A_357 = vector.broadcast %and3A_356 : i32 to vector<16xi32>
        %and3A_358 = arith.andi %add3A_355, %and3A_357 : vector<16xi32>
        %broadcast_in_dim3A_359 = vector.shape_cast %and3A_358 : vector<16xi32> to vector<16x1xi32>
        %gather3A_360 = vector.shape_cast %broadcast_in_dim3A_359 : vector<16x1xi32> to vector<16xi32>
        %gather3A_361 = tpu.dynamic_gather %add3A_346[%gather3A_360] in [0] : vector<16xi32>, vector<16xi32> -> vector<16xi32>
        %jit3A_362 = arith.constant 0 : i32
        %broadcast_in_dim3A_363 = vector.broadcast %jit3A_362 : i32 to vector<16xi32>
        %select_n3A_364 = arith.select %lt3A_352, %gather3A_361, %broadcast_in_dim3A_363 : vector<16xi1>, vector<16xi32>
        %add3A_365 = arith.addi %add3A_346, %select_n3A_364 : vector<16xi32>
        %add3A_366 = arith.constant 8 : i32
        %add3A_367 = vector.broadcast %add3A_366 : i32 to vector<16xi32>
        %add3A_368 = arith.addi %iota3A, %add3A_367 : vector<16xi32>
        %lt3A_369 = arith.constant 16 : i32
        %lt3A_370 = vector.broadcast %lt3A_369 : i32 to vector<16xi32>
        %lt3A_371 = arith.cmpi slt, %add3A_368, %lt3A_370 : vector<16xi32>
        %add3A_372 = arith.constant 8 : i32
        %add3A_373 = vector.broadcast %add3A_372 : i32 to vector<16xi32>
        %add3A_374 = arith.addi %iota3A, %add3A_373 : vector<16xi32>
        %and3A_375 = arith.constant 15 : i32
        %and3A_376 = vector.broadcast %and3A_375 : i32 to vector<16xi32>
        %and3A_377 = arith.andi %add3A_374, %and3A_376 : vector<16xi32>
        %broadcast_in_dim3A_378 = vector.shape_cast %and3A_377 : vector<16xi32> to vector<16x1xi32>
        %gather3A_379 = vector.shape_cast %broadcast_in_dim3A_378 : vector<16x1xi32> to vector<16xi32>
        %gather3A_380 = tpu.dynamic_gather %add3A_365[%gather3A_379] in [0] : vector<16xi32>, vector<16xi32> -> vector<16xi32>
        %jit3A_381 = arith.constant 0 : i32
        %broadcast_in_dim3A_382 = vector.broadcast %jit3A_381 : i32 to vector<16xi32>
        %select_n3A_383 = arith.select %lt3A_371, %gather3A_380, %broadcast_in_dim3A_382 : vector<16xi1>, vector<16xi32>
        %add3A_384 = arith.addi %add3A_365, %select_n3A_383 : vector<16xi32>
        %add3A_385 = arith.addi %scan3A_297, %add3A_384 : vector<16xi32>
        %ge3A = arith.cmpi sge, %add3A_385, %select_n3A : vector<16xi32>
        %convert_element_type3A_386 = arith.extui %ge3A : vector<16xi1> to vector<16xi32>
        %mul3A_387 = arith.muli %iota3A, %convert_element_type3A_386 : vector<16xi32>
        %sub3A_388 = arith.constant 1 : i32
        %sub3A_389 = vector.broadcast %sub3A_388 : i32 to vector<16xi32>
        %sub3A_390 = arith.subi %convert_element_type3A_386, %sub3A_389 : vector<16xi32>
        %add3A_391 = arith.addi %mul3A_387, %sub3A_390 : vector<16xi32>
        %add3A_392 = arith.constant 1 : i32
        %add3A_393 = vector.broadcast %add3A_392 : i32 to vector<16xi32>
        %add3A_394 = arith.addi %iota3A, %add3A_393 : vector<16xi32>
        %and3A_395 = arith.constant 15 : i32
        %and3A_396 = vector.broadcast %and3A_395 : i32 to vector<16xi32>
        %and3A_397 = arith.andi %add3A_394, %and3A_396 : vector<16xi32>
        %broadcast_in_dim3A_398 = vector.shape_cast %and3A_397 : vector<16xi32> to vector<16x1xi32>
        %gather3A_399 = vector.shape_cast %broadcast_in_dim3A_398 : vector<16x1xi32> to vector<16xi32>
        %gather3A_400 = tpu.dynamic_gather %add3A_391[%gather3A_399] in [0] : vector<16xi32>, vector<16xi32> -> vector<16xi32>
        %max3A_401 = arith.maxsi %add3A_391, %gather3A_400 : vector<16xi32>
        %add3A_402 = arith.constant 2 : i32
        %add3A_403 = vector.broadcast %add3A_402 : i32 to vector<16xi32>
        %add3A_404 = arith.addi %iota3A, %add3A_403 : vector<16xi32>
        %and3A_405 = arith.constant 15 : i32
        %and3A_406 = vector.broadcast %and3A_405 : i32 to vector<16xi32>
        %and3A_407 = arith.andi %add3A_404, %and3A_406 : vector<16xi32>
        %broadcast_in_dim3A_408 = vector.shape_cast %and3A_407 : vector<16xi32> to vector<16x1xi32>
        %gather3A_409 = vector.shape_cast %broadcast_in_dim3A_408 : vector<16x1xi32> to vector<16xi32>
        %gather3A_410 = tpu.dynamic_gather %max3A_401[%gather3A_409] in [0] : vector<16xi32>, vector<16xi32> -> vector<16xi32>
        %max3A_411 = arith.maxsi %max3A_401, %gather3A_410 : vector<16xi32>
        %add3A_412 = arith.constant 4 : i32
        %add3A_413 = vector.broadcast %add3A_412 : i32 to vector<16xi32>
        %add3A_414 = arith.addi %iota3A, %add3A_413 : vector<16xi32>
        %and3A_415 = arith.constant 15 : i32
        %and3A_416 = vector.broadcast %and3A_415 : i32 to vector<16xi32>
        %and3A_417 = arith.andi %add3A_414, %and3A_416 : vector<16xi32>
        %broadcast_in_dim3A_418 = vector.shape_cast %and3A_417 : vector<16xi32> to vector<16x1xi32>
        %gather3A_419 = vector.shape_cast %broadcast_in_dim3A_418 : vector<16x1xi32> to vector<16xi32>
        %gather3A_420 = tpu.dynamic_gather %max3A_411[%gather3A_419] in [0] : vector<16xi32>, vector<16xi32> -> vector<16xi32>
        %max3A_421 = arith.maxsi %max3A_411, %gather3A_420 : vector<16xi32>
        %add3A_422 = arith.constant 8 : i32
        %add3A_423 = vector.broadcast %add3A_422 : i32 to vector<16xi32>
        %add3A_424 = arith.addi %iota3A, %add3A_423 : vector<16xi32>
        %and3A_425 = arith.constant 15 : i32
        %and3A_426 = vector.broadcast %and3A_425 : i32 to vector<16xi32>
        %and3A_427 = arith.andi %add3A_424, %and3A_426 : vector<16xi32>
        %broadcast_in_dim3A_428 = vector.shape_cast %and3A_427 : vector<16xi32> to vector<16x1xi32>
        %gather3A_429 = vector.shape_cast %broadcast_in_dim3A_428 : vector<16x1xi32> to vector<16xi32>
        %gather3A_430 = tpu.dynamic_gather %max3A_421[%gather3A_429] in [0] : vector<16xi32>, vector<16xi32> -> vector<16xi32>
        %max3A_431 = arith.maxsi %max3A_421, %gather3A_430 : vector<16xi32>
        %lt3A_432 = arith.constant 0 : i32
        %lt3A_433 = vector.broadcast %lt3A_432 : i32 to vector<16xi32>
        %lt3A_434 = arith.cmpi slt, %scan3A_296, %lt3A_433 : vector<16xi32>
        %ge3A_435 = arith.constant 0 : i32
        %ge3A_436 = vector.broadcast %ge3A_435 : i32 to vector<16xi32>
        %ge3A_437 = arith.cmpi sge, %max3A_431, %ge3A_436 : vector<16xi32>
        %and3A_438 = arith.andi %lt3A_434, %ge3A_437 : vector<16xi1>
        %gt3A_439 = arith.cmpi sgt, %iota3A, %max3A_431 : vector<16xi32>
        %convert_element_type3A_440 = arith.extui %gt3A_439 : vector<16xi1> to vector<16xi32>
        %mul3A_441 = arith.muli %get3A_304, %convert_element_type3A_440 : vector<16xi32>
        %add3A_442 = arith.constant 1 : i32
        %add3A_443 = vector.broadcast %add3A_442 : i32 to vector<16xi32>
        %add3A_444 = arith.addi %iota3A, %add3A_443 : vector<16xi32>
        %and3A_445 = arith.constant 15 : i32
        %and3A_446 = vector.broadcast %and3A_445 : i32 to vector<16xi32>
        %and3A_447 = arith.andi %add3A_444, %and3A_446 : vector<16xi32>
        %broadcast_in_dim3A_448 = vector.shape_cast %and3A_447 : vector<16xi32> to vector<16x1xi32>
        %gather3A_449 = vector.shape_cast %broadcast_in_dim3A_448 : vector<16x1xi32> to vector<16xi32>
        %gather3A_450 = tpu.dynamic_gather %mul3A_441[%gather3A_449] in [0] : vector<16xi32>, vector<16xi32> -> vector<16xi32>
        %add3A_451 = arith.addi %mul3A_441, %gather3A_450 : vector<16xi32>
        %add3A_452 = arith.constant 2 : i32
        %add3A_453 = vector.broadcast %add3A_452 : i32 to vector<16xi32>
        %add3A_454 = arith.addi %iota3A, %add3A_453 : vector<16xi32>
        %and3A_455 = arith.constant 15 : i32
        %and3A_456 = vector.broadcast %and3A_455 : i32 to vector<16xi32>
        %and3A_457 = arith.andi %add3A_454, %and3A_456 : vector<16xi32>
        %broadcast_in_dim3A_458 = vector.shape_cast %and3A_457 : vector<16xi32> to vector<16x1xi32>
        %gather3A_459 = vector.shape_cast %broadcast_in_dim3A_458 : vector<16x1xi32> to vector<16xi32>
        %gather3A_460 = tpu.dynamic_gather %add3A_451[%gather3A_459] in [0] : vector<16xi32>, vector<16xi32> -> vector<16xi32>
        %add3A_461 = arith.addi %add3A_451, %gather3A_460 : vector<16xi32>
        %add3A_462 = arith.constant 4 : i32
        %add3A_463 = vector.broadcast %add3A_462 : i32 to vector<16xi32>
        %add3A_464 = arith.addi %iota3A, %add3A_463 : vector<16xi32>
        %and3A_465 = arith.constant 15 : i32
        %and3A_466 = vector.broadcast %and3A_465 : i32 to vector<16xi32>
        %and3A_467 = arith.andi %add3A_464, %and3A_466 : vector<16xi32>
        %broadcast_in_dim3A_468 = vector.shape_cast %and3A_467 : vector<16xi32> to vector<16x1xi32>
        %gather3A_469 = vector.shape_cast %broadcast_in_dim3A_468 : vector<16x1xi32> to vector<16xi32>
        %gather3A_470 = tpu.dynamic_gather %add3A_461[%gather3A_469] in [0] : vector<16xi32>, vector<16xi32> -> vector<16xi32>
        %add3A_471 = arith.addi %add3A_461, %gather3A_470 : vector<16xi32>
        %add3A_472 = arith.constant 8 : i32
        %add3A_473 = vector.broadcast %add3A_472 : i32 to vector<16xi32>
        %add3A_474 = arith.addi %iota3A, %add3A_473 : vector<16xi32>
        %and3A_475 = arith.constant 15 : i32
        %and3A_476 = vector.broadcast %and3A_475 : i32 to vector<16xi32>
        %and3A_477 = arith.andi %add3A_474, %and3A_476 : vector<16xi32>
        %broadcast_in_dim3A_478 = vector.shape_cast %and3A_477 : vector<16xi32> to vector<16x1xi32>
        %gather3A_479 = vector.shape_cast %broadcast_in_dim3A_478 : vector<16x1xi32> to vector<16xi32>
        %gather3A_480 = tpu.dynamic_gather %add3A_471[%gather3A_479] in [0] : vector<16xi32>, vector<16xi32> -> vector<16xi32>
        %add3A_481 = arith.addi %add3A_471, %gather3A_480 : vector<16xi32>
        %convert_element_type3A_482 = arith.sitofp %convert_element_type3A_440 : vector<16xi32> to vector<16xf32>
        %mul3A_483 = arith.mulf %get3A_308, %convert_element_type3A_482 : vector<16xf32>
        %add3A_484 = arith.constant 1 : i32
        %add3A_485 = vector.broadcast %add3A_484 : i32 to vector<16xi32>
        %add3A_486 = arith.addi %iota3A, %add3A_485 : vector<16xi32>
        %and3A_487 = arith.constant 15 : i32
        %and3A_488 = vector.broadcast %and3A_487 : i32 to vector<16xi32>
        %and3A_489 = arith.andi %add3A_486, %and3A_488 : vector<16xi32>
        %broadcast_in_dim3A_490 = vector.shape_cast %and3A_489 : vector<16xi32> to vector<16x1xi32>
        %gather3A_491 = vector.shape_cast %broadcast_in_dim3A_490 : vector<16x1xi32> to vector<16xi32>
        %gather3A_492 = tpu.dynamic_gather %mul3A_483[%gather3A_491] in [0] : vector<16xf32>, vector<16xi32> -> vector<16xf32>
        %add3A_493 = arith.addf %mul3A_483, %gather3A_492 : vector<16xf32>
        %add3A_494 = arith.constant 2 : i32
        %add3A_495 = vector.broadcast %add3A_494 : i32 to vector<16xi32>
        %add3A_496 = arith.addi %iota3A, %add3A_495 : vector<16xi32>
        %and3A_497 = arith.constant 15 : i32
        %and3A_498 = vector.broadcast %and3A_497 : i32 to vector<16xi32>
        %and3A_499 = arith.andi %add3A_496, %and3A_498 : vector<16xi32>
        %broadcast_in_dim3A_500 = vector.shape_cast %and3A_499 : vector<16xi32> to vector<16x1xi32>
        %gather3A_501 = vector.shape_cast %broadcast_in_dim3A_500 : vector<16x1xi32> to vector<16xi32>
        %gather3A_502 = tpu.dynamic_gather %add3A_493[%gather3A_501] in [0] : vector<16xf32>, vector<16xi32> -> vector<16xf32>
        %add3A_503 = arith.addf %add3A_493, %gather3A_502 : vector<16xf32>
        %add3A_504 = arith.constant 4 : i32
        %add3A_505 = vector.broadcast %add3A_504 : i32 to vector<16xi32>
        %add3A_506 = arith.addi %iota3A, %add3A_505 : vector<16xi32>
        %and3A_507 = arith.constant 15 : i32
        %and3A_508 = vector.broadcast %and3A_507 : i32 to vector<16xi32>
        %and3A_509 = arith.andi %add3A_506, %and3A_508 : vector<16xi32>
        %broadcast_in_dim3A_510 = vector.shape_cast %and3A_509 : vector<16xi32> to vector<16x1xi32>
        %gather3A_511 = vector.shape_cast %broadcast_in_dim3A_510 : vector<16x1xi32> to vector<16xi32>
        %gather3A_512 = tpu.dynamic_gather %add3A_503[%gather3A_511] in [0] : vector<16xf32>, vector<16xi32> -> vector<16xf32>
        %add3A_513 = arith.addf %add3A_503, %gather3A_512 : vector<16xf32>
        %add3A_514 = arith.constant 8 : i32
        %add3A_515 = vector.broadcast %add3A_514 : i32 to vector<16xi32>
        %add3A_516 = arith.addi %iota3A, %add3A_515 : vector<16xi32>
        %and3A_517 = arith.constant 15 : i32
        %and3A_518 = vector.broadcast %and3A_517 : i32 to vector<16xi32>
        %and3A_519 = arith.andi %add3A_516, %and3A_518 : vector<16xi32>
        %broadcast_in_dim3A_520 = vector.shape_cast %and3A_519 : vector<16xi32> to vector<16x1xi32>
        %gather3A_521 = vector.shape_cast %broadcast_in_dim3A_520 : vector<16x1xi32> to vector<16xi32>
        %gather3A_522 = tpu.dynamic_gather %add3A_513[%gather3A_521] in [0] : vector<16xf32>, vector<16xi32> -> vector<16xf32>
        %add3A_523 = arith.addf %add3A_513, %gather3A_522 : vector<16xf32>
        %add3A_524 = arith.constant 1 : i32
        %add3A_525 = vector.broadcast %add3A_524 : i32 to vector<16xi32>
        %add3A_526 = arith.addi %iota3A, %add3A_525 : vector<16xi32>
        %and3A_527 = arith.constant 15 : i32
        %and3A_528 = vector.broadcast %and3A_527 : i32 to vector<16xi32>
        %and3A_529 = arith.andi %add3A_526, %and3A_528 : vector<16xi32>
        %broadcast_in_dim3A_530 = vector.shape_cast %and3A_529 : vector<16xi32> to vector<16x1xi32>
        %gather3A_531 = vector.shape_cast %broadcast_in_dim3A_530 : vector<16x1xi32> to vector<16xi32>
        %gather3A_532 = tpu.dynamic_gather %get3A_304[%gather3A_531] in [0] : vector<16xi32>, vector<16xi32> -> vector<16xi32>
        %add3A_533 = arith.addi %get3A_304, %gather3A_532 : vector<16xi32>
        %add3A_534 = arith.constant 2 : i32
        %add3A_535 = vector.broadcast %add3A_534 : i32 to vector<16xi32>
        %add3A_536 = arith.addi %iota3A, %add3A_535 : vector<16xi32>
        %and3A_537 = arith.constant 15 : i32
        %and3A_538 = vector.broadcast %and3A_537 : i32 to vector<16xi32>
        %and3A_539 = arith.andi %add3A_536, %and3A_538 : vector<16xi32>
        %broadcast_in_dim3A_540 = vector.shape_cast %and3A_539 : vector<16xi32> to vector<16x1xi32>
        %gather3A_541 = vector.shape_cast %broadcast_in_dim3A_540 : vector<16x1xi32> to vector<16xi32>
        %gather3A_542 = tpu.dynamic_gather %add3A_533[%gather3A_541] in [0] : vector<16xi32>, vector<16xi32> -> vector<16xi32>
        %add3A_543 = arith.addi %add3A_533, %gather3A_542 : vector<16xi32>
        %add3A_544 = arith.constant 4 : i32
        %add3A_545 = vector.broadcast %add3A_544 : i32 to vector<16xi32>
        %add3A_546 = arith.addi %iota3A, %add3A_545 : vector<16xi32>
        %and3A_547 = arith.constant 15 : i32
        %and3A_548 = vector.broadcast %and3A_547 : i32 to vector<16xi32>
        %and3A_549 = arith.andi %add3A_546, %and3A_548 : vector<16xi32>
        %broadcast_in_dim3A_550 = vector.shape_cast %and3A_549 : vector<16xi32> to vector<16x1xi32>
        %gather3A_551 = vector.shape_cast %broadcast_in_dim3A_550 : vector<16x1xi32> to vector<16xi32>
        %gather3A_552 = tpu.dynamic_gather %add3A_543[%gather3A_551] in [0] : vector<16xi32>, vector<16xi32> -> vector<16xi32>
        %add3A_553 = arith.addi %add3A_543, %gather3A_552 : vector<16xi32>
        %add3A_554 = arith.constant 8 : i32
        %add3A_555 = vector.broadcast %add3A_554 : i32 to vector<16xi32>
        %add3A_556 = arith.addi %iota3A, %add3A_555 : vector<16xi32>
        %and3A_557 = arith.constant 15 : i32
        %and3A_558 = vector.broadcast %and3A_557 : i32 to vector<16xi32>
        %and3A_559 = arith.andi %add3A_556, %and3A_558 : vector<16xi32>
        %broadcast_in_dim3A_560 = vector.shape_cast %and3A_559 : vector<16xi32> to vector<16x1xi32>
        %gather3A_561 = vector.shape_cast %broadcast_in_dim3A_560 : vector<16x1xi32> to vector<16xi32>
        %gather3A_562 = tpu.dynamic_gather %add3A_553[%gather3A_561] in [0] : vector<16xi32>, vector<16xi32> -> vector<16xi32>
        %add3A_563 = arith.addi %add3A_553, %gather3A_562 : vector<16xi32>
        %add3A_564 = arith.constant 1 : i32
        %add3A_565 = vector.broadcast %add3A_564 : i32 to vector<16xi32>
        %add3A_566 = arith.addi %iota3A, %add3A_565 : vector<16xi32>
        %and3A_567 = arith.constant 15 : i32
        %and3A_568 = vector.broadcast %and3A_567 : i32 to vector<16xi32>
        %and3A_569 = arith.andi %add3A_566, %and3A_568 : vector<16xi32>
        %broadcast_in_dim3A_570 = vector.shape_cast %and3A_569 : vector<16xi32> to vector<16x1xi32>
        %gather3A_571 = vector.shape_cast %broadcast_in_dim3A_570 : vector<16x1xi32> to vector<16xi32>
        %gather3A_572 = tpu.dynamic_gather %get3A_308[%gather3A_571] in [0] : vector<16xf32>, vector<16xi32> -> vector<16xf32>
        %add3A_573 = arith.addf %get3A_308, %gather3A_572 : vector<16xf32>
        %add3A_574 = arith.constant 2 : i32
        %add3A_575 = vector.broadcast %add3A_574 : i32 to vector<16xi32>
        %add3A_576 = arith.addi %iota3A, %add3A_575 : vector<16xi32>
        %and3A_577 = arith.constant 15 : i32
        %and3A_578 = vector.broadcast %and3A_577 : i32 to vector<16xi32>
        %and3A_579 = arith.andi %add3A_576, %and3A_578 : vector<16xi32>
        %broadcast_in_dim3A_580 = vector.shape_cast %and3A_579 : vector<16xi32> to vector<16x1xi32>
        %gather3A_581 = vector.shape_cast %broadcast_in_dim3A_580 : vector<16x1xi32> to vector<16xi32>
        %gather3A_582 = tpu.dynamic_gather %add3A_573[%gather3A_581] in [0] : vector<16xf32>, vector<16xi32> -> vector<16xf32>
        %add3A_583 = arith.addf %add3A_573, %gather3A_582 : vector<16xf32>
        %add3A_584 = arith.constant 4 : i32
        %add3A_585 = vector.broadcast %add3A_584 : i32 to vector<16xi32>
        %add3A_586 = arith.addi %iota3A, %add3A_585 : vector<16xi32>
        %and3A_587 = arith.constant 15 : i32
        %and3A_588 = vector.broadcast %and3A_587 : i32 to vector<16xi32>
        %and3A_589 = arith.andi %add3A_586, %and3A_588 : vector<16xi32>
        %broadcast_in_dim3A_590 = vector.shape_cast %and3A_589 : vector<16xi32> to vector<16x1xi32>
        %gather3A_591 = vector.shape_cast %broadcast_in_dim3A_590 : vector<16x1xi32> to vector<16xi32>
        %gather3A_592 = tpu.dynamic_gather %add3A_583[%gather3A_591] in [0] : vector<16xf32>, vector<16xi32> -> vector<16xf32>
        %add3A_593 = arith.addf %add3A_583, %gather3A_592 : vector<16xf32>
        %add3A_594 = arith.constant 8 : i32
        %add3A_595 = vector.broadcast %add3A_594 : i32 to vector<16xi32>
        %add3A_596 = arith.addi %iota3A, %add3A_595 : vector<16xi32>
        %and3A_597 = arith.constant 15 : i32
        %and3A_598 = vector.broadcast %and3A_597 : i32 to vector<16xi32>
        %and3A_599 = arith.andi %add3A_596, %and3A_598 : vector<16xi32>
        %broadcast_in_dim3A_600 = vector.shape_cast %and3A_599 : vector<16xi32> to vector<16x1xi32>
        %gather3A_601 = vector.shape_cast %broadcast_in_dim3A_600 : vector<16x1xi32> to vector<16xi32>
        %gather3A_602 = tpu.dynamic_gather %add3A_593[%gather3A_601] in [0] : vector<16xf32>, vector<16xi32> -> vector<16xf32>
        %add3A_603 = arith.addf %add3A_593, %gather3A_602 : vector<16xf32>
        %add3A_604 = arith.addi %scan3A_297, %add3A_481 : vector<16xi32>
        %add3A_605 = arith.addi %scan3A_297, %add3A_563 : vector<16xi32>
        %select_n3A_606 = arith.select %lt3A_434, %add3A_605, %scan3A_297 : vector<16xi1>, vector<16xi32>
        %select_n3A_607 = arith.select %and3A_438, %add3A_604, %select_n3A_606 : vector<16xi1>, vector<16xi32>
        %add3A_608 = arith.addf %scan3A_298, %add3A_523 : vector<16xf32>
        %add3A_609 = arith.addf %scan3A_298, %add3A_603 : vector<16xf32>
        %select_n3A_610 = arith.select %lt3A_434, %add3A_609, %scan3A_298 : vector<16xi1>, vector<16xf32>
        %select_n3A_611 = arith.select %and3A_438, %add3A_608, %select_n3A_610 : vector<16xi1>, vector<16xf32>
        %mul3A_612 = arith.constant 16 : i32
        %mul3A_613 = arith.muli %sub3A_300, %mul3A_612 : i32
        %add3A_614 = vector.broadcast %mul3A_613 : i32 to vector<16xi32>
        %add3A_615 = arith.addi %add3A_614, %max3A_431 : vector<16xi32>
        %select_n3A_616 = arith.select %and3A_438, %add3A_615, %scan3A_296 : vector<16xi1>, vector<16xi32>
        scf.yield %select_n3A_616, %select_n3A_607, %select_n3A_611 : vector<16xi32>, vector<16xi32>, vector<16xf32>
      }
      %scan3A_245 = arith.constant 8 : i32
      %mul3A_246 = arith.constant 128 : i32
      %mul3A_247 = vector.broadcast %mul3A_246 : i32 to vector<16xi32>
      %mul3A_248 = arith.muli %add3A_218, %mul3A_247 : vector<16xi32>
      %add3A_249 = arith.addi %mul3A_248, %scan3A_244#0 : vector<16xi32>
      %bitcast_convert_type3A = tpu.bitcast %add3A_249 : vector<16xi32> -> vector<16xf32>
      %sub3A_250 = arith.subi %select_n3A, %scan3A_244#1 : vector<16xi32>
      %convert_element_type3A_251 = arith.sitofp %sub3A_250 : vector<16xi32> to vector<16xf32>
      %mul3A_252 = arith.mulf %convert_element_type3A_251, %bitcast_convert_type3A : vector<16xf32>
      %add3A_253 = arith.addf %scan3A_244#2, %mul3A_252 : vector<16xf32>
      %gt3A_254 = arith.constant 0 : i32
      %gt3A_255 = vector.broadcast %gt3A_254 : i32 to vector<16xi32>
      %gt3A_256 = arith.cmpi sgt, %select_n3A, %gt3A_255 : vector<16xi32>
      %jit3A = arith.constant 0.000000e+00 : f32
      %broadcast_in_dim3A_257 = vector.broadcast %jit3A : f32 to vector<16xf32>
      %select_n3A_258 = arith.select %gt3A_256, %add3A_253, %broadcast_in_dim3A_257 : vector<16xi1>, vector<16xf32>
      %add3A_259 = arith.addi %convert_element_type3A_32, %select_n3A : vector<16xi32>
      %max3A = arith.constant 1 : i32
      %max3A_260 = vector.broadcast %max3A : i32 to vector<16xi32>
      %max3A_261 = arith.maxsi %add3A_259, %max3A_260 : vector<16xi32>
      %convert_element_type3A_262 = arith.sitofp %max3A_261 : vector<16xi32> to vector<16xf32>
      %max3A_263 = arith.constant 1 : i32
      %max3A_264 = vector.broadcast %max3A_263 : i32 to vector<16xi32>
      %max3A_265 = arith.maxsi %select_n3A, %max3A_264 : vector<16xi32>
      %convert_element_type3A_266 = arith.sitofp %max3A_265 : vector<16xi32> to vector<16xf32>
      %gt3A_267 = arith.constant 0 : i32
      %gt3A_268 = vector.broadcast %gt3A_267 : i32 to vector<16xi32>
      %gt3A_269 = arith.cmpi sgt, %convert_element_type3A_32, %gt3A_268 : vector<16xi32>
      %add3A_270 = arith.addf %gather3A_19, %select_n3A_258 : vector<16xf32>
      %div3A = arith.divf %add3A_270, %convert_element_type3A_262 : vector<16xf32>
      %gt3A_271 = arith.constant 0 : i32
      %gt3A_272 = vector.broadcast %gt3A_271 : i32 to vector<16xi32>
      %gt3A_273 = arith.cmpi sgt, %add3A_140, %gt3A_272 : vector<16xi32>
      %div3A_274 = arith.divf %select_n3A_258, %convert_element_type3A_266 : vector<16xf32>
      %jit3A_275 = arith.constant 0.000000e+00 : f32
      %broadcast_in_dim3A_276 = vector.broadcast %jit3A_275 : f32 to vector<16xf32>
      %select_n3A_277 = arith.select %gt3A_273, %div3A_274, %broadcast_in_dim3A_276 : vector<16xi1>, vector<16xf32>
      %select_n3A_278 = arith.select %gt3A_269, %div3A, %select_n3A_277 : vector<16xi1>, vector<16xf32>
      %eq3A_279 = arith.constant 0 : i32
      %eq3A_280 = vector.broadcast %eq3A_279 : i32 to vector<16xi32>
      %eq3A_281 = arith.cmpi eq, %iota3A, %eq3A_280 : vector<16xi32>
      %jit3A_282 = arith.constant 0.000000e+00 : f32
      %broadcast_in_dim3A_283 = vector.broadcast %jit3A_282 : f32 to vector<16xf32>
      %select_n3A_284 = arith.select %eq3A_281, %select_n3A_278, %broadcast_in_dim3A_283 : vector<16xi1>, vector<16xf32>
      %eq3A_285 = arith.constant 1 : i32
      %eq3A_286 = vector.broadcast %eq3A_285 : i32 to vector<16xi32>
      %eq3A_287 = arith.cmpi eq, %iota3A, %eq3A_286 : vector<16xi32>
      %jit3A_288 = arith.constant 0.000000e+00 : f32
      %broadcast_in_dim3A_289 = vector.broadcast %jit3A_288 : f32 to vector<16xf32>
      %select_n3A_290 = arith.select %eq3A_287, %gather3A_31, %broadcast_in_dim3A_289 : vector<16xi1>, vector<16xf32>
      %add3A_291 = arith.addf %select_n3A_284, %select_n3A_290 : vector<16xf32>
      %swap3A = arith.constant 0 : index
      %swap3A_292 = tpu.vector_load %arg11[%swap3A] {strides = array<i32>} : memref<16xf32, #tpu.memory_space<vmem>>, vector<16xf32>,
      tpu.vector_store %arg11[%swap3A], %add3A_291 {strides = array<i32>} : memref<16xf32, #tpu.memory_space<vmem>>, vector<16xf32>,
      %mul3A_293 = arith.constant 16 : i32
      %mul3A_294 = arith.muli %arg1, %mul3A_293 : i32
      "tpu.region"() ({
        %run_scoped3A = tpu.sem_alloc : memref<!tpu.dma_semaphore, #tpu.memory_space<semaphore_mem>>
        %dma_start3A = tpu.memref_slice %arg13[%mul3A_294] : memref<128xf32, #tpu.memory_space<vmem_shared>> -> memref<16xf32, #tpu.memory_space<vmem_shared>>
        %dma_start3A_295 = tpu.memref_slice %arg13[%mul3A_294] : memref<128xf32, #tpu.memory_space<vmem_shared>> -> memref<16xf32, #tpu.memory_space<vmem_shared>>
        tpu.enqueue_dma source(%arg11 : memref<16xf32, #tpu.memory_space<vmem>>) target(%dma_start3A_295 : memref<16xf32, #tpu.memory_space<vmem_shared>>) target_semaphore(%run_scoped3A : memref<!tpu.dma_semaphore, #tpu.memory_space<semaphore_mem>>)
        %dma_wait3A = tpu.memref_slice %arg13[%mul3A_294] : memref<128xf32, #tpu.memory_space<vmem_shared>> -> memref<16xf32, #tpu.memory_space<vmem_shared>>
        %dma_wait3A_296 = tpu.memref_slice %arg13[%mul3A_294] : memref<128xf32, #tpu.memory_space<vmem_shared>> -> memref<16xf32, #tpu.memory_space<vmem_shared>>
        tpu.wait_dma2 semaphore(%run_scoped3A : memref<!tpu.dma_semaphore, #tpu.memory_space<semaphore_mem>>) src(%arg11 : memref<16xf32, #tpu.memory_space<vmem>>) dst(%dma_wait3A_296 : memref<16xf32, #tpu.memory_space<vmem_shared>>)
        tpu.yield
      }) : () -> ()
    } else {
    }
    %barrier3A = arith.constant 0 : index
    tpu.barrier barrier_id(%barrier3A)
    %eq3A_6 = arith.constant 0 : i32
    %eq3A_7 = arith.cmpi eq, %arg0, %eq3A_6 : i32
    %eq3A_8 = arith.constant 0 : i32
    %eq3A_9 = arith.cmpi eq, %arg1, %eq3A_8 : i32
    %and3A_10 = arith.andi %eq3A_7, %eq3A_9 : i1
    %convert_element_type3A_11 = arith.extui %and3A_10 : i1 to i32
    %cond3A_12 = arith.constant 0 : i32
    %cond3A_13 = arith.cmpi ne, %convert_element_type3A_11, %cond3A_12 : i32
    scf.if %cond3A_13 {
      %broadcast_in_dim3A_14 = arith.constant 0.000000e+00 : f32
      %broadcast_in_dim3A_15 = vector.broadcast %broadcast_in_dim3A_14 : f32 to vector<16xf32>
      "tpu.region"() ({
        %run_scoped3A = tpu.sem_alloc : memref<!tpu.dma_semaphore, #tpu.memory_space<semaphore_mem>>
        %dma_start3A = arith.constant 0 : i32
        %dma_start3A_70 = tpu.memref_slice %arg13[%dma_start3A] : memref<128xf32, #tpu.memory_space<vmem_shared>> -> memref<16xf32, #tpu.memory_space<vmem_shared>>
        %dma_start3A_71 = arith.constant 0 : i32
        %dma_start3A_72 = tpu.memref_slice %arg13[%dma_start3A_71] : memref<128xf32, #tpu.memory_space<vmem_shared>> -> memref<16xf32, #tpu.memory_space<vmem_shared>>
        tpu.enqueue_dma source(%dma_start3A_72 : memref<16xf32, #tpu.memory_space<vmem_shared>>) target(%arg12 : memref<16xf32, #tpu.memory_space<vmem>>) target_semaphore(%run_scoped3A : memref<!tpu.dma_semaphore, #tpu.memory_space<semaphore_mem>>)
        %dma_wait3A = arith.constant 0 : i32
        %dma_wait3A_73 = tpu.memref_slice %arg13[%dma_wait3A] : memref<128xf32, #tpu.memory_space<vmem_shared>> -> memref<16xf32, #tpu.memory_space<vmem_shared>>
        %dma_wait3A_74 = arith.constant 0 : i32
        %dma_wait3A_75 = tpu.memref_slice %arg13[%dma_wait3A_74] : memref<128xf32, #tpu.memory_space<vmem_shared>> -> memref<16xf32, #tpu.memory_space<vmem_shared>>
        tpu.wait_dma2 semaphore(%run_scoped3A : memref<!tpu.dma_semaphore, #tpu.memory_space<semaphore_mem>>) src(%dma_wait3A_75 : memref<16xf32, #tpu.memory_space<vmem_shared>>) dst(%arg12 : memref<16xf32, #tpu.memory_space<vmem>>)
        tpu.yield
      }) : () -> ()
      %get3A = arith.constant 0 : index
      %get3A_16 = tpu.vector_load %arg12[%get3A] {strides = array<i32>} : memref<16xf32, #tpu.memory_space<vmem>>, vector<16xf32>,
      %add3A = arith.addf %broadcast_in_dim3A_15, %get3A_16 : vector<16xf32>
      "tpu.region"() ({
        %run_scoped3A = tpu.sem_alloc : memref<!tpu.dma_semaphore, #tpu.memory_space<semaphore_mem>>
        %dma_start3A = arith.constant 16 : i32
        %dma_start3A_70 = tpu.memref_slice %arg13[%dma_start3A] : memref<128xf32, #tpu.memory_space<vmem_shared>> -> memref<16xf32, #tpu.memory_space<vmem_shared>>
        %dma_start3A_71 = arith.constant 16 : i32
        %dma_start3A_72 = tpu.memref_slice %arg13[%dma_start3A_71] : memref<128xf32, #tpu.memory_space<vmem_shared>> -> memref<16xf32, #tpu.memory_space<vmem_shared>>
        tpu.enqueue_dma source(%dma_start3A_72 : memref<16xf32, #tpu.memory_space<vmem_shared>>) target(%arg12 : memref<16xf32, #tpu.memory_space<vmem>>) target_semaphore(%run_scoped3A : memref<!tpu.dma_semaphore, #tpu.memory_space<semaphore_mem>>)
        %dma_wait3A = arith.constant 16 : i32
        %dma_wait3A_73 = tpu.memref_slice %arg13[%dma_wait3A] : memref<128xf32, #tpu.memory_space<vmem_shared>> -> memref<16xf32, #tpu.memory_space<vmem_shared>>
        %dma_wait3A_74 = arith.constant 16 : i32
        %dma_wait3A_75 = tpu.memref_slice %arg13[%dma_wait3A_74] : memref<128xf32, #tpu.memory_space<vmem_shared>> -> memref<16xf32, #tpu.memory_space<vmem_shared>>
        tpu.wait_dma2 semaphore(%run_scoped3A : memref<!tpu.dma_semaphore, #tpu.memory_space<semaphore_mem>>) src(%dma_wait3A_75 : memref<16xf32, #tpu.memory_space<vmem_shared>>) dst(%arg12 : memref<16xf32, #tpu.memory_space<vmem>>)
        tpu.yield
      }) : () -> ()
      %get3A_17 = arith.constant 0 : index
      %get3A_18 = tpu.vector_load %arg12[%get3A_17] {strides = array<i32>} : memref<16xf32, #tpu.memory_space<vmem>>, vector<16xf32>,
      %add3A_19 = arith.addf %add3A, %get3A_18 : vector<16xf32>
      "tpu.region"() ({
        %run_scoped3A = tpu.sem_alloc : memref<!tpu.dma_semaphore, #tpu.memory_space<semaphore_mem>>
        %dma_start3A = arith.constant 32 : i32
        %dma_start3A_70 = tpu.memref_slice %arg13[%dma_start3A] : memref<128xf32, #tpu.memory_space<vmem_shared>> -> memref<16xf32, #tpu.memory_space<vmem_shared>>
        %dma_start3A_71 = arith.constant 32 : i32
        %dma_start3A_72 = tpu.memref_slice %arg13[%dma_start3A_71] : memref<128xf32, #tpu.memory_space<vmem_shared>> -> memref<16xf32, #tpu.memory_space<vmem_shared>>
        tpu.enqueue_dma source(%dma_start3A_72 : memref<16xf32, #tpu.memory_space<vmem_shared>>) target(%arg12 : memref<16xf32, #tpu.memory_space<vmem>>) target_semaphore(%run_scoped3A : memref<!tpu.dma_semaphore, #tpu.memory_space<semaphore_mem>>)
        %dma_wait3A = arith.constant 32 : i32
        %dma_wait3A_73 = tpu.memref_slice %arg13[%dma_wait3A] : memref<128xf32, #tpu.memory_space<vmem_shared>> -> memref<16xf32, #tpu.memory_space<vmem_shared>>
        %dma_wait3A_74 = arith.constant 32 : i32
        %dma_wait3A_75 = tpu.memref_slice %arg13[%dma_wait3A_74] : memref<128xf32, #tpu.memory_space<vmem_shared>> -> memref<16xf32, #tpu.memory_space<vmem_shared>>
        tpu.wait_dma2 semaphore(%run_scoped3A : memref<!tpu.dma_semaphore, #tpu.memory_space<semaphore_mem>>) src(%dma_wait3A_75 : memref<16xf32, #tpu.memory_space<vmem_shared>>) dst(%arg12 : memref<16xf32, #tpu.memory_space<vmem>>)
        tpu.yield
      }) : () -> ()
      %get3A_20 = arith.constant 0 : index
      %get3A_21 = tpu.vector_load %arg12[%get3A_20] {strides = array<i32>} : memref<16xf32, #tpu.memory_space<vmem>>, vector<16xf32>,
      %add3A_22 = arith.addf %add3A_19, %get3A_21 : vector<16xf32>
      "tpu.region"() ({
        %run_scoped3A = tpu.sem_alloc : memref<!tpu.dma_semaphore, #tpu.memory_space<semaphore_mem>>
        %dma_start3A = arith.constant 48 : i32
        %dma_start3A_70 = tpu.memref_slice %arg13[%dma_start3A] : memref<128xf32, #tpu.memory_space<vmem_shared>> -> memref<16xf32, #tpu.memory_space<vmem_shared>>
        %dma_start3A_71 = arith.constant 48 : i32
        %dma_start3A_72 = tpu.memref_slice %arg13[%dma_start3A_71] : memref<128xf32, #tpu.memory_space<vmem_shared>> -> memref<16xf32, #tpu.memory_space<vmem_shared>>
        tpu.enqueue_dma source(%dma_start3A_72 : memref<16xf32, #tpu.memory_space<vmem_shared>>) target(%arg12 : memref<16xf32, #tpu.memory_space<vmem>>) target_semaphore(%run_scoped3A : memref<!tpu.dma_semaphore, #tpu.memory_space<semaphore_mem>>)
        %dma_wait3A = arith.constant 48 : i32
        %dma_wait3A_73 = tpu.memref_slice %arg13[%dma_wait3A] : memref<128xf32, #tpu.memory_space<vmem_shared>> -> memref<16xf32, #tpu.memory_space<vmem_shared>>
        %dma_wait3A_74 = arith.constant 48 : i32
        %dma_wait3A_75 = tpu.memref_slice %arg13[%dma_wait3A_74] : memref<128xf32, #tpu.memory_space<vmem_shared>> -> memref<16xf32, #tpu.memory_space<vmem_shared>>
        tpu.wait_dma2 semaphore(%run_scoped3A : memref<!tpu.dma_semaphore, #tpu.memory_space<semaphore_mem>>) src(%dma_wait3A_75 : memref<16xf32, #tpu.memory_space<vmem_shared>>) dst(%arg12 : memref<16xf32, #tpu.memory_space<vmem>>)
        tpu.yield
      }) : () -> ()
      %get3A_23 = arith.constant 0 : index
      %get3A_24 = tpu.vector_load %arg12[%get3A_23] {strides = array<i32>} : memref<16xf32, #tpu.memory_space<vmem>>, vector<16xf32>,
      %add3A_25 = arith.addf %add3A_22, %get3A_24 : vector<16xf32>
      "tpu.region"() ({
        %run_scoped3A = tpu.sem_alloc : memref<!tpu.dma_semaphore, #tpu.memory_space<semaphore_mem>>
        %dma_start3A = arith.constant 64 : i32
        %dma_start3A_70 = tpu.memref_slice %arg13[%dma_start3A] : memref<128xf32, #tpu.memory_space<vmem_shared>> -> memref<16xf32, #tpu.memory_space<vmem_shared>>
        %dma_start3A_71 = arith.constant 64 : i32
        %dma_start3A_72 = tpu.memref_slice %arg13[%dma_start3A_71] : memref<128xf32, #tpu.memory_space<vmem_shared>> -> memref<16xf32, #tpu.memory_space<vmem_shared>>
        tpu.enqueue_dma source(%dma_start3A_72 : memref<16xf32, #tpu.memory_space<vmem_shared>>) target(%arg12 : memref<16xf32, #tpu.memory_space<vmem>>) target_semaphore(%run_scoped3A : memref<!tpu.dma_semaphore, #tpu.memory_space<semaphore_mem>>)
        %dma_wait3A = arith.constant 64 : i32
        %dma_wait3A_73 = tpu.memref_slice %arg13[%dma_wait3A] : memref<128xf32, #tpu.memory_space<vmem_shared>> -> memref<16xf32, #tpu.memory_space<vmem_shared>>
        %dma_wait3A_74 = arith.constant 64 : i32
        %dma_wait3A_75 = tpu.memref_slice %arg13[%dma_wait3A_74] : memref<128xf32, #tpu.memory_space<vmem_shared>> -> memref<16xf32, #tpu.memory_space<vmem_shared>>
        tpu.wait_dma2 semaphore(%run_scoped3A : memref<!tpu.dma_semaphore, #tpu.memory_space<semaphore_mem>>) src(%dma_wait3A_75 : memref<16xf32, #tpu.memory_space<vmem_shared>>) dst(%arg12 : memref<16xf32, #tpu.memory_space<vmem>>)
        tpu.yield
      }) : () -> ()
      %get3A_26 = arith.constant 0 : index
      %get3A_27 = tpu.vector_load %arg12[%get3A_26] {strides = array<i32>} : memref<16xf32, #tpu.memory_space<vmem>>, vector<16xf32>,
      %add3A_28 = arith.addf %add3A_25, %get3A_27 : vector<16xf32>
      "tpu.region"() ({
        %run_scoped3A = tpu.sem_alloc : memref<!tpu.dma_semaphore, #tpu.memory_space<semaphore_mem>>
        %dma_start3A = arith.constant 80 : i32
        %dma_start3A_70 = tpu.memref_slice %arg13[%dma_start3A] : memref<128xf32, #tpu.memory_space<vmem_shared>> -> memref<16xf32, #tpu.memory_space<vmem_shared>>
        %dma_start3A_71 = arith.constant 80 : i32
        %dma_start3A_72 = tpu.memref_slice %arg13[%dma_start3A_71] : memref<128xf32, #tpu.memory_space<vmem_shared>> -> memref<16xf32, #tpu.memory_space<vmem_shared>>
        tpu.enqueue_dma source(%dma_start3A_72 : memref<16xf32, #tpu.memory_space<vmem_shared>>) target(%arg12 : memref<16xf32, #tpu.memory_space<vmem>>) target_semaphore(%run_scoped3A : memref<!tpu.dma_semaphore, #tpu.memory_space<semaphore_mem>>)
        %dma_wait3A = arith.constant 80 : i32
        %dma_wait3A_73 = tpu.memref_slice %arg13[%dma_wait3A] : memref<128xf32, #tpu.memory_space<vmem_shared>> -> memref<16xf32, #tpu.memory_space<vmem_shared>>
        %dma_wait3A_74 = arith.constant 80 : i32
        %dma_wait3A_75 = tpu.memref_slice %arg13[%dma_wait3A_74] : memref<128xf32, #tpu.memory_space<vmem_shared>> -> memref<16xf32, #tpu.memory_space<vmem_shared>>
        tpu.wait_dma2 semaphore(%run_scoped3A : memref<!tpu.dma_semaphore, #tpu.memory_space<semaphore_mem>>) src(%dma_wait3A_75 : memref<16xf32, #tpu.memory_space<vmem_shared>>) dst(%arg12 : memref<16xf32, #tpu.memory_space<vmem>>)
        tpu.yield
      }) : () -> ()
      %get3A_29 = arith.constant 0 : index
      %get3A_30 = tpu.vector_load %arg12[%get3A_29] {strides = array<i32>} : memref<16xf32, #tpu.memory_space<vmem>>, vector<16xf32>,
      %add3A_31 = arith.addf %add3A_28, %get3A_30 : vector<16xf32>
      "tpu.region"() ({
        %run_scoped3A = tpu.sem_alloc : memref<!tpu.dma_semaphore, #tpu.memory_space<semaphore_mem>>
        %dma_start3A = arith.constant 96 : i32
        %dma_start3A_70 = tpu.memref_slice %arg13[%dma_start3A] : memref<128xf32, #tpu.memory_space<vmem_shared>> -> memref<16xf32, #tpu.memory_space<vmem_shared>>
        %dma_start3A_71 = arith.constant 96 : i32
        %dma_start3A_72 = tpu.memref_slice %arg13[%dma_start3A_71] : memref<128xf32, #tpu.memory_space<vmem_shared>> -> memref<16xf32, #tpu.memory_space<vmem_shared>>
        tpu.enqueue_dma source(%dma_start3A_72 : memref<16xf32, #tpu.memory_space<vmem_shared>>) target(%arg12 : memref<16xf32, #tpu.memory_space<vmem>>) target_semaphore(%run_scoped3A : memref<!tpu.dma_semaphore, #tpu.memory_space<semaphore_mem>>)
        %dma_wait3A = arith.constant 96 : i32
        %dma_wait3A_73 = tpu.memref_slice %arg13[%dma_wait3A] : memref<128xf32, #tpu.memory_space<vmem_shared>> -> memref<16xf32, #tpu.memory_space<vmem_shared>>
        %dma_wait3A_74 = arith.constant 96 : i32
        %dma_wait3A_75 = tpu.memref_slice %arg13[%dma_wait3A_74] : memref<128xf32, #tpu.memory_space<vmem_shared>> -> memref<16xf32, #tpu.memory_space<vmem_shared>>
        tpu.wait_dma2 semaphore(%run_scoped3A : memref<!tpu.dma_semaphore, #tpu.memory_space<semaphore_mem>>) src(%dma_wait3A_75 : memref<16xf32, #tpu.memory_space<vmem_shared>>) dst(%arg12 : memref<16xf32, #tpu.memory_space<vmem>>)
        tpu.yield
      }) : () -> ()
      %get3A_32 = arith.constant 0 : index
      %get3A_33 = tpu.vector_load %arg12[%get3A_32] {strides = array<i32>} : memref<16xf32, #tpu.memory_space<vmem>>, vector<16xf32>,
      %add3A_34 = arith.addf %add3A_31, %get3A_33 : vector<16xf32>
      "tpu.region"() ({
        %run_scoped3A = tpu.sem_alloc : memref<!tpu.dma_semaphore, #tpu.memory_space<semaphore_mem>>
        %dma_start3A = arith.constant 112 : i32
        %dma_start3A_70 = tpu.memref_slice %arg13[%dma_start3A] : memref<128xf32, #tpu.memory_space<vmem_shared>> -> memref<16xf32, #tpu.memory_space<vmem_shared>>
        %dma_start3A_71 = arith.constant 112 : i32
        %dma_start3A_72 = tpu.memref_slice %arg13[%dma_start3A_71] : memref<128xf32, #tpu.memory_space<vmem_shared>> -> memref<16xf32, #tpu.memory_space<vmem_shared>>
        tpu.enqueue_dma source(%dma_start3A_72 : memref<16xf32, #tpu.memory_space<vmem_shared>>) target(%arg12 : memref<16xf32, #tpu.memory_space<vmem>>) target_semaphore(%run_scoped3A : memref<!tpu.dma_semaphore, #tpu.memory_space<semaphore_mem>>)
        %dma_wait3A = arith.constant 112 : i32
        %dma_wait3A_73 = tpu.memref_slice %arg13[%dma_wait3A] : memref<128xf32, #tpu.memory_space<vmem_shared>> -> memref<16xf32, #tpu.memory_space<vmem_shared>>
        %dma_wait3A_74 = arith.constant 112 : i32
        %dma_wait3A_75 = tpu.memref_slice %arg13[%dma_wait3A_74] : memref<128xf32, #tpu.memory_space<vmem_shared>> -> memref<16xf32, #tpu.memory_space<vmem_shared>>
        tpu.wait_dma2 semaphore(%run_scoped3A : memref<!tpu.dma_semaphore, #tpu.memory_space<semaphore_mem>>) src(%dma_wait3A_75 : memref<16xf32, #tpu.memory_space<vmem_shared>>) dst(%arg12 : memref<16xf32, #tpu.memory_space<vmem>>)
        tpu.yield
      }) : () -> ()
      %get3A_35 = arith.constant 0 : index
      %get3A_36 = tpu.vector_load %arg12[%get3A_35] {strides = array<i32>} : memref<16xf32, #tpu.memory_space<vmem>>, vector<16xf32>,
      %add3A_37 = arith.addf %add3A_34, %get3A_36 : vector<16xf32>
      %div3A = arith.constant 8.000000e+00 : f32
      %div3A_38 = vector.broadcast %div3A : f32 to vector<16xf32>
      %div3A_39 = arith.divf %add3A_37, %div3A_38 : vector<16xf32>
      %add3A_40 = arith.addi %broadcast_in_dim3A_2, %broadcast_in_dim3A_2 : vector<16xi32>
      %broadcast_in_dim3A_41 = vector.shape_cast %add3A_40 : vector<16xi32> to vector<16x1xi32>
      %gather3A = vector.shape_cast %broadcast_in_dim3A_41 : vector<16x1xi32> to vector<16xi32>
      %gather3A_42 = tpu.dynamic_gather %div3A_39[%gather3A] in [0] : vector<16xf32>, vector<16xi32> -> vector<16xf32>
      %add3A_43 = arith.constant 1 : i32
      %add3A_44 = vector.broadcast %add3A_43 : i32 to vector<16xi32>
      %add3A_45 = arith.addi %broadcast_in_dim3A_2, %add3A_44 : vector<16xi32>
      %add3A_46 = arith.addi %broadcast_in_dim3A_2, %add3A_45 : vector<16xi32>
      %broadcast_in_dim3A_47 = vector.shape_cast %add3A_46 : vector<16xi32> to vector<16x1xi32>
      %gather3A_48 = vector.shape_cast %broadcast_in_dim3A_47 : vector<16x1xi32> to vector<16xi32>
      %gather3A_49 = tpu.dynamic_gather %div3A_39[%gather3A_48] in [0] : vector<16xf32>, vector<16xi32> -> vector<16xf32>
      %eq3A_50 = arith.constant 0 : i32
      %eq3A_51 = vector.broadcast %eq3A_50 : i32 to vector<16xi32>
      %eq3A_52 = arith.cmpi eq, %iota3A, %eq3A_51 : vector<16xi32>
      %add3A_53 = arith.addf %gather3A_42, %gather3A_49 : vector<16xf32>
      %jit3A = arith.constant 0.000000e+00 : f32
      %broadcast_in_dim3A_54 = vector.broadcast %jit3A : f32 to vector<16xf32>
      %select_n3A = arith.select %eq3A_52, %add3A_53, %broadcast_in_dim3A_54 : vector<16xi1>, vector<16xf32>
      %eq3A_55 = arith.constant 1 : i32
      %eq3A_56 = vector.broadcast %eq3A_55 : i32 to vector<16xi32>
      %eq3A_57 = arith.cmpi eq, %iota3A, %eq3A_56 : vector<16xi32>
      %jit3A_58 = arith.constant 0.000000e+00 : f32
      %broadcast_in_dim3A_59 = vector.broadcast %jit3A_58 : f32 to vector<16xf32>
      %select_n3A_60 = arith.select %eq3A_57, %gather3A_42, %broadcast_in_dim3A_59 : vector<16xi1>, vector<16xf32>
      %add3A_61 = arith.addf %select_n3A, %select_n3A_60 : vector<16xf32>
      %eq3A_62 = arith.constant 2 : i32
      %eq3A_63 = vector.broadcast %eq3A_62 : i32 to vector<16xi32>
      %eq3A_64 = arith.cmpi eq, %iota3A, %eq3A_63 : vector<16xi32>
      %jit3A_65 = arith.constant 0.000000e+00 : f32
      %broadcast_in_dim3A_66 = vector.broadcast %jit3A_65 : f32 to vector<16xf32>
      %select_n3A_67 = arith.select %eq3A_64, %gather3A_49, %broadcast_in_dim3A_66 : vector<16xi1>, vector<16xf32>
      %add3A_68 = arith.addf %add3A_61, %select_n3A_67 : vector<16xf32>
      %swap3A = arith.constant 0 : index
      %swap3A_69 = tpu.vector_load %arg11[%swap3A] {strides = array<i32>} : memref<16xf32, #tpu.memory_space<vmem>>, vector<16xf32>,
      tpu.vector_store %arg11[%swap3A], %add3A_68 {strides = array<i32>} : memref<16xf32, #tpu.memory_space<vmem>>, vector<16xf32>,
      "tpu.region"() ({
        %run_scoped3A = tpu.sem_alloc : memref<!tpu.dma_semaphore, #tpu.memory_space<semaphore_mem>>
        tpu.enqueue_dma source(%arg11 : memref<16xf32, #tpu.memory_space<vmem>>) target(%arg4 : memref<16xf32, #tpu.memory_space<hbm>>) target_semaphore(%run_scoped3A : memref<!tpu.dma_semaphore, #tpu.memory_space<semaphore_mem>>)
        tpu.wait_dma2 semaphore(%run_scoped3A : memref<!tpu.dma_semaphore, #tpu.memory_space<semaphore_mem>>) src(%arg11 : memref<16xf32, #tpu.memory_space<vmem>>) dst(%arg4 : memref<16xf32, #tpu.memory_space<hbm>>)
        tpu.yield
      }) : () -> ()
    } else {
    }
    return
  }
}

module attributes {stable_mosaic.version = 14 : i64} {
  func.func @_assign_body(%arg0: i32, %arg1: i32, %arg2: memref<4x4096xf32, #tpu.memory_space<vmem>>, %arg3: memref<1x32x4xf32, #tpu.memory_space<vmem>>, %arg4: memref<1x1x1x4096xf32, #tpu.memory_space<vmem>>, %arg5: memref<1x1x1x4096xi32, #tpu.memory_space<vmem>>, %arg6: memref<1x32x1xi32, #tpu.memory_space<vmem>>, %arg7: memref<32x1xf32, #tpu.memory_space<vmem>>, %arg8: memref<32x1xi32, #tpu.memory_space<vmem>>) attributes {dimension_semantics = [#tpu.dimension_semantics<arbitrary>, #tpu.dimension_semantics<arbitrary>], iteration_bounds = array<i64: 8, 4>, scalar_prefetch = 0 : i64, scratch_operands = 2 : i64, tpu.core_type = #tpu.core_type<tc>, window_params = [{transform_indices = @transform_0, window_bounds = array<i64: 4, 4096>}, {transform_indices = @transform_1, window_bounds = array<i64: 1, 32, 4>}, {transform_indices = @transform_2, window_bounds = array<i64: 1, 1, 1, 4096>}, {transform_indices = @transform_3, window_bounds = array<i64: 1, 1, 1, 4096>}, {transform_indices = @transform_4, window_bounds = array<i64: 1, 32, 1>}]} {
    %get3A = arith.constant 0 : index
    %get3A_0 = arith.constant 0 : index
    %get3A_1 = vector.load %arg2[%get3A, %get3A_0] : memref<4x4096xf32, #tpu.memory_space<vmem>>, vector<1x4096xf32>
    %get3A_2 = arith.constant 1 : index
    %get3A_3 = arith.constant 0 : index
    %get3A_4 = vector.load %arg2[%get3A_2, %get3A_3] : memref<4x4096xf32, #tpu.memory_space<vmem>>, vector<1x4096xf32>
    %get3A_5 = arith.constant 2 : index
    %get3A_6 = arith.constant 0 : index
    %get3A_7 = vector.load %arg2[%get3A_5, %get3A_6] : memref<4x4096xf32, #tpu.memory_space<vmem>>, vector<1x4096xf32>
    %get3A_8 = arith.constant 3 : index
    %get3A_9 = arith.constant 0 : index
    %get3A_10 = vector.load %arg2[%get3A_8, %get3A_9] : memref<4x4096xf32, #tpu.memory_space<vmem>>, vector<1x4096xf32>
    %mul3A = arith.constant 5.000000e-01 : f32
    %mul3A_11 = vector.broadcast %mul3A : f32 to vector<1x4096xf32>
    %mul3A_12 = arith.mulf %mul3A_11, %get3A_7 : vector<1x4096xf32>
    %sub3A = arith.subf %get3A_1, %mul3A_12 : vector<1x4096xf32>
    %mul3A_13 = arith.constant 5.000000e-01 : f32
    %mul3A_14 = vector.broadcast %mul3A_13 : f32 to vector<1x4096xf32>
    %mul3A_15 = arith.mulf %mul3A_14, %get3A_10 : vector<1x4096xf32>
    %sub3A_16 = arith.subf %get3A_4, %mul3A_15 : vector<1x4096xf32>
    %mul3A_17 = arith.constant 5.000000e-01 : f32
    %mul3A_18 = vector.broadcast %mul3A_17 : f32 to vector<1x4096xf32>
    %mul3A_19 = arith.mulf %mul3A_18, %get3A_7 : vector<1x4096xf32>
    %add3A = arith.addf %get3A_1, %mul3A_19 : vector<1x4096xf32>
    %mul3A_20 = arith.constant 5.000000e-01 : f32
    %mul3A_21 = vector.broadcast %mul3A_20 : f32 to vector<1x4096xf32>
    %mul3A_22 = arith.mulf %mul3A_21, %get3A_10 : vector<1x4096xf32>
    %add3A_23 = arith.addf %get3A_4, %mul3A_22 : vector<1x4096xf32>
    %get3A_24 = arith.constant 0 : index
    %get3A_25 = arith.constant 0 : index
    %get3A_26 = arith.constant 0 : index
    %get3A_27 = vector.load %arg3[%get3A_24, %get3A_25, %get3A_26] : memref<1x32x4xf32, #tpu.memory_space<vmem>>, vector<1x32x4xf32>
    %get3A_28 = vector.shape_cast %get3A_27 : vector<1x32x4xf32> to vector<32x4xf32>
    %slice3A = vector.extract_strided_slice %get3A_28 {offsets = [0, 0], sizes = [32, 1], strides = [1, 1]} : vector<32x4xf32> to vector<32x1xf32>
    %slice3A_29 = vector.extract_strided_slice %get3A_28 {offsets = [0, 1], sizes = [32, 1], strides = [1, 1]} : vector<32x4xf32> to vector<32x1xf32>
    %slice3A_30 = vector.extract_strided_slice %get3A_28 {offsets = [0, 2], sizes = [32, 1], strides = [1, 1]} : vector<32x4xf32> to vector<32x1xf32>
    %slice3A_31 = vector.extract_strided_slice %get3A_28 {offsets = [0, 3], sizes = [32, 1], strides = [1, 1]} : vector<32x4xf32> to vector<32x1xf32>
    %min3A = vector.broadcast %add3A : vector<1x4096xf32> to vector<32x4096xf32>
    %min3A_32 = vector.broadcast %slice3A_30 : vector<32x1xf32> to vector<32x4096xf32>
    %min3A_33 = arith.minimumf %min3A, %min3A_32 : vector<32x4096xf32>
    %max3A = vector.broadcast %sub3A : vector<1x4096xf32> to vector<32x4096xf32>
    %max3A_34 = vector.broadcast %slice3A : vector<32x1xf32> to vector<32x4096xf32>
    %max3A_35 = arith.maximumf %max3A, %max3A_34 : vector<32x4096xf32>
    %sub3A_36 = arith.subf %min3A_33, %max3A_35 : vector<32x4096xf32>
    %jit3A = arith.constant 0.000000e+00 : f32
    %max3A_37 = vector.broadcast %jit3A : f32 to vector<32x4096xf32>
    %max3A_38 = arith.maximumf %max3A_37, %sub3A_36 : vector<32x4096xf32>
    %min3A_39 = vector.broadcast %add3A_23 : vector<1x4096xf32> to vector<32x4096xf32>
    %min3A_40 = vector.broadcast %slice3A_31 : vector<32x1xf32> to vector<32x4096xf32>
    %min3A_41 = arith.minimumf %min3A_39, %min3A_40 : vector<32x4096xf32>
    %max3A_42 = vector.broadcast %sub3A_16 : vector<1x4096xf32> to vector<32x4096xf32>
    %max3A_43 = vector.broadcast %slice3A_29 : vector<32x1xf32> to vector<32x4096xf32>
    %max3A_44 = arith.maximumf %max3A_42, %max3A_43 : vector<32x4096xf32>
    %sub3A_45 = arith.subf %min3A_41, %max3A_44 : vector<32x4096xf32>
    %jit3A_46 = arith.constant 0.000000e+00 : f32
    %max3A_47 = vector.broadcast %jit3A_46 : f32 to vector<32x4096xf32>
    %max3A_48 = arith.maximumf %max3A_47, %sub3A_45 : vector<32x4096xf32>
    %mul3A_49 = arith.mulf %max3A_38, %max3A_48 : vector<32x4096xf32>
    %sub3A_50 = arith.subf %add3A, %sub3A : vector<1x4096xf32>
    %jit3A_51 = arith.constant 0.000000e+00 : f32
    %max3A_52 = vector.broadcast %jit3A_51 : f32 to vector<1x4096xf32>
    %max3A_53 = arith.maximumf %max3A_52, %sub3A_50 : vector<1x4096xf32>
    %sub3A_54 = arith.subf %add3A_23, %sub3A_16 : vector<1x4096xf32>
    %jit3A_55 = arith.constant 0.000000e+00 : f32
    %max3A_56 = vector.broadcast %jit3A_55 : f32 to vector<1x4096xf32>
    %max3A_57 = arith.maximumf %max3A_56, %sub3A_54 : vector<1x4096xf32>
    %mul3A_58 = arith.mulf %max3A_53, %max3A_57 : vector<1x4096xf32>
    %sub3A_59 = arith.subf %slice3A_30, %slice3A : vector<32x1xf32>
    %jit3A_60 = arith.constant 0.000000e+00 : f32
    %max3A_61 = vector.broadcast %jit3A_60 : f32 to vector<32x1xf32>
    %max3A_62 = arith.maximumf %max3A_61, %sub3A_59 : vector<32x1xf32>
    %sub3A_63 = arith.subf %slice3A_31, %slice3A_29 : vector<32x1xf32>
    %jit3A_64 = arith.constant 0.000000e+00 : f32
    %max3A_65 = vector.broadcast %jit3A_64 : f32 to vector<32x1xf32>
    %max3A_66 = arith.maximumf %max3A_65, %sub3A_63 : vector<32x1xf32>
    %mul3A_67 = arith.mulf %max3A_62, %max3A_66 : vector<32x1xf32>
    %add3A_68 = vector.broadcast %mul3A_58 : vector<1x4096xf32> to vector<32x4096xf32>
    %add3A_69 = vector.broadcast %mul3A_67 : vector<32x1xf32> to vector<32x4096xf32>
    %add3A_70 = arith.addf %add3A_68, %add3A_69 : vector<32x4096xf32>
    %sub3A_71 = arith.subf %add3A_70, %mul3A_49 : vector<32x4096xf32>
    %add3A_72 = arith.constant 9.99999971E-10 : f32
    %add3A_73 = vector.broadcast %add3A_72 : f32 to vector<32x4096xf32>
    %add3A_74 = arith.addf %sub3A_71, %add3A_73 : vector<32x4096xf32>
    %div3A = arith.divf %mul3A_49, %add3A_74 : vector<32x4096xf32>
    %reduce_max3A = arith.constant dense<0xFF800000> : vector<4096xf32>
    %reduce_max3A_75 = vector.multi_reduction <maximumf>, %div3A, %reduce_max3A [0] : vector<32x4096xf32> to vector<4096xf32>
    %broadcast_in_dim3A = vector.shape_cast %reduce_max3A_75 : vector<4096xf32> to vector<1x4096xf32>
    %iota3A = tpu.iota {dimensions = array<i32: 0>} : vector<32x4096xi32>
    %eq3A = vector.broadcast %broadcast_in_dim3A : vector<1x4096xf32> to vector<32x4096xf32>
    %eq3A_76 = arith.cmpf oeq, %div3A, %eq3A : vector<32x4096xf32>
    %jit3A_77 = arith.constant 32 : i32
    %broadcast_in_dim3A_78 = vector.broadcast %jit3A_77 : i32 to vector<32x4096xi32>
    %select_n3A = arith.select %eq3A_76, %iota3A, %broadcast_in_dim3A_78 : vector<32x4096xi1>, vector<32x4096xi32>
    %reduce_min3A = arith.constant dense<2147483647> : vector<4096xi32>
    %reduce_min3A_79 = vector.multi_reduction <minsi>, %select_n3A, %reduce_min3A [0] : vector<32x4096xi32> to vector<4096xi32>
    %broadcast_in_dim3A_80 = vector.shape_cast %reduce_min3A_79 : vector<4096xi32> to vector<1x4096xi32>
    %swap3A = arith.constant 0 : index
    %swap3A_81 = arith.constant 0 : index
    %swap3A_82 = arith.constant 0 : index
    %swap3A_83 = arith.constant 0 : index
    %swap3A_84 = vector.load %arg4[%swap3A, %swap3A_81, %swap3A_82, %swap3A_83] : memref<1x1x1x4096xf32, #tpu.memory_space<vmem>>, vector<1x1x1x4096xf32>
    %swap3A_85 = vector.shape_cast %swap3A_84 : vector<1x1x1x4096xf32> to vector<1x4096xf32>
    %swap3A_86 = vector.shape_cast %broadcast_in_dim3A : vector<1x4096xf32> to vector<1x1x1x4096xf32>
    tpu.vector_store %arg4[%swap3A, %swap3A_81, %swap3A_82, %swap3A_83], %swap3A_86 {strides = array<i32>} : memref<1x1x1x4096xf32, #tpu.memory_space<vmem>>, vector<1x1x1x4096xf32>,
    %swap3A_87 = arith.constant 0 : index
    %swap3A_88 = arith.constant 0 : index
    %swap3A_89 = arith.constant 0 : index
    %swap3A_90 = arith.constant 0 : index
    %swap3A_91 = vector.load %arg5[%swap3A_87, %swap3A_88, %swap3A_89, %swap3A_90] : memref<1x1x1x4096xi32, #tpu.memory_space<vmem>>, vector<1x1x1x4096xi32>
    %swap3A_92 = vector.shape_cast %swap3A_91 : vector<1x1x1x4096xi32> to vector<1x4096xi32>
    %swap3A_93 = vector.shape_cast %broadcast_in_dim3A_80 : vector<1x4096xi32> to vector<1x1x1x4096xi32>
    tpu.vector_store %arg5[%swap3A_87, %swap3A_88, %swap3A_89, %swap3A_90], %swap3A_93 {strides = array<i32>} : memref<1x1x1x4096xi32, #tpu.memory_space<vmem>>, vector<1x1x1x4096xi32>,
    %reduce_max3A_94 = arith.constant dense<0xFF800000> : vector<32xf32>
    %reduce_max3A_95 = vector.multi_reduction <maximumf>, %div3A, %reduce_max3A_94 [1] : vector<32x4096xf32> to vector<32xf32>
    %broadcast_in_dim3A_96 = vector.shape_cast %reduce_max3A_95 : vector<32xf32> to vector<32x1xf32>
    %iota3A_97 = tpu.iota {dimensions = array<i32: 1>} : vector<32x4096xi32>
    %mul3A_98 = arith.constant 4096 : i32
    %mul3A_99 = arith.muli %arg1, %mul3A_98 : i32
    %add3A_100 = vector.broadcast %mul3A_99 : i32 to vector<32x4096xi32>
    %add3A_101 = arith.addi %iota3A_97, %add3A_100 : vector<32x4096xi32>
    %eq3A_102 = vector.broadcast %broadcast_in_dim3A_96 : vector<32x1xf32> to vector<32x4096xf32>
    %eq3A_103 = arith.cmpf oeq, %div3A, %eq3A_102 : vector<32x4096xf32>
    %jit3A_104 = arith.constant 16384 : i32
    %broadcast_in_dim3A_105 = vector.broadcast %jit3A_104 : i32 to vector<32x4096xi32>
    %select_n3A_106 = arith.select %eq3A_103, %add3A_101, %broadcast_in_dim3A_105 : vector<32x4096xi1>, vector<32x4096xi32>
    %reduce_min3A_107 = arith.constant dense<2147483647> : vector<32xi32>
    %reduce_min3A_108 = vector.multi_reduction <minsi>, %select_n3A_106, %reduce_min3A_107 [1] : vector<32x4096xi32> to vector<32xi32>
    %broadcast_in_dim3A_109 = vector.shape_cast %reduce_min3A_108 : vector<32xi32> to vector<32x1xi32>
    %eq3A_110 = arith.constant 0 : i32
    %eq3A_111 = arith.cmpi eq, %arg1, %eq3A_110 : i32
    %convert_element_type3A = arith.extui %eq3A_111 : i1 to i32
    %cond3A = arith.constant 0 : i32
    %cond3A_112 = arith.cmpi ne, %convert_element_type3A, %cond3A : i32
    scf.if %cond3A_112 {
      %swap3A_126 = arith.constant 0 : index
      %swap3A_127 = arith.constant 0 : index
      %swap3A_128 = vector.load %arg7[%swap3A_126, %swap3A_127] : memref<32x1xf32, #tpu.memory_space<vmem>>, vector<32x1xf32>
      tpu.vector_store %arg7[%swap3A_126, %swap3A_127], %broadcast_in_dim3A_96 {strides = array<i32>} : memref<32x1xf32, #tpu.memory_space<vmem>>, vector<32x1xf32>,
      %swap3A_129 = arith.constant 0 : index
      %swap3A_130 = arith.constant 0 : index
      %swap3A_131 = vector.load %arg8[%swap3A_129, %swap3A_130] : memref<32x1xi32, #tpu.memory_space<vmem>>, vector<32x1xi32>
      tpu.vector_store %arg8[%swap3A_129, %swap3A_130], %broadcast_in_dim3A_109 {strides = array<i32>} : memref<32x1xi32, #tpu.memory_space<vmem>>, vector<32x1xi32>,
    } else {
    }
    %gt3A = arith.constant 0 : i32
    %gt3A_113 = arith.cmpi sgt, %arg1, %gt3A : i32
    %convert_element_type3A_114 = arith.extui %gt3A_113 : i1 to i32
    %cond3A_115 = arith.constant 0 : i32
    %cond3A_116 = arith.cmpi ne, %convert_element_type3A_114, %cond3A_115 : i32
    scf.if %cond3A_116 {
      %get3A_126 = arith.constant 0 : index
      %get3A_127 = arith.constant 0 : index
      %get3A_128 = vector.load %arg7[%get3A_126, %get3A_127] : memref<32x1xf32, #tpu.memory_space<vmem>>, vector<32x1xf32>
      %gt3A_129 = arith.cmpf ogt, %broadcast_in_dim3A_96, %get3A_128 : vector<32x1xf32>
      %get3A_130 = arith.constant 0 : index
      %get3A_131 = arith.constant 0 : index
      %get3A_132 = vector.load %arg7[%get3A_130, %get3A_131] : memref<32x1xf32, #tpu.memory_space<vmem>>, vector<32x1xf32>
      %select_n3A_133 = arith.select %gt3A_129, %broadcast_in_dim3A_96, %get3A_132 : vector<32x1xi1>, vector<32x1xf32>
      %swap3A_134 = arith.constant 0 : index
      %swap3A_135 = arith.constant 0 : index
      %swap3A_136 = vector.load %arg7[%swap3A_134, %swap3A_135] : memref<32x1xf32, #tpu.memory_space<vmem>>, vector<32x1xf32>
      tpu.vector_store %arg7[%swap3A_134, %swap3A_135], %select_n3A_133 {strides = array<i32>} : memref<32x1xf32, #tpu.memory_space<vmem>>, vector<32x1xf32>,
      %get3A_137 = arith.constant 0 : index
      %get3A_138 = arith.constant 0 : index
      %get3A_139 = vector.load %arg8[%get3A_137, %get3A_138] : memref<32x1xi32, #tpu.memory_space<vmem>>, vector<32x1xi32>
      %select_n3A_140 = arith.select %gt3A_129, %broadcast_in_dim3A_109, %get3A_139 : vector<32x1xi1>, vector<32x1xi32>
      %swap3A_141 = arith.constant 0 : index
      %swap3A_142 = arith.constant 0 : index
      %swap3A_143 = vector.load %arg8[%swap3A_141, %swap3A_142] : memref<32x1xi32, #tpu.memory_space<vmem>>, vector<32x1xi32>
      tpu.vector_store %arg8[%swap3A_141, %swap3A_142], %select_n3A_140 {strides = array<i32>} : memref<32x1xi32, #tpu.memory_space<vmem>>, vector<32x1xi32>,
    } else {
    }
    %get3A_117 = arith.constant 0 : index
    %get3A_118 = arith.constant 0 : index
    %get3A_119 = vector.load %arg8[%get3A_117, %get3A_118] : memref<32x1xi32, #tpu.memory_space<vmem>>, vector<32x1xi32>
    %swap3A_120 = arith.constant 0 : index
    %swap3A_121 = arith.constant 0 : index
    %swap3A_122 = arith.constant 0 : index
    %swap3A_123 = vector.load %arg6[%swap3A_120, %swap3A_121, %swap3A_122] : memref<1x32x1xi32, #tpu.memory_space<vmem>>, vector<1x32x1xi32>
    %swap3A_124 = vector.shape_cast %swap3A_123 : vector<1x32x1xi32> to vector<32x1xi32>
    %swap3A_125 = vector.shape_cast %get3A_119 : vector<32x1xi32> to vector<1x32x1xi32>
    tpu.vector_store %arg6[%swap3A_120, %swap3A_121, %swap3A_122], %swap3A_125 {strides = array<i32>} : memref<1x32x1xi32, #tpu.memory_space<vmem>>, vector<1x32x1xi32>,
    return
  }
  func.func @transform_0(%arg0: i32, %arg1: i32) -> (i32, i32) {
    %c0_i32 = arith.constant 0 : i32
    %c0_i32_0 = arith.constant 0 : i32
    return %c0_i32, %arg1 : i32, i32
  }
  func.func @transform_1(%arg0: i32, %arg1: i32) -> (i32, i32, i32) {
    %c0_i32 = arith.constant 0 : i32
    %c0_i32_0 = arith.constant 0 : i32
    %c0_i32_1 = arith.constant 0 : i32
    return %arg0, %c0_i32, %c0_i32_0 : i32, i32, i32
  }
  func.func @transform_2(%arg0: i32, %arg1: i32) -> (i32, i32, i32, i32) {
    %c0_i32 = arith.constant 0 : i32
    %c0_i32_0 = arith.constant 0 : i32
    %c0_i32_1 = arith.constant 0 : i32
    return %arg0, %arg1, %c0_i32, %c0_i32_0 : i32, i32, i32, i32
  }
  func.func @transform_3(%arg0: i32, %arg1: i32) -> (i32, i32, i32, i32) {
    %c0_i32 = arith.constant 0 : i32
    %c0_i32_0 = arith.constant 0 : i32
    %c0_i32_1 = arith.constant 0 : i32
    return %arg0, %arg1, %c0_i32, %c0_i32_0 : i32, i32, i32, i32
  }
  func.func @transform_4(%arg0: i32, %arg1: i32) -> (i32, i32, i32) {
    %c0_i32 = arith.constant 0 : i32
    %c0_i32_0 = arith.constant 0 : i32
    %c0_i32_1 = arith.constant 0 : i32
    return %arg0, %c0_i32, %c0_i32_0 : i32, i32, i32
  }
}

module attributes {stable_mosaic.version = 14 : i64} {
  func.func @_main_body(%arg0: i32, %arg1: i32, %arg2: memref<1x81x4096xf32, #tpu.memory_space<vmem>>, %arg3: memref<1x4x4096xf32, #tpu.memory_space<vmem>>, %arg4: memref<4x4096xf32, #tpu.memory_space<vmem>>, %arg5: memref<1x32x4xf32, #tpu.memory_space<vmem>>, %arg6: memref<1x32x1xi32, #tpu.memory_space<vmem>>, %arg7: memref<1x1x1x4096xf32, #tpu.memory_space<vmem>>, %arg8: memref<1x1x1x4096xi32, #tpu.memory_space<vmem>>, %arg9: memref<1x32x1xi32, #tpu.memory_space<vmem>>, %arg10: memref<1x1x1x4096xf32, #tpu.memory_space<vmem>>, %arg11: memref<1x1x1xf32, #tpu.memory_space<vmem>>, %arg12: memref<1x1x1xi32, #tpu.memory_space<vmem>>, %arg13: memref<1x1x1xf32, #tpu.memory_space<vmem>>, %arg14: memref<1x1xf32, #tpu.memory_space<vmem>>, %arg15: memref<1x1xf32, #tpu.memory_space<vmem>>, %arg16: memref<1x1xf32, #tpu.memory_space<vmem>>) attributes {dimension_semantics = [#tpu.dimension_semantics<arbitrary>, #tpu.dimension_semantics<arbitrary>], iteration_bounds = array<i64: 8, 4>, scalar_prefetch = 0 : i64, scratch_operands = 3 : i64, tpu.core_type = #tpu.core_type<tc>, window_params = [{transform_indices = @transform_0, window_bounds = array<i64: 1, 81, 4096>}, {transform_indices = @transform_1, window_bounds = array<i64: 1, 4, 4096>}, {transform_indices = @transform_2, window_bounds = array<i64: 4, 4096>}, {transform_indices = @transform_3, window_bounds = array<i64: 1, 32, 4>}, {transform_indices = @transform_4, window_bounds = array<i64: 1, 32, 1>}, {transform_indices = @transform_5, window_bounds = array<i64: 1, 1, 1, 4096>}, {transform_indices = @transform_6, window_bounds = array<i64: 1, 1, 1, 4096>}, {transform_indices = @transform_7, window_bounds = array<i64: 1, 32, 1>}, {transform_indices = @transform_8, window_bounds = array<i64: 1, 1, 1, 4096>}, {transform_indices = @transform_9, window_bounds = array<i64: 1, 1, 1>}, {transform_indices = @transform_10, window_bounds = array<i64: 1, 1, 1>}, {transform_indices = @transform_11, window_bounds = array<i64: 1, 1, 1>}]} {
    %get3A = arith.constant 0 : index
    %get3A_0 = arith.constant 0 : index
    %get3A_1 = arith.constant 0 : index
    %get3A_2 = vector.load %arg2[%get3A, %get3A_0, %get3A_1] : memref<1x81x4096xf32, #tpu.memory_space<vmem>>, vector<1x81x4096xf32>
    %get3A_3 = vector.shape_cast %get3A_2 : vector<1x81x4096xf32> to vector<81x4096xf32>
    %exp3A = math.exp %get3A_3 : vector<81x4096xf32>
    %reduce_sum3A = arith.constant dense<0.000000e+00> : vector<4096xf32>
    %reduce_sum3A_4 = vector.multi_reduction <add>, %exp3A, %reduce_sum3A [0] : vector<81x4096xf32> to vector<4096xf32>
    %broadcast_in_dim3A = vector.shape_cast %reduce_sum3A_4 : vector<4096xf32> to vector<1x4096xf32>
    %log3A = math.log %broadcast_in_dim3A : vector<1x4096xf32>
    %slice3A = vector.extract_strided_slice %get3A_3 {offsets = [0, 0], sizes = [1, 4096], strides = [1, 1]} : vector<81x4096xf32> to vector<1x4096xf32>
    %sub3A = arith.subf %log3A, %slice3A : vector<1x4096xf32>
    %max3A = arith.constant 0.000000e+00 : f32
    %max3A_5 = vector.broadcast %max3A : f32 to vector<1x4096xf32>
    %max3A_6 = arith.maximumf %sub3A, %max3A_5 : vector<1x4096xf32>
    %get3A_7 = arith.constant 0 : index
    %get3A_8 = arith.constant 0 : index
    %get3A_9 = arith.constant 0 : index
    %get3A_10 = arith.constant 0 : index
    %get3A_11 = vector.load %arg7[%get3A_7, %get3A_8, %get3A_9, %get3A_10] : memref<1x1x1x4096xf32, #tpu.memory_space<vmem>>, vector<1x1x1x4096xf32>
    %get3A_12 = vector.shape_cast %get3A_11 : vector<1x1x1x4096xf32> to vector<1x4096xf32>
    %get3A_13 = arith.constant 0 : index
    %get3A_14 = arith.constant 0 : index
    %get3A_15 = arith.constant 0 : index
    %get3A_16 = arith.constant 0 : index
    %get3A_17 = vector.load %arg8[%get3A_13, %get3A_14, %get3A_15, %get3A_16] : memref<1x1x1x4096xi32, #tpu.memory_space<vmem>>, vector<1x1x1x4096xi32>
    %get3A_18 = vector.shape_cast %get3A_17 : vector<1x1x1x4096xi32> to vector<1x4096xi32>
    %get3A_19 = arith.constant 0 : index
    %get3A_20 = arith.constant 0 : index
    %get3A_21 = arith.constant 0 : index
    %get3A_22 = vector.load %arg9[%get3A_19, %get3A_20, %get3A_21] : memref<1x32x1xi32, #tpu.memory_space<vmem>>, vector<1x32x1xi32>
    %get3A_23 = vector.shape_cast %get3A_22 : vector<1x32x1xi32> to vector<32x1xi32>
    %iota3A = tpu.iota {dimensions = array<i32: 1>} : vector<32x4096xi32>
    %mul3A = arith.constant 4096 : i32
    %mul3A_24 = arith.muli %arg1, %mul3A : i32
    %add3A = vector.broadcast %mul3A_24 : i32 to vector<32x4096xi32>
    %add3A_25 = arith.addi %iota3A, %add3A : vector<32x4096xi32>
    %eq3A = vector.broadcast %get3A_23 : vector<32x1xi32> to vector<32x4096xi32>
    %eq3A_26 = arith.cmpi eq, %eq3A, %add3A_25 : vector<32x4096xi32>
    %convert_element_type3A = arith.extui %eq3A_26 : vector<32x4096xi1> to vector<32x4096xi32>
    %reduce_max3A = arith.constant dense<-2147483648> : vector<4096xi32>
    %reduce_max3A_27 = vector.multi_reduction <maxsi>, %convert_element_type3A, %reduce_max3A [0] : vector<32x4096xi32> to vector<4096xi32>
    %broadcast_in_dim3A_28 = vector.shape_cast %reduce_max3A_27 : vector<4096xi32> to vector<1x4096xi32>
    %gt3A = arith.constant 0 : i32
    %gt3A_29 = vector.broadcast %gt3A : i32 to vector<1x4096xi32>
    %gt3A_30 = arith.cmpi sgt, %broadcast_in_dim3A_28, %gt3A_29 : vector<1x4096xi32>
    %iota3A_31 = tpu.iota {dimensions = array<i32: 0>} : vector<32x4096xi32>
    %jit3A = arith.constant -1 : i32
    %broadcast_in_dim3A_32 = vector.broadcast %jit3A : i32 to vector<32x4096xi32>
    %select_n3A = arith.select %eq3A_26, %iota3A_31, %broadcast_in_dim3A_32 : vector<32x4096xi1>, vector<32x4096xi32>
    %reduce_max3A_33 = arith.constant dense<-2147483648> : vector<4096xi32>
    %reduce_max3A_34 = vector.multi_reduction <maxsi>, %select_n3A, %reduce_max3A_33 [0] : vector<32x4096xi32> to vector<4096xi32>
    %broadcast_in_dim3A_35 = vector.shape_cast %reduce_max3A_34 : vector<4096xi32> to vector<1x4096xi32>
    %ge3A = arith.constant 5.000000e-01 : f32
    %ge3A_36 = vector.broadcast %ge3A : f32 to vector<1x4096xf32>
    %ge3A_37 = arith.cmpf oge, %get3A_12, %ge3A_36 : vector<1x4096xf32>
    %or3A = arith.ori %ge3A_37, %gt3A_30 : vector<1x4096xi1>
    %gt3A_38 = arith.constant 4.000000e-01 : f32
    %gt3A_39 = vector.broadcast %gt3A_38 : f32 to vector<1x4096xf32>
    %gt3A_40 = arith.cmpf ogt, %get3A_12, %gt3A_39 : vector<1x4096xf32>
    %not3A = arith.constant dense<true> : vector<1x4096xi1>
    %not3A_41 = arith.xori %or3A, %not3A : vector<1x4096xi1>
    %and3A = arith.andi %gt3A_40, %not3A_41 : vector<1x4096xi1>
    %select_n3A_42 = arith.select %gt3A_30, %broadcast_in_dim3A_35, %get3A_18 : vector<1x4096xi1>, vector<1x4096xi32>
    %eq3A_43 = vector.broadcast %select_n3A_42 : vector<1x4096xi32> to vector<32x4096xi32>
    %eq3A_44 = arith.cmpi eq, %iota3A_31, %eq3A_43 : vector<32x4096xi32>
    %get3A_45 = arith.constant 0 : index
    %get3A_46 = arith.constant 0 : index
    %get3A_47 = arith.constant 0 : index
    %get3A_48 = vector.load %arg6[%get3A_45, %get3A_46, %get3A_47] : memref<1x32x1xi32, #tpu.memory_space<vmem>>, vector<1x32x1xi32>
    %get3A_49 = vector.shape_cast %get3A_48 : vector<1x32x1xi32> to vector<32x1xi32>
    %jit3A_50 = arith.constant 0 : i32
    %broadcast_in_dim3A_51 = vector.shape_cast %get3A_49 : vector<32x1xi32> to vector<32x1xi32>
    %broadcast_in_dim3A_52 = vector.broadcast %broadcast_in_dim3A_51 : vector<32x1xi32> to vector<32x4096xi32>
    %broadcast_in_dim3A_53 = vector.broadcast %jit3A_50 : i32 to vector<32x4096xi32>
    %select_n3A_54 = arith.select %eq3A_44, %broadcast_in_dim3A_52, %broadcast_in_dim3A_53 : vector<32x4096xi1>, vector<32x4096xi32>
    %reduce_sum3A_55 = arith.constant dense<0> : vector<4096xi32>
    %reduce_sum3A_56 = vector.multi_reduction <add>, %select_n3A_54, %reduce_sum3A_55 [0] : vector<32x4096xi32> to vector<4096xi32>
    %broadcast_in_dim3A_57 = vector.shape_cast %reduce_sum3A_56 : vector<4096xi32> to vector<1x4096xi32>
    %jit3A_58 = arith.constant 0 : i32
    %broadcast_in_dim3A_59 = vector.broadcast %jit3A_58 : i32 to vector<1x4096xi32>
    %select_n3A_60 = arith.select %or3A, %broadcast_in_dim3A_57, %broadcast_in_dim3A_59 : vector<1x4096xi1>, vector<1x4096xi32>
    %iota3A_61 = tpu.iota {dimensions = array<i32: 0>} : vector<81x4096xi32>
    %eq3A_62 = vector.broadcast %select_n3A_60 : vector<1x4096xi32> to vector<81x4096xi32>
    %eq3A_63 = arith.cmpi eq, %iota3A_61, %eq3A_62 : vector<81x4096xi32>
    %jit3A_64 = arith.constant 0.000000e+00 : f32
    %broadcast_in_dim3A_65 = vector.broadcast %jit3A_64 : f32 to vector<81x4096xf32>
    %select_n3A_66 = arith.select %eq3A_63, %get3A_3, %broadcast_in_dim3A_65 : vector<81x4096xi1>, vector<81x4096xf32>
    %reduce_sum3A_67 = arith.constant dense<0.000000e+00> : vector<4096xf32>
    %reduce_sum3A_68 = vector.multi_reduction <add>, %select_n3A_66, %reduce_sum3A_67 [0] : vector<81x4096xf32> to vector<4096xf32>
    %broadcast_in_dim3A_69 = vector.shape_cast %reduce_sum3A_68 : vector<4096xf32> to vector<1x4096xf32>
    %sub3A_70 = arith.subf %log3A, %broadcast_in_dim3A_69 : vector<1x4096xf32>
    %not3A_71 = arith.constant dense<true> : vector<1x4096xi1>
    %not3A_72 = arith.xori %or3A, %not3A_71 : vector<1x4096xi1>
    %not3A_73 = arith.constant dense<true> : vector<1x4096xi1>
    %not3A_74 = arith.xori %and3A, %not3A_73 : vector<1x4096xi1>
    %and3A_75 = arith.andi %not3A_72, %not3A_74 : vector<1x4096xi1>
    %jit3A_76 = arith.constant -1.000000e+00 : f32
    %broadcast_in_dim3A_77 = vector.broadcast %jit3A_76 : f32 to vector<1x4096xf32>
    %select_n3A_78 = arith.select %and3A_75, %max3A_6, %broadcast_in_dim3A_77 : vector<1x4096xi1>, vector<1x4096xf32>
    %swap3A = arith.constant 0 : index
    %swap3A_79 = arith.constant 0 : index
    %swap3A_80 = arith.constant 0 : index
    %swap3A_81 = arith.constant 0 : index
    %swap3A_82 = vector.load %arg10[%swap3A, %swap3A_79, %swap3A_80, %swap3A_81] : memref<1x1x1x4096xf32, #tpu.memory_space<vmem>>, vector<1x1x1x4096xf32>
    %swap3A_83 = vector.shape_cast %swap3A_82 : vector<1x1x1x4096xf32> to vector<1x4096xf32>
    %swap3A_84 = vector.shape_cast %select_n3A_78 : vector<1x4096xf32> to vector<1x1x1x4096xf32>
    tpu.vector_store %arg10[%swap3A, %swap3A_79, %swap3A_80, %swap3A_81], %swap3A_84 {strides = array<i32>} : memref<1x1x1x4096xf32, #tpu.memory_space<vmem>>, vector<1x1x1x4096xf32>,
    %get3A_85 = arith.constant 0 : index
    %get3A_86 = arith.constant 0 : index
    %get3A_87 = arith.constant 0 : index
    %get3A_88 = vector.load %arg5[%get3A_85, %get3A_86, %get3A_87] : memref<1x32x4xf32, #tpu.memory_space<vmem>>, vector<1x32x4xf32>
    %get3A_89 = vector.shape_cast %get3A_88 : vector<1x32x4xf32> to vector<32x4xf32>
    %slice3A_90 = vector.extract_strided_slice %get3A_89 {offsets = [0, 0], sizes = [32, 1], strides = [1, 1]} : vector<32x4xf32> to vector<32x1xf32>
    %jit3A_91 = arith.constant 0.000000e+00 : f32
    %broadcast_in_dim3A_92 = vector.shape_cast %slice3A_90 : vector<32x1xf32> to vector<32x1xf32>
    %broadcast_in_dim3A_93 = vector.broadcast %broadcast_in_dim3A_92 : vector<32x1xf32> to vector<32x4096xf32>
    %broadcast_in_dim3A_94 = vector.broadcast %jit3A_91 : f32 to vector<32x4096xf32>
    %select_n3A_95 = arith.select %eq3A_44, %broadcast_in_dim3A_93, %broadcast_in_dim3A_94 : vector<32x4096xi1>, vector<32x4096xf32>
    %reduce_sum3A_96 = arith.constant dense<0.000000e+00> : vector<4096xf32>
    %reduce_sum3A_97 = vector.multi_reduction <add>, %select_n3A_95, %reduce_sum3A_96 [0] : vector<32x4096xf32> to vector<4096xf32>
    %broadcast_in_dim3A_98 = vector.shape_cast %reduce_sum3A_97 : vector<4096xf32> to vector<1x4096xf32>
    %slice3A_99 = vector.extract_strided_slice %get3A_89 {offsets = [0, 1], sizes = [32, 1], strides = [1, 1]} : vector<32x4xf32> to vector<32x1xf32>
    %jit3A_100 = arith.constant 0.000000e+00 : f32
    %broadcast_in_dim3A_101 = vector.shape_cast %slice3A_99 : vector<32x1xf32> to vector<32x1xf32>
    %broadcast_in_dim3A_102 = vector.broadcast %broadcast_in_dim3A_101 : vector<32x1xf32> to vector<32x4096xf32>
    %broadcast_in_dim3A_103 = vector.broadcast %jit3A_100 : f32 to vector<32x4096xf32>
    %select_n3A_104 = arith.select %eq3A_44, %broadcast_in_dim3A_102, %broadcast_in_dim3A_103 : vector<32x4096xi1>, vector<32x4096xf32>
    %reduce_sum3A_105 = arith.constant dense<0.000000e+00> : vector<4096xf32>
    %reduce_sum3A_106 = vector.multi_reduction <add>, %select_n3A_104, %reduce_sum3A_105 [0] : vector<32x4096xf32> to vector<4096xf32>
    %broadcast_in_dim3A_107 = vector.shape_cast %reduce_sum3A_106 : vector<4096xf32> to vector<1x4096xf32>
    %slice3A_108 = vector.extract_strided_slice %get3A_89 {offsets = [0, 2], sizes = [32, 1], strides = [1, 1]} : vector<32x4xf32> to vector<32x1xf32>
    %jit3A_109 = arith.constant 0.000000e+00 : f32
    %broadcast_in_dim3A_110 = vector.shape_cast %slice3A_108 : vector<32x1xf32> to vector<32x1xf32>
    %broadcast_in_dim3A_111 = vector.broadcast %broadcast_in_dim3A_110 : vector<32x1xf32> to vector<32x4096xf32>
    %broadcast_in_dim3A_112 = vector.broadcast %jit3A_109 : f32 to vector<32x4096xf32>
    %select_n3A_113 = arith.select %eq3A_44, %broadcast_in_dim3A_111, %broadcast_in_dim3A_112 : vector<32x4096xi1>, vector<32x4096xf32>
    %reduce_sum3A_114 = arith.constant dense<0.000000e+00> : vector<4096xf32>
    %reduce_sum3A_115 = vector.multi_reduction <add>, %select_n3A_113, %reduce_sum3A_114 [0] : vector<32x4096xf32> to vector<4096xf32>
    %broadcast_in_dim3A_116 = vector.shape_cast %reduce_sum3A_115 : vector<4096xf32> to vector<1x4096xf32>
    %slice3A_117 = vector.extract_strided_slice %get3A_89 {offsets = [0, 3], sizes = [32, 1], strides = [1, 1]} : vector<32x4xf32> to vector<32x1xf32>
    %jit3A_118 = arith.constant 0.000000e+00 : f32
    %broadcast_in_dim3A_119 = vector.shape_cast %slice3A_117 : vector<32x1xf32> to vector<32x1xf32>
    %broadcast_in_dim3A_120 = vector.broadcast %broadcast_in_dim3A_119 : vector<32x1xf32> to vector<32x4096xf32>
    %broadcast_in_dim3A_121 = vector.broadcast %jit3A_118 : f32 to vector<32x4096xf32>
    %select_n3A_122 = arith.select %eq3A_44, %broadcast_in_dim3A_120, %broadcast_in_dim3A_121 : vector<32x4096xi1>, vector<32x4096xf32>
    %reduce_sum3A_123 = arith.constant dense<0.000000e+00> : vector<4096xf32>
    %reduce_sum3A_124 = vector.multi_reduction <add>, %select_n3A_122, %reduce_sum3A_123 [0] : vector<32x4096xf32> to vector<4096xf32>
    %broadcast_in_dim3A_125 = vector.shape_cast %reduce_sum3A_124 : vector<4096xf32> to vector<1x4096xf32>
    %sub3A_126 = arith.subf %broadcast_in_dim3A_116, %broadcast_in_dim3A_98 : vector<1x4096xf32>
    %jit3A_127 = arith.constant 9.99999997E-7 : f32
    %max3A_128 = vector.broadcast %jit3A_127 : f32 to vector<1x4096xf32>
    %max3A_129 = arith.maximumf %max3A_128, %sub3A_126 : vector<1x4096xf32>
    %sub3A_130 = arith.subf %broadcast_in_dim3A_125, %broadcast_in_dim3A_107 : vector<1x4096xf32>
    %jit3A_131 = arith.constant 9.99999997E-7 : f32
    %max3A_132 = vector.broadcast %jit3A_131 : f32 to vector<1x4096xf32>
    %max3A_133 = arith.maximumf %max3A_132, %sub3A_130 : vector<1x4096xf32>
    %mul3A_134 = arith.constant 5.000000e-01 : f32
    %mul3A_135 = vector.broadcast %mul3A_134 : f32 to vector<1x4096xf32>
    %mul3A_136 = arith.mulf %mul3A_135, %max3A_129 : vector<1x4096xf32>
    %add3A_137 = arith.addf %broadcast_in_dim3A_98, %mul3A_136 : vector<1x4096xf32>
    %mul3A_138 = arith.constant 5.000000e-01 : f32
    %mul3A_139 = vector.broadcast %mul3A_138 : f32 to vector<1x4096xf32>
    %mul3A_140 = arith.mulf %mul3A_139, %max3A_133 : vector<1x4096xf32>
    %add3A_141 = arith.addf %broadcast_in_dim3A_107, %mul3A_140 : vector<1x4096xf32>
    %get3A_142 = arith.constant 0 : index
    %get3A_143 = arith.constant 0 : index
    %get3A_144 = vector.load %arg4[%get3A_142, %get3A_143] : memref<4x4096xf32, #tpu.memory_space<vmem>>, vector<1x4096xf32>
    %get3A_145 = arith.constant 1 : index
    %get3A_146 = arith.constant 0 : index
    %get3A_147 = vector.load %arg4[%get3A_145, %get3A_146] : memref<4x4096xf32, #tpu.memory_space<vmem>>, vector<1x4096xf32>
    %get3A_148 = arith.constant 2 : index
    %get3A_149 = arith.constant 0 : index
    %get3A_150 = vector.load %arg4[%get3A_148, %get3A_149] : memref<4x4096xf32, #tpu.memory_space<vmem>>, vector<1x4096xf32>
    %get3A_151 = arith.constant 3 : index
    %get3A_152 = arith.constant 0 : index
    %get3A_153 = vector.load %arg4[%get3A_151, %get3A_152] : memref<4x4096xf32, #tpu.memory_space<vmem>>, vector<1x4096xf32>
    %sub3A_154 = arith.subf %add3A_137, %get3A_144 : vector<1x4096xf32>
    %div3A = arith.divf %sub3A_154, %get3A_150 : vector<1x4096xf32>
    %div3A_155 = arith.constant 1.000000e-01 : f32
    %div3A_156 = vector.broadcast %div3A_155 : f32 to vector<1x4096xf32>
    %div3A_157 = arith.divf %div3A, %div3A_156 : vector<1x4096xf32>
    %sub3A_158 = arith.subf %add3A_141, %get3A_147 : vector<1x4096xf32>
    %div3A_159 = arith.divf %sub3A_158, %get3A_153 : vector<1x4096xf32>
    %div3A_160 = arith.constant 1.000000e-01 : f32
    %div3A_161 = vector.broadcast %div3A_160 : f32 to vector<1x4096xf32>
    %div3A_162 = arith.divf %div3A_159, %div3A_161 : vector<1x4096xf32>
    %div3A_163 = arith.divf %max3A_129, %get3A_150 : vector<1x4096xf32>
    %jit3A_164 = arith.constant 9.99999997E-7 : f32
    %max3A_165 = vector.broadcast %jit3A_164 : f32 to vector<1x4096xf32>
    %max3A_166 = arith.maximumf %max3A_165, %div3A_163 : vector<1x4096xf32>
    %log3A_167 = math.log %max3A_166 : vector<1x4096xf32>
    %div3A_168 = arith.constant 2.000000e-01 : f32
    %div3A_169 = vector.broadcast %div3A_168 : f32 to vector<1x4096xf32>
    %div3A_170 = arith.divf %log3A_167, %div3A_169 : vector<1x4096xf32>
    %div3A_171 = arith.divf %max3A_133, %get3A_153 : vector<1x4096xf32>
    %jit3A_172 = arith.constant 9.99999997E-7 : f32
    %max3A_173 = vector.broadcast %jit3A_172 : f32 to vector<1x4096xf32>
    %max3A_174 = arith.maximumf %max3A_173, %div3A_171 : vector<1x4096xf32>
    %log3A_175 = math.log %max3A_174 : vector<1x4096xf32>
    %div3A_176 = arith.constant 2.000000e-01 : f32
    %div3A_177 = vector.broadcast %div3A_176 : f32 to vector<1x4096xf32>
    %div3A_178 = arith.divf %log3A_175, %div3A_177 : vector<1x4096xf32>
    %get3A_179 = arith.constant 0 : index
    %get3A_180 = arith.constant 0 : index
    %get3A_181 = arith.constant 0 : index
    %get3A_182 = vector.load %arg3[%get3A_179, %get3A_180, %get3A_181] : memref<1x4x4096xf32, #tpu.memory_space<vmem>>, vector<1x4x4096xf32>
    %get3A_183 = vector.shape_cast %get3A_182 : vector<1x4x4096xf32> to vector<4x4096xf32>
    %slice3A_184 = vector.extract_strided_slice %get3A_183 {offsets = [0, 0], sizes = [1, 4096], strides = [1, 1]} : vector<4x4096xf32> to vector<1x4096xf32>
    %sub3A_185 = arith.subf %slice3A_184, %div3A_157 : vector<1x4096xf32>
    %abs3A = math.absf %sub3A_185 : vector<1x4096xf32>
    %lt3A = arith.constant 1.000000e+00 : f32
    %lt3A_186 = vector.broadcast %lt3A : f32 to vector<1x4096xf32>
    %lt3A_187 = arith.cmpf olt, %abs3A, %lt3A_186 : vector<1x4096xf32>
    %mul3A_188 = arith.constant 5.000000e-01 : f32
    %mul3A_189 = vector.broadcast %mul3A_188 : f32 to vector<1x4096xf32>
    %mul3A_190 = arith.mulf %mul3A_189, %sub3A_185 : vector<1x4096xf32>
    %mul3A_191 = arith.mulf %mul3A_190, %sub3A_185 : vector<1x4096xf32>
    %sub3A_192 = arith.constant 5.000000e-01 : f32
    %sub3A_193 = vector.broadcast %sub3A_192 : f32 to vector<1x4096xf32>
    %sub3A_194 = arith.subf %abs3A, %sub3A_193 : vector<1x4096xf32>
    %select_n3A_195 = arith.select %lt3A_187, %mul3A_191, %sub3A_194 : vector<1x4096xi1>, vector<1x4096xf32>
    %slice3A_196 = vector.extract_strided_slice %get3A_183 {offsets = [1, 0], sizes = [1, 4096], strides = [1, 1]} : vector<4x4096xf32> to vector<1x4096xf32>
    %sub3A_197 = arith.subf %slice3A_196, %div3A_162 : vector<1x4096xf32>
    %abs3A_198 = math.absf %sub3A_197 : vector<1x4096xf32>
    %lt3A_199 = arith.constant 1.000000e+00 : f32
    %lt3A_200 = vector.broadcast %lt3A_199 : f32 to vector<1x4096xf32>
    %lt3A_201 = arith.cmpf olt, %abs3A_198, %lt3A_200 : vector<1x4096xf32>
    %mul3A_202 = arith.constant 5.000000e-01 : f32
    %mul3A_203 = vector.broadcast %mul3A_202 : f32 to vector<1x4096xf32>
    %mul3A_204 = arith.mulf %mul3A_203, %sub3A_197 : vector<1x4096xf32>
    %mul3A_205 = arith.mulf %mul3A_204, %sub3A_197 : vector<1x4096xf32>
    %sub3A_206 = arith.constant 5.000000e-01 : f32
    %sub3A_207 = vector.broadcast %sub3A_206 : f32 to vector<1x4096xf32>
    %sub3A_208 = arith.subf %abs3A_198, %sub3A_207 : vector<1x4096xf32>
    %select_n3A_209 = arith.select %lt3A_201, %mul3A_205, %sub3A_208 : vector<1x4096xi1>, vector<1x4096xf32>
    %add3A_210 = arith.addf %select_n3A_195, %select_n3A_209 : vector<1x4096xf32>
    %slice3A_211 = vector.extract_strided_slice %get3A_183 {offsets = [2, 0], sizes = [1, 4096], strides = [1, 1]} : vector<4x4096xf32> to vector<1x4096xf32>
    %sub3A_212 = arith.subf %slice3A_211, %div3A_170 : vector<1x4096xf32>
    %abs3A_213 = math.absf %sub3A_212 : vector<1x4096xf32>
    %lt3A_214 = arith.constant 1.000000e+00 : f32
    %lt3A_215 = vector.broadcast %lt3A_214 : f32 to vector<1x4096xf32>
    %lt3A_216 = arith.cmpf olt, %abs3A_213, %lt3A_215 : vector<1x4096xf32>
    %mul3A_217 = arith.constant 5.000000e-01 : f32
    %mul3A_218 = vector.broadcast %mul3A_217 : f32 to vector<1x4096xf32>
    %mul3A_219 = arith.mulf %mul3A_218, %sub3A_212 : vector<1x4096xf32>
    %mul3A_220 = arith.mulf %mul3A_219, %sub3A_212 : vector<1x4096xf32>
    %sub3A_221 = arith.constant 5.000000e-01 : f32
    %sub3A_222 = vector.broadcast %sub3A_221 : f32 to vector<1x4096xf32>
    %sub3A_223 = arith.subf %abs3A_213, %sub3A_222 : vector<1x4096xf32>
    %select_n3A_224 = arith.select %lt3A_216, %mul3A_220, %sub3A_223 : vector<1x4096xi1>, vector<1x4096xf32>
    %add3A_225 = arith.addf %add3A_210, %select_n3A_224 : vector<1x4096xf32>
    %slice3A_226 = vector.extract_strided_slice %get3A_183 {offsets = [3, 0], sizes = [1, 4096], strides = [1, 1]} : vector<4x4096xf32> to vector<1x4096xf32>
    %sub3A_227 = arith.subf %slice3A_226, %div3A_178 : vector<1x4096xf32>
    %abs3A_228 = math.absf %sub3A_227 : vector<1x4096xf32>
    %lt3A_229 = arith.constant 1.000000e+00 : f32
    %lt3A_230 = vector.broadcast %lt3A_229 : f32 to vector<1x4096xf32>
    %lt3A_231 = arith.cmpf olt, %abs3A_228, %lt3A_230 : vector<1x4096xf32>
    %mul3A_232 = arith.constant 5.000000e-01 : f32
    %mul3A_233 = vector.broadcast %mul3A_232 : f32 to vector<1x4096xf32>
    %mul3A_234 = arith.mulf %mul3A_233, %sub3A_227 : vector<1x4096xf32>
    %mul3A_235 = arith.mulf %mul3A_234, %sub3A_227 : vector<1x4096xf32>
    %sub3A_236 = arith.constant 5.000000e-01 : f32
    %sub3A_237 = vector.broadcast %sub3A_236 : f32 to vector<1x4096xf32>
    %sub3A_238 = arith.subf %abs3A_228, %sub3A_237 : vector<1x4096xf32>
    %select_n3A_239 = arith.select %lt3A_231, %mul3A_235, %sub3A_238 : vector<1x4096xi1>, vector<1x4096xf32>
    %add3A_240 = arith.addf %add3A_225, %select_n3A_239 : vector<1x4096xf32>
    %convert_element_type3A_241 = arith.extui %or3A : vector<1x4096xi1> to vector<1x4096xi32>
    %convert_element_type3A_242 = arith.sitofp %convert_element_type3A_241 : vector<1x4096xi32> to vector<1x4096xf32>
    %jit3A_243 = arith.constant 0.000000e+00 : f32
    %broadcast_in_dim3A_244 = vector.broadcast %jit3A_243 : f32 to vector<1x4096xf32>
    %select_n3A_245 = arith.select %or3A, %sub3A_70, %broadcast_in_dim3A_244 : vector<1x4096xi1>, vector<1x4096xf32>
    %reduce_sum3A_246 = vector.shape_cast %select_n3A_245 : vector<1x4096xf32> to vector<1x1x4096xf32>
    %reduce_sum3A_247 = arith.constant dense<0.000000e+00> : vector<1xf32>
    %reduce_sum3A_248 = vector.multi_reduction <add>, %reduce_sum3A_246, %reduce_sum3A_247 [1, 2] : vector<1x1x4096xf32> to vector<1xf32>
    %reduce_sum3A_249 = vector.shape_cast %reduce_sum3A_248 : vector<1xf32> to vector<1x1x1xf32>
    %reduce_sum3A_250 = vector.extract %reduce_sum3A_249[0, 0, 0] : f32 from vector<1x1x1xf32>
    %reshape3A = vector.broadcast %reduce_sum3A_250 : f32 to vector<1x1xf32>
    %reduce_sum3A_251 = vector.shape_cast %convert_element_type3A_242 : vector<1x4096xf32> to vector<1x1x4096xf32>
    %reduce_sum3A_252 = arith.constant dense<0.000000e+00> : vector<1xf32>
    %reduce_sum3A_253 = vector.multi_reduction <add>, %reduce_sum3A_251, %reduce_sum3A_252 [1, 2] : vector<1x1x4096xf32> to vector<1xf32>
    %reduce_sum3A_254 = vector.shape_cast %reduce_sum3A_253 : vector<1xf32> to vector<1x1x1xf32>
    %reduce_sum3A_255 = vector.extract %reduce_sum3A_254[0, 0, 0] : f32 from vector<1x1x1xf32>
    %reshape3A_256 = vector.broadcast %reduce_sum3A_255 : f32 to vector<1x1xf32>
    %jit3A_257 = arith.constant 0.000000e+00 : f32
    %broadcast_in_dim3A_258 = vector.broadcast %jit3A_257 : f32 to vector<1x4096xf32>
    %select_n3A_259 = arith.select %or3A, %add3A_240, %broadcast_in_dim3A_258 : vector<1x4096xi1>, vector<1x4096xf32>
    %reduce_sum3A_260 = vector.shape_cast %select_n3A_259 : vector<1x4096xf32> to vector<1x1x4096xf32>
    %reduce_sum3A_261 = arith.constant dense<0.000000e+00> : vector<1xf32>
    %reduce_sum3A_262 = vector.multi_reduction <add>, %reduce_sum3A_260, %reduce_sum3A_261 [1, 2] : vector<1x1x4096xf32> to vector<1xf32>
    %reduce_sum3A_263 = vector.shape_cast %reduce_sum3A_262 : vector<1xf32> to vector<1x1x1xf32>
    %reduce_sum3A_264 = vector.extract %reduce_sum3A_263[0, 0, 0] : f32 from vector<1x1x1xf32>
    %reshape3A_265 = vector.broadcast %reduce_sum3A_264 : f32 to vector<1x1xf32>
    %eq3A_266 = arith.constant 0 : i32
    %eq3A_267 = arith.cmpi eq, %arg1, %eq3A_266 : i32
    %convert_element_type3A_268 = arith.extui %eq3A_267 : i1 to i32
    %cond3A = arith.constant 0 : i32
    %cond3A_269 = arith.cmpi ne, %convert_element_type3A_268, %cond3A : i32
    scf.if %cond3A_269 {
      %broadcast_in_dim3A_329 = arith.constant 0.000000e+00 : f32
      %broadcast_in_dim3A_330 = vector.broadcast %broadcast_in_dim3A_329 : f32 to vector<1x1xf32>
      %swap3A_331 = arith.constant 0 : index
      %swap3A_332 = arith.constant 0 : index
      %swap3A_333 = vector.load %arg14[%swap3A_331, %swap3A_332] : memref<1x1xf32, #tpu.memory_space<vmem>>, vector<1x1xf32>
      tpu.vector_store %arg14[%swap3A_331, %swap3A_332], %broadcast_in_dim3A_330 {strides = array<i32>} : memref<1x1xf32, #tpu.memory_space<vmem>>, vector<1x1xf32>,
      %broadcast_in_dim3A_334 = arith.constant 0.000000e+00 : f32
      %broadcast_in_dim3A_335 = vector.broadcast %broadcast_in_dim3A_334 : f32 to vector<1x1xf32>
      %swap3A_336 = arith.constant 0 : index
      %swap3A_337 = arith.constant 0 : index
      %swap3A_338 = vector.load %arg15[%swap3A_336, %swap3A_337] : memref<1x1xf32, #tpu.memory_space<vmem>>, vector<1x1xf32>
      tpu.vector_store %arg15[%swap3A_336, %swap3A_337], %broadcast_in_dim3A_335 {strides = array<i32>} : memref<1x1xf32, #tpu.memory_space<vmem>>, vector<1x1xf32>,
      %broadcast_in_dim3A_339 = arith.constant 0.000000e+00 : f32
      %broadcast_in_dim3A_340 = vector.broadcast %broadcast_in_dim3A_339 : f32 to vector<1x1xf32>
      %swap3A_341 = arith.constant 0 : index
      %swap3A_342 = arith.constant 0 : index
      %swap3A_343 = vector.load %arg16[%swap3A_341, %swap3A_342] : memref<1x1xf32, #tpu.memory_space<vmem>>, vector<1x1xf32>
      tpu.vector_store %arg16[%swap3A_341, %swap3A_342], %broadcast_in_dim3A_340 {strides = array<i32>} : memref<1x1xf32, #tpu.memory_space<vmem>>, vector<1x1xf32>,
    } else {
    }
    %get3A_270 = arith.constant 0 : index
    %get3A_271 = arith.constant 0 : index
    %get3A_272 = vector.load %arg14[%get3A_270, %get3A_271] : memref<1x1xf32, #tpu.memory_space<vmem>>, vector<1x1xf32>
    %add3A_273 = arith.addf %get3A_272, %reshape3A : vector<1x1xf32>
    %swap3A_274 = arith.constant 0 : index
    %swap3A_275 = arith.constant 0 : index
    %swap3A_276 = vector.load %arg14[%swap3A_274, %swap3A_275] : memref<1x1xf32, #tpu.memory_space<vmem>>, vector<1x1xf32>
    tpu.vector_store %arg14[%swap3A_274, %swap3A_275], %add3A_273 {strides = array<i32>} : memref<1x1xf32, #tpu.memory_space<vmem>>, vector<1x1xf32>,
    %get3A_277 = arith.constant 0 : index
    %get3A_278 = arith.constant 0 : index
    %get3A_279 = vector.load %arg15[%get3A_277, %get3A_278] : memref<1x1xf32, #tpu.memory_space<vmem>>, vector<1x1xf32>
    %add3A_280 = arith.addf %get3A_279, %reshape3A_256 : vector<1x1xf32>
    %swap3A_281 = arith.constant 0 : index
    %swap3A_282 = arith.constant 0 : index
    %swap3A_283 = vector.load %arg15[%swap3A_281, %swap3A_282] : memref<1x1xf32, #tpu.memory_space<vmem>>, vector<1x1xf32>
    tpu.vector_store %arg15[%swap3A_281, %swap3A_282], %add3A_280 {strides = array<i32>} : memref<1x1xf32, #tpu.memory_space<vmem>>, vector<1x1xf32>,
    %get3A_284 = arith.constant 0 : index
    %get3A_285 = arith.constant 0 : index
    %get3A_286 = vector.load %arg16[%get3A_284, %get3A_285] : memref<1x1xf32, #tpu.memory_space<vmem>>, vector<1x1xf32>
    %add3A_287 = arith.addf %get3A_286, %reshape3A_265 : vector<1x1xf32>
    %swap3A_288 = arith.constant 0 : index
    %swap3A_289 = arith.constant 0 : index
    %swap3A_290 = vector.load %arg16[%swap3A_288, %swap3A_289] : memref<1x1xf32, #tpu.memory_space<vmem>>, vector<1x1xf32>
    tpu.vector_store %arg16[%swap3A_288, %swap3A_289], %add3A_287 {strides = array<i32>} : memref<1x1xf32, #tpu.memory_space<vmem>>, vector<1x1xf32>,
    %get3A_291 = arith.constant 0 : index
    %get3A_292 = arith.constant 0 : index
    %get3A_293 = vector.load %arg15[%get3A_291, %get3A_292] : memref<1x1xf32, #tpu.memory_space<vmem>>, vector<1x1xf32>
    %get3A_294 = arith.constant 0 : index
    %get3A_295 = arith.constant 0 : index
    %get3A_296 = vector.load %arg14[%get3A_294, %get3A_295] : memref<1x1xf32, #tpu.memory_space<vmem>>, vector<1x1xf32>
    %reshape3A_297 = vector.shape_cast %get3A_296 : vector<1x1xf32> to vector<1x1x1xf32>
    %swap3A_298 = arith.constant 0 : index
    %swap3A_299 = arith.constant 0 : index
    %swap3A_300 = arith.constant 0 : index
    %swap3A_301 = vector.load %arg11[%swap3A_298, %swap3A_299, %swap3A_300] : memref<1x1x1xf32, #tpu.memory_space<vmem>>, vector<1x1x1xf32>
    tpu.vector_store %arg11[%swap3A_298, %swap3A_299, %swap3A_300], %reshape3A_297 {strides = array<i32>} : memref<1x1x1xf32, #tpu.memory_space<vmem>>, vector<1x1x1xf32>,
    %convert_element_type3A_302 = arith.fptosi %get3A_293 : vector<1x1xf32> to vector<1x1xi32>
    %reshape3A_303 = vector.shape_cast %convert_element_type3A_302 : vector<1x1xi32> to vector<1x1x1xi32>
    %swap3A_304 = arith.constant 0 : index
    %swap3A_305 = arith.constant 0 : index
    %swap3A_306 = arith.constant 0 : index
    %swap3A_307 = vector.load %arg12[%swap3A_304, %swap3A_305, %swap3A_306] : memref<1x1x1xi32, #tpu.memory_space<vmem>>, vector<1x1x1xi32>
    tpu.vector_store %arg12[%swap3A_304, %swap3A_305, %swap3A_306], %reshape3A_303 {strides = array<i32>} : memref<1x1x1xi32, #tpu.memory_space<vmem>>, vector<1x1x1xi32>,
    %gt3A_308 = arith.constant 0.000000e+00 : f32
    %gt3A_309 = vector.broadcast %gt3A_308 : f32 to vector<1x1xf32>
    %gt3A_310 = arith.cmpf ogt, %get3A_293, %gt3A_309 : vector<1x1xf32>
    %get3A_311 = arith.constant 0 : index
    %get3A_312 = arith.constant 0 : index
    %get3A_313 = vector.load %arg16[%get3A_311, %get3A_312] : memref<1x1xf32, #tpu.memory_space<vmem>>, vector<1x1xf32>
    %mul3A_314 = arith.constant 4.000000e+00 : f32
    %mul3A_315 = vector.broadcast %mul3A_314 : f32 to vector<1x1xf32>
    %mul3A_316 = arith.mulf %get3A_293, %mul3A_315 : vector<1x1xf32>
    %max3A_317 = arith.constant 1.000000e+00 : f32
    %max3A_318 = vector.broadcast %max3A_317 : f32 to vector<1x1xf32>
    %max3A_319 = arith.maximumf %mul3A_316, %max3A_318 : vector<1x1xf32>
    %div3A_320 = arith.divf %get3A_313, %max3A_319 : vector<1x1xf32>
    %jit3A_321 = arith.constant 0.000000e+00 : f32
    %broadcast_in_dim3A_322 = vector.broadcast %jit3A_321 : f32 to vector<1x1xf32>
    %select_n3A_323 = arith.select %gt3A_310, %div3A_320, %broadcast_in_dim3A_322 : vector<1x1xi1>, vector<1x1xf32>
    %reshape3A_324 = vector.shape_cast %select_n3A_323 : vector<1x1xf32> to vector<1x1x1xf32>
    %swap3A_325 = arith.constant 0 : index
    %swap3A_326 = arith.constant 0 : index
    %swap3A_327 = arith.constant 0 : index
    %swap3A_328 = vector.load %arg13[%swap3A_325, %swap3A_326, %swap3A_327] : memref<1x1x1xf32, #tpu.memory_space<vmem>>, vector<1x1x1xf32>
    tpu.vector_store %arg13[%swap3A_325, %swap3A_326, %swap3A_327], %reshape3A_324 {strides = array<i32>} : memref<1x1x1xf32, #tpu.memory_space<vmem>>, vector<1x1x1xf32>,
    return
  }
  func.func @transform_0(%arg0: i32, %arg1: i32) -> (i32, i32, i32) {
    %c0_i32 = arith.constant 0 : i32
    %c0_i32_0 = arith.constant 0 : i32
    return %arg0, %c0_i32, %arg1 : i32, i32, i32
  }
  func.func @transform_1(%arg0: i32, %arg1: i32) -> (i32, i32, i32) {
    %c0_i32 = arith.constant 0 : i32
    %c0_i32_0 = arith.constant 0 : i32
    return %arg0, %c0_i32, %arg1 : i32, i32, i32
  }
  func.func @transform_2(%arg0: i32, %arg1: i32) -> (i32, i32) {
    %c0_i32 = arith.constant 0 : i32
    %c0_i32_0 = arith.constant 0 : i32
    return %c0_i32, %arg1 : i32, i32
  }
  func.func @transform_3(%arg0: i32, %arg1: i32) -> (i32, i32, i32) {
    %c0_i32 = arith.constant 0 : i32
    %c0_i32_0 = arith.constant 0 : i32
    %c0_i32_1 = arith.constant 0 : i32
    return %arg0, %c0_i32, %c0_i32_0 : i32, i32, i32
  }
  func.func @transform_4(%arg0: i32, %arg1: i32) -> (i32, i32, i32) {
    %c0_i32 = arith.constant 0 : i32
    %c0_i32_0 = arith.constant 0 : i32
    %c0_i32_1 = arith.constant 0 : i32
    return %arg0, %c0_i32, %c0_i32_0 : i32, i32, i32
  }
  func.func @transform_5(%arg0: i32, %arg1: i32) -> (i32, i32, i32, i32) {
    %c0_i32 = arith.constant 0 : i32
    %c0_i32_0 = arith.constant 0 : i32
    %c0_i32_1 = arith.constant 0 : i32
    return %arg0, %arg1, %c0_i32, %c0_i32_0 : i32, i32, i32, i32
  }
  func.func @transform_6(%arg0: i32, %arg1: i32) -> (i32, i32, i32, i32) {
    %c0_i32 = arith.constant 0 : i32
    %c0_i32_0 = arith.constant 0 : i32
    %c0_i32_1 = arith.constant 0 : i32
    return %arg0, %arg1, %c0_i32, %c0_i32_0 : i32, i32, i32, i32
  }
  func.func @transform_7(%arg0: i32, %arg1: i32) -> (i32, i32, i32) {
    %c0_i32 = arith.constant 0 : i32
    %c0_i32_0 = arith.constant 0 : i32
    %c0_i32_1 = arith.constant 0 : i32
    return %arg0, %c0_i32, %c0_i32_0 : i32, i32, i32
  }
  func.func @transform_8(%arg0: i32, %arg1: i32) -> (i32, i32, i32, i32) {
    %c0_i32 = arith.constant 0 : i32
    %c0_i32_0 = arith.constant 0 : i32
    %c0_i32_1 = arith.constant 0 : i32
    return %arg0, %arg1, %c0_i32, %c0_i32_0 : i32, i32, i32, i32
  }
  func.func @transform_9(%arg0: i32, %arg1: i32) -> (i32, i32, i32) {
    %c0_i32 = arith.constant 0 : i32
    %c0_i32_0 = arith.constant 0 : i32
    %c0_i32_1 = arith.constant 0 : i32
    return %arg0, %c0_i32, %c0_i32_0 : i32, i32, i32
  }
  func.func @transform_10(%arg0: i32, %arg1: i32) -> (i32, i32, i32) {
    %c0_i32 = arith.constant 0 : i32
    %c0_i32_0 = arith.constant 0 : i32
    %c0_i32_1 = arith.constant 0 : i32
    return %arg0, %c0_i32, %c0_i32_0 : i32, i32, i32
  }
  func.func @transform_11(%arg0: i32, %arg1: i32) -> (i32, i32, i32) {
    %c0_i32 = arith.constant 0 : i32
    %c0_i32_0 = arith.constant 0 : i32
    %c0_i32_1 = arith.constant 0 : i32
    return %arg0, %c0_i32, %c0_i32_0 : i32, i32, i32
  }
}

</mosaic_0001>

<sc_bundles>
// kernel: kernel.5.cloned.1.call-start
scs
__scs_entry_jumppad:
0x0: {  	(pc) =	sbr.rel $0x88, $3  }
0x1: {  	(tag) =	ssettag $0x0;
	lr =	simm.s32 $0x1  }
0x2: {  	[smem:$0x3F9C] =	sst lr;
	_ =	strace $0xD0000000  }
0x3: {  	_ = 	snop  }
0x4: {  	_ = 	snop  }
0x5: {  	_ = 	snop  }
0x6: {  	_ = 	snop  }
0x7: {  	_ = 	snop  }
__scs_overlays_trampoline_lowered:
0x8: {  	[smem:$0x3FAB] =	sst s0  }
0x9: {  	[smem:$0x3FAC] =	sst s1  }
0xa: {  	[smem:$0x3FAD] =	sst s2  }
0xb: {  	[smem:$0x3FAE] =	sst s3  }
0xc: {  	[smem:$0x3FAF] =	sst s4  }
0xd: {  	[smem:$0x3FB0] =	sst s5  }
0xe: {  	[smem:$0x3FB1] =	sst s6  }
0xf: {  	[smem:$0x3FB2] =	sst s7  }
0x10: {  	[smem:$0x3FB3] =	sst s8  }
0x11: {  	[smem:$0x3FB4] =	sst s9;
	s0 =	simm.s32 @!p0 $0x0  }
0x12: {  	s1 =	sld [smem:$0x3F9A];
	s0 =	simm.s32 @p0 $0x1  }
0x13: {  	[smem:$0x3FB5] =	sst s0;
	s0 =	simm.s32 @!p1 $0x0  }
0x14: {  	s2 =	sld [smem:$0x3F99];
	s0 =	simm.s32 @p1 $0x1  }
0x15: {  	[smem:$0x3FB6] =	sst s0;
	s0 =	simm.s32 @!p2 $0x0  }
0x16: {  	s3 =	sld [smem:$0x3FDB];
	s0 =	simm.s32 @p2 $0x1  }
0x17: {  	s4 =	simm.s32 $0x1BF5;
	[smem:$0x3FB8] =	sst s0  }
0x18: {  	s0 =	sld [smem:$0x3F9B];
	_ =	swait.ge [sflag:s4], $0x0  }
0x19: {  	s7 =	sld [smem:$0x3F9C]  }
0x1a: {  	s8 =	sadd.s32 $0xFFFFE003, lr  }
0x1b: {  	s9 =	sadd.s32 $0xFFFFFEF7, lr;
	s5 =	simm.s32 $0xFFFFFFFF;
	p2 =	slt.u32 s8, $0xFFFFF086  }
0x1c: {  	p1 =	slt.u32 s9, $0xF7A;
	s5 =	simm.s32 @!p2 $0x0  }
0x1d: {  	s5 =	simm.s32 @p1 $0x1;
	p0 =	seq.s32 s7, s2  }
0x1e: {  	s7 =	smul.u32 @!p0 $0xF7A, s2;
	p2 =	seq.s32 @!p0 s5, $0x0  }
0x1f: {  	s9 =	smul.u32 $0xF7A, s1;
	s8 =	simm.s32 @!p0 $0x1BF5;
	p2 =	por !p2, p0  }
0x20: {  	[sflag:s8] =	ssyncset.s32 @!p0 $0xFFFFF086;
	s6 =	sadd.s32 @!p0 s3, s7;
	s7 =	simm.s32 @!p0 $0x108  }
0x21: {  	s3 =	sadd.s32 s3, s9;
	s6 =	sadd.s32 @!p0 $0x88, s6;
	s7 =	simm.s32 @p2 $0x1082  }
0x22: {  	[simem:s7], [sflag:s8] =	dma.local @!p0 [hbm:s6], $0xF7A  }
0x23: {  	s9 =	sor.u32 $0xD0000000, s2;
	s6 =	simm.s32 $0x108;
	_ =	swait.ge @!p0 [sflag:s8], $0x0  }
0x24: {  	s3 =	sadd.s32 $0x88, s3;
	s6 =	simm.s32 @!p1 $0x1082;
	[sflag:s4] =	ssyncset.s32 $0xFFFFF086  }
0x25: {  	[simem:s6], [sflag:s4] =	dma.local [hbm:s3], $0xF7A  }
0x26: {  	[smem:$0x3F9C] =	sst s1;
	(tag) =	ssettag s2;
	_ =	strace s9  }
0x27: {  	s1 =	sld [smem:$0x3FAC]  }
0x28: {  	s2 =	sld [smem:$0x3FAD]  }
0x29: {  	s4 =	sld [smem:$0x3FAF]  }
0x2a: {  	p0 =	seq.s32 s5, $0x0;
	s5 =	sld [smem:$0x3FB0]  }
0x2b: {  	s6 =	sld [smem:$0x3FB1]  }
0x2c: {  	s7 =	sld [smem:$0x3FB2]  }
0x2d: {  	s3 =	simm.s32 $0x108;
	s8 =	sld [smem:$0x3FB3]  }
0x2e: {  	s3 =	simm.s32 @!p0 $0x1082;
	s9 =	sld [smem:$0x3FB4]  }
0x2f: {  	lr =	sadd.s32 s0, s3;
	s0 =	sld [smem:$0x3FAB]  }
0x30: {  	s3 =	sld [smem:$0x3FAE]  }
0x31: {  	[smem:$0x3FB7] =	sst s10  }
0x32: {  	s10 =	sld [smem:$0x3FB5];
	_ =	sdelay $0x3  }
0x33: {  	p0 =	seq.s32 s10, $0x1;
	s10 =	sld [smem:$0x3FB7];
	_ =	sdelay $0x3  }
0x34: {  	[smem:$0x3FB7] =	sst s10  }
0x35: {  	s10 =	sld [smem:$0x3FB6];
	_ =	sdelay $0x3  }
0x36: {  	p1 =	seq.s32 s10, $0x1;
	s10 =	sld [smem:$0x3FB7];
	_ =	sdelay $0x3  }
0x37: {  	[smem:$0x3FB7] =	sst s10  }
0x38: {  	s10 =	sld [smem:$0x3FB8]  }
0x39: {  	_ = 	snop;
	(pc) =	sbr.ind lr, $3  }
0x3a: {  	_ = 	snop  }
0x3b: {  	_ = 	snop  }
0x3c: {  	p2 =	seq.s32 s10, $0x1;
	s10 =	sld [smem:$0x3FB7]  }
0x3d: {  	_ =	shalt  }
0x3e: {  	_ =	shalt  }
0x3f: {  	_ =	shalt  }
0x40: {  	_ =	shalt  }
0x41: {  	_ =	shalt  }
0x42: {  	_ =	shalt  }
0x43: {  	_ =	shalt  }
0x44: {  	_ =	shalt  }
0x45: {  	_ =	shalt  }
0x46: {  	_ =	shalt  }
0x47: {  	_ =	shalt  }
0x48: {  	_ =	shalt  }
0x49: {  	_ =	shalt  }
0x4a: {  	_ =	shalt  }
0x4b: {  	_ =	shalt  }
0x4c: {  	_ =	shalt  }
0x4d: {  	_ =	shalt  }
0x4e: {  	_ =	shalt  }
0x4f: {  	_ =	shalt  }
0x50: {  	_ =	shalt  }
0x51: {  	_ =	shalt  }
0x52: {  	_ =	shalt  }
0x53: {  	_ =	shalt  }
0x54: {  	_ =	shalt  }
0x55: {  	_ =	shalt  }
0x56: {  	_ =	shalt  }
0x57: {  	_ =	shalt  }
0x58: {  	_ =	shalt  }
0x59: {  	_ =	shalt  }
0x5a: {  	_ =	shalt  }
0x5b: {  	_ =	shalt  }
0x5c: {  	_ =	shalt  }
0x5d: {  	_ =	shalt  }
0x5e: {  	_ =	shalt  }
0x5f: {  	_ =	shalt  }
0x60: {  	_ =	shalt  }
0x61: {  	_ =	shalt  }
0x62: {  	_ =	shalt  }
0x63: {  	_ =	shalt  }
0x64: {  	_ =	shalt  }
0x65: {  	_ =	shalt  }
0x66: {  	_ =	shalt  }
0x67: {  	_ =	shalt  }
0x68: {  	_ =	shalt  }
0x69: {  	_ =	shalt  }
0x6a: {  	_ =	shalt  }
0x6b: {  	_ =	shalt  }
0x6c: {  	_ =	shalt  }
0x6d: {  	_ =	shalt  }
0x6e: {  	_ =	shalt  }
0x6f: {  	_ =	shalt  }
0x70: {  	_ =	shalt  }
0x71: {  	_ =	shalt  }
0x72: {  	_ =	shalt  }
0x73: {  	_ =	shalt  }
0x74: {  	_ =	shalt  }
0x75: {  	_ =	shalt  }
0x76: {  	_ =	shalt  }
0x77: {  	_ =	shalt  }
0x78: {  	_ =	shalt  }
0x79: {  	_ =	shalt  }
0x7a: {  	_ =	shalt  }
0x7b: {  	_ =	shalt  }
0x7c: {  	_ =	shalt  }
0x7d: {  	_ =	shalt  }
0x7e: {  	_ =	shalt  }
0x7f: {  	_ =	shalt  }
0x80: {  	_ =	shalt  }
0x81: {  	_ =	shalt  }
0x82: {  	_ =	shalt  }
0x83: {  	_ =	shalt  }
0x84: {  	_ =	shalt  }
0x85: {  	_ =	shalt  }
0x86: {  	_ =	shalt  }
0x87: {  	_ =	shalt  }
.Lfunc_end0:
.L_simem_size_0:
called_computation_lowered:
.L_overlay_start_0:
0x88: {  	s2 =	sld [smem:$0x3FD9]  }
0x89: {  	s3 =	sld [smem:$0x3FFE];
	_ =	sdelay $0x1  }
0x8a: {  	s1 =	srdreg.scid  }
0x8b: {  	s0 =	sand.u32 $0x1, s1  }
0x8c: {  	s14 =	sshll.u32 s0, $0xA;
	s2 =	sadd.s32 s3, s2  }
0x8d: {  	s2 =	sadd.s32 s2, s14  }
0x8e: {  	[smem:$0x3FC3] =	sst s2  }
0x8f: {  	_ = 	snop  }
0x90: {  	s2 =	sld [smem:$0x3FD0];
	_ =	sdelay $0x2  }
0x91: {  	s15 =	simm.s32 $0xA;
	s4 =	simm.s32 $0x10  }
0x92: {  	[smem:s4], [sflag:s15] =	dma.local [hbm:s2], $0x1  }
0x93: {  	_ =	swait.eq [sflag:s15], $0x1  }
0x94: {  	[sflag:s15] =	ssyncset.done $0x0  }
0x95: {  	[sflag:s15] =	ssyncadd.s32 $0xFFFFFFFF  }
0x96: {  	s16 =	sld [smem:$0x10];
	(tm) =	ssettm $0x1  }
0x97: {  	s17 =	sld [smem:$0x3FFB];
	_ =	sdelay $0x3  }
0x98: {  	_ =	strace s17  }
0x99: {  	s3 =	sld [smem:$0x3FFC];
	_ =	sdelay $0x3  }
0x9a: {  	_ =	strace s3  }
0x9b: {  	s3 =	sld [smem:$0x3FFD];
	_ =	sdelay $0x3  }
0x9c: {  	_ =	strace s3  }
0x9d: {  	_ =	strace $0x8FFFFFFF  }
0x9e: {  	s18 =	sld [smem:$0x3FDB];
	_ =	sdelay $0x1  }
0x9f: {  	s19 =	simm.s32 $_scs_section_size  }
0xa0: {  	s5 =	simm.s32 $_size__tile_overlayer_lowered;
	s6 =	simm.s32 $_tile_overlayer_lowered  }
0xa1: {  	s22 =	simm.s32 $0x1BFF;
	s21 =	sshll.u32 s6, $0x1;
	s3 =	sadd.s32 s19, s18  }
0xa2: {  	s7 =	simm.s32 $0x0;
	s20 =	sshll.u32 s5, $0x1;
	s5 =	sadd.s32 s21, s3  }
0xa3: {  	[timem:s7], [sflag:s22] =	dma.local [hbm:s5], s20  }
0xa4: {  	_ =	swait.ge [sflag:s22], s20  }
0xa5: {  	s4 =	ssub.s32 $0x0, s20;
	[sflag:s22] =	ssyncset.done $0x0  }
0xa6: {  	[sflag:s22] =	ssyncadd.s32 s4;
	_ =	sdelay $0x1  }
0xa7: {  	s23 =	simm.s32 $0x1B8B  }
0xa8: {  	_ =	swait.ge [sflag:s23], $0x1  }
0xa9: {  	[sflag:s23] =	ssyncset.done $0x0  }
0xaa: {  	s25 =	simm.s32 $0x1B8E;
	s24 =	sld [smem:$0x3FFE];
	[sflag:s23] =	ssyncadd.s32 $0xFFFFFFFF  }
0xab: {  	s26 =	simm.s32 $execute0_lowered;
	[smem:$0x3FD2] =	sst s25  }
0xac: {  	s5 =	sshll.u32 s26, $0x1;
	_ =	strace $0x80000046;
	[dreg:$0x1] =	wrdreg $0xFFFFFFFF  }
0xad: {  	s28 =	simm.s32 $_size_execute0_lowered;
	s3 =	sadd.s32 s3, s5;
	[dreg:$0x0] =	wrdreg $0x0  }
0xae: {  	s5 =	sshll.u32 s28, $0x1;
	[dreg:$0x2] =	wrdreg s3  }
0xaf: {  	[dreg:$0x3] =	wrdreg s5  }
0xb0: {  	[dreg:$0x4] =	wrdreg $0xC0  }
0xb1: {  	_ =	task [dreg:s7], $0x5FFFF  }
0xb2: {  	[dreg:$0x1] =	wrdreg $0xFFFFFFFF  }
0xb3: {  	[dreg:$0x0] =	wrdreg $0x60  }
0xb4: {  	[dreg:$0x2] =	wrdreg s24  }
0xb5: {  	[dreg:$0x3] =	wrdreg s16  }
0xb6: {  	[dreg:$0x4] =	wrdreg $0x63800  }
0xb7: {  	[dreg:$0x5] =	wrdreg $0x9  }
0xb8: {  	_ =	task.clear_ibuf [dreg:s7], $0x6FFFF;
	_ =	strace $0x90000046  }
0xb9: {  	s29 =	simm.s32 $0x9;
	_ =	strace $0x80000048  }
0xba: {  	_ =	swait.ge [sflag:s29], $0x1  }
0xbb: {  	[sflag:s29] =	ssyncadd.s32 $0xFFFFFFFF  }
0xbc: {  	_ =	strace $0x90000048  }
0xbd: {  	_ =	sfence  }
0xbe: {  	s30 =	sld [smem:$0x0];
	_ =	sdelay $0x2  }
0xbf: {  	s31 =	sshll.u32 s1, $0xD;
	s1 =	sshrl.u32 s1, $0x2  }
0xc0: {  	s3 =	sand.u32 $0x4000, s31;
	s1 =	sadd.s32 s1, s30  }
0xc1: {  	s0 =	sor.u32 s3, s0;
	s1 =	sshll.u32 s1, $0x11  }
0xc2: {  	s0 =	sor.u32 s1, s0  }
0xc3: {  	s0 =	sadd.s32 $0x8F2B, s0  }
0xc4: {  	[sflag:s0] =	ssyncadd.remote.s32 $0x1  }
0xc5: {  	_ =	sfence.sel $0xFFFF  }
0xc6: {  	[dreg:$0x0] =	wrdreg $0xFFFFFFFF;
	(pc) =	sbr.abs _section_cstart, $3  }
0xc7: {  	[dreg:$0x1] =	wrdreg $0xFFFFFFFF  }
0xc8: {  	_ =	task.clear_ibuf [dreg:s7], $0x2FFFF;
	_ =	strace $0x9FFFFFFF  }
0xc9: {  	(tm) =	ssettm $0x7FFFFFFF  }
tec
execute0_lowered:
.L_overlay_start_1:
0x0: {  	(tag) =	ssettag $0x1  }
0x1: {  	s6 =	rddreg [dreg:$0x0]  }
0x2: {  	s1 =	rddreg [dreg:$0x1];
	v1 =	vimm.f32 $8.000000000e+00;
	v2 =	vimm.s32 $0xFEDCBA9;
	v3 =	vimm.s32 $0x87654321  }
0x3: {  	s3 =	rddreg [dreg:$0x2];
	v4 =	vimm.s32 $0x1;
	v7 =	vimm.s32 $0x10FEDCBA;
	v8 =	vimm.s32 $0x98765432  }
0x4: {  	s0 =	rddreg [dreg:$0x3];
	s4 =	simm.s32 $0x0;
	v9 =	vimm.s32 $0x3210FEDC;
	v10 =	vimm.s32 $0xBA987654;
	v11 =	vimm.s32 $0xFEDCBA98  }
0x5: {  	s2 =	stileid.u32;
	v12 =	vimm.s32 $0x76543210;
	vm0 =	vmmov $0x3fff;
	vm1 =	vmmov $0xfff;
	[smem:$0x7FF] =	sst s4  }
0x6: {  	s5 =	srdreg.scid;
	s16 =	simm.s32 $0x1;
	vm2 =	vmmov $0xff;
	vm3 =	vcmask $0x308;
	vm4 =	vcmask $0x70C;
	_ =	strace $0x80000047  }
0x7: {  	s17 =	simm.s32 $0x6200;
	s18 =	simm.s32 $0x4000;
	s19 =	simm.s32 $0x5000;
	v0 =	vmov s2;
	v5 =	vunpack.c.l.s4.s8 v2;
	(erf) = vrcp.f32 v1  }
0x8: {  	s20 =	simm.s32 $0x6280;
	s22 =	simm.s32 $0x0;
	v2 =	vimm.f32 $0.0e+00;
	v6 =	vunpack.c.l.s4.s8 v3;
	s8 =	sand.u32 $0x1, s5;
	v7 =	vunpack.c.l.s4.s8 v7  }
0x9: {  	s5 =	sadd.s32 $0x4000, s6;
	v8 =	vunpack.c.l.s4.s8 v8;
	p1 =	slt.u32 s2, $0x8;
	v9 =	vunpack.c.l.s4.s8 v9;
	s30 =	sshll.u32 s2, $0xB;
	v10 =	vunpack.c.l.s4.s8 v10  }
0xa: {  	v11 =	vunpack.c.l.s4.s8 v11;
	s31 =	sshll.u32 s2, $0x4;
	v12 =	vunpack.c.l.s4.s8 v12;
	s10 =	sadd.s32 $0x30, s3;
	s11 =	sadd.s32 $0x40, s3;
	v5 =	vunpack.c.0.s8.s32 v5  }
0xb: {  	s12 =	sadd.s32 $0x50, s3;
	s13 =	sadd.s32 $0x60, s3;
	s14 =	sadd.s32 $0x70, s3;
	v6 =	vunpack.c.0.s8.s32 v6;
	v7 =	vunpack.c.0.s8.s32 v7;
	v8 =	vunpack.c.0.s8.s32 v8  }
.Ltmp0:
0xc: {  	s7 =	ssub.s32 $0x2, s8;
	p0 =	seq.s32 s8, $0x0;
	v9 =	vunpack.c.0.s8.s32 v9;
	v10 =	vunpack.c.0.s8.s32 v10;
	v11 =	vunpack.c.0.s8.s32 v11;
	(pc) =	sbr.rel .LBB2_1-.Ltmp0, $4  }
0xd: {  	v3 =	vlaneseq.u32;
	s6 =	sadd.s32 s6, s30;
	s21 =	sor.u32 s2, s8;
	s8 =	sadd.s32 $0x10, s3;
	v12 =	vunpack.c.0.s8.s32 v12;
	v5 =	vcombine.low v6, v5  }
0xe: {  	s9 =	sshrl.u32 s7, $0x1;
	p0 =	por !p0, !p1;
	p1 =	sne.s32 s21, $0x0;
	v6 =	vcombine.low v8, v7;
	v8 =	vcombine.low v10, v9;
	v9 =	vand.u32 $0xF, v11  }
0xf: {  	v1 =	vimm.s32 $0x0;
	s21 =	simm.s32 $0x6300;
	s15 =	ssub.s32 s7, s9;
	p0 =	por !p0, !p0;
	v7 =	vmul.u32 $0x10, v3;
	v9 =	vcombine.low v9, v12  }
0x10: {  	s7 =	sadd.s32 s31, s3;
	s9 =	sadd.s32 $0x20, s3;
	s15 =	smax.u32 s15, $0x1;
	v10 =	vand.u32 $0xF, v5;
	v11 =	vand.u32 $0xF, v6;
	v12 =	vand.u32 $0xF, v8;
	v13 =	vpop (erf)  }
.LBB2_34:
0x11: {  	vm6 =	vgt.s32 v26, v27  }
0x12: {  	v26 =	vsel vm6, v26, v27  }
0x13: {  	v27 =	vperm.xlane v26, v11;
	_ =	sdelay $0x1  }
0x14: {  	vm6 =	vgt.s32 v26, v27  }
0x15: {  	v26 =	vsel vm6, v26, v27  }
0x16: {  	v27 =	vperm.xlane v26, v12;
	_ =	sdelay $0x1  }
0x17: {  	vm6 =	vgt.s32 v26, v27  }
0x18: {  	v26 =	vsel vm6, v26, v27  }
0x19: {  	s23 =	sadd.s32 $0xFFFFFFF0, s23;
	v27 =	vperm.xlane v26, v9  }
0x1a: {  	v28 =	vld [tilespmem:s23+$0x0]  }
0x1b: {  	vm6 =	vgt.s32 v26, v27  }
0x1c: {  	v26 =	vsel vm6, v26, v27  }
0x1d: {  	vm6 =	vlt.s32 v26, v3  }
0x1e: {  	v53 =	vsel vm6, $0x3F800000, v1  }
0x1f: {  	v27 =	vmul.f32 v53, v28  }
0x20: {  	v30 =	vperm.xlane v28, v10;
	v22 =	vnsel vm6, $0x0, v22  }
0x21: {  	v29 =	vperm.xlane v22, v10;
	v31 =	vperm.xlane v27, v10;
	_ =	sdelay $0x1  }
0x22: {  	v28 =	vadd.f32 v30, v28;
	v22 =	vadd.s32 v29, v22;
	v27 =	vadd.f32 v27, v31  }
0x23: {  	v18 =	vadd.s32 v18, v17;
	v29 =	vperm.xlane v22, v11  }
0x24: {  	vm9 =	vgt.s32 v18, $0x1;
	v30 =	vperm.xlane v28, v11;
	v31 =	vperm.xlane v27, v11  }
0x25: {  	v25 =	vadd.f32 v25, v19;
	v18 =	vnsel vm9, $0x1, v18;
	v22 =	vadd.s32 v29, v22  }
0x26: {  	v28 =	vadd.f32 v30, v28;
	v29 =	vperm.xlane v22, v12;
	v27 =	vadd.f32 v27, v31  }
0x27: {  	vm8 =	vlt.s32 v21, $0x0;
	vm14 =	vgt.s32 v17, $0x1;
	v18 =	vcvt.s32.f32 v18  }
0x28: {  	v30 =	vperm.xlane v28, v12;
	v22 =	vadd.s32 v29, v22;
	v54 =	vperm.xlane v27, v12  }
0x29: {  	v20 =	vshll.u32 v20, $0x7;
	v58 =	vnsel vm14, $0x1, v17;
	v29 =	vperm.xlane v22, v9  }
0x2a: {  	(erf) = vrcp.f32 v18;
	v56 =	vadd.f32 v30, v28;
	v55 =	vadd.f32 v27, v54  }
0x2b: {  	vm6 =	vgt.s32 v26, $0xFFFFFFFF;
	v22 =	vadd.s32 v29, v22;
	v29 =	vcvt.s32.f32 v58  }
0x2c: {  	v59 =	vperm.xlane v56, v9;
	v22 =	vsel vm6, v22, v24;
	v57 =	vperm.xlane v55, v9  }
0x2d: {  	v19 =	vsel vm7, v25, v19;
	v22 =	vnsel vm8, $0x0, v22;
	(erf) = vrcp.f32 v29  }
0x2e: {  	v22 =	vadd.s32 v23, v22;
	v23 =	vadd.f32 v59, v56;
	v60 =	vadd.f32 v55, v57  }
0x2f: {  	v26 =	vadd.s32 s25, v26;
	vm15 =	vmand vm8, vm6;
	v22 =	vsub.s32 v17, v22  }
0x30: {  	v61 =	vsel vm15, v26, v21;
	v22 =	vcvt.s32.f32 v22;
	v18 =	vsel vm6, v60, v23  }
0x31: {  	v20 =	vadd.s32 v20, v61;
	v18 =	vadd.f32 v18, v19  }
0x32: {  	v20 =	vmul.f32 v22, v20  }
0x33: {  	v18 =	vsel vm8, v18, v19  }
0x34: {  	v18 =	vadd.f32 v20, v18  }
0x35: {  	vm6 =	vgt.s32 v17, $0x0  }
0x36: {  	v62 =	vpop (erf);
	v18 =	vnsel vm6, $0x0, v18  }
0x37: {  	v63 =	vpop (erf);
	v15 =	vadd.f32 v18, v15  }
0x38: {  	v18 =	vmul.f32 v18, v63  }
0x39: {  	vm6 =	vgt.s32 v16, $0x0;
	v15 =	vmul.f32 v15, v62  }
0x3a: {  	v16 =	vnsel vm6, $0x0, v18  }
0x3b: {  	v15 =	vsel vm5, v15, v16;
	vm5 =	vmmov $0x1  }
0x3c: {  	v14 =	vsel vm3, $0x0, v14;
	v15 =	vnsel vm5, $0x0, v15  }
0x3d: {  	v14 =	vadd.f32 v15, v14;
	_ =	sdelay $0x1  }
0x3e: {  	[tilespmem:$0x6280] =	vst v14  }
0x3f: {  	[spmem:s7] =	stream.linear.scatter [tilespmem:s20], [sflag:$0x1], $0x10, $0x38;
	[tilespmem:$0x6388] =	vst v63  }
0x40: {  	_ =	swait.ge [sflag:s16], $0x10  }
0x41: {  	[sflag:s16] =	ssyncset.done $0x0  }
0x42: {  	[sflag:s16] =	ssyncadd.s32 $0xFFFFFFF0  }
.LBB2_35:
.Ltmp1:
0x43: {  	(pc) =	sbr.rel @!p1 .LBB2_36-.Ltmp1, $2  }
0x44: {  	_ =	sdelay $0x1  }
0x45: {  	[bflag:$0x0] =	sbarrier.arrive $0xFFFF;
	_ =	sdelay $0x1  }
.LBB2_37:
0x46: {  	s22 =	sadd.s32 $0x1, s22  }
0x47: {  	p2 =	sne.s32 s22, s15  }
.Ltmp2:
0x48: {  	_ = 	snop;
	(pc) =	sbr.rel @!p2 .LBB2_38-.Ltmp2, $1  }
0x49: {  	_ =	sdelay $0x3  }
.LBB2_1:
.Ltmp3:
0x4a: {  	(pc) =	sbr.rel @!p0 .LBB2_35-.Ltmp3, $1  }
0x4b: {  	_ =	sdelay $0x3  }
0x4c: {  	s23 =	simm.s32 $0x0  }
0x4d: {  	[tilespmem:s23], [sflag:$0x1] =	stream.linear.gather [hbm4b:s6+s23], $0x4000, $0x38;
	[tilespmem:$0x6388] =	vst v63  }
0x4e: {  	_ =	swait.ge [sflag:s16], $0x4000  }
0x4f: {  	[sflag:s16] =	ssyncset.done $0x0  }
0x50: {  	[sflag:s16] =	ssyncadd.s32 $0xFFFFC000  }
0x51: {  	[tilespmem:s17], [sflag:$0x1] =	stream.linear.gather [hbm4b:s1+s23], $0x80, $0x38;
	[tilespmem:$0x6388] =	vst v63  }
0x52: {  	_ =	swait.ge [sflag:s16], $0x80  }
0x53: {  	[sflag:s16] =	ssyncset.done $0x0  }
0x54: {  	[sflag:s16] =	ssyncadd.s32 $0xFFFFFF80  }
0x55: {  	v14 =	vld [tilespmem:$0x6200]  }
0x56: {  	v16 =	vld [tilespmem:$0x6210]  }
0x57: {  	v17 =	vld [tilespmem:$0x6220];
	_ =	sdelay $0x3  }
0x58: {  	v15 =	vperm.xlane v14, v0  }
0x59: {  	s24 =	simm.s32 $0x40;
	s25 =	simm.s32 $0x0;
	v16 =	vperm.xlane v16, v0;
	v14 =	vperm.xlane v17, v0  }
.LBB2_3:
0x5a: {  	p2 =	sne.s32 s24, $0x3FC0;
	[tilespmem:s25+$0x4000] =	vst v1;
	s26 =	smov.u32 s24;
	s24 =	sadd.s32 $0x40, s24  }
.Ltmp4:
0x5b: {  	[tilespmem:s25+$0x5000] =	vst v2;
	(pc) =	sbr.rel @p2 .LBB2_3-.Ltmp4, $2  }
0x5c: {  	_ =	sdelay $0x2  }
0x5d: {  	s25 =	sshra.s32 s26, $0x2  }
0x5e: {  	[tilespmem:s25+$0x4000] =	vst v1  }
0x5f: {  	[tilespmem:s25+$0x5000] =	vst v2  }
.LBB2_5:
0x60: {  	s24 =	sshra.s32 s23, $0x2  }
0x61: {  	v17 =	vld [tilespmem:s24+$0x0];
	_ =	sdelay $0x4  }
0x62: {  	vm5 =	vge.f32 v17, $0.0e+00;
	vm6 =	vgt.s32 v17, $0xFFFFFFFF;
	v18 =	vshrl.u32 v17, $0x13  }
0x63: {  	vm5 =	vmand vm5, vm6;
	v18 =	vand.u32 $0xFF0, v18  }
0x64: {  	v18 =	vor.u32 v3, v18  }
0x65: {  	p2 =	sne.s32 s23, $0xFFC0  }
.Ltmp5:
0x66: {  	_ = 	snop;
	(pc) =	sbr.rel @p2 .LBB2_5-.Ltmp5, $3  }
0x67: {  	_ =	sdelay $0x1  }
0x68: {  	[tilespmem:v18+s18+$0x0] =	vst.idx.add.s32.msk vm5, v4  }
0x69: {  	s23 =	sadd.s32 $0x40, s23;
	[tilespmem:v18+s19+$0x0] =	vst.idx.add.f32.msk vm5, v17  }
0x6a: {  	s23 =	simm.s32 $0x0  }
0x6b: {  	v17 =	vmov s23  }
0x6c: {  	v17 =	vshll.u32 v17, $0x4  }
0x6d: {  	v17 =	vor.u32 v7, v17;
	_ =	sdelay $0x1  }
0x6e: {  	v18 =	vor.u32 $0xF, v17;
	v19 =	vor.u32 $0xE, v17;
	v20 =	vor.u32 $0x1, v17  }
0x6f: {  	v21 =	vor.u32 $0xD, v17;
	v22 =	vor.u32 $0x2, v17;
	v25 =	vor.u32 $0xC, v17  }
0x70: {  	v26 =	vor.u32 $0x3, v17;
	v29 =	vor.u32 $0xB, v17;
	v30 =	vor.u32 $0x4, v17  }
0x71: {  	v33 =	vor.u32 $0xA, v17;
	v34 =	vor.u32 $0x5, v17;
	v37 =	vor.u32 $0x9, v17;
	v24 =	vld.idx.msk [tilespmem:v17+s19+$0x0], $0xffff  }
0x72: {  	v38 =	vor.u32 $0x6, v17;
	v40 =	vor.u32 $0x8, v17;
	v41 =	vor.u32 $0x7, v17;
	v17 =	vld.idx.msk [tilespmem:v17+s18+$0x0], $0xffff  }
0x73: {  	v23 =	vld.idx.msk [tilespmem:v18+s19+$0x0], $0xffff  }
0x74: {  	v28 =	vld.idx.msk [tilespmem:v20+s19+$0x0], $0xffff  }
0x75: {  	v27 =	vld.idx.msk [tilespmem:v19+s19+$0x0], $0xffff  }
0x76: {  	v32 =	vld.idx.msk [tilespmem:v22+s19+$0x0], $0xffff  }
0x77: {  	v31 =	vld.idx.msk [tilespmem:v21+s19+$0x0], $0xffff;
	v24 =	vadd.f32 $0.0e+00, v24  }
0x78: {  	v36 =	vld.idx.msk [tilespmem:v26+s19+$0x0], $0xffff  }
0x79: {  	v35 =	vld.idx.msk [tilespmem:v25+s19+$0x0], $0xffff;
	v24 =	vadd.f32 v28, v24  }
0x7a: {  	v60 =	vld.idx.msk [tilespmem:v30+s19+$0x0], $0xffff  }
0x7b: {  	v39 =	vld.idx.msk [tilespmem:v29+s19+$0x0], $0xffff;
	v24 =	vadd.f32 v32, v24  }
0x7c: {  	v61 =	vld.idx.msk [tilespmem:v34+s19+$0x0], $0xffff  }
0x7d: {  	v42 =	vld.idx.msk [tilespmem:v33+s19+$0x0], $0xffff;
	v24 =	vadd.f32 v36, v24  }
0x7e: {  	v62 =	vld.idx.msk [tilespmem:v38+s19+$0x0], $0xffff  }
0x7f: {  	v43 =	vld.idx.msk [tilespmem:v37+s19+$0x0], $0xffff;
	v24 =	vadd.f32 v60, v24  }
0x80: {  	v63 =	vld.idx.msk [tilespmem:v41+s19+$0x0], $0xffff  }
0x81: {  	v44 =	vld.idx.msk [tilespmem:v40+s19+$0x0], $0xffff;
	v24 =	vadd.f32 v61, v24  }
0x82: {  	v20 =	vld.idx.msk [tilespmem:v20+s18+$0x0], $0xffff  }
0x83: {  	v22 =	vld.idx.msk [tilespmem:v22+s18+$0x0], $0xffff;
	v24 =	vadd.f32 v62, v24  }
0x84: {  	v26 =	vld.idx.msk [tilespmem:v26+s18+$0x0], $0xffff  }
0x85: {  	v30 =	vld.idx.msk [tilespmem:v30+s18+$0x0], $0xffff;
	v24 =	vadd.f32 v63, v24  }
0x86: {  	v36 =	vld.idx.msk [tilespmem:v34+s18+$0x0], $0xffff  }
0x87: {  	v38 =	vld.idx.msk [tilespmem:v38+s18+$0x0], $0xffff;
	v17 =	vadd.s32 v17, v20;
	v20 =	vadd.f32 v44, v24  }
0x88: {  	v17 =	vadd.s32 v22, v17;
	v24 =	vld.idx.msk [tilespmem:v41+s18+$0x0], $0xffff  }
0x89: {  	v22 =	vld.idx.msk [tilespmem:v40+s18+$0x0], $0xffff;
	v17 =	vadd.s32 v26, v17;
	v20 =	vadd.f32 v43, v20  }
0x8a: {  	v26 =	vld.idx.msk [tilespmem:v37+s18+$0x0], $0xffff;
	v17 =	vadd.s32 v30, v17  }
0x8b: {  	v17 =	vadd.s32 v36, v17;
	v41 =	vld.idx.msk [tilespmem:v33+s18+$0x0], $0xffff;
	v20 =	vadd.f32 v42, v20  }
0x8c: {  	v17 =	vadd.s32 v38, v17;
	v43 =	vld.idx.msk [tilespmem:v29+s18+$0x0], $0xffff  }
0x8d: {  	v25 =	vld.idx.msk [tilespmem:v25+s18+$0x0], $0xffff;
	v17 =	vadd.s32 v24, v17;
	v20 =	vadd.f32 v39, v20  }
0x8e: {  	v21 =	vld.idx.msk [tilespmem:v21+s18+$0x0], $0xffff;
	v17 =	vadd.s32 v22, v17  }
0x8f: {  	v19 =	vld.idx.msk [tilespmem:v19+s18+$0x0], $0xffff;
	v17 =	vadd.s32 v26, v17;
	v20 =	vadd.f32 v35, v20  }
0x90: {  	s31 =	simm.s32 $0x10;
	v18 =	vld.idx.msk [tilespmem:v18+s18+$0x0], $0xffff;
	v17 =	vadd.s32 v41, v17  }
0x91: {  	v22 =	vmov s31;
	v17 =	vadd.s32 v43, v17;
	v20 =	vadd.f32 v31, v20  }
0x92: {  	v22 =	vshll.u32 v22, $0x4;
	v17 =	vadd.s32 v25, v17  }
0x93: {  	v22 =	vor.u32 v7, v22;
	v17 =	vadd.s32 v21, v17;
	v20 =	vadd.f32 v27, v20  }
0x94: {  	v17 =	vadd.s32 v19, v17;
	v19 =	vor.u32 $0x1, v22  }
0x95: {  	s23 =	simm.s32 $0x6000;
	v25 =	vor.u32 $0xB, v22;
	v17 =	vadd.s32 v18, v17;
	v18 =	vadd.f32 v23, v20  }
0x96: {  	s24 =	simm.s32 $0x6100;
	v45 =	vor.u32 $0xA, v22;
	[tilespmem:s23+$0x0] =	vst v17  }
0x97: {  	v46 =	vor.u32 $0x5, v22;
	[tilespmem:s24+$0x0] =	vst v18  }
0x98: {  	v17 =	vor.u32 $0x2, v22;
	v21 =	vld.idx.msk [tilespmem:v22+s19+$0x0], $0xffff  }
0x99: {  	v49 =	vor.u32 $0x9, v22;
	v24 =	vld.idx.msk [tilespmem:v19+s19+$0x0], $0xffff  }
0x9a: {  	v23 =	vor.u32 $0x3, v22;
	v51 =	vld.idx.msk [tilespmem:v25+s19+$0x0], $0xffff  }
0x9b: {  	v50 =	vor.u32 $0x6, v22;
	v54 =	vld.idx.msk [tilespmem:v45+s19+$0x0], $0xffff  }
0x9c: {  	v26 =	vor.u32 $0x4, v22;
	v55 =	vld.idx.msk [tilespmem:v46+s19+$0x0], $0xffff  }
0x9d: {  	v52 =	vor.u32 $0x8, v22;
	v44 =	vld.idx.msk [tilespmem:v17+s19+$0x0], $0xffff  }
0x9e: {  	v56 =	vld.idx.msk [tilespmem:v49+s19+$0x0], $0xffff;
	v21 =	vadd.f32 $0.0e+00, v21  }
0x9f: {  	v48 =	vld.idx.msk [tilespmem:v23+s19+$0x0], $0xffff  }
0xa0: {  	v57 =	vld.idx.msk [tilespmem:v50+s19+$0x0], $0xffff;
	v21 =	vadd.f32 v24, v21  }
0xa1: {  	v53 =	vor.u32 $0x7, v22;
	v24 =	vld.idx.msk [tilespmem:v26+s19+$0x0], $0xffff  }
0xa2: {  	v58 =	vld.idx.msk [tilespmem:v52+s19+$0x0], $0xffff;
	v21 =	vadd.f32 v44, v21  }
0xa3: {  	v19 =	vld.idx.msk [tilespmem:v19+s18+$0x0], $0xffff  }
0xa4: {  	v20 =	vor.u32 $0xD, v22;
	v59 =	vld.idx.msk [tilespmem:v22+s18+$0x0], $0xffff;
	v21 =	vadd.f32 v48, v21  }
0xa5: {  	v60 =	vld.idx.msk [tilespmem:v46+s18+$0x0], $0xffff  }
0xa6: {  	v61 =	vld.idx.msk [tilespmem:v53+s18+$0x0], $0xffff;
	v21 =	vadd.f32 v24, v21  }
0xa7: {  	v24 =	vld.idx.msk [tilespmem:v53+s19+$0x0], $0xffff  }
0xa8: {  	v25 =	vld.idx.msk [tilespmem:v25+s18+$0x0], $0xffff;
	v21 =	vadd.f32 v55, v21  }
0xa9: {  	v27 =	vld.idx.msk [tilespmem:v20+s19+$0x0], $0xffff  }
0xaa: {  	v18 =	vor.u32 $0xC, v22;
	v17 =	vld.idx.msk [tilespmem:v17+s18+$0x0], $0xffff;
	v21 =	vadd.f32 v57, v21  }
0xab: {  	v23 =	vld.idx.msk [tilespmem:v23+s18+$0x0], $0xffff  }
0xac: {  	v26 =	vld.idx.msk [tilespmem:v26+s18+$0x0], $0xffff;
	v21 =	vadd.f32 v24, v21  }
0xad: {  	v20 =	vld.idx.msk [tilespmem:v20+s18+$0x0], $0xffff  }
0xae: {  	v19 =	vadd.s32 v59, v19;
	v24 =	vld.idx.msk [tilespmem:v50+s18+$0x0], $0xffff;
	v21 =	vadd.f32 v58, v21  }
0xaf: {  	v62 =	vor.u32 $0xF, v22;
	v47 =	vld.idx.msk [tilespmem:v18+s19+$0x0], $0xffff;
	v17 =	vadd.s32 v17, v19  }
0xb0: {  	v22 =	vor.u32 $0xE, v22;
	v19 =	vld.idx.msk [tilespmem:v52+s18+$0x0], $0xffff;
	v17 =	vadd.s32 v23, v17;
	v21 =	vadd.f32 v56, v21  }
0xb1: {  	v23 =	vld.idx.msk [tilespmem:v49+s18+$0x0], $0xffff;
	v17 =	vadd.s32 v26, v17  }
0xb2: {  	v26 =	vld.idx.msk [tilespmem:v45+s18+$0x0], $0xffff;
	v17 =	vadd.s32 v60, v17;
	v21 =	vadd.f32 v54, v21  }
0xb3: {  	v17 =	vadd.s32 v24, v17;
	v24 =	vld.idx.msk [tilespmem:v18+s18+$0x0], $0xffff  }
0xb4: {  	v18 =	vadd.s32 v61, v17;
	v17 =	vld.idx.msk [tilespmem:v62+s19+$0x0], $0xffff;
	v21 =	vadd.f32 v51, v21  }
0xb5: {  	v18 =	vadd.s32 v19, v18;
	v19 =	vld.idx.msk [tilespmem:v22+s19+$0x0], $0xffff  }
0xb6: {  	s25 =	simm.s32 $0x20;
	v18 =	vadd.s32 v23, v18;
	v23 =	vadd.f32 v47, v21;
	v21 =	vld.idx.msk [tilespmem:v22+s18+$0x0], $0xffff  }
0xb7: {  	v63 =	vmov s25;
	v18 =	vadd.s32 v26, v18;
	v22 =	vld.idx.msk [tilespmem:v62+s18+$0x0], $0xffff  }
0xb8: {  	v26 =	vshll.u32 v63, $0x4;
	v25 =	vadd.s32 v25, v18;
	v23 =	vadd.f32 v27, v23  }
0xb9: {  	s25 =	simm.s32 $0x30;
	v18 =	vor.u32 v7, v26;
	v24 =	vadd.s32 v24, v25  }
.LBB2_7:
0xba: {  	p2 =	sne.s32 s25, $0xF0;
	v25 =	vor.u32 $0xF, v18;
	v20 =	vadd.s32 v20, v24;
	v19 =	vadd.f32 v19, v23  }
0xbb: {  	v20 =	vadd.s32 v21, v20  }
0xbc: {  	s23 =	sadd.s32 $0x10, s23;
	v21 =	vor.u32 $0xE, v18;
	v20 =	vadd.s32 v22, v20;
	v17 =	vadd.f32 v17, v19  }
0xbd: {  	s24 =	sadd.s32 $0x10, s24;
	v22 =	vor.u32 $0x1, v18;
	[tilespmem:s23+$0x0] =	vst v20  }
0xbe: {  	v20 =	vor.u32 $0xD, v18;
	[tilespmem:s24+$0x0] =	vst v17  }
0xbf: {  	v23 =	vor.u32 $0x2, v18;
	v17 =	vld.idx.msk [tilespmem:v25+s19+$0x0], $0xffff  }
0xc0: {  	v26 =	vor.u32 $0xC, v18;
	v24 =	vld.idx.msk [tilespmem:v18+s19+$0x0], $0xffff  }
0xc1: {  	v27 =	vor.u32 $0x3, v18;
	v19 =	vld.idx.msk [tilespmem:v21+s19+$0x0], $0xffff  }
0xc2: {  	v29 =	vor.u32 $0xB, v18;
	v28 =	vld.idx.msk [tilespmem:v22+s19+$0x0], $0xffff  }
0xc3: {  	v30 =	vor.u32 $0x4, v18;
	v31 =	vld.idx.msk [tilespmem:v20+s19+$0x0], $0xffff  }
0xc4: {  	v33 =	vor.u32 $0xA, v18;
	v32 =	vld.idx.msk [tilespmem:v23+s19+$0x0], $0xffff  }
0xc5: {  	v34 =	vor.u32 $0x5, v18;
	v35 =	vld.idx.msk [tilespmem:v26+s19+$0x0], $0xffff  }
0xc6: {  	v37 =	vor.u32 $0x9, v18;
	v24 =	vadd.f32 $0.0e+00, v24;
	v36 =	vld.idx.msk [tilespmem:v27+s19+$0x0], $0xffff  }
0xc7: {  	v38 =	vor.u32 $0x6, v18;
	v39 =	vld.idx.msk [tilespmem:v29+s19+$0x0], $0xffff  }
0xc8: {  	v40 =	vor.u32 $0x8, v18;
	v24 =	vadd.f32 v28, v24;
	v28 =	vld.idx.msk [tilespmem:v30+s19+$0x0], $0xffff  }
0xc9: {  	v41 =	vor.u32 $0x7, v18;
	v42 =	vld.idx.msk [tilespmem:v33+s19+$0x0], $0xffff  }
0xca: {  	v24 =	vadd.f32 v32, v24;
	v32 =	vld.idx.msk [tilespmem:v34+s19+$0x0], $0xffff  }
0xcb: {  	v43 =	vld.idx.msk [tilespmem:v37+s19+$0x0], $0xffff  }
0xcc: {  	v24 =	vadd.f32 v36, v24;
	v36 =	vld.idx.msk [tilespmem:v38+s19+$0x0], $0xffff  }
0xcd: {  	v44 =	vld.idx.msk [tilespmem:v40+s19+$0x0], $0xffff  }
0xce: {  	v24 =	vadd.f32 v28, v24;
	v28 =	vld.idx.msk [tilespmem:v41+s19+$0x0], $0xffff  }
0xcf: {  	v22 =	vld.idx.msk [tilespmem:v22+s18+$0x0], $0xffff  }
0xd0: {  	v24 =	vadd.f32 v32, v24;
	v18 =	vld.idx.msk [tilespmem:v18+s18+$0x0], $0xffff  }
0xd1: {  	v23 =	vld.idx.msk [tilespmem:v23+s18+$0x0], $0xffff  }
0xd2: {  	v24 =	vadd.f32 v36, v24;
	v27 =	vld.idx.msk [tilespmem:v27+s18+$0x0], $0xffff  }
0xd3: {  	v30 =	vld.idx.msk [tilespmem:v30+s18+$0x0], $0xffff  }
0xd4: {  	v24 =	vadd.f32 v28, v24;
	v32 =	vld.idx.msk [tilespmem:v34+s18+$0x0], $0xffff  }
0xd5: {  	v28 =	vld.idx.msk [tilespmem:v38+s18+$0x0], $0xffff  }
0xd6: {  	v18 =	vadd.s32 v18, v22;
	v24 =	vadd.f32 v44, v24;
	v22 =	vld.idx.msk [tilespmem:v41+s18+$0x0], $0xffff  }
0xd7: {  	v18 =	vadd.s32 v23, v18;
	v23 =	vld.idx.msk [tilespmem:v40+s18+$0x0], $0xffff  }
0xd8: {  	v18 =	vadd.s32 v27, v18;
	v24 =	vadd.f32 v43, v24;
	v27 =	vld.idx.msk [tilespmem:v37+s18+$0x0], $0xffff  }
0xd9: {  	v18 =	vadd.s32 v30, v18;
	v30 =	vld.idx.msk [tilespmem:v33+s18+$0x0], $0xffff  }
0xda: {  	v18 =	vadd.s32 v32, v18;
	v24 =	vadd.f32 v42, v24;
	v29 =	vld.idx.msk [tilespmem:v29+s18+$0x0], $0xffff  }
0xdb: {  	v18 =	vadd.s32 v28, v18;
	v26 =	vld.idx.msk [tilespmem:v26+s18+$0x0], $0xffff  }
0xdc: {  	v18 =	vadd.s32 v22, v18;
	v22 =	vadd.f32 v39, v24;
	v20 =	vld.idx.msk [tilespmem:v20+s18+$0x0], $0xffff  }
.Ltmp6:
0xdd: {  	v18 =	vadd.s32 v23, v18;
	v21 =	vld.idx.msk [tilespmem:v21+s18+$0x0], $0xffff;
	(pc) =	sbr.rel @p2 .LBB2_7-.Ltmp6, $4  }
0xde: {  	v18 =	vadd.s32 v27, v18;
	v23 =	vadd.f32 v35, v22;
	v22 =	vld.idx.msk [tilespmem:v25+s18+$0x0], $0xffff  }
0xdf: {  	v24 =	vmov s25;
	v18 =	vadd.s32 v30, v18  }
0xe0: {  	v24 =	vshll.u32 v24, $0x4;
	v25 =	vadd.s32 v29, v18;
	v23 =	vadd.f32 v31, v23  }
0xe1: {  	s25 =	sadd.s32 $0x10, s25;
	v18 =	vor.u32 v7, v24;
	v24 =	vadd.s32 v26, v25  }
0xe2: {  	v25 =	vor.u32 $0xF, v18;
	v20 =	vadd.s32 v20, v24;
	v19 =	vadd.f32 v19, v23  }
0xe3: {  	v20 =	vadd.s32 v21, v20  }
0xe4: {  	s23 =	sadd.s32 $0x10, s23;
	v24 =	vor.u32 $0xC, v18;
	v20 =	vadd.s32 v22, v20;
	v17 =	vadd.f32 v17, v19  }
0xe5: {  	s24 =	sadd.s32 $0x10, s24;
	v19 =	vor.u32 $0x1, v18;
	[tilespmem:s23+$0x0] =	vst v20  }
0xe6: {  	v26 =	vor.u32 $0x3, v18;
	[tilespmem:s24+$0x0] =	vst v17  }
0xe7: {  	v17 =	vor.u32 $0x2, v18;
	v22 =	vld.idx.msk [tilespmem:v25+s19+$0x0], $0xffff  }
0xe8: {  	v29 =	vor.u32 $0xB, v18;
	v23 =	vld.idx.msk [tilespmem:v18+s19+$0x0], $0xffff  }
0xe9: {  	v30 =	vor.u32 $0x4, v18;
	v35 =	vld.idx.msk [tilespmem:v24+s19+$0x0], $0xffff  }
0xea: {  	v33 =	vor.u32 $0xA, v18;
	v28 =	vld.idx.msk [tilespmem:v19+s19+$0x0], $0xffff  }
0xeb: {  	v34 =	vor.u32 $0x5, v18;
	v36 =	vld.idx.msk [tilespmem:v26+s19+$0x0], $0xffff  }
0xec: {  	v37 =	vor.u32 $0x9, v18;
	v32 =	vld.idx.msk [tilespmem:v17+s19+$0x0], $0xffff  }
0xed: {  	v38 =	vor.u32 $0x6, v18;
	v39 =	vld.idx.msk [tilespmem:v29+s19+$0x0], $0xffff;
	v23 =	vadd.f32 $0.0e+00, v23  }
0xee: {  	v40 =	vor.u32 $0x8, v18;
	v60 =	vld.idx.msk [tilespmem:v30+s19+$0x0], $0xffff  }
0xef: {  	v41 =	vor.u32 $0x7, v18;
	v42 =	vld.idx.msk [tilespmem:v33+s19+$0x0], $0xffff;
	v23 =	vadd.f32 v28, v23  }
0xf0: {  	v61 =	vld.idx.msk [tilespmem:v34+s19+$0x0], $0xffff  }
0xf1: {  	v43 =	vld.idx.msk [tilespmem:v37+s19+$0x0], $0xffff;
	v23 =	vadd.f32 v32, v23  }
0xf2: {  	v62 =	vld.idx.msk [tilespmem:v38+s19+$0x0], $0xffff  }
0xf3: {  	v44 =	vld.idx.msk [tilespmem:v40+s19+$0x0], $0xffff;
	v23 =	vadd.f32 v36, v23  }
0xf4: {  	v63 =	vld.idx.msk [tilespmem:v41+s19+$0x0], $0xffff  }
0xf5: {  	v21 =	vor.u32 $0xE, v18;
	v20 =	vor.u32 $0xD, v18;
	v18 =	vld.idx.msk [tilespmem:v18+s18+$0x0], $0xffff;
	v23 =	vadd.f32 v60, v23  }
0xf6: {  	v26 =	vld.idx.msk [tilespmem:v26+s18+$0x0], $0xffff  }
0xf7: {  	v30 =	vld.idx.msk [tilespmem:v30+s18+$0x0], $0xffff;
	v23 =	vadd.f32 v61, v23  }
0xf8: {  	v19 =	vld.idx.msk [tilespmem:v19+s18+$0x0], $0xffff  }
0xf9: {  	v17 =	vld.idx.msk [tilespmem:v17+s18+$0x0], $0xffff;
	v23 =	vadd.f32 v62, v23  }
0xfa: {  	v38 =	vld.idx.msk [tilespmem:v38+s18+$0x0], $0xffff  }
0xfb: {  	v45 =	vld.idx.msk [tilespmem:v29+s18+$0x0], $0xffff;
	v23 =	vadd.f32 v63, v23  }
0xfc: {  	v36 =	vld.idx.msk [tilespmem:v34+s18+$0x0], $0xffff  }
0xfd: {  	v24 =	vld.idx.msk [tilespmem:v24+s18+$0x0], $0xffff;
	v18 =	vadd.s32 v18, v19;
	v19 =	vadd.f32 v44, v23  }
0xfe: {  	v17 =	vadd.s32 v17, v18;
	v23 =	vld.idx.msk [tilespmem:v41+s18+$0x0], $0xffff  }
0xff: {  	v18 =	vld.idx.msk [tilespmem:v40+s18+$0x0], $0xffff;
	v17 =	vadd.s32 v26, v17;
	v19 =	vadd.f32 v43, v19  }
0x100: {  	v26 =	vld.idx.msk [tilespmem:v37+s18+$0x0], $0xffff;
	v17 =	vadd.s32 v30, v17  }
0x101: {  	v17 =	vadd.s32 v36, v17;
	v44 =	vld.idx.msk [tilespmem:v33+s18+$0x0], $0xffff;
	v19 =	vadd.f32 v42, v19  }
0x102: {  	v31 =	vld.idx.msk [tilespmem:v20+s19+$0x0], $0xffff;
	v17 =	vadd.s32 v38, v17  }
0x103: {  	v27 =	vld.idx.msk [tilespmem:v21+s19+$0x0], $0xffff;
	v17 =	vadd.s32 v23, v17;
	v19 =	vadd.f32 v39, v19  }
0x104: {  	v20 =	vld.idx.msk [tilespmem:v20+s18+$0x0], $0xffff;
	v17 =	vadd.s32 v18, v17  }
0x105: {  	v18 =	vld.idx.msk [tilespmem:v21+s18+$0x0], $0xffff;
	v17 =	vadd.s32 v26, v17;
	v19 =	vadd.f32 v35, v19  }
0x106: {  	v21 =	vld.idx.msk [tilespmem:v25+s18+$0x0], $0xffff;
	v17 =	vadd.s32 v44, v17  }
0x107: {  	v17 =	vadd.s32 v45, v17;
	v19 =	vadd.f32 v31, v19  }
0x108: {  	v17 =	vadd.s32 v24, v17  }
0x109: {  	v17 =	vadd.s32 v20, v17;
	v19 =	vadd.f32 v27, v19  }
0x10a: {  	v17 =	vadd.s32 v18, v17  }
0x10b: {  	s23 =	sadd.s32 $0x10, s23;
	v17 =	vadd.s32 v21, v17;
	v18 =	vadd.f32 v22, v19  }
0x10c: {  	s30 =	sadd.s32 $0x10, s24;
	[tilespmem:s23+$0x0] =	vst v17  }
0x10d: {  	[tilespmem:s30+$0x0] =	vst v18  }
0x10e: {  	v17 =	vld [tilespmem:$0x6000]  }
0x10f: {  	v18 =	vld [tilespmem:$0x6010]  }
0x110: {  	v19 =	vld [tilespmem:$0x6020]  }
0x111: {  	v20 =	vld [tilespmem:$0x6030]  }
0x112: {  	v21 =	vld [tilespmem:$0x6040]  }
0x113: {  	v22 =	vld [tilespmem:$0x6050]  }
0x114: {  	v23 =	vld [tilespmem:$0x6060]  }
0x115: {  	v17 =	vadd.s32 v17, v18;
	v18 =	vld [tilespmem:$0x6070]  }
0x116: {  	v17 =	vadd.s32 v19, v17;
	v19 =	vld [tilespmem:$0x6080]  }
0x117: {  	v17 =	vadd.s32 v20, v17;
	v20 =	vld [tilespmem:$0x6090]  }
0x118: {  	v17 =	vadd.s32 v21, v17;
	v21 =	vld [tilespmem:$0x60A0]  }
0x119: {  	v17 =	vadd.s32 v22, v17;
	v22 =	vld [tilespmem:$0x60B0]  }
0x11a: {  	v17 =	vadd.s32 v23, v17;
	v23 =	vld [tilespmem:$0x60C0]  }
0x11b: {  	v17 =	vadd.s32 v18, v17;
	v18 =	vld [tilespmem:$0x60D0]  }
0x11c: {  	s31 =	simm.s32 $0x60F0;
	v17 =	vadd.s32 v19, v17;
	v19 =	vld [tilespmem:$0x60E0]  }
0x11d: {  	v17 =	vadd.s32 v20, v17;
	v20 =	vld [tilespmem:s31+$0x0]  }
0x11e: {  	v17 =	vadd.s32 v21, v17;
	v21 =	vld [tilespmem:$0x60F0]  }
0x11f: {  	v17 =	vadd.s32 v22, v17  }
0x120: {  	v17 =	vadd.s32 v23, v17  }
0x121: {  	v17 =	vadd.s32 v18, v17  }
0x122: {  	v17 =	vadd.s32 v19, v17;
	v19 =	vperm.xlane v20, v10  }
0x123: {  	vm6 =	veq.s32 v3, $0xF;
	v17 =	vadd.s32 v21, v17  }
0x124: {  	v18 =	vperm.xlane v17, v5;
	v21 =	vsel vm6, $0x0, v19  }
0x125: {  	v21 =	vadd.s32 v20, v21  }
0x126: {  	v17 =	vadd.s32 v18, v17;
	v18 =	vperm.xlane v21, v11  }
0x127: {  	v22 =	vperm.xlane v17, v6  }
0x128: {  	v18 =	vnsel vm0, $0x0, v18  }
0x129: {  	v17 =	vadd.s32 v22, v17;
	v21 =	vadd.s32 v18, v21  }
0x12a: {  	v22 =	vperm.xlane v17, v8;
	v23 =	vperm.xlane v21, v12  }
0x12b: {  	v16 =	vtrunc.f32 v16  }
0x12c: {  	v18 =	vcvt.f32.s32 v16;
	v16 =	vadd.s32 v22, v17;
	v17 =	vnsel vm1, $0x0, v23  }
0x12d: {  	v22 =	vperm.xlane v16, v9;
	v21 =	vadd.s32 v17, v21  }
0x12e: {  	v17 =	vmul.u32 $0x3, v18;
	v23 =	vperm.xlane v21, v9  }
0x12f: {  	vm5 =	vgt.s32 v18, $0x0;
	v16 =	vadd.s32 v22, v16  }
0x130: {  	v22 =	vimm.s32 $0x0;
	v17 =	vnsel vm5, $0x40, v17;
	v23 =	vnsel vm2, $0x0, v23  }
0x131: {  	vm7 =	vlt.s32 v17, v16;
	v23 =	vadd.s32 v22, v23  }
0x132: {  	v17 =	vsel vm7, v17, v16;
	v21 =	vadd.s32 v21, v23  }
0x133: {  	vm7 =	vlt.s32 v21, v17  }
0x134: {  	v21 =	vsel vm7, $0xFFFFFFFF, v3  }
0x135: {  	v23 =	vperm.xlane v21, v10;
	_ =	sdelay $0x1  }
0x136: {  	vm7 =	vgt.s32 v21, v23  }
0x137: {  	v21 =	vsel vm7, v21, v23  }
0x138: {  	v23 =	vperm.xlane v21, v11;
	_ =	sdelay $0x1  }
0x139: {  	vm7 =	vgt.s32 v21, v23  }
0x13a: {  	v21 =	vsel vm7, v21, v23  }
0x13b: {  	v23 =	vperm.xlane v21, v12;
	_ =	sdelay $0x1  }
0x13c: {  	v19 =	vadd.s32 v20, v19;
	vm7 =	vgt.s32 v21, v23  }
0x13d: {  	v24 =	vperm.xlane v19, v11;
	v21 =	vsel vm7, v21, v23  }
0x13e: {  	s24 =	simm.s32 $0x60E0;
	v23 =	vperm.xlane v21, v9  }
0x13f: {  	s23 =	simm.s32 $0x61F0;
	v24 =	vadd.s32 v19, v24;
	v19 =	vld [tilespmem:s24+$0x0]  }
0x140: {  	v26 =	vld [tilespmem:s23+$0x0];
	v25 =	vperm.xlane v24, v12;
	vm7 =	vgt.s32 v21, v23  }
0x141: {  	v23 =	vsel vm7, v21, v23  }
0x142: {  	v21 =	vadd.s32 v25, v24;
	vm7 =	vlt.s32 v23, v3  }
0x143: {  	v24 =	vperm.xlane v21, v9;
	v20 =	vnsel vm7, $0x0, v20  }
0x144: {  	v27 =	vperm.xlane v19, v10;
	v25 =	vsel vm7, $0x3F800000, v1;
	v46 =	vperm.xlane v20, v10  }
0x145: {  	v47 =	vimm.s32 $0xFFFFFFFF;
	v21 =	vadd.s32 v24, v21;
	v24 =	vmul.f32 v25, v26  }
0x146: {  	v48 =	vsel vm6, $0x0, v27;
	v25 =	vperm.xlane v26, v10;
	v20 =	vadd.s32 v46, v20  }
0x147: {  	v49 =	vadd.s32 v19, v48;
	v51 =	vperm.xlane v24, v10;
	v50 =	vperm.xlane v20, v11  }
0x148: {  	v27 =	vadd.s32 v19, v27;
	v25 =	vadd.f32 v25, v26;
	v26 =	vperm.xlane v49, v11  }
0x149: {  	v54 =	vperm.xlane v27, v11;
	v24 =	vadd.f32 v24, v51;
	v20 =	vadd.s32 v50, v20  }
0x14a: {  	v52 =	vperm.xlane v25, v11;
	v26 =	vnsel vm0, $0x0, v26;
	v53 =	vperm.xlane v20, v12  }
0x14b: {  	v27 =	vadd.s32 v27, v54;
	v26 =	vadd.s32 v26, v49;
	v55 =	vperm.xlane v24, v11  }
0x14c: {  	v56 =	vperm.xlane v26, v12;
	v25 =	vadd.f32 v52, v25;
	v20 =	vadd.s32 v53, v20  }
0x14d: {  	v61 =	vperm.xlane v27, v12;
	v24 =	vadd.f32 v24, v55;
	v57 =	vperm.xlane v20, v9  }
0x14e: {  	vm8 =	vgt.s32 v23, $0xFFFFFFFF;
	v58 =	vnsel vm1, $0x0, v56;
	v59 =	vperm.xlane v25, v12  }
0x14f: {  	v26 =	vadd.s32 v58, v26;
	v60 =	vperm.xlane v24, v12;
	v20 =	vadd.s32 v57, v20  }
0x150: {  	vm7 =	vlt.s32 v47, $0x0;
	v62 =	vperm.xlane v26, v9;
	v20 =	vsel vm8, v20, v21  }
0x151: {  	v21 =	vadd.f32 v24, v60;
	v24 =	vadd.f32 v59, v25;
	v20 =	vnsel vm7, $0x0, v20  }
0x152: {  	v27 =	vadd.s32 v61, v27;
	v25 =	vnsel vm2, $0x0, v62;
	v20 =	vadd.s32 v22, v20  }
0x153: {  	v63 =	vperm.xlane v24, v9;
	v22 =	vadd.s32 v20, v25;
	v25 =	vperm.xlane v21, v9  }
0x154: {  	v30 =	vperm.xlane v27, v9;
	v22 =	vadd.s32 v26, v22  }
0x155: {  	s25 =	simm.s32 $0xF0;
	v24 =	vadd.f32 v63, v24;
	vm9 =	vlt.s32 v22, v17;
	v22 =	vadd.f32 v21, v25  }
0x156: {  	vm15 =	vmand vm7, vm8;
	v26 =	vadd.s32 s25, v23;
	v23 =	vadd.s32 v30, v27  }
0x157: {  	v21 =	vimm.f32 $0.0e+00;
	v25 =	vsel vm9, $0xFFFFFFFF, v3;
	v24 =	vsel vm8, v22, v24  }
0x158: {  	s26 =	simm.s32 $0xD0;
	s25 =	simm.s32 $0xE0;
	v22 =	vsel vm15, v26, v47;
	v26 =	vperm.xlane v25, v10;
	v24 =	vadd.f32 v24, v21  }
.LBB2_9:
0x159: {  	p2 =	sne.s32 s26, $0x0  }
0x15a: {  	vm8 =	vgt.s32 v25, v26;
	s23 =	sadd.s32 $0xFFFFFFF0, s23;
	s28 =	smov.u32 s26;
	s26 =	sadd.s32 $0xFFFFFFF0, s26  }
0x15b: {  	v25 =	vsel vm8, v25, v26;
	v21 =	vsel vm7, v24, v21  }
0x15c: {  	v24 =	vperm.xlane v25, v11;
	_ =	sdelay $0x1  }
0x15d: {  	vm7 =	vgt.s32 v25, v24  }
0x15e: {  	v24 =	vsel vm7, v25, v24  }
0x15f: {  	v25 =	vperm.xlane v24, v12;
	_ =	sdelay $0x1  }
0x160: {  	vm7 =	vgt.s32 v24, v25  }
0x161: {  	v24 =	vsel vm7, v24, v25  }
0x162: {  	s24 =	sadd.s32 $0xFFFFFFF0, s24;
	v25 =	vld [tilespmem:s23+$0x0];
	v26 =	vperm.xlane v24, v9  }
0x163: {  	v27 =	vld [tilespmem:s24+$0x0]  }
0x164: {  	vm7 =	vgt.s32 v24, v26  }
0x165: {  	v24 =	vsel vm7, v24, v26  }
0x166: {  	vm7 =	vlt.s32 v24, v3  }
0x167: {  	v26 =	vnsel vm7, $0x0, v19;
	v28 =	vsel vm7, $0x3F800000, v1;
	v29 =	vperm.xlane v25, v10  }
0x168: {  	v30 =	vperm.xlane v27, v10;
	v31 =	vperm.xlane v26, v10;
	v19 =	vmov v27  }
0x169: {  	vm7 =	vlt.s32 v22, $0x0;
	v27 =	vmul.f32 v28, v25;
	v25 =	vadd.f32 v29, v25  }
0x16a: {  	v28 =	vsel vm6, $0x0, v30;
	v29 =	vadd.s32 v19, v30;
	v26 =	vadd.s32 v31, v26  }
0x16b: {  	v31 =	vperm.xlane v27, v10;
	v28 =	vadd.s32 v19, v28;
	v30 =	vperm.xlane v26, v11  }
0x16c: {  	v34 =	vadd.s32 s25, v24;
	s25 =	smov.u32 s28;
	v33 =	vperm.xlane v29, v11;
	v32 =	vperm.xlane v28, v11  }
0x16d: {  	v27 =	vadd.f32 v27, v31;
	v26 =	vadd.s32 v30, v26;
	v30 =	vperm.xlane v25, v11  }
0x16e: {  	v29 =	vadd.s32 v29, v33;
	v31 =	vnsel vm0, $0x0, v32;
	v32 =	vperm.xlane v26, v12  }
0x16f: {  	v33 =	vperm.xlane v27, v11;
	v28 =	vadd.s32 v31, v28;
	v31 =	vperm.xlane v29, v12  }
0x170: {  	v25 =	vadd.f32 v30, v25;
	v35 =	vperm.xlane v28, v12;
	v26 =	vadd.s32 v32, v26  }
0x171: {  	v27 =	vadd.f32 v27, v33;
	v29 =	vadd.s32 v31, v29;
	v30 =	vperm.xlane v26, v9  }
0x172: {  	vm8 =	vgt.s32 v24, $0xFFFFFFFF;
	v24 =	vperm.xlane v25, v12;
	v31 =	vnsel vm1, $0x0, v35  }
0x173: {  	v28 =	vadd.s32 v31, v28;
	v26 =	vadd.s32 v30, v26;
	v30 =	vperm.xlane v27, v12  }
0x174: {  	vm9 =	vmand vm7, vm8;
	v31 =	vperm.xlane v28, v9;
	v23 =	vsel vm8, v26, v23  }
0x175: {  	v24 =	vadd.f32 v24, v25;
	v26 =	vadd.f32 v27, v30;
	v23 =	vnsel vm7, $0x0, v23  }
0x176: {  	v27 =	vperm.xlane v29, v9;
	v25 =	vnsel vm2, $0x0, v31;
	v20 =	vadd.s32 v20, v23  }
0x177: {  	v30 =	vperm.xlane v24, v9;
	v23 =	vadd.s32 v20, v25;
	v25 =	vperm.xlane v26, v9  }
.Ltmp7:
0x178: {  	v22 =	vsel vm9, v34, v22;
	v28 =	vadd.s32 v28, v23;
	v23 =	vadd.s32 v27, v29;
	(pc) =	sbr.rel @p2 .LBB2_9-.Ltmp7, $4  }
0x179: {  	v24 =	vadd.f32 v30, v24;
	vm9 =	vlt.s32 v28, v17;
	v27 =	vadd.f32 v26, v25  }
0x17a: {  	v25 =	vsel vm9, $0xFFFFFFFF, v3  }
0x17b: {  	v26 =	vperm.xlane v25, v10;
	v24 =	vsel vm8, v27, v24  }
0x17c: {  	v24 =	vadd.f32 v24, v21  }
0x17d: {  	vm6 =	vgt.s32 v25, v26  }
0x17e: {  	v25 =	vsel vm6, v25, v26  }
0x17f: {  	v26 =	vperm.xlane v25, v11;
	_ =	sdelay $0x1  }
0x180: {  	vm6 =	vgt.s32 v25, v26  }
0x181: {  	v25 =	vsel vm6, v25, v26  }
0x182: {  	v26 =	vperm.xlane v25, v12;
	_ =	sdelay $0x1  }
0x183: {  	vm6 =	vgt.s32 v25, v26  }
0x184: {  	v25 =	vsel vm6, v25, v26  }
0x185: {  	s23 =	sadd.s32 $0xFFFFFFF0, s23;
	v26 =	vperm.xlane v25, v9  }
0x186: {  	v27 =	vld [tilespmem:s23+$0x0]  }
0x187: {  	vm6 =	vgt.s32 v25, v26  }
0x188: {  	v25 =	vsel vm6, v25, v26  }
0x189: {  	vm6 =	vlt.s32 v25, v3  }
0x18a: {  	v59 =	vsel vm6, $0x3F800000, v1  }
0x18b: {  	v26 =	vmul.f32 v59, v27;
	_ =	sdelay $0x1  }
0x18c: {  	v28 =	vperm.xlane v27, v10;
	v29 =	vperm.xlane v26, v10;
	_ =	sdelay $0x1  }
0x18d: {  	v19 =	vnsel vm6, $0x0, v19;
	v27 =	vadd.f32 v28, v27;
	v26 =	vadd.f32 v26, v29  }
0x18e: {  	v60 =	vperm.xlane v19, v10  }
0x18f: {  	v61 =	vperm.xlane v27, v11;
	v30 =	vperm.xlane v26, v11;
	_ =	sdelay $0x1  }
0x190: {  	v19 =	vadd.s32 v60, v19;
	v27 =	vadd.f32 v61, v27;
	v26 =	vadd.f32 v26, v30  }
0x191: {  	v28 =	vperm.xlane v19, v11  }
0x192: {  	v29 =	vperm.xlane v27, v12;
	v30 =	vperm.xlane v26, v12;
	_ =	sdelay $0x1  }
0x193: {  	v19 =	vadd.s32 v28, v19;
	v27 =	vadd.f32 v29, v27;
	v26 =	vadd.f32 v26, v30  }
0x194: {  	v28 =	vperm.xlane v19, v12  }
0x195: {  	v63 =	vperm.xlane v27, v9;
	v62 =	vperm.xlane v26, v9  }
0x196: {  	v19 =	vadd.s32 v28, v19  }
0x197: {  	p2 =	por $0x1, $0x1;
	v28 =	vperm.xlane v19, v9;
	v27 =	vadd.f32 v63, v27;
	v26 =	vadd.f32 v26, v62  }
.Ltmp8:
0x198: {  	vm6 =	vgt.s32 v25, $0xFFFFFFFF;
	(pc) =	sbr.rel @!p2 .LBB2_12-.Ltmp8, $4  }
0x199: {  	v24 =	vsel vm7, v24, v21;
	v19 =	vadd.s32 v28, v19;
	v21 =	vsel vm6, v26, v27  }
0x19a: {  	vm7 =	vlt.s32 v22, $0x0;
	v19 =	vsel vm6, v19, v23;
	v23 =	vadd.f32 v21, v24  }
0x19b: {  	v25 =	vadd.s32 s25, v25;
	v19 =	vnsel vm7, $0x0, v19;
	vm6 =	vmand vm7, vm6  }
0x19c: {  	s24 =	simm.s32 $0x40;
	s23 =	simm.s32 $0x0;
	s25 =	simm.s32 $0x0;
	v21 =	vadd.s32 v20, v19;
	v19 =	vsel vm6, v25, v22;
	v20 =	vsel vm7, v23, v24  }
.LBB2_11:
0x19d: {  	p2 =	sne.s32 s24, $0x3FC0;
	[tilespmem:s25+$0x4000] =	vst v1;
	s26 =	smov.u32 s24;
	s24 =	sadd.s32 $0x40, s24  }
.Ltmp9:
0x19e: {  	[tilespmem:s25+$0x5000] =	vst v2;
	(pc) =	sbr.rel @p2 .LBB2_11-.Ltmp9, $2  }
0x19f: {  	_ =	sdelay $0x2  }
0x1a0: {  	s25 =	sshra.s32 s26, $0x2  }
.LBB2_12:
0x1a1: {  	[tilespmem:s25+$0x4000] =	vst v1  }
0x1a2: {  	[tilespmem:s25+$0x5000] =	vst v2  }
.LBB2_13:
0x1a3: {  	s24 =	sshra.s32 s23, $0x2  }
0x1a4: {  	v22 =	vld [tilespmem:s24+$0x0];
	_ =	sdelay $0x4  }
0x1a5: {  	v23 =	vshrl.u32 v22, $0x17  }
0x1a6: {  	vm6 =	vge.f32 v22, $0.0e+00;
	vm7 =	veq.s32 v23, v19;
	v23 =	vshrl.u32 v22, $0xB  }
0x1a7: {  	vm6 =	vmand vm6, vm7;
	v23 =	vand.u32 $0xFF0, v23  }
0x1a8: {  	v23 =	vor.u32 v3, v23  }
0x1a9: {  	p2 =	sne.s32 s23, $0xFFC0  }
.Ltmp10:
0x1aa: {  	_ = 	snop;
	(pc) =	sbr.rel @p2 .LBB2_13-.Ltmp10, $3  }
0x1ab: {  	_ =	sdelay $0x1  }
0x1ac: {  	[tilespmem:v23+s18+$0x0] =	vst.idx.add.s32.msk vm6, v4  }
0x1ad: {  	s23 =	sadd.s32 $0x40, s23;
	[tilespmem:v23+s19+$0x0] =	vst.idx.add.f32.msk vm6, v22  }
0x1ae: {  	s23 =	simm.s32 $0x0  }
0x1af: {  	v22 =	vmov s23  }
0x1b0: {  	v22 =	vshll.u32 v22, $0x4  }
0x1b1: {  	v22 =	vor.u32 v7, v22;
	_ =	sdelay $0x1  }
0x1b2: {  	v23 =	vor.u32 $0xF, v22;
	v24 =	vor.u32 $0xE, v22;
	v25 =	vor.u32 $0x1, v22  }
0x1b3: {  	v26 =	vor.u32 $0xD, v22;
	v27 =	vor.u32 $0x2, v22;
	v30 =	vor.u32 $0xC, v22  }
0x1b4: {  	v31 =	vor.u32 $0x3, v22;
	v34 =	vor.u32 $0xB, v22;
	v35 =	vor.u32 $0x4, v22  }
0x1b5: {  	v38 =	vor.u32 $0xA, v22;
	v39 =	vor.u32 $0x5, v22;
	v42 =	vor.u32 $0x9, v22;
	v29 =	vld.idx.msk [tilespmem:v22+s19+$0x0], $0xffff  }
0x1b6: {  	v43 =	vor.u32 $0x6, v22;
	v45 =	vor.u32 $0x8, v22;
	v46 =	vor.u32 $0x7, v22;
	v22 =	vld.idx.msk [tilespmem:v22+s18+$0x0], $0xffff  }
0x1b7: {  	v28 =	vld.idx.msk [tilespmem:v23+s19+$0x0], $0xffff  }
0x1b8: {  	v33 =	vld.idx.msk [tilespmem:v25+s19+$0x0], $0xffff  }
0x1b9: {  	v32 =	vld.idx.msk [tilespmem:v24+s19+$0x0], $0xffff  }
0x1ba: {  	v37 =	vld.idx.msk [tilespmem:v27+s19+$0x0], $0xffff  }
0x1bb: {  	v36 =	vld.idx.msk [tilespmem:v26+s19+$0x0], $0xffff;
	v29 =	vadd.f32 $0.0e+00, v29  }
0x1bc: {  	v41 =	vld.idx.msk [tilespmem:v31+s19+$0x0], $0xffff  }
0x1bd: {  	v40 =	vld.idx.msk [tilespmem:v30+s19+$0x0], $0xffff;
	v29 =	vadd.f32 v33, v29  }
0x1be: {  	v53 =	vld.idx.msk [tilespmem:v35+s19+$0x0], $0xffff  }
0x1bf: {  	v44 =	vld.idx.msk [tilespmem:v34+s19+$0x0], $0xffff;
	v29 =	vadd.f32 v37, v29  }
0x1c0: {  	v54 =	vld.idx.msk [tilespmem:v39+s19+$0x0], $0xffff  }
0x1c1: {  	v47 =	vld.idx.msk [tilespmem:v38+s19+$0x0], $0xffff;
	v29 =	vadd.f32 v41, v29  }
0x1c2: {  	v55 =	vld.idx.msk [tilespmem:v43+s19+$0x0], $0xffff  }
0x1c3: {  	v48 =	vld.idx.msk [tilespmem:v42+s19+$0x0], $0xffff;
	v29 =	vadd.f32 v53, v29  }
0x1c4: {  	v56 =	vld.idx.msk [tilespmem:v46+s19+$0x0], $0xffff  }
0x1c5: {  	v49 =	vld.idx.msk [tilespmem:v45+s19+$0x0], $0xffff;
	v29 =	vadd.f32 v54, v29  }
0x1c6: {  	v25 =	vld.idx.msk [tilespmem:v25+s18+$0x0], $0xffff  }
0x1c7: {  	v27 =	vld.idx.msk [tilespmem:v27+s18+$0x0], $0xffff;
	v29 =	vadd.f32 v55, v29  }
0x1c8: {  	v31 =	vld.idx.msk [tilespmem:v31+s18+$0x0], $0xffff  }
0x1c9: {  	v35 =	vld.idx.msk [tilespmem:v35+s18+$0x0], $0xffff;
	v29 =	vadd.f32 v56, v29  }
0x1ca: {  	v57 =	vld.idx.msk [tilespmem:v39+s18+$0x0], $0xffff  }
0x1cb: {  	v58 =	vld.idx.msk [tilespmem:v43+s18+$0x0], $0xffff;
	v22 =	vadd.s32 v22, v25;
	v25 =	vadd.f32 v49, v29  }
0x1cc: {  	v22 =	vadd.s32 v27, v22;
	v29 =	vld.idx.msk [tilespmem:v46+s18+$0x0], $0xffff  }
0x1cd: {  	v27 =	vld.idx.msk [tilespmem:v45+s18+$0x0], $0xffff;
	v22 =	vadd.s32 v31, v22;
	v25 =	vadd.f32 v48, v25  }
0x1ce: {  	v31 =	vld.idx.msk [tilespmem:v42+s18+$0x0], $0xffff;
	v22 =	vadd.s32 v35, v22  }
0x1cf: {  	v59 =	vld.idx.msk [tilespmem:v38+s18+$0x0], $0xffff;
	v22 =	vadd.s32 v57, v22;
	v25 =	vadd.f32 v47, v25  }
0x1d0: {  	v60 =	vld.idx.msk [tilespmem:v34+s18+$0x0], $0xffff;
	v22 =	vadd.s32 v58, v22  }
0x1d1: {  	v30 =	vld.idx.msk [tilespmem:v30+s18+$0x0], $0xffff;
	v22 =	vadd.s32 v29, v22;
	v25 =	vadd.f32 v44, v25  }
0x1d2: {  	v26 =	vld.idx.msk [tilespmem:v26+s18+$0x0], $0xffff;
	v22 =	vadd.s32 v27, v22  }
0x1d3: {  	v24 =	vld.idx.msk [tilespmem:v24+s18+$0x0], $0xffff;
	v22 =	vadd.s32 v31, v22;
	v25 =	vadd.f32 v40, v25  }
0x1d4: {  	s31 =	simm.s32 $0x10;
	v23 =	vld.idx.msk [tilespmem:v23+s18+$0x0], $0xffff;
	v22 =	vadd.s32 v59, v22  }
0x1d5: {  	v27 =	vmov s31;
	v22 =	vadd.s32 v60, v22;
	v25 =	vadd.f32 v36, v25  }
0x1d6: {  	v27 =	vshll.u32 v27, $0x4;
	v22 =	vadd.s32 v30, v22  }
0x1d7: {  	v27 =	vor.u32 v7, v27;
	v22 =	vadd.s32 v26, v22;
	v25 =	vadd.f32 v32, v25  }
0x1d8: {  	v22 =	vadd.s32 v24, v22;
	v24 =	vor.u32 $0x1, v27  }
0x1d9: {  	s23 =	simm.s32 $0x6000;
	v30 =	vor.u32 $0xB, v27;
	v22 =	vadd.s32 v23, v22;
	v23 =	vadd.f32 v28, v25  }
0x1da: {  	s24 =	simm.s32 $0x6100;
	v34 =	vor.u32 $0xA, v27;
	[tilespmem:s23+$0x0] =	vst v22  }
0x1db: {  	v62 =	vor.u32 $0x5, v27;
	[tilespmem:s24+$0x0] =	vst v23  }
0x1dc: {  	v22 =	vor.u32 $0x2, v27;
	v26 =	vld.idx.msk [tilespmem:v27+s19+$0x0], $0xffff  }
0x1dd: {  	v49 =	vor.u32 $0x9, v27;
	v29 =	vld.idx.msk [tilespmem:v24+s19+$0x0], $0xffff  }
0x1de: {  	v28 =	vor.u32 $0x3, v27;
	v51 =	vld.idx.msk [tilespmem:v30+s19+$0x0], $0xffff  }
0x1df: {  	v50 =	vor.u32 $0x6, v27;
	v54 =	vld.idx.msk [tilespmem:v34+s19+$0x0], $0xffff  }
0x1e0: {  	v31 =	vor.u32 $0x4, v27;
	v55 =	vld.idx.msk [tilespmem:v62+s19+$0x0], $0xffff  }
0x1e1: {  	v52 =	vor.u32 $0x8, v27;
	v61 =	vld.idx.msk [tilespmem:v22+s19+$0x0], $0xffff  }
0x1e2: {  	v56 =	vld.idx.msk [tilespmem:v49+s19+$0x0], $0xffff;
	v26 =	vadd.f32 $0.0e+00, v26  }
0x1e3: {  	v48 =	vld.idx.msk [tilespmem:v28+s19+$0x0], $0xffff  }
0x1e4: {  	v57 =	vld.idx.msk [tilespmem:v50+s19+$0x0], $0xffff;
	v26 =	vadd.f32 v29, v26  }
0x1e5: {  	v29 =	vld.idx.msk [tilespmem:v31+s19+$0x0], $0xffff  }
0x1e6: {  	v53 =	vor.u32 $0x7, v27;
	v58 =	vld.idx.msk [tilespmem:v52+s19+$0x0], $0xffff;
	v26 =	vadd.f32 v61, v26  }
0x1e7: {  	v25 =	vor.u32 $0xD, v27;
	v24 =	vld.idx.msk [tilespmem:v24+s18+$0x0], $0xffff  }
0x1e8: {  	v59 =	vld.idx.msk [tilespmem:v27+s18+$0x0], $0xffff;
	v26 =	vadd.f32 v48, v26  }
0x1e9: {  	v60 =	vld.idx.msk [tilespmem:v62+s18+$0x0], $0xffff  }
0x1ea: {  	v30 =	vld.idx.msk [tilespmem:v30+s18+$0x0], $0xffff;
	v26 =	vadd.f32 v29, v26  }
0x1eb: {  	v29 =	vld.idx.msk [tilespmem:v53+s19+$0x0], $0xffff  }
0x1ec: {  	v23 =	vor.u32 $0xC, v27;
	v32 =	vld.idx.msk [tilespmem:v25+s19+$0x0], $0xffff;
	v26 =	vadd.f32 v55, v26  }
0x1ed: {  	v22 =	vld.idx.msk [tilespmem:v22+s18+$0x0], $0xffff  }
0x1ee: {  	v28 =	vld.idx.msk [tilespmem:v28+s18+$0x0], $0xffff;
	v26 =	vadd.f32 v57, v26  }
0x1ef: {  	v25 =	vld.idx.msk [tilespmem:v25+s18+$0x0], $0xffff  }
0x1f0: {  	v31 =	vld.idx.msk [tilespmem:v31+s18+$0x0], $0xffff;
	v26 =	vadd.f32 v29, v26  }
0x1f1: {  	v63 =	vld.idx.msk [tilespmem:v23+s19+$0x0], $0xffff  }
0x1f2: {  	v24 =	vadd.s32 v59, v24;
	v29 =	vld.idx.msk [tilespmem:v50+s18+$0x0], $0xffff;
	v26 =	vadd.f32 v58, v26  }
0x1f3: {  	v62 =	vor.u32 $0xF, v27;
	v22 =	vadd.s32 v22, v24;
	v61 =	vld.idx.msk [tilespmem:v53+s18+$0x0], $0xffff  }
0x1f4: {  	v27 =	vor.u32 $0xE, v27;
	v24 =	vld.idx.msk [tilespmem:v52+s18+$0x0], $0xffff;
	v22 =	vadd.s32 v28, v22;
	v26 =	vadd.f32 v56, v26  }
0x1f5: {  	v28 =	vld.idx.msk [tilespmem:v49+s18+$0x0], $0xffff;
	v22 =	vadd.s32 v31, v22  }
0x1f6: {  	v31 =	vld.idx.msk [tilespmem:v34+s18+$0x0], $0xffff;
	v22 =	vadd.s32 v60, v22;
	v26 =	vadd.f32 v54, v26  }
0x1f7: {  	v22 =	vadd.s32 v29, v22;
	v29 =	vld.idx.msk [tilespmem:v23+s18+$0x0], $0xffff  }
0x1f8: {  	v23 =	vadd.s32 v61, v22;
	v22 =	vld.idx.msk [tilespmem:v62+s19+$0x0], $0xffff;
	v26 =	vadd.f32 v51, v26  }
0x1f9: {  	v23 =	vadd.s32 v24, v23;
	v24 =	vld.idx.msk [tilespmem:v27+s19+$0x0], $0xffff  }
0x1fa: {  	s25 =	simm.s32 $0x20;
	v23 =	vadd.s32 v28, v23;
	v28 =	vadd.f32 v63, v26;
	v26 =	vld.idx.msk [tilespmem:v27+s18+$0x0], $0xffff  }
0x1fb: {  	v23 =	vadd.s32 v31, v23;
	v63 =	vmov s25;
	v27 =	vld.idx.msk [tilespmem:v62+s18+$0x0], $0xffff  }
0x1fc: {  	v30 =	vadd.s32 v30, v23;
	v31 =	vshll.u32 v63, $0x4;
	v28 =	vadd.f32 v32, v28  }
0x1fd: {  	s25 =	simm.s32 $0x30;
	v29 =	vadd.s32 v29, v30;
	v23 =	vor.u32 v7, v31  }
.LBB2_15:
0x1fe: {  	p2 =	sne.s32 s25, $0xF0;
	v30 =	vor.u32 $0xF, v23;
	v25 =	vadd.s32 v25, v29;
	v24 =	vadd.f32 v24, v28  }
0x1ff: {  	v25 =	vadd.s32 v26, v25  }
0x200: {  	s23 =	sadd.s32 $0x10, s23;
	v26 =	vor.u32 $0xE, v23;
	v25 =	vadd.s32 v27, v25;
	v22 =	vadd.f32 v22, v24  }
0x201: {  	s24 =	sadd.s32 $0x10, s24;
	v27 =	vor.u32 $0x1, v23;
	[tilespmem:s23+$0x0] =	vst v25  }
0x202: {  	v25 =	vor.u32 $0xD, v23;
	[tilespmem:s24+$0x0] =	vst v22  }
0x203: {  	v28 =	vor.u32 $0x2, v23;
	v22 =	vld.idx.msk [tilespmem:v30+s19+$0x0], $0xffff  }
0x204: {  	v31 =	vor.u32 $0xC, v23;
	v29 =	vld.idx.msk [tilespmem:v23+s19+$0x0], $0xffff  }
0x205: {  	v32 =	vor.u32 $0x3, v23;
	v24 =	vld.idx.msk [tilespmem:v26+s19+$0x0], $0xffff  }
0x206: {  	v34 =	vor.u32 $0xB, v23;
	v33 =	vld.idx.msk [tilespmem:v27+s19+$0x0], $0xffff  }
0x207: {  	v35 =	vor.u32 $0x4, v23;
	v36 =	vld.idx.msk [tilespmem:v25+s19+$0x0], $0xffff  }
0x208: {  	v38 =	vor.u32 $0xA, v23;
	v37 =	vld.idx.msk [tilespmem:v28+s19+$0x0], $0xffff  }
0x209: {  	v39 =	vor.u32 $0x5, v23;
	v40 =	vld.idx.msk [tilespmem:v31+s19+$0x0], $0xffff  }
0x20a: {  	v42 =	vor.u32 $0x9, v23;
	v29 =	vadd.f32 $0.0e+00, v29;
	v41 =	vld.idx.msk [tilespmem:v32+s19+$0x0], $0xffff  }
0x20b: {  	v43 =	vor.u32 $0x6, v23;
	v44 =	vld.idx.msk [tilespmem:v34+s19+$0x0], $0xffff  }
0x20c: {  	v45 =	vor.u32 $0x8, v23;
	v29 =	vadd.f32 v33, v29;
	v33 =	vld.idx.msk [tilespmem:v35+s19+$0x0], $0xffff  }
0x20d: {  	v46 =	vor.u32 $0x7, v23;
	v47 =	vld.idx.msk [tilespmem:v38+s19+$0x0], $0xffff  }
0x20e: {  	v29 =	vadd.f32 v37, v29;
	v37 =	vld.idx.msk [tilespmem:v39+s19+$0x0], $0xffff  }
0x20f: {  	v48 =	vld.idx.msk [tilespmem:v42+s19+$0x0], $0xffff  }
0x210: {  	v29 =	vadd.f32 v41, v29;
	v41 =	vld.idx.msk [tilespmem:v43+s19+$0x0], $0xffff  }
0x211: {  	v49 =	vld.idx.msk [tilespmem:v45+s19+$0x0], $0xffff  }
0x212: {  	v29 =	vadd.f32 v33, v29;
	v33 =	vld.idx.msk [tilespmem:v46+s19+$0x0], $0xffff  }
0x213: {  	v27 =	vld.idx.msk [tilespmem:v27+s18+$0x0], $0xffff  }
0x214: {  	v29 =	vadd.f32 v37, v29;
	v23 =	vld.idx.msk [tilespmem:v23+s18+$0x0], $0xffff  }
0x215: {  	v28 =	vld.idx.msk [tilespmem:v28+s18+$0x0], $0xffff  }
0x216: {  	v29 =	vadd.f32 v41, v29;
	v32 =	vld.idx.msk [tilespmem:v32+s18+$0x0], $0xffff  }
0x217: {  	v35 =	vld.idx.msk [tilespmem:v35+s18+$0x0], $0xffff  }
0x218: {  	v29 =	vadd.f32 v33, v29;
	v37 =	vld.idx.msk [tilespmem:v39+s18+$0x0], $0xffff  }
0x219: {  	v33 =	vld.idx.msk [tilespmem:v43+s18+$0x0], $0xffff  }
0x21a: {  	v23 =	vadd.s32 v23, v27;
	v29 =	vadd.f32 v49, v29;
	v27 =	vld.idx.msk [tilespmem:v46+s18+$0x0], $0xffff  }
0x21b: {  	v23 =	vadd.s32 v28, v23;
	v28 =	vld.idx.msk [tilespmem:v45+s18+$0x0], $0xffff  }
0x21c: {  	v23 =	vadd.s32 v32, v23;
	v29 =	vadd.f32 v48, v29;
	v32 =	vld.idx.msk [tilespmem:v42+s18+$0x0], $0xffff  }
0x21d: {  	v23 =	vadd.s32 v35, v23;
	v35 =	vld.idx.msk [tilespmem:v38+s18+$0x0], $0xffff  }
0x21e: {  	v23 =	vadd.s32 v37, v23;
	v29 =	vadd.f32 v47, v29;
	v34 =	vld.idx.msk [tilespmem:v34+s18+$0x0], $0xffff  }
0x21f: {  	v23 =	vadd.s32 v33, v23;
	v31 =	vld.idx.msk [tilespmem:v31+s18+$0x0], $0xffff  }
0x220: {  	v23 =	vadd.s32 v27, v23;
	v27 =	vadd.f32 v44, v29;
	v25 =	vld.idx.msk [tilespmem:v25+s18+$0x0], $0xffff  }
.Ltmp11:
0x221: {  	v23 =	vadd.s32 v28, v23;
	v26 =	vld.idx.msk [tilespmem:v26+s18+$0x0], $0xffff;
	(pc) =	sbr.rel @p2 .LBB2_15-.Ltmp11, $4  }
0x222: {  	v23 =	vadd.s32 v32, v23;
	v28 =	vadd.f32 v40, v27;
	v27 =	vld.idx.msk [tilespmem:v30+s18+$0x0], $0xffff  }
0x223: {  	v29 =	vmov s25;
	v23 =	vadd.s32 v35, v23  }
0x224: {  	v29 =	vshll.u32 v29, $0x4;
	v30 =	vadd.s32 v34, v23;
	v28 =	vadd.f32 v36, v28  }
0x225: {  	s25 =	sadd.s32 $0x10, s25;
	v23 =	vor.u32 v7, v29;
	v29 =	vadd.s32 v31, v30  }
0x226: {  	v30 =	vor.u32 $0xF, v23;
	v25 =	vadd.s32 v25, v29;
	v24 =	vadd.f32 v24, v28  }
0x227: {  	v25 =	vadd.s32 v26, v25  }
0x228: {  	s23 =	sadd.s32 $0x10, s23;
	v29 =	vor.u32 $0xC, v23;
	v25 =	vadd.s32 v27, v25;
	v22 =	vadd.f32 v22, v24  }
0x229: {  	s24 =	sadd.s32 $0x10, s24;
	v24 =	vor.u32 $0x1, v23;
	[tilespmem:s23+$0x0] =	vst v25  }
0x22a: {  	v31 =	vor.u32 $0x3, v23;
	[tilespmem:s24+$0x0] =	vst v22  }
0x22b: {  	v22 =	vor.u32 $0x2, v23;
	v27 =	vld.idx.msk [tilespmem:v30+s19+$0x0], $0xffff  }
0x22c: {  	v34 =	vor.u32 $0xB, v23;
	v28 =	vld.idx.msk [tilespmem:v23+s19+$0x0], $0xffff  }
0x22d: {  	v35 =	vor.u32 $0x4, v23;
	v40 =	vld.idx.msk [tilespmem:v29+s19+$0x0], $0xffff  }
0x22e: {  	v38 =	vor.u32 $0xA, v23;
	v33 =	vld.idx.msk [tilespmem:v24+s19+$0x0], $0xffff  }
0x22f: {  	v39 =	vor.u32 $0x5, v23;
	v41 =	vld.idx.msk [tilespmem:v31+s19+$0x0], $0xffff  }
0x230: {  	v42 =	vor.u32 $0x9, v23;
	v37 =	vld.idx.msk [tilespmem:v22+s19+$0x0], $0xffff  }
0x231: {  	v43 =	vor.u32 $0x6, v23;
	v44 =	vld.idx.msk [tilespmem:v34+s19+$0x0], $0xffff;
	v28 =	vadd.f32 $0.0e+00, v28  }
0x232: {  	v45 =	vor.u32 $0x8, v23;
	v59 =	vld.idx.msk [tilespmem:v35+s19+$0x0], $0xffff  }
0x233: {  	v46 =	vor.u32 $0x7, v23;
	v47 =	vld.idx.msk [tilespmem:v38+s19+$0x0], $0xffff;
	v28 =	vadd.f32 v33, v28  }
0x234: {  	v60 =	vld.idx.msk [tilespmem:v39+s19+$0x0], $0xffff  }
0x235: {  	v48 =	vld.idx.msk [tilespmem:v42+s19+$0x0], $0xffff;
	v28 =	vadd.f32 v37, v28  }
0x236: {  	v61 =	vld.idx.msk [tilespmem:v43+s19+$0x0], $0xffff  }
0x237: {  	v49 =	vld.idx.msk [tilespmem:v45+s19+$0x0], $0xffff;
	v28 =	vadd.f32 v41, v28  }
0x238: {  	v62 =	vld.idx.msk [tilespmem:v46+s19+$0x0], $0xffff  }
0x239: {  	v26 =	vor.u32 $0xE, v23;
	v25 =	vor.u32 $0xD, v23;
	v23 =	vld.idx.msk [tilespmem:v23+s18+$0x0], $0xffff;
	v28 =	vadd.f32 v59, v28  }
0x23a: {  	v31 =	vld.idx.msk [tilespmem:v31+s18+$0x0], $0xffff  }
0x23b: {  	v35 =	vld.idx.msk [tilespmem:v35+s18+$0x0], $0xffff;
	v28 =	vadd.f32 v60, v28  }
0x23c: {  	v24 =	vld.idx.msk [tilespmem:v24+s18+$0x0], $0xffff  }
0x23d: {  	v22 =	vld.idx.msk [tilespmem:v22+s18+$0x0], $0xffff;
	v28 =	vadd.f32 v61, v28  }
0x23e: {  	v63 =	vld.idx.msk [tilespmem:v39+s18+$0x0], $0xffff  }
0x23f: {  	v42 =	vld.idx.msk [tilespmem:v42+s18+$0x0], $0xffff;
	v28 =	vadd.f32 v62, v28  }
0x240: {  	v29 =	vld.idx.msk [tilespmem:v29+s18+$0x0], $0xffff  }
0x241: {  	v23 =	vadd.s32 v23, v24;
	v41 =	vld.idx.msk [tilespmem:v43+s18+$0x0], $0xffff;
	v24 =	vadd.f32 v49, v28  }
0x242: {  	v22 =	vadd.s32 v22, v23;
	v28 =	vld.idx.msk [tilespmem:v46+s18+$0x0], $0xffff  }
0x243: {  	v23 =	vld.idx.msk [tilespmem:v45+s18+$0x0], $0xffff;
	v22 =	vadd.s32 v31, v22;
	v24 =	vadd.f32 v48, v24  }
0x244: {  	v36 =	vld.idx.msk [tilespmem:v25+s19+$0x0], $0xffff;
	v22 =	vadd.s32 v35, v22  }
0x245: {  	v43 =	vld.idx.msk [tilespmem:v38+s18+$0x0], $0xffff;
	v22 =	vadd.s32 v63, v22;
	v24 =	vadd.f32 v47, v24  }
0x246: {  	v45 =	vld.idx.msk [tilespmem:v34+s18+$0x0], $0xffff;
	v22 =	vadd.s32 v41, v22  }
0x247: {  	v32 =	vld.idx.msk [tilespmem:v26+s19+$0x0], $0xffff;
	v22 =	vadd.s32 v28, v22;
	v24 =	vadd.f32 v44, v24  }
0x248: {  	v25 =	vld.idx.msk [tilespmem:v25+s18+$0x0], $0xffff;
	v22 =	vadd.s32 v23, v22  }
0x249: {  	v23 =	vld.idx.msk [tilespmem:v26+s18+$0x0], $0xffff;
	v22 =	vadd.s32 v42, v22;
	v24 =	vadd.f32 v40, v24  }
0x24a: {  	v26 =	vld.idx.msk [tilespmem:v30+s18+$0x0], $0xffff;
	v22 =	vadd.s32 v43, v22  }
0x24b: {  	v22 =	vadd.s32 v45, v22;
	v24 =	vadd.f32 v36, v24  }
0x24c: {  	v22 =	vadd.s32 v29, v22  }
0x24d: {  	v22 =	vadd.s32 v25, v22;
	v24 =	vadd.f32 v32, v24  }
0x24e: {  	v22 =	vadd.s32 v23, v22  }
0x24f: {  	s23 =	sadd.s32 $0x10, s23;
	v22 =	vadd.s32 v26, v22;
	v23 =	vadd.f32 v27, v24  }
0x250: {  	s30 =	sadd.s32 $0x10, s24;
	[tilespmem:s23+$0x0] =	vst v22  }
0x251: {  	s31 =	simm.s32 $0x60F0;
	[tilespmem:s30+$0x0] =	vst v23  }
0x252: {  	v23 =	vld [tilespmem:s31+$0x0];
	_ =	sdelay $0x4  }
0x253: {  	v22 =	vperm.xlane v23, v10  }
0x254: {  	vm6 =	veq.s32 v3, $0xF  }
0x255: {  	v24 =	vsel vm6, $0x0, v22  }
0x256: {  	v24 =	vadd.s32 v23, v24  }
0x257: {  	v25 =	vperm.xlane v24, v11;
	_ =	sdelay $0x1  }
0x258: {  	v25 =	vnsel vm0, $0x0, v25  }
0x259: {  	v24 =	vadd.s32 v25, v24  }
0x25a: {  	v25 =	vperm.xlane v24, v12;
	_ =	sdelay $0x1  }
0x25b: {  	v25 =	vnsel vm1, $0x0, v25  }
0x25c: {  	v24 =	vadd.s32 v25, v24  }
0x25d: {  	v25 =	vperm.xlane v24, v9;
	_ =	sdelay $0x1  }
0x25e: {  	v25 =	vnsel vm2, $0x0, v25  }
0x25f: {  	v25 =	vadd.s32 v21, v25  }
0x260: {  	v24 =	vadd.s32 v24, v25  }
0x261: {  	vm7 =	vlt.s32 v24, v17  }
0x262: {  	v24 =	vsel vm7, $0xFFFFFFFF, v3  }
0x263: {  	v25 =	vperm.xlane v24, v10;
	_ =	sdelay $0x1  }
0x264: {  	vm7 =	vgt.s32 v24, v25  }
0x265: {  	v24 =	vsel vm7, v24, v25  }
0x266: {  	v25 =	vperm.xlane v24, v11;
	_ =	sdelay $0x1  }
0x267: {  	vm7 =	vgt.s32 v24, v25  }
0x268: {  	v22 =	vadd.s32 v23, v22;
	v24 =	vsel vm7, v24, v25  }
0x269: {  	v26 =	vperm.xlane v22, v11;
	v25 =	vperm.xlane v24, v12  }
0x26a: {  	s24 =	simm.s32 $0x60E0  }
0x26b: {  	v26 =	vadd.s32 v22, v26;
	v22 =	vld [tilespmem:s24+$0x0];
	vm7 =	vgt.s32 v24, v25  }
0x26c: {  	v24 =	vsel vm7, v24, v25  }
0x26d: {  	v25 =	vperm.xlane v24, v9  }
0x26e: {  	s23 =	simm.s32 $0x61F0  }
0x26f: {  	v28 =	vld [tilespmem:s23+$0x0];
	vm7 =	vgt.s32 v24, v25  }
0x270: {  	v27 =	vperm.xlane v26, v12;
	v46 =	vperm.xlane v22, v10;
	v24 =	vsel vm7, v24, v25  }
0x271: {  	vm7 =	vlt.s32 v24, v3  }
0x272: {  	v30 =	vadd.s32 v22, v46;
	v25 =	vadd.s32 v27, v26;
	v23 =	vnsel vm7, $0x0, v23  }
0x273: {  	v27 =	vperm.xlane v25, v9;
	v29 =	vsel vm7, $0x3F800000, v1;
	v47 =	vperm.xlane v23, v10  }
0x274: {  	v48 =	vsel vm6, $0x0, v46;
	v52 =	vperm.xlane v30, v11;
	v29 =	vmul.f32 v29, v28  }
0x275: {  	v25 =	vadd.s32 v27, v25;
	v27 =	vperm.xlane v28, v10;
	v23 =	vadd.s32 v47, v23  }
0x276: {  	v49 =	vadd.s32 v22, v48;
	v51 =	vperm.xlane v29, v10;
	v50 =	vperm.xlane v23, v11  }
0x277: {  	v30 =	vadd.s32 v30, v52;
	v27 =	vadd.f32 v27, v28;
	v28 =	vperm.xlane v49, v11  }
0x278: {  	v58 =	vperm.xlane v30, v12;
	v29 =	vadd.f32 v29, v51;
	v23 =	vadd.s32 v50, v23  }
0x279: {  	v54 =	vperm.xlane v27, v11;
	v28 =	vnsel vm0, $0x0, v28;
	v55 =	vperm.xlane v23, v12  }
0x27a: {  	v26 =	vimm.s32 $0xFFFFFFFF;
	v28 =	vadd.s32 v28, v49;
	v56 =	vperm.xlane v29, v11  }
0x27b: {  	s25 =	simm.s32 $0xF0;
	v57 =	vperm.xlane v28, v12;
	v27 =	vadd.f32 v54, v27;
	v23 =	vadd.s32 v55, v23  }
0x27c: {  	v53 =	vadd.s32 s25, v24;
	v29 =	vadd.f32 v29, v56;
	v33 =	vperm.xlane v23, v9  }
0x27d: {  	vm8 =	vgt.s32 v24, $0xFFFFFFFF;
	v59 =	vnsel vm1, $0x0, v57;
	v24 =	vperm.xlane v27, v12  }
0x27e: {  	v28 =	vadd.s32 v59, v28;
	v60 =	vperm.xlane v29, v12;
	v23 =	vadd.s32 v33, v23  }
0x27f: {  	vm7 =	vlt.s32 v26, $0x0;
	v61 =	vperm.xlane v28, v9;
	v23 =	vsel vm8, v23, v25  }
0x280: {  	v24 =	vadd.f32 v24, v27;
	v25 =	vadd.f32 v29, v60;
	v23 =	vnsel vm7, $0x0, v23  }
0x281: {  	v27 =	vnsel vm2, $0x0, v61;
	v29 =	vadd.s32 v58, v30;
	v21 =	vadd.s32 v21, v23  }
0x282: {  	v62 =	vperm.xlane v24, v9;
	v23 =	vadd.s32 v21, v27;
	v27 =	vperm.xlane v25, v9  }
0x283: {  	vm9 =	vmand vm7, vm8;
	v63 =	vperm.xlane v29, v9;
	v23 =	vadd.s32 v28, v23  }
0x284: {  	v28 =	vadd.f32 v62, v24;
	vm10 =	vlt.s32 v23, v17;
	v25 =	vadd.f32 v25, v27  }
0x285: {  	v23 =	vsel vm9, v53, v26;
	v26 =	vsel vm10, $0xFFFFFFFF, v3  }
0x286: {  	s26 =	simm.s32 $0xD0;
	s25 =	simm.s32 $0xE0;
	v24 =	vadd.s32 v63, v29;
	v27 =	vperm.xlane v26, v10;
	v25 =	vsel vm8, v25, v28  }
.LBB2_17:
0x287: {  	p2 =	sne.s32 s26, $0x0  }
0x288: {  	vm8 =	vgt.s32 v26, v27;
	v25 =	vadd.f32 v25, v20;
	s23 =	sadd.s32 $0xFFFFFFF0, s23;
	s28 =	smov.u32 s26;
	s26 =	sadd.s32 $0xFFFFFFF0, s26  }
0x289: {  	v26 =	vsel vm8, v26, v27  }
0x28a: {  	v27 =	vperm.xlane v26, v11;
	v20 =	vsel vm7, v25, v20;
	_ =	sdelay $0x1  }
0x28b: {  	vm7 =	vgt.s32 v26, v27  }
0x28c: {  	v25 =	vsel vm7, v26, v27  }
0x28d: {  	v26 =	vperm.xlane v25, v12;
	_ =	sdelay $0x1  }
0x28e: {  	vm7 =	vgt.s32 v25, v26  }
0x28f: {  	v25 =	vsel vm7, v25, v26  }
0x290: {  	s24 =	sadd.s32 $0xFFFFFFF0, s24;
	v26 =	vld [tilespmem:s23+$0x0];
	v27 =	vperm.xlane v25, v9  }
0x291: {  	v28 =	vld [tilespmem:s24+$0x0]  }
0x292: {  	vm7 =	vgt.s32 v25, v27  }
0x293: {  	v25 =	vsel vm7, v25, v27  }
0x294: {  	vm7 =	vlt.s32 v25, v3  }
0x295: {  	v27 =	vnsel vm7, $0x0, v22;
	v29 =	vsel vm7, $0x3F800000, v1;
	v30 =	vperm.xlane v26, v10  }
0x296: {  	v31 =	vperm.xlane v28, v10;
	v32 =	vperm.xlane v27, v10;
	v22 =	vmov v28  }
0x297: {  	v28 =	vmul.f32 v29, v26;
	v26 =	vadd.f32 v30, v26  }
0x298: {  	v29 =	vsel vm6, $0x0, v31;
	v30 =	vadd.s32 v22, v31;
	v27 =	vadd.s32 v32, v27  }
0x299: {  	v32 =	vperm.xlane v28, v10;
	v29 =	vadd.s32 v22, v29;
	v31 =	vperm.xlane v27, v11  }
0x29a: {  	v35 =	vadd.s32 s25, v25;
	s25 =	smov.u32 s28;
	v34 =	vperm.xlane v30, v11;
	v33 =	vperm.xlane v29, v11  }
0x29b: {  	v28 =	vadd.f32 v28, v32;
	v27 =	vadd.s32 v31, v27;
	v31 =	vperm.xlane v26, v11  }
0x29c: {  	v30 =	vadd.s32 v30, v34;
	v32 =	vnsel vm0, $0x0, v33;
	v33 =	vperm.xlane v27, v12  }
0x29d: {  	v34 =	vperm.xlane v28, v11;
	v29 =	vadd.s32 v32, v29;
	v32 =	vperm.xlane v30, v12  }
0x29e: {  	v26 =	vadd.f32 v31, v26;
	v36 =	vperm.xlane v29, v12;
	v27 =	vadd.s32 v33, v27  }
0x29f: {  	vm7 =	vlt.s32 v23, $0x0;
	v28 =	vadd.f32 v28, v34;
	v31 =	vperm.xlane v27, v9  }
0x2a0: {  	vm8 =	vgt.s32 v25, $0xFFFFFFFF;
	v25 =	vperm.xlane v26, v12;
	v33 =	vnsel vm1, $0x0, v36  }
0x2a1: {  	v29 =	vadd.s32 v33, v29;
	v27 =	vadd.s32 v31, v27;
	v31 =	vperm.xlane v28, v12  }
0x2a2: {  	vm9 =	vmand vm7, vm8;
	v33 =	vperm.xlane v29, v9;
	v24 =	vsel vm8, v27, v24  }
0x2a3: {  	v25 =	vadd.f32 v25, v26;
	v27 =	vadd.f32 v28, v31;
	v24 =	vnsel vm7, $0x0, v24  }
0x2a4: {  	v28 =	vadd.s32 v32, v30;
	v26 =	vnsel vm2, $0x0, v33;
	v21 =	vadd.s32 v21, v24  }
0x2a5: {  	v24 =	vadd.s32 v21, v26;
	v26 =	vperm.xlane v28, v9;
	v30 =	vperm.xlane v27, v9  }
.Ltmp12:
0x2a6: {  	v23 =	vsel vm9, v35, v23;
	v24 =	vadd.s32 v29, v24;
	v29 =	vperm.xlane v25, v9;
	(pc) =	sbr.rel @p2 .LBB2_17-.Ltmp12, $4  }
0x2a7: {  	vm9 =	vlt.s32 v24, v17;
	v24 =	vadd.s32 v26, v28;
	v28 =	vadd.f32 v27, v30  }
0x2a8: {  	v26 =	vsel vm9, $0xFFFFFFFF, v3;
	v25 =	vadd.f32 v29, v25  }
0x2a9: {  	v27 =	vperm.xlane v26, v10  }
0x2aa: {  	v25 =	vsel vm8, v28, v25  }
0x2ab: {  	vm6 =	vgt.s32 v26, v27  }
0x2ac: {  	v26 =	vsel vm6, v26, v27  }
0x2ad: {  	v27 =	vperm.xlane v26, v11;
	_ =	sdelay $0x1  }
0x2ae: {  	vm6 =	vgt.s32 v26, v27  }
0x2af: {  	v26 =	vsel vm6, v26, v27  }
0x2b0: {  	v27 =	vperm.xlane v26, v12;
	_ =	sdelay $0x1  }
0x2b1: {  	vm6 =	vgt.s32 v26, v27  }
0x2b2: {  	v26 =	vsel vm6, v26, v27  }
0x2b3: {  	s23 =	sadd.s32 $0xFFFFFFF0, s23;
	v27 =	vperm.xlane v26, v9  }
0x2b4: {  	v28 =	vld [tilespmem:s23+$0x0]  }
0x2b5: {  	vm6 =	vgt.s32 v26, v27  }
0x2b6: {  	v26 =	vsel vm6, v26, v27  }
0x2b7: {  	vm6 =	vlt.s32 v26, v3  }
0x2b8: {  	v58 =	vsel vm6, $0x3F800000, v1  }
0x2b9: {  	v27 =	vmul.f32 v58, v28;
	_ =	sdelay $0x1  }
0x2ba: {  	v29 =	vperm.xlane v28, v10;
	v30 =	vperm.xlane v27, v10;
	_ =	sdelay $0x1  }
0x2bb: {  	v22 =	vnsel vm6, $0x0, v22;
	v28 =	vadd.f32 v29, v28;
	v27 =	vadd.f32 v27, v30  }
0x2bc: {  	v59 =	vperm.xlane v22, v10  }
0x2bd: {  	v60 =	vperm.xlane v28, v11;
	v31 =	vperm.xlane v27, v11;
	_ =	sdelay $0x1  }
0x2be: {  	v22 =	vadd.s32 v59, v22;
	v28 =	vadd.f32 v60, v28;
	v27 =	vadd.f32 v27, v31  }
0x2bf: {  	v29 =	vperm.xlane v22, v11  }
0x2c0: {  	v30 =	vperm.xlane v28, v12;
	v31 =	vperm.xlane v27, v12;
	_ =	sdelay $0x1  }
0x2c1: {  	v22 =	vadd.s32 v29, v22;
	v28 =	vadd.f32 v30, v28;
	v27 =	vadd.f32 v27, v31  }
0x2c2: {  	v29 =	vperm.xlane v22, v12  }
0x2c3: {  	v62 =	vperm.xlane v28, v9;
	v61 =	vperm.xlane v27, v9  }
0x2c4: {  	v25 =	vadd.f32 v25, v20;
	v22 =	vadd.s32 v29, v22  }
0x2c5: {  	v29 =	vperm.xlane v22, v9;
	v28 =	vadd.f32 v62, v28;
	v27 =	vadd.f32 v27, v61  }
0x2c6: {  	vm6 =	vgt.s32 v26, $0xFFFFFFFF  }
0x2c7: {  	v25 =	vsel vm7, v25, v20;
	v20 =	vadd.s32 v29, v22;
	v22 =	vsel vm6, v27, v28  }
0x2c8: {  	vm7 =	vlt.s32 v23, $0x0;
	v20 =	vsel vm6, v20, v24;
	v63 =	vadd.f32 v22, v25  }
0x2c9: {  	v26 =	vadd.s32 s25, v26;
	v20 =	vnsel vm7, $0x0, v20;
	vm6 =	vmand vm7, vm6  }
0x2ca: {  	s24 =	simm.s32 $0x0;
	s23 =	simm.s32 $0x40;
	v22 =	vadd.s32 v21, v20;
	v20 =	vsel vm6, v26, v23;
	v21 =	vsel vm7, v63, v25  }
.LBB2_19:
0x2cb: {  	p2 =	sne.s32 s23, $0x3FC0;
	[tilespmem:s24+$0x4000] =	vst v1;
	s25 =	smov.u32 s23;
	s23 =	sadd.s32 $0x40, s23  }
.Ltmp13:
0x2cc: {  	[tilespmem:s24+$0x5000] =	vst v2;
	(pc) =	sbr.rel @p2 .LBB2_19-.Ltmp13, $2  }
0x2cd: {  	_ =	sdelay $0x2  }
0x2ce: {  	s24 =	sshra.s32 s25, $0x2  }
0x2cf: {  	[tilespmem:s24+$0x4000] =	vst v1;
	v19 =	vshll.u32 v19, $0x8  }
0x2d0: {  	[tilespmem:s24+$0x5000] =	vst v2;
	s23 =	simm.s32 $0x0;
	s24 =	simm.s32 $0x0;
	v20 =	vadd.s32 v19, v20  }
.LBB2_21:
0x2d1: {  	s25 =	sshra.s32 s24, $0x2  }
0x2d2: {  	v19 =	vld [tilespmem:s25+$0x0];
	_ =	sdelay $0x4  }
0x2d3: {  	v23 =	vshrl.u32 v19, $0xF  }
0x2d4: {  	vm6 =	vge.f32 v19, $0.0e+00;
	vm7 =	veq.s32 v23, v20;
	v23 =	vshrl.u32 v19, $0x3  }
0x2d5: {  	vm6 =	vmand vm6, vm7;
	v23 =	vand.u32 $0xFF0, v23  }
0x2d6: {  	v23 =	vor.u32 v3, v23  }
0x2d7: {  	p2 =	sne.s32 s24, $0xFFC0  }
.Ltmp14:
0x2d8: {  	_ = 	snop;
	(pc) =	sbr.rel @p2 .LBB2_21-.Ltmp14, $3  }
0x2d9: {  	_ =	sdelay $0x1  }
0x2da: {  	[tilespmem:v23+s18+$0x0] =	vst.idx.add.s32.msk vm6, v4  }
0x2db: {  	s24 =	sadd.s32 $0x40, s24;
	[tilespmem:v23+s19+$0x0] =	vst.idx.add.f32.msk vm6, v19  }
0x2dc: {  	v19 =	vmov s23  }
0x2dd: {  	v19 =	vshll.u32 v19, $0x4  }
0x2de: {  	v19 =	vor.u32 v7, v19;
	_ =	sdelay $0x1  }
0x2df: {  	v23 =	vor.u32 $0xF, v19;
	v24 =	vor.u32 $0xE, v19;
	v25 =	vor.u32 $0x1, v19  }
0x2e0: {  	v26 =	vor.u32 $0xD, v19;
	v27 =	vor.u32 $0x2, v19;
	v30 =	vor.u32 $0xC, v19  }
0x2e1: {  	v31 =	vor.u32 $0x3, v19;
	v34 =	vor.u32 $0xB, v19;
	v35 =	vor.u32 $0x4, v19  }
0x2e2: {  	v38 =	vor.u32 $0xA, v19;
	v39 =	vor.u32 $0x5, v19;
	v42 =	vor.u32 $0x9, v19;
	v29 =	vld.idx.msk [tilespmem:v19+s19+$0x0], $0xffff  }
0x2e3: {  	v43 =	vor.u32 $0x6, v19;
	v45 =	vor.u32 $0x8, v19;
	v46 =	vor.u32 $0x7, v19;
	v19 =	vld.idx.msk [tilespmem:v19+s18+$0x0], $0xffff  }
0x2e4: {  	v28 =	vld.idx.msk [tilespmem:v23+s19+$0x0], $0xffff  }
0x2e5: {  	v33 =	vld.idx.msk [tilespmem:v25+s19+$0x0], $0xffff  }
0x2e6: {  	v32 =	vld.idx.msk [tilespmem:v24+s19+$0x0], $0xffff  }
0x2e7: {  	v37 =	vld.idx.msk [tilespmem:v27+s19+$0x0], $0xffff  }
0x2e8: {  	v36 =	vld.idx.msk [tilespmem:v26+s19+$0x0], $0xffff;
	v29 =	vadd.f32 $0.0e+00, v29  }
0x2e9: {  	v41 =	vld.idx.msk [tilespmem:v31+s19+$0x0], $0xffff  }
0x2ea: {  	v40 =	vld.idx.msk [tilespmem:v30+s19+$0x0], $0xffff;
	v29 =	vadd.f32 v33, v29  }
0x2eb: {  	v53 =	vld.idx.msk [tilespmem:v35+s19+$0x0], $0xffff  }
0x2ec: {  	v44 =	vld.idx.msk [tilespmem:v34+s19+$0x0], $0xffff;
	v29 =	vadd.f32 v37, v29  }
0x2ed: {  	v54 =	vld.idx.msk [tilespmem:v39+s19+$0x0], $0xffff  }
0x2ee: {  	v47 =	vld.idx.msk [tilespmem:v38+s19+$0x0], $0xffff;
	v29 =	vadd.f32 v41, v29  }
0x2ef: {  	v55 =	vld.idx.msk [tilespmem:v43+s19+$0x0], $0xffff  }
0x2f0: {  	v48 =	vld.idx.msk [tilespmem:v42+s19+$0x0], $0xffff;
	v29 =	vadd.f32 v53, v29  }
0x2f1: {  	v56 =	vld.idx.msk [tilespmem:v46+s19+$0x0], $0xffff  }
0x2f2: {  	v49 =	vld.idx.msk [tilespmem:v45+s19+$0x0], $0xffff;
	v29 =	vadd.f32 v54, v29  }
0x2f3: {  	v25 =	vld.idx.msk [tilespmem:v25+s18+$0x0], $0xffff  }
0x2f4: {  	v27 =	vld.idx.msk [tilespmem:v27+s18+$0x0], $0xffff;
	v29 =	vadd.f32 v55, v29  }
0x2f5: {  	v31 =	vld.idx.msk [tilespmem:v31+s18+$0x0], $0xffff  }
0x2f6: {  	v35 =	vld.idx.msk [tilespmem:v35+s18+$0x0], $0xffff;
	v29 =	vadd.f32 v56, v29  }
0x2f7: {  	v57 =	vld.idx.msk [tilespmem:v39+s18+$0x0], $0xffff  }
0x2f8: {  	v58 =	vld.idx.msk [tilespmem:v43+s18+$0x0], $0xffff;
	v19 =	vadd.s32 v19, v25;
	v25 =	vadd.f32 v49, v29  }
0x2f9: {  	v19 =	vadd.s32 v27, v19;
	v29 =	vld.idx.msk [tilespmem:v46+s18+$0x0], $0xffff  }
0x2fa: {  	v27 =	vld.idx.msk [tilespmem:v45+s18+$0x0], $0xffff;
	v19 =	vadd.s32 v31, v19;
	v25 =	vadd.f32 v48, v25  }
0x2fb: {  	v31 =	vld.idx.msk [tilespmem:v42+s18+$0x0], $0xffff;
	v19 =	vadd.s32 v35, v19  }
0x2fc: {  	v59 =	vld.idx.msk [tilespmem:v38+s18+$0x0], $0xffff;
	v19 =	vadd.s32 v57, v19;
	v25 =	vadd.f32 v47, v25  }
0x2fd: {  	v60 =	vld.idx.msk [tilespmem:v34+s18+$0x0], $0xffff;
	v19 =	vadd.s32 v58, v19  }
0x2fe: {  	v30 =	vld.idx.msk [tilespmem:v30+s18+$0x0], $0xffff;
	v19 =	vadd.s32 v29, v19;
	v25 =	vadd.f32 v44, v25  }
0x2ff: {  	v26 =	vld.idx.msk [tilespmem:v26+s18+$0x0], $0xffff;
	v19 =	vadd.s32 v27, v19  }
0x300: {  	v24 =	vld.idx.msk [tilespmem:v24+s18+$0x0], $0xffff;
	v19 =	vadd.s32 v31, v19;
	v25 =	vadd.f32 v40, v25  }
0x301: {  	s31 =	simm.s32 $0x10;
	v23 =	vld.idx.msk [tilespmem:v23+s18+$0x0], $0xffff;
	v19 =	vadd.s32 v59, v19  }
0x302: {  	v27 =	vmov s31;
	v19 =	vadd.s32 v60, v19;
	v25 =	vadd.f32 v36, v25  }
0x303: {  	v27 =	vshll.u32 v27, $0x4;
	v19 =	vadd.s32 v30, v19  }
0x304: {  	v27 =	vor.u32 v7, v27;
	v19 =	vadd.s32 v26, v19;
	v25 =	vadd.f32 v32, v25  }
0x305: {  	v19 =	vadd.s32 v24, v19;
	v24 =	vor.u32 $0x1, v27  }
0x306: {  	s23 =	simm.s32 $0x6000;
	v30 =	vor.u32 $0xB, v27;
	v19 =	vadd.s32 v23, v19;
	v23 =	vadd.f32 v28, v25  }
0x307: {  	s24 =	simm.s32 $0x6100;
	v34 =	vor.u32 $0xA, v27;
	[tilespmem:s23+$0x0] =	vst v19  }
0x308: {  	v62 =	vor.u32 $0x5, v27;
	[tilespmem:s24+$0x0] =	vst v23  }
0x309: {  	v19 =	vor.u32 $0x2, v27;
	v26 =	vld.idx.msk [tilespmem:v27+s19+$0x0], $0xffff  }
0x30a: {  	v49 =	vor.u32 $0x9, v27;
	v29 =	vld.idx.msk [tilespmem:v24+s19+$0x0], $0xffff  }
0x30b: {  	v28 =	vor.u32 $0x3, v27;
	v51 =	vld.idx.msk [tilespmem:v30+s19+$0x0], $0xffff  }
0x30c: {  	v50 =	vor.u32 $0x6, v27;
	v54 =	vld.idx.msk [tilespmem:v34+s19+$0x0], $0xffff  }
0x30d: {  	v31 =	vor.u32 $0x4, v27;
	v55 =	vld.idx.msk [tilespmem:v62+s19+$0x0], $0xffff  }
0x30e: {  	v52 =	vor.u32 $0x8, v27;
	v61 =	vld.idx.msk [tilespmem:v19+s19+$0x0], $0xffff  }
0x30f: {  	v56 =	vld.idx.msk [tilespmem:v49+s19+$0x0], $0xffff;
	v26 =	vadd.f32 $0.0e+00, v26  }
0x310: {  	v48 =	vld.idx.msk [tilespmem:v28+s19+$0x0], $0xffff  }
0x311: {  	v57 =	vld.idx.msk [tilespmem:v50+s19+$0x0], $0xffff;
	v26 =	vadd.f32 v29, v26  }
0x312: {  	v29 =	vld.idx.msk [tilespmem:v31+s19+$0x0], $0xffff  }
0x313: {  	v53 =	vor.u32 $0x7, v27;
	v58 =	vld.idx.msk [tilespmem:v52+s19+$0x0], $0xffff;
	v26 =	vadd.f32 v61, v26  }
0x314: {  	v25 =	vor.u32 $0xD, v27;
	v24 =	vld.idx.msk [tilespmem:v24+s18+$0x0], $0xffff  }
0x315: {  	v59 =	vld.idx.msk [tilespmem:v27+s18+$0x0], $0xffff;
	v26 =	vadd.f32 v48, v26  }
0x316: {  	v60 =	vld.idx.msk [tilespmem:v62+s18+$0x0], $0xffff  }
0x317: {  	v30 =	vld.idx.msk [tilespmem:v30+s18+$0x0], $0xffff;
	v26 =	vadd.f32 v29, v26  }
0x318: {  	v29 =	vld.idx.msk [tilespmem:v53+s19+$0x0], $0xffff  }
0x319: {  	v23 =	vor.u32 $0xC, v27;
	v32 =	vld.idx.msk [tilespmem:v25+s19+$0x0], $0xffff;
	v26 =	vadd.f32 v55, v26  }
0x31a: {  	v19 =	vld.idx.msk [tilespmem:v19+s18+$0x0], $0xffff  }
0x31b: {  	v28 =	vld.idx.msk [tilespmem:v28+s18+$0x0], $0xffff;
	v26 =	vadd.f32 v57, v26  }
0x31c: {  	v25 =	vld.idx.msk [tilespmem:v25+s18+$0x0], $0xffff  }
0x31d: {  	v31 =	vld.idx.msk [tilespmem:v31+s18+$0x0], $0xffff;
	v26 =	vadd.f32 v29, v26  }
0x31e: {  	v63 =	vld.idx.msk [tilespmem:v23+s19+$0x0], $0xffff  }
0x31f: {  	v24 =	vadd.s32 v59, v24;
	v29 =	vld.idx.msk [tilespmem:v50+s18+$0x0], $0xffff;
	v26 =	vadd.f32 v58, v26  }
0x320: {  	v62 =	vor.u32 $0xF, v27;
	v19 =	vadd.s32 v19, v24;
	v61 =	vld.idx.msk [tilespmem:v53+s18+$0x0], $0xffff  }
0x321: {  	v27 =	vor.u32 $0xE, v27;
	v24 =	vld.idx.msk [tilespmem:v52+s18+$0x0], $0xffff;
	v19 =	vadd.s32 v28, v19;
	v26 =	vadd.f32 v56, v26  }
0x322: {  	v28 =	vld.idx.msk [tilespmem:v49+s18+$0x0], $0xffff;
	v19 =	vadd.s32 v31, v19  }
0x323: {  	v31 =	vld.idx.msk [tilespmem:v34+s18+$0x0], $0xffff;
	v19 =	vadd.s32 v60, v19;
	v26 =	vadd.f32 v54, v26  }
0x324: {  	v19 =	vadd.s32 v29, v19;
	v29 =	vld.idx.msk [tilespmem:v23+s18+$0x0], $0xffff  }
0x325: {  	v23 =	vadd.s32 v61, v19;
	v19 =	vld.idx.msk [tilespmem:v62+s19+$0x0], $0xffff;
	v26 =	vadd.f32 v51, v26  }
0x326: {  	v23 =	vadd.s32 v24, v23;
	v24 =	vld.idx.msk [tilespmem:v27+s19+$0x0], $0xffff  }
0x327: {  	s25 =	simm.s32 $0x20;
	v23 =	vadd.s32 v28, v23;
	v28 =	vadd.f32 v63, v26;
	v26 =	vld.idx.msk [tilespmem:v27+s18+$0x0], $0xffff  }
0x328: {  	v23 =	vadd.s32 v31, v23;
	v63 =	vmov s25;
	v27 =	vld.idx.msk [tilespmem:v62+s18+$0x0], $0xffff  }
0x329: {  	v30 =	vadd.s32 v30, v23;
	v31 =	vshll.u32 v63, $0x4;
	v28 =	vadd.f32 v32, v28  }
0x32a: {  	s25 =	simm.s32 $0x30;
	v29 =	vadd.s32 v29, v30;
	v23 =	vor.u32 v7, v31  }
.LBB2_23:
0x32b: {  	p2 =	sne.s32 s25, $0xF0;
	v30 =	vor.u32 $0xF, v23;
	v25 =	vadd.s32 v25, v29;
	v24 =	vadd.f32 v24, v28  }
0x32c: {  	v25 =	vadd.s32 v26, v25  }
0x32d: {  	s23 =	sadd.s32 $0x10, s23;
	v26 =	vor.u32 $0xE, v23;
	v25 =	vadd.s32 v27, v25;
	v19 =	vadd.f32 v19, v24  }
0x32e: {  	s24 =	sadd.s32 $0x10, s24;
	v27 =	vor.u32 $0x1, v23;
	[tilespmem:s23+$0x0] =	vst v25  }
0x32f: {  	v25 =	vor.u32 $0xD, v23;
	[tilespmem:s24+$0x0] =	vst v19  }
0x330: {  	v28 =	vor.u32 $0x2, v23;
	v19 =	vld.idx.msk [tilespmem:v30+s19+$0x0], $0xffff  }
0x331: {  	v31 =	vor.u32 $0xC, v23;
	v29 =	vld.idx.msk [tilespmem:v23+s19+$0x0], $0xffff  }
0x332: {  	v32 =	vor.u32 $0x3, v23;
	v24 =	vld.idx.msk [tilespmem:v26+s19+$0x0], $0xffff  }
0x333: {  	v34 =	vor.u32 $0xB, v23;
	v33 =	vld.idx.msk [tilespmem:v27+s19+$0x0], $0xffff  }
0x334: {  	v35 =	vor.u32 $0x4, v23;
	v36 =	vld.idx.msk [tilespmem:v25+s19+$0x0], $0xffff  }
0x335: {  	v38 =	vor.u32 $0xA, v23;
	v37 =	vld.idx.msk [tilespmem:v28+s19+$0x0], $0xffff  }
0x336: {  	v39 =	vor.u32 $0x5, v23;
	v40 =	vld.idx.msk [tilespmem:v31+s19+$0x0], $0xffff  }
0x337: {  	v42 =	vor.u32 $0x9, v23;
	v29 =	vadd.f32 $0.0e+00, v29;
	v41 =	vld.idx.msk [tilespmem:v32+s19+$0x0], $0xffff  }
0x338: {  	v43 =	vor.u32 $0x6, v23;
	v44 =	vld.idx.msk [tilespmem:v34+s19+$0x0], $0xffff  }
0x339: {  	v45 =	vor.u32 $0x8, v23;
	v29 =	vadd.f32 v33, v29;
	v33 =	vld.idx.msk [tilespmem:v35+s19+$0x0], $0xffff  }
0x33a: {  	v46 =	vor.u32 $0x7, v23;
	v47 =	vld.idx.msk [tilespmem:v38+s19+$0x0], $0xffff  }
0x33b: {  	v29 =	vadd.f32 v37, v29;
	v37 =	vld.idx.msk [tilespmem:v39+s19+$0x0], $0xffff  }
0x33c: {  	v48 =	vld.idx.msk [tilespmem:v42+s19+$0x0], $0xffff  }
0x33d: {  	v29 =	vadd.f32 v41, v29;
	v41 =	vld.idx.msk [tilespmem:v43+s19+$0x0], $0xffff  }
0x33e: {  	v49 =	vld.idx.msk [tilespmem:v45+s19+$0x0], $0xffff  }
0x33f: {  	v29 =	vadd.f32 v33, v29;
	v33 =	vld.idx.msk [tilespmem:v46+s19+$0x0], $0xffff  }
0x340: {  	v27 =	vld.idx.msk [tilespmem:v27+s18+$0x0], $0xffff  }
0x341: {  	v29 =	vadd.f32 v37, v29;
	v23 =	vld.idx.msk [tilespmem:v23+s18+$0x0], $0xffff  }
0x342: {  	v28 =	vld.idx.msk [tilespmem:v28+s18+$0x0], $0xffff  }
0x343: {  	v29 =	vadd.f32 v41, v29;
	v32 =	vld.idx.msk [tilespmem:v32+s18+$0x0], $0xffff  }
0x344: {  	v35 =	vld.idx.msk [tilespmem:v35+s18+$0x0], $0xffff  }
0x345: {  	v29 =	vadd.f32 v33, v29;
	v37 =	vld.idx.msk [tilespmem:v39+s18+$0x0], $0xffff  }
0x346: {  	v33 =	vld.idx.msk [tilespmem:v43+s18+$0x0], $0xffff  }
0x347: {  	v23 =	vadd.s32 v23, v27;
	v29 =	vadd.f32 v49, v29;
	v27 =	vld.idx.msk [tilespmem:v46+s18+$0x0], $0xffff  }
0x348: {  	v23 =	vadd.s32 v28, v23;
	v28 =	vld.idx.msk [tilespmem:v45+s18+$0x0], $0xffff  }
0x349: {  	v23 =	vadd.s32 v32, v23;
	v29 =	vadd.f32 v48, v29;
	v32 =	vld.idx.msk [tilespmem:v42+s18+$0x0], $0xffff  }
0x34a: {  	v23 =	vadd.s32 v35, v23;
	v35 =	vld.idx.msk [tilespmem:v38+s18+$0x0], $0xffff  }
0x34b: {  	v23 =	vadd.s32 v37, v23;
	v29 =	vadd.f32 v47, v29;
	v34 =	vld.idx.msk [tilespmem:v34+s18+$0x0], $0xffff  }
0x34c: {  	v23 =	vadd.s32 v33, v23;
	v31 =	vld.idx.msk [tilespmem:v31+s18+$0x0], $0xffff  }
0x34d: {  	v23 =	vadd.s32 v27, v23;
	v27 =	vadd.f32 v44, v29;
	v25 =	vld.idx.msk [tilespmem:v25+s18+$0x0], $0xffff  }
.Ltmp15:
0x34e: {  	v23 =	vadd.s32 v28, v23;
	v26 =	vld.idx.msk [tilespmem:v26+s18+$0x0], $0xffff;
	(pc) =	sbr.rel @p2 .LBB2_23-.Ltmp15, $4  }
0x34f: {  	v23 =	vadd.s32 v32, v23;
	v28 =	vadd.f32 v40, v27;
	v27 =	vld.idx.msk [tilespmem:v30+s18+$0x0], $0xffff  }
0x350: {  	v29 =	vmov s25;
	v23 =	vadd.s32 v35, v23  }
0x351: {  	v29 =	vshll.u32 v29, $0x4;
	v30 =	vadd.s32 v34, v23;
	v28 =	vadd.f32 v36, v28  }
0x352: {  	s25 =	sadd.s32 $0x10, s25;
	v23 =	vor.u32 v7, v29;
	v29 =	vadd.s32 v31, v30  }
0x353: {  	v30 =	vor.u32 $0xF, v23;
	v25 =	vadd.s32 v25, v29;
	v24 =	vadd.f32 v24, v28  }
0x354: {  	v25 =	vadd.s32 v26, v25  }
0x355: {  	s23 =	sadd.s32 $0x10, s23;
	v29 =	vor.u32 $0xC, v23;
	v25 =	vadd.s32 v27, v25;
	v19 =	vadd.f32 v19, v24  }
0x356: {  	s24 =	sadd.s32 $0x10, s24;
	v24 =	vor.u32 $0x1, v23;
	[tilespmem:s23+$0x0] =	vst v25  }
0x357: {  	v31 =	vor.u32 $0x3, v23;
	[tilespmem:s24+$0x0] =	vst v19  }
0x358: {  	v19 =	vor.u32 $0x2, v23;
	v27 =	vld.idx.msk [tilespmem:v30+s19+$0x0], $0xffff  }
0x359: {  	v34 =	vor.u32 $0xB, v23;
	v28 =	vld.idx.msk [tilespmem:v23+s19+$0x0], $0xffff  }
0x35a: {  	v35 =	vor.u32 $0x4, v23;
	v40 =	vld.idx.msk [tilespmem:v29+s19+$0x0], $0xffff  }
0x35b: {  	v38 =	vor.u32 $0xA, v23;
	v33 =	vld.idx.msk [tilespmem:v24+s19+$0x0], $0xffff  }
0x35c: {  	v39 =	vor.u32 $0x5, v23;
	v41 =	vld.idx.msk [tilespmem:v31+s19+$0x0], $0xffff  }
0x35d: {  	v42 =	vor.u32 $0x9, v23;
	v37 =	vld.idx.msk [tilespmem:v19+s19+$0x0], $0xffff  }
0x35e: {  	v43 =	vor.u32 $0x6, v23;
	v44 =	vld.idx.msk [tilespmem:v34+s19+$0x0], $0xffff;
	v28 =	vadd.f32 $0.0e+00, v28  }
0x35f: {  	v45 =	vor.u32 $0x8, v23;
	v59 =	vld.idx.msk [tilespmem:v35+s19+$0x0], $0xffff  }
0x360: {  	v46 =	vor.u32 $0x7, v23;
	v47 =	vld.idx.msk [tilespmem:v38+s19+$0x0], $0xffff;
	v28 =	vadd.f32 v33, v28  }
0x361: {  	v60 =	vld.idx.msk [tilespmem:v39+s19+$0x0], $0xffff  }
0x362: {  	v48 =	vld.idx.msk [tilespmem:v42+s19+$0x0], $0xffff;
	v28 =	vadd.f32 v37, v28  }
0x363: {  	v61 =	vld.idx.msk [tilespmem:v43+s19+$0x0], $0xffff  }
0x364: {  	v49 =	vld.idx.msk [tilespmem:v45+s19+$0x0], $0xffff;
	v28 =	vadd.f32 v41, v28  }
0x365: {  	v62 =	vld.idx.msk [tilespmem:v46+s19+$0x0], $0xffff  }
0x366: {  	v26 =	vor.u32 $0xE, v23;
	v25 =	vor.u32 $0xD, v23;
	v23 =	vld.idx.msk [tilespmem:v23+s18+$0x0], $0xffff;
	v28 =	vadd.f32 v59, v28  }
0x367: {  	v31 =	vld.idx.msk [tilespmem:v31+s18+$0x0], $0xffff  }
0x368: {  	v35 =	vld.idx.msk [tilespmem:v35+s18+$0x0], $0xffff;
	v28 =	vadd.f32 v60, v28  }
0x369: {  	v24 =	vld.idx.msk [tilespmem:v24+s18+$0x0], $0xffff  }
0x36a: {  	v19 =	vld.idx.msk [tilespmem:v19+s18+$0x0], $0xffff;
	v28 =	vadd.f32 v61, v28  }
0x36b: {  	v63 =	vld.idx.msk [tilespmem:v39+s18+$0x0], $0xffff  }
0x36c: {  	v42 =	vld.idx.msk [tilespmem:v42+s18+$0x0], $0xffff;
	v28 =	vadd.f32 v62, v28  }
0x36d: {  	v29 =	vld.idx.msk [tilespmem:v29+s18+$0x0], $0xffff  }
0x36e: {  	v23 =	vadd.s32 v23, v24;
	v41 =	vld.idx.msk [tilespmem:v43+s18+$0x0], $0xffff;
	v24 =	vadd.f32 v49, v28  }
0x36f: {  	v19 =	vadd.s32 v19, v23;
	v28 =	vld.idx.msk [tilespmem:v46+s18+$0x0], $0xffff  }
0x370: {  	v23 =	vld.idx.msk [tilespmem:v45+s18+$0x0], $0xffff;
	v19 =	vadd.s32 v31, v19;
	v24 =	vadd.f32 v48, v24  }
0x371: {  	v36 =	vld.idx.msk [tilespmem:v25+s19+$0x0], $0xffff;
	v19 =	vadd.s32 v35, v19  }
0x372: {  	v43 =	vld.idx.msk [tilespmem:v38+s18+$0x0], $0xffff;
	v19 =	vadd.s32 v63, v19;
	v24 =	vadd.f32 v47, v24  }
0x373: {  	v45 =	vld.idx.msk [tilespmem:v34+s18+$0x0], $0xffff;
	v19 =	vadd.s32 v41, v19  }
0x374: {  	v32 =	vld.idx.msk [tilespmem:v26+s19+$0x0], $0xffff;
	v19 =	vadd.s32 v28, v19;
	v24 =	vadd.f32 v44, v24  }
0x375: {  	v25 =	vld.idx.msk [tilespmem:v25+s18+$0x0], $0xffff;
	v19 =	vadd.s32 v23, v19  }
0x376: {  	v23 =	vld.idx.msk [tilespmem:v26+s18+$0x0], $0xffff;
	v19 =	vadd.s32 v42, v19;
	v24 =	vadd.f32 v40, v24  }
0x377: {  	v26 =	vld.idx.msk [tilespmem:v30+s18+$0x0], $0xffff;
	v19 =	vadd.s32 v43, v19  }
0x378: {  	v19 =	vadd.s32 v45, v19;
	v24 =	vadd.f32 v36, v24  }
0x379: {  	v19 =	vadd.s32 v29, v19  }
0x37a: {  	v19 =	vadd.s32 v25, v19;
	v24 =	vadd.f32 v32, v24  }
0x37b: {  	v19 =	vadd.s32 v23, v19  }
0x37c: {  	s23 =	sadd.s32 $0x10, s23;
	v19 =	vadd.s32 v26, v19;
	v23 =	vadd.f32 v27, v24  }
0x37d: {  	s30 =	sadd.s32 $0x10, s24;
	[tilespmem:s23+$0x0] =	vst v19  }
0x37e: {  	s31 =	simm.s32 $0x60F0;
	[tilespmem:s30+$0x0] =	vst v23  }
0x37f: {  	v23 =	vld [tilespmem:s31+$0x0];
	_ =	sdelay $0x4  }
0x380: {  	v19 =	vperm.xlane v23, v10  }
0x381: {  	vm6 =	veq.s32 v3, $0xF  }
0x382: {  	v24 =	vsel vm6, $0x0, v19  }
0x383: {  	v24 =	vadd.s32 v23, v24  }
0x384: {  	v25 =	vperm.xlane v24, v11;
	_ =	sdelay $0x1  }
0x385: {  	v25 =	vnsel vm0, $0x0, v25  }
0x386: {  	v24 =	vadd.s32 v25, v24  }
0x387: {  	v25 =	vperm.xlane v24, v12;
	_ =	sdelay $0x1  }
0x388: {  	v25 =	vnsel vm1, $0x0, v25  }
0x389: {  	v24 =	vadd.s32 v25, v24  }
0x38a: {  	v25 =	vperm.xlane v24, v9;
	_ =	sdelay $0x1  }
0x38b: {  	v25 =	vnsel vm2, $0x0, v25  }
0x38c: {  	v25 =	vadd.s32 v22, v25  }
0x38d: {  	v24 =	vadd.s32 v24, v25  }
0x38e: {  	vm7 =	vlt.s32 v24, v17  }
0x38f: {  	v24 =	vsel vm7, $0xFFFFFFFF, v3  }
0x390: {  	v25 =	vperm.xlane v24, v10;
	_ =	sdelay $0x1  }
0x391: {  	vm7 =	vgt.s32 v24, v25  }
0x392: {  	v24 =	vsel vm7, v24, v25  }
0x393: {  	v25 =	vperm.xlane v24, v11;
	_ =	sdelay $0x1  }
0x394: {  	vm7 =	vgt.s32 v24, v25  }
0x395: {  	v19 =	vadd.s32 v23, v19;
	v24 =	vsel vm7, v24, v25  }
0x396: {  	v26 =	vperm.xlane v19, v11;
	v25 =	vperm.xlane v24, v12  }
0x397: {  	s24 =	simm.s32 $0x60E0  }
0x398: {  	v26 =	vadd.s32 v19, v26;
	v19 =	vld [tilespmem:s24+$0x0];
	vm7 =	vgt.s32 v24, v25  }
0x399: {  	v24 =	vsel vm7, v24, v25  }
0x39a: {  	v25 =	vperm.xlane v24, v9  }
0x39b: {  	s23 =	simm.s32 $0x61F0  }
0x39c: {  	v28 =	vld [tilespmem:s23+$0x0];
	vm7 =	vgt.s32 v24, v25  }
0x39d: {  	v27 =	vperm.xlane v26, v12;
	v46 =	vperm.xlane v19, v10;
	v24 =	vsel vm7, v24, v25  }
0x39e: {  	vm7 =	vlt.s32 v24, v3  }
0x39f: {  	v30 =	vadd.s32 v19, v46;
	v25 =	vadd.s32 v27, v26;
	v23 =	vnsel vm7, $0x0, v23  }
0x3a0: {  	v27 =	vperm.xlane v25, v9;
	v29 =	vsel vm7, $0x3F800000, v1;
	v47 =	vperm.xlane v23, v10  }
0x3a1: {  	v48 =	vsel vm6, $0x0, v46;
	v52 =	vperm.xlane v30, v11;
	v29 =	vmul.f32 v29, v28  }
0x3a2: {  	v25 =	vadd.s32 v27, v25;
	v27 =	vperm.xlane v28, v10;
	v23 =	vadd.s32 v47, v23  }
0x3a3: {  	v49 =	vadd.s32 v19, v48;
	v51 =	vperm.xlane v29, v10;
	v50 =	vperm.xlane v23, v11  }
0x3a4: {  	v30 =	vadd.s32 v30, v52;
	v27 =	vadd.f32 v27, v28;
	v28 =	vperm.xlane v49, v11  }
0x3a5: {  	v58 =	vperm.xlane v30, v12;
	v29 =	vadd.f32 v29, v51;
	v23 =	vadd.s32 v50, v23  }
0x3a6: {  	v54 =	vperm.xlane v27, v11;
	v28 =	vnsel vm0, $0x0, v28;
	v55 =	vperm.xlane v23, v12  }
0x3a7: {  	v26 =	vimm.s32 $0xFFFFFFFF;
	v28 =	vadd.s32 v28, v49;
	v56 =	vperm.xlane v29, v11  }
0x3a8: {  	s25 =	simm.s32 $0xF0;
	v57 =	vperm.xlane v28, v12;
	v27 =	vadd.f32 v54, v27;
	v23 =	vadd.s32 v55, v23  }
0x3a9: {  	v53 =	vadd.s32 s25, v24;
	v29 =	vadd.f32 v29, v56;
	v33 =	vperm.xlane v23, v9  }
0x3aa: {  	vm8 =	vgt.s32 v24, $0xFFFFFFFF;
	v59 =	vnsel vm1, $0x0, v57;
	v24 =	vperm.xlane v27, v12  }
0x3ab: {  	v28 =	vadd.s32 v59, v28;
	v60 =	vperm.xlane v29, v12;
	v23 =	vadd.s32 v33, v23  }
0x3ac: {  	vm7 =	vlt.s32 v26, $0x0;
	v61 =	vperm.xlane v28, v9;
	v23 =	vsel vm8, v23, v25  }
0x3ad: {  	v24 =	vadd.f32 v24, v27;
	v25 =	vadd.f32 v29, v60;
	v23 =	vnsel vm7, $0x0, v23  }
0x3ae: {  	v27 =	vnsel vm2, $0x0, v61;
	v29 =	vadd.s32 v58, v30;
	v22 =	vadd.s32 v22, v23  }
0x3af: {  	v62 =	vperm.xlane v24, v9;
	v23 =	vadd.s32 v22, v27;
	v27 =	vperm.xlane v25, v9  }
0x3b0: {  	vm9 =	vmand vm7, vm8;
	v63 =	vperm.xlane v29, v9;
	v23 =	vadd.s32 v28, v23  }
0x3b1: {  	v28 =	vadd.f32 v62, v24;
	vm10 =	vlt.s32 v23, v17;
	v25 =	vadd.f32 v25, v27  }
0x3b2: {  	v23 =	vsel vm9, v53, v26;
	v26 =	vsel vm10, $0xFFFFFFFF, v3  }
0x3b3: {  	s26 =	simm.s32 $0xD0;
	s25 =	simm.s32 $0xE0;
	v24 =	vadd.s32 v63, v29;
	v27 =	vperm.xlane v26, v10;
	v25 =	vsel vm8, v25, v28  }
.LBB2_25:
0x3b4: {  	p2 =	sne.s32 s26, $0x0  }
0x3b5: {  	vm8 =	vgt.s32 v26, v27;
	v25 =	vadd.f32 v25, v21;
	s23 =	sadd.s32 $0xFFFFFFF0, s23;
	s28 =	smov.u32 s26;
	s26 =	sadd.s32 $0xFFFFFFF0, s26  }
0x3b6: {  	v26 =	vsel vm8, v26, v27  }
0x3b7: {  	v27 =	vperm.xlane v26, v11;
	v21 =	vsel vm7, v25, v21;
	_ =	sdelay $0x1  }
0x3b8: {  	vm7 =	vgt.s32 v26, v27  }
0x3b9: {  	v25 =	vsel vm7, v26, v27  }
0x3ba: {  	v26 =	vperm.xlane v25, v12;
	_ =	sdelay $0x1  }
0x3bb: {  	vm7 =	vgt.s32 v25, v26  }
0x3bc: {  	v25 =	vsel vm7, v25, v26  }
0x3bd: {  	s24 =	sadd.s32 $0xFFFFFFF0, s24;
	v26 =	vld [tilespmem:s23+$0x0];
	v27 =	vperm.xlane v25, v9  }
0x3be: {  	v28 =	vld [tilespmem:s24+$0x0]  }
0x3bf: {  	vm7 =	vgt.s32 v25, v27  }
0x3c0: {  	v25 =	vsel vm7, v25, v27  }
0x3c1: {  	vm7 =	vlt.s32 v25, v3  }
0x3c2: {  	v27 =	vnsel vm7, $0x0, v19;
	v29 =	vsel vm7, $0x3F800000, v1;
	v30 =	vperm.xlane v26, v10  }
0x3c3: {  	v31 =	vperm.xlane v28, v10;
	v32 =	vperm.xlane v27, v10;
	v19 =	vmov v28  }
0x3c4: {  	v28 =	vmul.f32 v29, v26;
	v26 =	vadd.f32 v30, v26  }
0x3c5: {  	v29 =	vsel vm6, $0x0, v31;
	v30 =	vadd.s32 v19, v31;
	v27 =	vadd.s32 v32, v27  }
0x3c6: {  	v32 =	vperm.xlane v28, v10;
	v29 =	vadd.s32 v19, v29;
	v31 =	vperm.xlane v27, v11  }
0x3c7: {  	v35 =	vadd.s32 s25, v25;
	s25 =	smov.u32 s28;
	v34 =	vperm.xlane v30, v11;
	v33 =	vperm.xlane v29, v11  }
0x3c8: {  	v28 =	vadd.f32 v28, v32;
	v27 =	vadd.s32 v31, v27;
	v31 =	vperm.xlane v26, v11  }
0x3c9: {  	v30 =	vadd.s32 v30, v34;
	v32 =	vnsel vm0, $0x0, v33;
	v33 =	vperm.xlane v27, v12  }
0x3ca: {  	v34 =	vperm.xlane v28, v11;
	v29 =	vadd.s32 v32, v29;
	v32 =	vperm.xlane v30, v12  }
0x3cb: {  	v26 =	vadd.f32 v31, v26;
	v36 =	vperm.xlane v29, v12;
	v27 =	vadd.s32 v33, v27  }
0x3cc: {  	vm7 =	vlt.s32 v23, $0x0;
	v28 =	vadd.f32 v28, v34;
	v31 =	vperm.xlane v27, v9  }
0x3cd: {  	vm8 =	vgt.s32 v25, $0xFFFFFFFF;
	v25 =	vperm.xlane v26, v12;
	v33 =	vnsel vm1, $0x0, v36  }
0x3ce: {  	v29 =	vadd.s32 v33, v29;
	v27 =	vadd.s32 v31, v27;
	v31 =	vperm.xlane v28, v12  }
0x3cf: {  	vm9 =	vmand vm7, vm8;
	v33 =	vperm.xlane v29, v9;
	v24 =	vsel vm8, v27, v24  }
0x3d0: {  	v25 =	vadd.f32 v25, v26;
	v27 =	vadd.f32 v28, v31;
	v24 =	vnsel vm7, $0x0, v24  }
0x3d1: {  	v28 =	vadd.s32 v32, v30;
	v26 =	vnsel vm2, $0x0, v33;
	v22 =	vadd.s32 v22, v24  }
0x3d2: {  	v24 =	vadd.s32 v22, v26;
	v26 =	vperm.xlane v28, v9;
	v30 =	vperm.xlane v27, v9  }
.Ltmp16:
0x3d3: {  	v23 =	vsel vm9, v35, v23;
	v24 =	vadd.s32 v29, v24;
	v29 =	vperm.xlane v25, v9;
	(pc) =	sbr.rel @p2 .LBB2_25-.Ltmp16, $4  }
0x3d4: {  	vm9 =	vlt.s32 v24, v17;
	v24 =	vadd.s32 v26, v28;
	v28 =	vadd.f32 v27, v30  }
0x3d5: {  	v26 =	vsel vm9, $0xFFFFFFFF, v3;
	v25 =	vadd.f32 v29, v25  }
0x3d6: {  	v27 =	vperm.xlane v26, v10  }
0x3d7: {  	v25 =	vsel vm8, v28, v25  }
0x3d8: {  	vm6 =	vgt.s32 v26, v27  }
0x3d9: {  	v26 =	vsel vm6, v26, v27  }
0x3da: {  	v27 =	vperm.xlane v26, v11;
	_ =	sdelay $0x1  }
0x3db: {  	vm6 =	vgt.s32 v26, v27  }
0x3dc: {  	v26 =	vsel vm6, v26, v27  }
0x3dd: {  	v27 =	vperm.xlane v26, v12;
	_ =	sdelay $0x1  }
0x3de: {  	vm6 =	vgt.s32 v26, v27  }
0x3df: {  	v26 =	vsel vm6, v26, v27  }
0x3e0: {  	s23 =	sadd.s32 $0xFFFFFFF0, s23;
	v27 =	vperm.xlane v26, v9  }
0x3e1: {  	v28 =	vld [tilespmem:s23+$0x0]  }
0x3e2: {  	vm6 =	vgt.s32 v26, v27  }
0x3e3: {  	v26 =	vsel vm6, v26, v27  }
0x3e4: {  	vm6 =	vlt.s32 v26, v3  }
0x3e5: {  	v58 =	vsel vm6, $0x3F800000, v1  }
0x3e6: {  	v27 =	vmul.f32 v58, v28;
	_ =	sdelay $0x1  }
0x3e7: {  	v29 =	vperm.xlane v28, v10;
	v30 =	vperm.xlane v27, v10;
	_ =	sdelay $0x1  }
0x3e8: {  	v19 =	vnsel vm6, $0x0, v19;
	v28 =	vadd.f32 v29, v28;
	v27 =	vadd.f32 v27, v30  }
0x3e9: {  	v59 =	vperm.xlane v19, v10  }
0x3ea: {  	v60 =	vperm.xlane v28, v11;
	v31 =	vperm.xlane v27, v11;
	_ =	sdelay $0x1  }
0x3eb: {  	v19 =	vadd.s32 v59, v19;
	v28 =	vadd.f32 v60, v28;
	v27 =	vadd.f32 v27, v31  }
0x3ec: {  	v29 =	vperm.xlane v19, v11  }
0x3ed: {  	v30 =	vperm.xlane v28, v12;
	v31 =	vperm.xlane v27, v12;
	_ =	sdelay $0x1  }
0x3ee: {  	v19 =	vadd.s32 v29, v19;
	v28 =	vadd.f32 v30, v28;
	v27 =	vadd.f32 v27, v31  }
0x3ef: {  	v29 =	vperm.xlane v19, v12  }
0x3f0: {  	v62 =	vperm.xlane v28, v9;
	v61 =	vperm.xlane v27, v9  }
0x3f1: {  	v25 =	vadd.f32 v25, v21;
	v19 =	vadd.s32 v29, v19  }
0x3f2: {  	v29 =	vperm.xlane v19, v9;
	v28 =	vadd.f32 v62, v28;
	v27 =	vadd.f32 v27, v61  }
0x3f3: {  	vm6 =	vgt.s32 v26, $0xFFFFFFFF  }
0x3f4: {  	v25 =	vsel vm7, v25, v21;
	v19 =	vadd.s32 v29, v19;
	v21 =	vsel vm6, v27, v28  }
0x3f5: {  	vm7 =	vlt.s32 v23, $0x0;
	v19 =	vsel vm6, v19, v24;
	v63 =	vadd.f32 v21, v25  }
0x3f6: {  	v26 =	vadd.s32 s25, v26;
	v19 =	vnsel vm7, $0x0, v19;
	vm6 =	vmand vm7, vm6  }
0x3f7: {  	s24 =	simm.s32 $0x0;
	s23 =	simm.s32 $0x40;
	v21 =	vadd.s32 v22, v19;
	v22 =	vsel vm6, v26, v23;
	v19 =	vsel vm7, v63, v25  }
.LBB2_27:
0x3f8: {  	p2 =	sne.s32 s23, $0x1FC0;
	[tilespmem:s24+$0x4000] =	vst v1;
	s25 =	smov.u32 s23;
	s23 =	sadd.s32 $0x40, s23  }
.Ltmp17:
0x3f9: {  	[tilespmem:s24+$0x5000] =	vst v2;
	(pc) =	sbr.rel @p2 .LBB2_27-.Ltmp17, $2  }
0x3fa: {  	_ =	sdelay $0x2  }
0x3fb: {  	s24 =	sshra.s32 s25, $0x2  }
0x3fc: {  	[tilespmem:s24+$0x4000] =	vst v1;
	v20 =	vshll.u32 v20, $0x8  }
0x3fd: {  	[tilespmem:s24+$0x5000] =	vst v2;
	s23 =	simm.s32 $0x0;
	s24 =	simm.s32 $0x0;
	v20 =	vadd.s32 v20, v22  }
.LBB2_29:
0x3fe: {  	s25 =	sshra.s32 s24, $0x2  }
0x3ff: {  	v22 =	vld [tilespmem:s25+$0x0];
	_ =	sdelay $0x4  }
0x400: {  	v23 =	vshrl.u32 v22, $0x7  }
0x401: {  	vm6 =	vge.f32 v22, $0.0e+00;
	vm7 =	veq.s32 v23, v20;
	v23 =	vshll.u32 v22, $0x4  }
0x402: {  	vm6 =	vmand vm6, vm7;
	v23 =	vor.u32 v3, v23  }
0x403: {  	v23 =	vand.u32 $0x7FF, v23  }
0x404: {  	p2 =	sne.s32 s24, $0xFFC0  }
.Ltmp18:
0x405: {  	_ = 	snop;
	(pc) =	sbr.rel @p2 .LBB2_29-.Ltmp18, $3  }
0x406: {  	_ =	sdelay $0x1  }
0x407: {  	[tilespmem:v23+s18+$0x0] =	vst.idx.add.s32.msk vm6, v4  }
0x408: {  	s24 =	sadd.s32 $0x40, s24;
	[tilespmem:v23+s19+$0x0] =	vst.idx.add.f32.msk vm6, v22  }
0x409: {  	v22 =	vmov s23  }
0x40a: {  	v22 =	vshll.u32 v22, $0x4  }
0x40b: {  	v22 =	vor.u32 v7, v22;
	_ =	sdelay $0x1  }
0x40c: {  	v23 =	vor.u32 $0xF, v22;
	v24 =	vor.u32 $0xE, v22;
	v25 =	vor.u32 $0x1, v22  }
0x40d: {  	v26 =	vor.u32 $0xD, v22;
	v27 =	vor.u32 $0x2, v22;
	v30 =	vor.u32 $0xC, v22  }
0x40e: {  	v31 =	vor.u32 $0x3, v22;
	v34 =	vor.u32 $0xB, v22;
	v35 =	vor.u32 $0x4, v22  }
0x40f: {  	v38 =	vor.u32 $0xA, v22;
	v39 =	vor.u32 $0x5, v22;
	v42 =	vor.u32 $0x9, v22;
	v29 =	vld.idx.msk [tilespmem:v22+s19+$0x0], $0xffff  }
0x410: {  	v43 =	vor.u32 $0x6, v22;
	v45 =	vor.u32 $0x8, v22;
	v46 =	vor.u32 $0x7, v22;
	v22 =	vld.idx.msk [tilespmem:v22+s18+$0x0], $0xffff  }
0x411: {  	v28 =	vld.idx.msk [tilespmem:v23+s19+$0x0], $0xffff  }
0x412: {  	v33 =	vld.idx.msk [tilespmem:v25+s19+$0x0], $0xffff  }
0x413: {  	v32 =	vld.idx.msk [tilespmem:v24+s19+$0x0], $0xffff  }
0x414: {  	v37 =	vld.idx.msk [tilespmem:v27+s19+$0x0], $0xffff  }
0x415: {  	v36 =	vld.idx.msk [tilespmem:v26+s19+$0x0], $0xffff;
	v29 =	vadd.f32 $0.0e+00, v29  }
0x416: {  	v41 =	vld.idx.msk [tilespmem:v31+s19+$0x0], $0xffff  }
0x417: {  	v40 =	vld.idx.msk [tilespmem:v30+s19+$0x0], $0xffff;
	v29 =	vadd.f32 v33, v29  }
0x418: {  	v53 =	vld.idx.msk [tilespmem:v35+s19+$0x0], $0xffff  }
0x419: {  	v44 =	vld.idx.msk [tilespmem:v34+s19+$0x0], $0xffff;
	v29 =	vadd.f32 v37, v29  }
0x41a: {  	v54 =	vld.idx.msk [tilespmem:v39+s19+$0x0], $0xffff  }
0x41b: {  	v47 =	vld.idx.msk [tilespmem:v38+s19+$0x0], $0xffff;
	v29 =	vadd.f32 v41, v29  }
0x41c: {  	v55 =	vld.idx.msk [tilespmem:v43+s19+$0x0], $0xffff  }
0x41d: {  	v48 =	vld.idx.msk [tilespmem:v42+s19+$0x0], $0xffff;
	v29 =	vadd.f32 v53, v29  }
0x41e: {  	v56 =	vld.idx.msk [tilespmem:v46+s19+$0x0], $0xffff  }
0x41f: {  	v49 =	vld.idx.msk [tilespmem:v45+s19+$0x0], $0xffff;
	v29 =	vadd.f32 v54, v29  }
0x420: {  	v25 =	vld.idx.msk [tilespmem:v25+s18+$0x0], $0xffff  }
0x421: {  	v27 =	vld.idx.msk [tilespmem:v27+s18+$0x0], $0xffff;
	v29 =	vadd.f32 v55, v29  }
0x422: {  	v31 =	vld.idx.msk [tilespmem:v31+s18+$0x0], $0xffff  }
0x423: {  	v35 =	vld.idx.msk [tilespmem:v35+s18+$0x0], $0xffff;
	v29 =	vadd.f32 v56, v29  }
0x424: {  	v57 =	vld.idx.msk [tilespmem:v39+s18+$0x0], $0xffff  }
0x425: {  	v58 =	vld.idx.msk [tilespmem:v43+s18+$0x0], $0xffff;
	v22 =	vadd.s32 v22, v25;
	v25 =	vadd.f32 v49, v29  }
0x426: {  	v22 =	vadd.s32 v27, v22;
	v29 =	vld.idx.msk [tilespmem:v46+s18+$0x0], $0xffff  }
0x427: {  	v27 =	vld.idx.msk [tilespmem:v45+s18+$0x0], $0xffff;
	v22 =	vadd.s32 v31, v22;
	v25 =	vadd.f32 v48, v25  }
0x428: {  	v31 =	vld.idx.msk [tilespmem:v42+s18+$0x0], $0xffff;
	v22 =	vadd.s32 v35, v22  }
0x429: {  	v59 =	vld.idx.msk [tilespmem:v38+s18+$0x0], $0xffff;
	v22 =	vadd.s32 v57, v22;
	v25 =	vadd.f32 v47, v25  }
0x42a: {  	v60 =	vld.idx.msk [tilespmem:v34+s18+$0x0], $0xffff;
	v22 =	vadd.s32 v58, v22  }
0x42b: {  	v30 =	vld.idx.msk [tilespmem:v30+s18+$0x0], $0xffff;
	v22 =	vadd.s32 v29, v22;
	v25 =	vadd.f32 v44, v25  }
0x42c: {  	v26 =	vld.idx.msk [tilespmem:v26+s18+$0x0], $0xffff;
	v22 =	vadd.s32 v27, v22  }
0x42d: {  	v24 =	vld.idx.msk [tilespmem:v24+s18+$0x0], $0xffff;
	v22 =	vadd.s32 v31, v22;
	v25 =	vadd.f32 v40, v25  }
0x42e: {  	s31 =	simm.s32 $0x10;
	v23 =	vld.idx.msk [tilespmem:v23+s18+$0x0], $0xffff;
	v22 =	vadd.s32 v59, v22  }
0x42f: {  	v27 =	vmov s31;
	v22 =	vadd.s32 v60, v22;
	v25 =	vadd.f32 v36, v25  }
0x430: {  	v27 =	vshll.u32 v27, $0x4;
	v22 =	vadd.s32 v30, v22  }
0x431: {  	v27 =	vor.u32 v7, v27;
	v22 =	vadd.s32 v26, v22;
	v25 =	vadd.f32 v32, v25  }
0x432: {  	v22 =	vadd.s32 v24, v22;
	v24 =	vor.u32 $0x1, v27  }
0x433: {  	s23 =	simm.s32 $0x6000;
	v30 =	vor.u32 $0xB, v27;
	v22 =	vadd.s32 v23, v22;
	v23 =	vadd.f32 v28, v25  }
0x434: {  	s24 =	simm.s32 $0x6100;
	v34 =	vor.u32 $0xA, v27;
	[tilespmem:s23+$0x0] =	vst v22  }
0x435: {  	v62 =	vor.u32 $0x5, v27;
	[tilespmem:s24+$0x0] =	vst v23  }
0x436: {  	v22 =	vor.u32 $0x2, v27;
	v26 =	vld.idx.msk [tilespmem:v27+s19+$0x0], $0xffff  }
0x437: {  	v49 =	vor.u32 $0x9, v27;
	v29 =	vld.idx.msk [tilespmem:v24+s19+$0x0], $0xffff  }
0x438: {  	v28 =	vor.u32 $0x3, v27;
	v51 =	vld.idx.msk [tilespmem:v30+s19+$0x0], $0xffff  }
0x439: {  	v50 =	vor.u32 $0x6, v27;
	v54 =	vld.idx.msk [tilespmem:v34+s19+$0x0], $0xffff  }
0x43a: {  	v31 =	vor.u32 $0x4, v27;
	v55 =	vld.idx.msk [tilespmem:v62+s19+$0x0], $0xffff  }
0x43b: {  	v52 =	vor.u32 $0x8, v27;
	v61 =	vld.idx.msk [tilespmem:v22+s19+$0x0], $0xffff  }
0x43c: {  	v56 =	vld.idx.msk [tilespmem:v49+s19+$0x0], $0xffff;
	v26 =	vadd.f32 $0.0e+00, v26  }
0x43d: {  	v48 =	vld.idx.msk [tilespmem:v28+s19+$0x0], $0xffff  }
0x43e: {  	v57 =	vld.idx.msk [tilespmem:v50+s19+$0x0], $0xffff;
	v26 =	vadd.f32 v29, v26  }
0x43f: {  	v29 =	vld.idx.msk [tilespmem:v31+s19+$0x0], $0xffff  }
0x440: {  	v53 =	vor.u32 $0x7, v27;
	v58 =	vld.idx.msk [tilespmem:v52+s19+$0x0], $0xffff;
	v26 =	vadd.f32 v61, v26  }
0x441: {  	v25 =	vor.u32 $0xD, v27;
	v24 =	vld.idx.msk [tilespmem:v24+s18+$0x0], $0xffff  }
0x442: {  	v59 =	vld.idx.msk [tilespmem:v27+s18+$0x0], $0xffff;
	v26 =	vadd.f32 v48, v26  }
0x443: {  	v60 =	vld.idx.msk [tilespmem:v62+s18+$0x0], $0xffff  }
0x444: {  	v30 =	vld.idx.msk [tilespmem:v30+s18+$0x0], $0xffff;
	v26 =	vadd.f32 v29, v26  }
0x445: {  	v29 =	vld.idx.msk [tilespmem:v53+s19+$0x0], $0xffff  }
0x446: {  	v23 =	vor.u32 $0xC, v27;
	v32 =	vld.idx.msk [tilespmem:v25+s19+$0x0], $0xffff;
	v26 =	vadd.f32 v55, v26  }
0x447: {  	v22 =	vld.idx.msk [tilespmem:v22+s18+$0x0], $0xffff  }
0x448: {  	v28 =	vld.idx.msk [tilespmem:v28+s18+$0x0], $0xffff;
	v26 =	vadd.f32 v57, v26  }
0x449: {  	v25 =	vld.idx.msk [tilespmem:v25+s18+$0x0], $0xffff  }
0x44a: {  	v31 =	vld.idx.msk [tilespmem:v31+s18+$0x0], $0xffff;
	v26 =	vadd.f32 v29, v26  }
0x44b: {  	v63 =	vld.idx.msk [tilespmem:v23+s19+$0x0], $0xffff  }
0x44c: {  	v24 =	vadd.s32 v59, v24;
	v29 =	vld.idx.msk [tilespmem:v50+s18+$0x0], $0xffff;
	v26 =	vadd.f32 v58, v26  }
0x44d: {  	v62 =	vor.u32 $0xF, v27;
	v22 =	vadd.s32 v22, v24;
	v61 =	vld.idx.msk [tilespmem:v53+s18+$0x0], $0xffff  }
0x44e: {  	v27 =	vor.u32 $0xE, v27;
	v24 =	vld.idx.msk [tilespmem:v52+s18+$0x0], $0xffff;
	v22 =	vadd.s32 v28, v22;
	v26 =	vadd.f32 v56, v26  }
0x44f: {  	v28 =	vld.idx.msk [tilespmem:v49+s18+$0x0], $0xffff;
	v22 =	vadd.s32 v31, v22  }
0x450: {  	v31 =	vld.idx.msk [tilespmem:v34+s18+$0x0], $0xffff;
	v22 =	vadd.s32 v60, v22;
	v26 =	vadd.f32 v54, v26  }
0x451: {  	v22 =	vadd.s32 v29, v22;
	v29 =	vld.idx.msk [tilespmem:v23+s18+$0x0], $0xffff  }
0x452: {  	v23 =	vadd.s32 v61, v22;
	v22 =	vld.idx.msk [tilespmem:v62+s19+$0x0], $0xffff;
	v26 =	vadd.f32 v51, v26  }
0x453: {  	v23 =	vadd.s32 v24, v23;
	v24 =	vld.idx.msk [tilespmem:v27+s19+$0x0], $0xffff  }
0x454: {  	s25 =	simm.s32 $0x20;
	v23 =	vadd.s32 v28, v23;
	v28 =	vadd.f32 v63, v26;
	v26 =	vld.idx.msk [tilespmem:v27+s18+$0x0], $0xffff  }
0x455: {  	v23 =	vadd.s32 v31, v23;
	v63 =	vmov s25;
	v27 =	vld.idx.msk [tilespmem:v62+s18+$0x0], $0xffff  }
0x456: {  	v30 =	vadd.s32 v30, v23;
	v31 =	vshll.u32 v63, $0x4;
	v28 =	vadd.f32 v32, v28  }
0x457: {  	s25 =	simm.s32 $0x30;
	v29 =	vadd.s32 v29, v30;
	v23 =	vor.u32 v7, v31  }
.LBB2_31:
0x458: {  	p2 =	sne.s32 s25, $0x70;
	v30 =	vor.u32 $0xF, v23;
	v25 =	vadd.s32 v25, v29;
	v24 =	vadd.f32 v24, v28  }
0x459: {  	v25 =	vadd.s32 v26, v25  }
0x45a: {  	s23 =	sadd.s32 $0x10, s23;
	v26 =	vor.u32 $0xE, v23;
	v25 =	vadd.s32 v27, v25;
	v22 =	vadd.f32 v22, v24  }
0x45b: {  	s24 =	sadd.s32 $0x10, s24;
	v27 =	vor.u32 $0x1, v23;
	[tilespmem:s23+$0x0] =	vst v25  }
0x45c: {  	v25 =	vor.u32 $0xD, v23;
	[tilespmem:s24+$0x0] =	vst v22  }
0x45d: {  	v28 =	vor.u32 $0x2, v23;
	v22 =	vld.idx.msk [tilespmem:v30+s19+$0x0], $0xffff  }
0x45e: {  	v31 =	vor.u32 $0xC, v23;
	v29 =	vld.idx.msk [tilespmem:v23+s19+$0x0], $0xffff  }
0x45f: {  	v32 =	vor.u32 $0x3, v23;
	v24 =	vld.idx.msk [tilespmem:v26+s19+$0x0], $0xffff  }
0x460: {  	v34 =	vor.u32 $0xB, v23;
	v33 =	vld.idx.msk [tilespmem:v27+s19+$0x0], $0xffff  }
0x461: {  	v35 =	vor.u32 $0x4, v23;
	v36 =	vld.idx.msk [tilespmem:v25+s19+$0x0], $0xffff  }
0x462: {  	v38 =	vor.u32 $0xA, v23;
	v37 =	vld.idx.msk [tilespmem:v28+s19+$0x0], $0xffff  }
0x463: {  	v39 =	vor.u32 $0x5, v23;
	v40 =	vld.idx.msk [tilespmem:v31+s19+$0x0], $0xffff  }
0x464: {  	v42 =	vor.u32 $0x9, v23;
	v29 =	vadd.f32 $0.0e+00, v29;
	v41 =	vld.idx.msk [tilespmem:v32+s19+$0x0], $0xffff  }
0x465: {  	v43 =	vor.u32 $0x6, v23;
	v44 =	vld.idx.msk [tilespmem:v34+s19+$0x0], $0xffff  }
0x466: {  	v45 =	vor.u32 $0x8, v23;
	v29 =	vadd.f32 v33, v29;
	v33 =	vld.idx.msk [tilespmem:v35+s19+$0x0], $0xffff  }
0x467: {  	v46 =	vor.u32 $0x7, v23;
	v47 =	vld.idx.msk [tilespmem:v38+s19+$0x0], $0xffff  }
0x468: {  	v29 =	vadd.f32 v37, v29;
	v37 =	vld.idx.msk [tilespmem:v39+s19+$0x0], $0xffff  }
0x469: {  	v48 =	vld.idx.msk [tilespmem:v42+s19+$0x0], $0xffff  }
0x46a: {  	v29 =	vadd.f32 v41, v29;
	v41 =	vld.idx.msk [tilespmem:v43+s19+$0x0], $0xffff  }
0x46b: {  	v49 =	vld.idx.msk [tilespmem:v45+s19+$0x0], $0xffff  }
0x46c: {  	v29 =	vadd.f32 v33, v29;
	v33 =	vld.idx.msk [tilespmem:v46+s19+$0x0], $0xffff  }
0x46d: {  	v27 =	vld.idx.msk [tilespmem:v27+s18+$0x0], $0xffff  }
0x46e: {  	v29 =	vadd.f32 v37, v29;
	v23 =	vld.idx.msk [tilespmem:v23+s18+$0x0], $0xffff  }
0x46f: {  	v28 =	vld.idx.msk [tilespmem:v28+s18+$0x0], $0xffff  }
0x470: {  	v29 =	vadd.f32 v41, v29;
	v32 =	vld.idx.msk [tilespmem:v32+s18+$0x0], $0xffff  }
0x471: {  	v35 =	vld.idx.msk [tilespmem:v35+s18+$0x0], $0xffff  }
0x472: {  	v29 =	vadd.f32 v33, v29;
	v37 =	vld.idx.msk [tilespmem:v39+s18+$0x0], $0xffff  }
0x473: {  	v33 =	vld.idx.msk [tilespmem:v43+s18+$0x0], $0xffff  }
0x474: {  	v23 =	vadd.s32 v23, v27;
	v29 =	vadd.f32 v49, v29;
	v27 =	vld.idx.msk [tilespmem:v46+s18+$0x0], $0xffff  }
0x475: {  	v23 =	vadd.s32 v28, v23;
	v28 =	vld.idx.msk [tilespmem:v45+s18+$0x0], $0xffff  }
0x476: {  	v23 =	vadd.s32 v32, v23;
	v29 =	vadd.f32 v48, v29;
	v32 =	vld.idx.msk [tilespmem:v42+s18+$0x0], $0xffff  }
0x477: {  	v23 =	vadd.s32 v35, v23;
	v35 =	vld.idx.msk [tilespmem:v38+s18+$0x0], $0xffff  }
0x478: {  	v23 =	vadd.s32 v37, v23;
	v29 =	vadd.f32 v47, v29;
	v34 =	vld.idx.msk [tilespmem:v34+s18+$0x0], $0xffff  }
0x479: {  	v23 =	vadd.s32 v33, v23;
	v31 =	vld.idx.msk [tilespmem:v31+s18+$0x0], $0xffff  }
0x47a: {  	v23 =	vadd.s32 v27, v23;
	v27 =	vadd.f32 v44, v29;
	v25 =	vld.idx.msk [tilespmem:v25+s18+$0x0], $0xffff  }
.Ltmp19:
0x47b: {  	v23 =	vadd.s32 v28, v23;
	v26 =	vld.idx.msk [tilespmem:v26+s18+$0x0], $0xffff;
	(pc) =	sbr.rel @p2 .LBB2_31-.Ltmp19, $4  }
0x47c: {  	v23 =	vadd.s32 v32, v23;
	v28 =	vadd.f32 v40, v27;
	v27 =	vld.idx.msk [tilespmem:v30+s18+$0x0], $0xffff  }
0x47d: {  	v29 =	vmov s25;
	v23 =	vadd.s32 v35, v23  }
0x47e: {  	v29 =	vshll.u32 v29, $0x4;
	v30 =	vadd.s32 v34, v23;
	v28 =	vadd.f32 v36, v28  }
0x47f: {  	s25 =	sadd.s32 $0x10, s25;
	v23 =	vor.u32 v7, v29;
	v29 =	vadd.s32 v31, v30  }
0x480: {  	v30 =	vor.u32 $0xF, v23;
	v25 =	vadd.s32 v25, v29;
	v24 =	vadd.f32 v24, v28  }
0x481: {  	v25 =	vadd.s32 v26, v25  }
0x482: {  	s23 =	sadd.s32 $0x10, s23;
	v29 =	vor.u32 $0xC, v23;
	v25 =	vadd.s32 v27, v25;
	v22 =	vadd.f32 v22, v24  }
0x483: {  	s24 =	sadd.s32 $0x10, s24;
	v24 =	vor.u32 $0x1, v23;
	[tilespmem:s23+$0x0] =	vst v25  }
0x484: {  	v31 =	vor.u32 $0x3, v23;
	[tilespmem:s24+$0x0] =	vst v22  }
0x485: {  	v22 =	vor.u32 $0x2, v23;
	v27 =	vld.idx.msk [tilespmem:v30+s19+$0x0], $0xffff  }
0x486: {  	v34 =	vor.u32 $0xB, v23;
	v28 =	vld.idx.msk [tilespmem:v23+s19+$0x0], $0xffff  }
0x487: {  	v35 =	vor.u32 $0x4, v23;
	v40 =	vld.idx.msk [tilespmem:v29+s19+$0x0], $0xffff  }
0x488: {  	v38 =	vor.u32 $0xA, v23;
	v33 =	vld.idx.msk [tilespmem:v24+s19+$0x0], $0xffff  }
0x489: {  	v39 =	vor.u32 $0x5, v23;
	v41 =	vld.idx.msk [tilespmem:v31+s19+$0x0], $0xffff  }
0x48a: {  	v42 =	vor.u32 $0x9, v23;
	v37 =	vld.idx.msk [tilespmem:v22+s19+$0x0], $0xffff  }
0x48b: {  	v43 =	vor.u32 $0x6, v23;
	v44 =	vld.idx.msk [tilespmem:v34+s19+$0x0], $0xffff;
	v28 =	vadd.f32 $0.0e+00, v28  }
0x48c: {  	v45 =	vor.u32 $0x8, v23;
	v59 =	vld.idx.msk [tilespmem:v35+s19+$0x0], $0xffff  }
0x48d: {  	v46 =	vor.u32 $0x7, v23;
	v47 =	vld.idx.msk [tilespmem:v38+s19+$0x0], $0xffff;
	v28 =	vadd.f32 v33, v28  }
0x48e: {  	v60 =	vld.idx.msk [tilespmem:v39+s19+$0x0], $0xffff  }
0x48f: {  	v48 =	vld.idx.msk [tilespmem:v42+s19+$0x0], $0xffff;
	v28 =	vadd.f32 v37, v28  }
0x490: {  	v61 =	vld.idx.msk [tilespmem:v43+s19+$0x0], $0xffff  }
0x491: {  	v49 =	vld.idx.msk [tilespmem:v45+s19+$0x0], $0xffff;
	v28 =	vadd.f32 v41, v28  }
0x492: {  	v62 =	vld.idx.msk [tilespmem:v46+s19+$0x0], $0xffff  }
0x493: {  	v26 =	vor.u32 $0xE, v23;
	v25 =	vor.u32 $0xD, v23;
	v23 =	vld.idx.msk [tilespmem:v23+s18+$0x0], $0xffff;
	v28 =	vadd.f32 v59, v28  }
0x494: {  	v31 =	vld.idx.msk [tilespmem:v31+s18+$0x0], $0xffff  }
0x495: {  	v35 =	vld.idx.msk [tilespmem:v35+s18+$0x0], $0xffff;
	v28 =	vadd.f32 v60, v28  }
0x496: {  	v24 =	vld.idx.msk [tilespmem:v24+s18+$0x0], $0xffff  }
0x497: {  	v22 =	vld.idx.msk [tilespmem:v22+s18+$0x0], $0xffff;
	v28 =	vadd.f32 v61, v28  }
0x498: {  	v63 =	vld.idx.msk [tilespmem:v39+s18+$0x0], $0xffff  }
0x499: {  	v42 =	vld.idx.msk [tilespmem:v42+s18+$0x0], $0xffff;
	v28 =	vadd.f32 v62, v28  }
0x49a: {  	v29 =	vld.idx.msk [tilespmem:v29+s18+$0x0], $0xffff  }
0x49b: {  	v23 =	vadd.s32 v23, v24;
	v41 =	vld.idx.msk [tilespmem:v43+s18+$0x0], $0xffff;
	v24 =	vadd.f32 v49, v28  }
0x49c: {  	v22 =	vadd.s32 v22, v23;
	v28 =	vld.idx.msk [tilespmem:v46+s18+$0x0], $0xffff  }
0x49d: {  	v23 =	vld.idx.msk [tilespmem:v45+s18+$0x0], $0xffff;
	v22 =	vadd.s32 v31, v22;
	v24 =	vadd.f32 v48, v24  }
0x49e: {  	v36 =	vld.idx.msk [tilespmem:v25+s19+$0x0], $0xffff;
	v22 =	vadd.s32 v35, v22  }
0x49f: {  	v43 =	vld.idx.msk [tilespmem:v38+s18+$0x0], $0xffff;
	v22 =	vadd.s32 v63, v22;
	v24 =	vadd.f32 v47, v24  }
0x4a0: {  	v45 =	vld.idx.msk [tilespmem:v34+s18+$0x0], $0xffff;
	v22 =	vadd.s32 v41, v22  }
0x4a1: {  	v32 =	vld.idx.msk [tilespmem:v26+s19+$0x0], $0xffff;
	v22 =	vadd.s32 v28, v22;
	v24 =	vadd.f32 v44, v24  }
0x4a2: {  	v25 =	vld.idx.msk [tilespmem:v25+s18+$0x0], $0xffff;
	v22 =	vadd.s32 v23, v22  }
0x4a3: {  	v23 =	vld.idx.msk [tilespmem:v26+s18+$0x0], $0xffff;
	v22 =	vadd.s32 v42, v22;
	v24 =	vadd.f32 v40, v24  }
0x4a4: {  	v26 =	vld.idx.msk [tilespmem:v30+s18+$0x0], $0xffff;
	v22 =	vadd.s32 v43, v22  }
0x4a5: {  	v22 =	vadd.s32 v45, v22;
	v24 =	vadd.f32 v36, v24  }
0x4a6: {  	v22 =	vadd.s32 v29, v22  }
0x4a7: {  	v22 =	vadd.s32 v25, v22;
	v24 =	vadd.f32 v32, v24  }
0x4a8: {  	v22 =	vadd.s32 v23, v22  }
0x4a9: {  	s23 =	sadd.s32 $0x10, s23;
	v22 =	vadd.s32 v26, v22;
	v23 =	vadd.f32 v27, v24  }
0x4aa: {  	s30 =	sadd.s32 $0x10, s24;
	[tilespmem:s23+$0x0] =	vst v22  }
0x4ab: {  	s31 =	simm.s32 $0x6070;
	[tilespmem:s30+$0x0] =	vst v23  }
0x4ac: {  	v23 =	vld [tilespmem:s31+$0x0];
	_ =	sdelay $0x4  }
0x4ad: {  	v22 =	vperm.xlane v23, v10  }
0x4ae: {  	vm6 =	veq.s32 v3, $0xF  }
0x4af: {  	v24 =	vsel vm6, $0x0, v22  }
0x4b0: {  	v24 =	vadd.s32 v23, v24  }
0x4b1: {  	v25 =	vperm.xlane v24, v11;
	_ =	sdelay $0x1  }
0x4b2: {  	v25 =	vnsel vm0, $0x0, v25  }
0x4b3: {  	v24 =	vadd.s32 v25, v24  }
0x4b4: {  	v25 =	vperm.xlane v24, v12;
	_ =	sdelay $0x1  }
0x4b5: {  	v25 =	vnsel vm1, $0x0, v25  }
0x4b6: {  	v24 =	vadd.s32 v25, v24  }
0x4b7: {  	v25 =	vperm.xlane v24, v9;
	_ =	sdelay $0x1  }
0x4b8: {  	v25 =	vnsel vm2, $0x0, v25  }
0x4b9: {  	v25 =	vadd.s32 v21, v25  }
0x4ba: {  	v24 =	vadd.s32 v24, v25  }
0x4bb: {  	vm7 =	vlt.s32 v24, v17  }
0x4bc: {  	v24 =	vsel vm7, $0xFFFFFFFF, v3  }
0x4bd: {  	v25 =	vperm.xlane v24, v10;
	_ =	sdelay $0x1  }
0x4be: {  	vm7 =	vgt.s32 v24, v25  }
0x4bf: {  	v24 =	vsel vm7, v24, v25  }
0x4c0: {  	v25 =	vperm.xlane v24, v11;
	_ =	sdelay $0x1  }
0x4c1: {  	vm7 =	vgt.s32 v24, v25  }
0x4c2: {  	v22 =	vadd.s32 v23, v22;
	v24 =	vsel vm7, v24, v25  }
0x4c3: {  	v26 =	vperm.xlane v22, v11;
	v25 =	vperm.xlane v24, v12  }
0x4c4: {  	s24 =	simm.s32 $0x6060  }
0x4c5: {  	v26 =	vadd.s32 v22, v26;
	v22 =	vld [tilespmem:s24+$0x0];
	vm7 =	vgt.s32 v24, v25  }
0x4c6: {  	v24 =	vsel vm7, v24, v25  }
0x4c7: {  	v25 =	vperm.xlane v24, v9  }
0x4c8: {  	s23 =	simm.s32 $0x6170  }
0x4c9: {  	v28 =	vld [tilespmem:s23+$0x0];
	vm7 =	vgt.s32 v24, v25  }
0x4ca: {  	v27 =	vperm.xlane v26, v12;
	v46 =	vperm.xlane v22, v10;
	v24 =	vsel vm7, v24, v25  }
0x4cb: {  	vm7 =	vlt.s32 v24, v3  }
0x4cc: {  	v30 =	vadd.s32 v22, v46;
	v25 =	vadd.s32 v27, v26;
	v23 =	vnsel vm7, $0x0, v23  }
0x4cd: {  	v27 =	vperm.xlane v25, v9;
	v29 =	vsel vm7, $0x3F800000, v1;
	v47 =	vperm.xlane v23, v10  }
0x4ce: {  	v48 =	vsel vm6, $0x0, v46;
	v52 =	vperm.xlane v30, v11;
	v29 =	vmul.f32 v29, v28  }
0x4cf: {  	v25 =	vadd.s32 v27, v25;
	v27 =	vperm.xlane v28, v10;
	v23 =	vadd.s32 v47, v23  }
0x4d0: {  	v49 =	vadd.s32 v22, v48;
	v51 =	vperm.xlane v29, v10;
	v50 =	vperm.xlane v23, v11  }
0x4d1: {  	v30 =	vadd.s32 v30, v52;
	v27 =	vadd.f32 v27, v28;
	v28 =	vperm.xlane v49, v11  }
0x4d2: {  	v58 =	vperm.xlane v30, v12;
	v29 =	vadd.f32 v29, v51;
	v23 =	vadd.s32 v50, v23  }
0x4d3: {  	v54 =	vperm.xlane v27, v11;
	v28 =	vnsel vm0, $0x0, v28;
	v55 =	vperm.xlane v23, v12  }
0x4d4: {  	v26 =	vimm.s32 $0xFFFFFFFF;
	v28 =	vadd.s32 v28, v49;
	v56 =	vperm.xlane v29, v11  }
0x4d5: {  	s25 =	simm.s32 $0x70;
	v57 =	vperm.xlane v28, v12;
	v27 =	vadd.f32 v54, v27;
	v23 =	vadd.s32 v55, v23  }
0x4d6: {  	v53 =	vadd.s32 s25, v24;
	v29 =	vadd.f32 v29, v56;
	v33 =	vperm.xlane v23, v9  }
0x4d7: {  	vm8 =	vgt.s32 v24, $0xFFFFFFFF;
	v59 =	vnsel vm1, $0x0, v57;
	v24 =	vperm.xlane v27, v12  }
0x4d8: {  	v28 =	vadd.s32 v59, v28;
	v60 =	vperm.xlane v29, v12;
	v23 =	vadd.s32 v33, v23  }
0x4d9: {  	vm7 =	vlt.s32 v26, $0x0;
	v61 =	vperm.xlane v28, v9;
	v23 =	vsel vm8, v23, v25  }
0x4da: {  	v24 =	vadd.f32 v24, v27;
	v25 =	vadd.f32 v29, v60;
	v23 =	vnsel vm7, $0x0, v23  }
0x4db: {  	v27 =	vnsel vm2, $0x0, v61;
	v29 =	vadd.s32 v58, v30;
	v23 =	vadd.s32 v21, v23  }
0x4dc: {  	v62 =	vperm.xlane v24, v9;
	v21 =	vadd.s32 v23, v27;
	v27 =	vperm.xlane v25, v9  }
0x4dd: {  	vm9 =	vmand vm7, vm8;
	v63 =	vperm.xlane v29, v9;
	v21 =	vadd.s32 v28, v21  }
0x4de: {  	v28 =	vadd.f32 v62, v24;
	vm10 =	vlt.s32 v21, v17;
	v25 =	vadd.f32 v25, v27  }
0x4df: {  	v21 =	vsel vm9, v53, v26;
	v26 =	vsel vm10, $0xFFFFFFFF, v3  }
0x4e0: {  	s26 =	simm.s32 $0x50;
	s25 =	simm.s32 $0x60;
	v24 =	vadd.s32 v63, v29;
	v27 =	vperm.xlane v26, v10;
	v25 =	vsel vm8, v25, v28  }
.LBB2_33:
0x4e1: {  	p2 =	sne.s32 s26, $0x0  }
0x4e2: {  	vm8 =	vgt.s32 v26, v27;
	v25 =	vadd.f32 v25, v19;
	s23 =	sadd.s32 $0xFFFFFFF0, s23;
	s28 =	smov.u32 s26;
	s26 =	sadd.s32 $0xFFFFFFF0, s26  }
0x4e3: {  	v26 =	vsel vm8, v26, v27  }
0x4e4: {  	v27 =	vperm.xlane v26, v11;
	v19 =	vsel vm7, v25, v19;
	_ =	sdelay $0x1  }
0x4e5: {  	vm7 =	vgt.s32 v26, v27  }
0x4e6: {  	v25 =	vsel vm7, v26, v27  }
0x4e7: {  	v26 =	vperm.xlane v25, v12;
	_ =	sdelay $0x1  }
0x4e8: {  	vm7 =	vgt.s32 v25, v26  }
0x4e9: {  	v25 =	vsel vm7, v25, v26  }
0x4ea: {  	s24 =	sadd.s32 $0xFFFFFFF0, s24;
	v26 =	vld [tilespmem:s23+$0x0];
	v27 =	vperm.xlane v25, v9  }
0x4eb: {  	v28 =	vld [tilespmem:s24+$0x0]  }
0x4ec: {  	vm7 =	vgt.s32 v25, v27  }
0x4ed: {  	v25 =	vsel vm7, v25, v27  }
0x4ee: {  	vm7 =	vlt.s32 v25, v3  }
0x4ef: {  	v27 =	vnsel vm7, $0x0, v22;
	v29 =	vsel vm7, $0x3F800000, v1;
	v30 =	vperm.xlane v26, v10  }
0x4f0: {  	v31 =	vperm.xlane v28, v10;
	v32 =	vperm.xlane v27, v10;
	v22 =	vmov v28  }
0x4f1: {  	v28 =	vmul.f32 v29, v26;
	v26 =	vadd.f32 v30, v26  }
0x4f2: {  	v29 =	vsel vm6, $0x0, v31;
	v30 =	vadd.s32 v22, v31;
	v27 =	vadd.s32 v32, v27  }
0x4f3: {  	v32 =	vperm.xlane v28, v10;
	v29 =	vadd.s32 v22, v29;
	v31 =	vperm.xlane v27, v11  }
0x4f4: {  	v35 =	vadd.s32 s25, v25;
	s25 =	smov.u32 s28;
	v34 =	vperm.xlane v30, v11;
	v33 =	vperm.xlane v29, v11  }
0x4f5: {  	v28 =	vadd.f32 v28, v32;
	v27 =	vadd.s32 v31, v27;
	v31 =	vperm.xlane v26, v11  }
0x4f6: {  	v30 =	vadd.s32 v30, v34;
	v32 =	vnsel vm0, $0x0, v33;
	v33 =	vperm.xlane v27, v12  }
0x4f7: {  	v34 =	vperm.xlane v28, v11;
	v29 =	vadd.s32 v32, v29;
	v32 =	vperm.xlane v30, v12  }
0x4f8: {  	v26 =	vadd.f32 v31, v26;
	v36 =	vperm.xlane v29, v12;
	v27 =	vadd.s32 v33, v27  }
0x4f9: {  	vm7 =	vlt.s32 v21, $0x0;
	v28 =	vadd.f32 v28, v34;
	v31 =	vperm.xlane v27, v9  }
0x4fa: {  	vm8 =	vgt.s32 v25, $0xFFFFFFFF;
	v25 =	vperm.xlane v26, v12;
	v33 =	vnsel vm1, $0x0, v36  }
0x4fb: {  	v29 =	vadd.s32 v33, v29;
	v27 =	vadd.s32 v31, v27;
	v31 =	vperm.xlane v28, v12  }
0x4fc: {  	vm9 =	vmand vm7, vm8;
	v33 =	vperm.xlane v29, v9;
	v24 =	vsel vm8, v27, v24  }
0x4fd: {  	v25 =	vadd.f32 v25, v26;
	v27 =	vadd.f32 v28, v31;
	v24 =	vnsel vm7, $0x0, v24  }
0x4fe: {  	v28 =	vadd.s32 v32, v30;
	v26 =	vnsel vm2, $0x0, v33;
	v23 =	vadd.s32 v23, v24  }
0x4ff: {  	v24 =	vadd.s32 v23, v26;
	v26 =	vperm.xlane v28, v9;
	v30 =	vperm.xlane v27, v9  }
.Ltmp20:
0x500: {  	v21 =	vsel vm9, v35, v21;
	v24 =	vadd.s32 v29, v24;
	v29 =	vperm.xlane v25, v9;
	(pc) =	sbr.rel @p2 .LBB2_33-.Ltmp20, $4  }
0x501: {  	vm9 =	vlt.s32 v24, v17;
	v24 =	vadd.s32 v26, v28;
	v28 =	vadd.f32 v27, v30  }
0x502: {  	v26 =	vsel vm9, $0xFFFFFFFF, v3;
	v25 =	vadd.f32 v29, v25  }
0x503: {  	v27 =	vperm.xlane v26, v10  }
0x504: {  	v25 =	vsel vm8, v28, v25  }
.Ltmp21:
0x505: {  	_ = 	snop;
	(pc) =	sbr.rel .LBB2_34-.Ltmp21, $1  }
0x506: {  	_ =	sdelay $0x3  }
.LBB2_36:
0x507: {  	[tilespmem:s21], [sflag:$0x1] =	stream.linear.gather [spmem:s3], $0x10, $0x38;
	[tilespmem:$0x6388] =	vst v63  }
0x508: {  	_ =	swait.ge [sflag:s16], $0x10  }
0x509: {  	[sflag:s16] =	ssyncset.done $0x0  }
0x50a: {  	[sflag:s16] =	ssyncadd.s32 $0xFFFFFFF0  }
0x50b: {  	v14 =	vld [tilespmem:$0x6300];
	[tilespmem:s21], [sflag:$0x1] =	stream.linear.gather [spmem:s8], $0x10, $0x38  }
0x50c: {  	_ =	swait.ge [sflag:s16], $0x10  }
0x50d: {  	[sflag:s16] =	ssyncset.done $0x0  }
0x50e: {  	[sflag:s16] =	ssyncadd.s32 $0xFFFFFFF0  }
0x50f: {  	v15 =	vld [tilespmem:$0x6300];
	[tilespmem:s21], [sflag:$0x1] =	stream.linear.gather [spmem:s9], $0x10, $0x38  }
0x510: {  	_ =	swait.ge [sflag:s16], $0x10  }
0x511: {  	[sflag:s16] =	ssyncset.done $0x0  }
0x512: {  	[sflag:s16] =	ssyncadd.s32 $0xFFFFFFF0  }
0x513: {  	v16 =	vld [tilespmem:$0x6300];
	[tilespmem:s21], [sflag:$0x1] =	stream.linear.gather [spmem:s10], $0x10, $0x38  }
0x514: {  	_ =	swait.ge [sflag:s16], $0x10  }
0x515: {  	[sflag:s16] =	ssyncset.done $0x0  }
0x516: {  	[sflag:s16] =	ssyncadd.s32 $0xFFFFFFF0  }
0x517: {  	v17 =	vld [tilespmem:$0x6300];
	[tilespmem:s21], [sflag:$0x1] =	stream.linear.gather [spmem:s11], $0x10, $0x38  }
0x518: {  	_ =	swait.ge [sflag:s16], $0x10  }
0x519: {  	[sflag:s16] =	ssyncset.done $0x0  }
0x51a: {  	[sflag:s16] =	ssyncadd.s32 $0xFFFFFFF0  }
0x51b: {  	v18 =	vld [tilespmem:$0x6300];
	[tilespmem:s21], [sflag:$0x1] =	stream.linear.gather [spmem:s12], $0x10, $0x38  }
0x51c: {  	_ =	swait.ge [sflag:s16], $0x10  }
0x51d: {  	[sflag:s16] =	ssyncset.done $0x0  }
0x51e: {  	v14 =	vadd.f32 $0.0e+00, v14;
	[sflag:s16] =	ssyncadd.s32 $0xFFFFFFF0  }
0x51f: {  	v19 =	vld [tilespmem:$0x6300];
	[tilespmem:s21], [sflag:$0x1] =	stream.linear.gather [spmem:s13], $0x10, $0x38  }
0x520: {  	v14 =	vadd.f32 v15, v14;
	_ =	swait.ge [sflag:s16], $0x10  }
0x521: {  	[sflag:s16] =	ssyncset.done $0x0  }
0x522: {  	v14 =	vadd.f32 v16, v14;
	[sflag:s16] =	ssyncadd.s32 $0xFFFFFFF0  }
0x523: {  	v15 =	vld [tilespmem:$0x6300];
	[tilespmem:s21], [sflag:$0x1] =	stream.linear.gather [spmem:s14], $0x10, $0x38  }
0x524: {  	v14 =	vadd.f32 v17, v14;
	_ =	swait.ge [sflag:s16], $0x10  }
0x525: {  	[sflag:s16] =	ssyncset.done $0x0  }
0x526: {  	v14 =	vadd.f32 v18, v14;
	[sflag:s16] =	ssyncadd.s32 $0xFFFFFFF0  }
0x527: {  	v62 =	vld [tilespmem:$0x6300]  }
0x528: {  	v14 =	vadd.f32 v19, v14;
	_ =	sdelay $0x1  }
0x529: {  	v14 =	vadd.f32 v15, v14;
	_ =	sdelay $0x1  }
0x52a: {  	v14 =	vadd.f32 v62, v14;
	_ =	sdelay $0x1  }
0x52b: {  	v14 =	vmul.f32 v14, v13;
	_ =	sdelay $0x1  }
0x52c: {  	v15 =	vperm.xlane v14, v1;
	v14 =	vperm.xlane v14, v4;
	_ =	sdelay $0x1  }
0x52d: {  	v63 =	vadd.f32 v14, v15  }
0x52e: {  	vm5 =	vmmov $0x1  }
0x52f: {  	v15 =	vsel vm3, $0x0, v15;
	v16 =	vnsel vm5, $0x0, v63  }
0x530: {  	v15 =	vadd.f32 v16, v15  }
0x531: {  	v14 =	vsel vm4, $0x0, v14  }
0x532: {  	v14 =	vadd.f32 v15, v14;
	_ =	sdelay $0x1  }
.Ltmp22:
0x533: {  	[tilespmem:$0x6280] =	vst v14;
	(pc) =	sbr.rel .LBB2_37-.Ltmp22, $4  }
0x534: {  	[hbm4b:s5+s4] =	stream.linear.scatter [tilespmem:s20], [sflag:$0x1], $0x80, $0x38;
	[tilespmem:$0x6388] =	vst v63  }
0x535: {  	_ =	swait.ge [sflag:s16], $0x80  }
0x536: {  	[sflag:s16] =	ssyncset.done $0x0  }
0x537: {  	[sflag:s16] =	ssyncadd.s32 $0xFFFFFF80  }
.LBB2_38:
0x538: {  	_ =	sfence.sel $0x180000  }
0x539: {  	[bflag:$0x0] =	sbarrier.arrive $0xFFFF  }
0x53a: {  	p0 =	sne.s32 s2, $0x0;
	_ =	strace $0x90000047  }
0x53b: {  	s0 =	sadd.s32 @!p0 $0x100000, s0;
	[bflag:$0x2] =	sbarrier.arrive $0xFFFF  }
0x53c: {  	[sflag:s0] =	ssyncadd.tile.s32 @!p0 $0x1;
	_ =	shalt  }
.Lfunc_end2:
_tile_overlayer_lowered:
.L_overlay_start_2:
0x53d: {  	(tag) =	ssettag $0x2  }
0x53e: {  	s0 =	rddreg [dreg:$0x0];
	s2 =	stileid.u32  }
0x53f: {  	s1 =	rddreg [dreg:$0x1];
	p0 =	sne.s32 s2, $0x0  }
0x540: {  	s3 =	rddreg [dreg:$0x2];
	[bflag:$0x3] =	sbarrier.arrive $0xFFFF;
	s2 =	simm.s32 @!p0 $0x1C01  }
0x541: {  	[timem:s3], [sflag:s2] =	dma.local @!p0 [hbm:s0], s1  }
0x542: {  	s0 =	simm.s32 @!p0 $0x1  }
0x543: {  	_ =	swait.ge @!p0 [sflag:s0], s1  }
0x544: {  	s1 =	ssub.s32 @!p0 $0x0, s1;
	[sflag:s0] =	ssyncset.done @!p0 $0x0  }
0x545: {  	[sflag:s0] =	ssyncadd.s32 @!p0 s1  }
0x546: {  	[bflag:$0x3] =	sbarrier.arrive $0xFFFF  }
0x547: {  	_ =	shalt  }

</sc_bundles>
